<compile_context>
chip_gen: v7x
topology: tpu7x:2x2x1
jax: 0.10.2.dev20260603
libtpu: 0.0.44.dev20260713+nightly
codegen_flags: <defaults>
</compile_context>

<pallas_src>
import numpy as np

import jax
from jax import lax
import jax.numpy as jnp
from jax.experimental import pallas as pl
from jax.experimental.pallas import tpu as pltpu
from jax.experimental.pallas import tpu_sc as plsc

_N = 1024
_D = 32
_H = 4
_DH = 8
_KITER = 4
_DMEM = 10
_EALL = _N * (_N - 1) // 2
_LPAD = 557056
_EBLK = 8192
_TB = 256
_ST = 16
_CROWS = 32
_WINSZ = 32768


def _edge_bias_body(ys0, ys1, yc, ln, w1, b1, w2, b2, out):
    r0 = ys0[...]
    r1 = ys1[...]
    r2 = yc[...]
    lm = ln[...] > 0.5
    acc = [jnp.zeros_like(r0) for _ in range(_H)]
    for c in range(8):
        h1 = r0 * w1[0, c] + r1 * w1[1, c] + r2 * w1[2, c] + b1[c]
        h1 = jnp.where(h1 > 0, h1, 0.1 * h1)
        for h in range(_H):
            acc[h] = acc[h] + h1 * w2[c, h]
    rows = [jnp.where(lm, acc[h] + b2[h], -jnp.inf) for h in range(_H)]
    eb = out.shape[1]
    n = out.shape[2]
    out[...] = jnp.concatenate(
        [r.reshape(1, eb, n) for r in rows], axis=0)


def _sc_unflatten_body(p_hbm, out_hbm, win_v, rowbuf_v):
    n = _N
    wid = lax.axis_index("s") * 2 + lax.axis_index("c")

    def chunk_body(t, carry):
        task = wid * 4 + t
        h = task // (n // _CROWS)
        i0 = (task % (n // _CROWS)) * _CROWS
        start0 = i0 * (n - 1) - (i0 * (i0 - 1)) // 2 - i0
        base8 = (start0 // 8) * 8
        src_off = pl.multiple_of(h * _LPAD + base8, 8)
        pltpu.sync_copy(p_hbm.at[pl.ds(src_off, _WINSZ)], win_v)

        def row_body(r, c2):
            i = i0 + r
            st = i * (n - 1) - (i * (i - 1)) // 2 - i - base8
            for g in range(n // 16):
                rowbuf_v[pl.ds(r * n + g * 16, 16)] = \
                    win_v[pl.ds(st + g * 16, 16)]
            return c2

        lax.fori_loop(0, _CROWS, row_body, 0)
        dst_off = pl.multiple_of((h * n + i0) * n, 8)
        pltpu.sync_copy(rowbuf_v, out_hbm.at[pl.ds(dst_off, _CROWS * n)])
        return carry

    lax.fori_loop(0, 4, chunk_body, 0)


def _attn_body(u_ref, st_ref, win_ref, bin_ref, g1_ref, c1_ref,
               wq_ref, wk_ref, wv_ref, wo_ref, g2_ref, c2_ref,
               wf1_ref, bf1_ref, wf2_ref, bf2_ref, wupd_ref, bupd_ref,
               out_ref, bias_ref):
    f32 = jnp.float32
    tbi = jax.lax.broadcasted_iota(jnp.int32, (_TB, _TB), 0)
    tbj = jax.lax.broadcasted_iota(jnp.int32, (_TB, _TB), 1)
    for h in range(_H):
        for bi in range(_N // _TB):
            for bj in range(_N // _TB):
                a = u_ref[h, bi * _TB:(bi + 1) * _TB, bj * _TB:(bj + 1) * _TB]
                bt = jnp.transpose(
                    u_ref[h, bj * _TB:(bj + 1) * _TB, bi * _TB:(bi + 1) * _TB])
                ri = tbi + bi * _TB
                ci = tbj + bj * _TB
                t = jnp.where(ci > ri, a, 0.0) + jnp.where(ci < ri, bt, 0.0)
                bias_ref[h, bi * _TB:(bi + 1) * _TB, bj * _TB:(bj + 1) * _TB] \
                    = jnp.where(ci == ri, -jnp.inf, t)
    win = win_ref[...]
    binr = bin_ref[...]
    g1 = g1_ref[...]
    c1 = c1_ref[...]
    g2 = g2_ref[...]
    c2 = c2_ref[...]
    wf1 = wf1_ref[...]
    bf1 = bf1_ref[...]
    wf2 = wf2_ref[...]
    bf2 = bf2_ref[...]
    def k_body(k, st):
        x = jnp.dot(st, win, preferred_element_type=f32) + binr
        mu = jnp.mean(x, -1, keepdims=True)
        va = jnp.mean((x - mu) ** 2, -1, keepdims=True)
        y = (x - mu) * jax.lax.rsqrt(va + 1e-5) * g1 + c1

        def head_body(h, acc):
            qh = jnp.dot(y, wq_ref[h], preferred_element_type=f32)
            kh = jnp.dot(y, wk_ref[h], preferred_element_type=f32)
            vh = jnp.dot(y, wv_ref[h], preferred_element_type=f32)
            s = jax.lax.dot_general(qh, kh, (((1,), (1,)), ((), ())),
                                    preferred_element_type=f32)
            e = jnp.exp(s + bias_ref[h])
            den = jnp.sum(e, -1, keepdims=True)
            o = jnp.dot(e, vh, preferred_element_type=f32)
            o = o / (den + 1e-12)
            return acc + jnp.dot(o, wo_ref[h], preferred_element_type=f32)

        attn = jax.lax.fori_loop(
            0, _H, head_body, jnp.zeros((x.shape[0], _D), f32))
        x = x + attn
        mu2 = jnp.mean(x, -1, keepdims=True)
        va2 = jnp.mean((x - mu2) ** 2, -1, keepdims=True)
        z = (x - mu2) * jax.lax.rsqrt(va2 + 1e-5) * g2 + c2
        z = jax.nn.gelu(jnp.dot(z, wf1, preferred_element_type=f32) + bf1)
        z = jnp.dot(z, wf2, preferred_element_type=f32) + bf2
        x = x + z
        return st + jnp.dot(x, wupd_ref[k], preferred_element_type=f32) \
            + bupd_ref[k]

    out_ref[...] = jax.lax.fori_loop(0, _KITER, k_body, st_ref[...])


def kernel(bus_type, Line, Y, Ys, Yc, S, V0, n_nodes_per_graph, params):
    p = params
    f32 = jnp.float32

    lead = jnp.zeros((1,), f32)
    tail = jnp.zeros((_LPAD - _EALL - 1,), f32)
    ys0 = jnp.concatenate([lead, Ys[:, 0], tail])[None, :]
    ys1 = jnp.concatenate([lead, Ys[:, 1], tail])[None, :]
    yc = jnp.concatenate([lead, Yc, tail])[None, :]
    linef = jnp.concatenate([lead, Line.astype(f32), tail])[None, :]

    n_eblk = _LPAD // _EBLK
    edge_vals = pl.pallas_call(
        _edge_bias_body,
        grid=(n_eblk,),
        in_specs=[
            pl.BlockSpec((1, _EBLK), lambda i: (0, i)),
            pl.BlockSpec((1, _EBLK), lambda i: (0, i)),
            pl.BlockSpec((1, _EBLK), lambda i: (0, i)),
            pl.BlockSpec((1, _EBLK), lambda i: (0, i)),
            pl.BlockSpec(memory_space=pltpu.SMEM),
            pl.BlockSpec(memory_space=pltpu.SMEM),
            pl.BlockSpec(memory_space=pltpu.SMEM),
            pl.BlockSpec(memory_space=pltpu.SMEM),
        ],
        out_specs=pl.BlockSpec((_H, _EBLK // _N, _N), lambda i: (0, i, 0)),
        out_shape=jax.ShapeDtypeStruct((_H, _LPAD // _N, _N), f32),
    )(ys0, ys1, yc, linef, p["We1"], p["be1"], p["We2"], p["be2"])

    sc_mesh = plsc.VectorSubcoreMesh(core_axis_name="c", subcore_axis_name="s")
    u_mat = pl.kernel(
        _sc_unflatten_body,
        mesh=sc_mesh,
        out_type=jax.ShapeDtypeStruct((_H * _N * _N,), f32),
        scratch_types=[
            pltpu.VMEM((_WINSZ,), f32),
            pltpu.VMEM((_CROWS * _N,), f32),
        ],
    )(edge_vals.reshape(_H * _LPAD)).reshape(_H, _N, _N)

    st0 = jnp.concatenate(
        [V0[0, :, 0:1], V0[0, :, 1:2], S[0, :, 0:1], S[0, :, 1:2],
         jnp.zeros((_N, _ST - 4), f32)], axis=1)
    win16 = jnp.concatenate(
        [p["Win"], jnp.zeros((_ST - 4 - _DMEM, _D), f32)], axis=0)
    wq4 = p["Wq"].reshape(_D, _H, _DH).transpose(1, 0, 2) \
        * np.float32(1.0 / np.sqrt(_DH))
    wk4 = p["Wk"].reshape(_D, _H, _DH).transpose(1, 0, 2)
    wv4 = p["Wv"].reshape(_D, _H, _DH).transpose(1, 0, 2)
    wo4 = p["Wo"].reshape(_H, _DH, _D)
    z2 = jnp.zeros((_D, 2), f32)
    wupd = jnp.stack([
        jnp.concatenate([p["Wvh"][k][:, None], p["Wth"][k][:, None],
                         z2, p["Wm"][k], z2], axis=1)
        for k in range(_KITER)])
    bupd = jnp.stack([
        jnp.concatenate([p["bvh"][k:k + 1], p["bth"][k:k + 1],
                         jnp.zeros((2,), f32), p["bm"][k],
                         jnp.zeros((2,), f32)])[None, :]
        for k in range(_KITER)])

    st_out = pl.pallas_call(
        _attn_body,
        out_shape=jax.ShapeDtypeStruct((_N, _ST), f32),
        scratch_shapes=[pltpu.VMEM((_H, _N, _N), f32)],
    )(u_mat, st0, win16, p["bin"][None, :], p["ln1_g"][None, :],
      p["ln1_b"][None, :], wq4, wk4, wv4, wo4,
      p["ln2_g"][None, :], p["ln2_b"][None, :], p["Wf1"],
      p["bf1"][None, :], p["Wf2"], p["bf2"][None, :], wupd, bupd)

    return st_out[None, :, 0:2]

# --- scband reference (transcript-rebuilt; emitter-appended) ---
"""Pipeline reference for scband-gnsmsg-edge-self-attn-26594437497099 (READ-ONLY COPY).

The authoritative reference and input builder live on the scoring server;
editing this copy changes nothing except your own understanding.
"""

import jax, jax.numpy as jnp
import numpy as np

N = 1024
B = 1
D = 32
H = 4
DH = 8
KITER = 4
DMEM = 10
EF = 3
E_ALL = N * (N - 1) // 2


def _ln(x, g, b):
    mu = x.mean(-1, keepdims=True)
    va = x.var(-1, keepdims=True)
    return (x - mu) / jnp.sqrt(va + 1e-5) * g + b


def setup_inputs(seed: int = 0) -> dict:
    key = jax.random.key(seed)
    ks = jax.random.split(key, 24)
    s = 0.05
    inp = {}
    inp["bus_type"] = jax.random.randint(ks[0], (B, N), 0, 3)
    inp["Line"] = jax.random.randint(ks[1], (E_ALL,), 0, 2).astype(bool)
    inp["Y"] = jax.random.normal(ks[2], (B, N, N), jnp.float32) * 0.01
    inp["Ys"] = jax.random.normal(ks[3], (E_ALL, 2), jnp.float32)
    inp["Yc"] = jax.random.normal(ks[4], (E_ALL,), jnp.float32)
    inp["S"] = jax.random.normal(ks[5], (B, N, 2), jnp.float32)
    inp["V0"] = jnp.stack([1.0 + 0.1 * jax.random.uniform(ks[6], (B, N)), 0.1 * jax.random.normal(ks[7], (B, N))], -1).astype(jnp.float32)
    inp["n_nodes_per_graph"] = N
    p = {}
    p["Win"] = jax.random.normal(ks[8], (4 + DMEM, D), jnp.float32) * s
    p["bin"] = jnp.zeros((D,), jnp.float32)
    p["ln1_g"] = jnp.ones((D,), jnp.float32)
    p["ln1_b"] = jnp.zeros((D,), jnp.float32)
    p["Wq"] = jax.random.normal(ks[9], (D, D), jnp.float32) * s
    p["Wk"] = jax.random.normal(ks[10], (D, D), jnp.float32) * s
    p["Wv"] = jax.random.normal(ks[11], (D, D), jnp.float32) * s
    p["Wo"] = jax.random.normal(ks[12], (D, D), jnp.float32) * s
    p["We1"] = jax.random.normal(ks[13], (EF, 8), jnp.float32) * s
    p["be1"] = jnp.zeros((8,), jnp.float32)
    p["We2"] = jax.random.normal(ks[14], (8, H), jnp.float32) * s
    p["be2"] = jnp.zeros((H,), jnp.float32)
    p["ln2_g"] = jnp.ones((D,), jnp.float32)
    p["ln2_b"] = jnp.zeros((D,), jnp.float32)
    p["Wf1"] = jax.random.normal(ks[15], (D, 4 * D), jnp.float32) * s
    p["bf1"] = jnp.zeros((4 * D,), jnp.float32)
    p["Wf2"] = jax.random.normal(ks[16], (4 * D, D), jnp.float32) * s
    p["bf2"] = jnp.zeros((D,), jnp.float32)
    p["Wth"] = jax.random.normal(ks[17], (KITER, D), jnp.float32) * 0.01
    p["bth"] = jnp.zeros((KITER,), jnp.float32)
    p["Wvh"] = jax.random.normal(ks[18], (KITER, D), jnp.float32) * 0.01
    p["bvh"] = jnp.zeros((KITER,), jnp.float32)
    p["Wm"] = jax.random.normal(ks[19], (KITER, D, DMEM), jnp.float32) * 0.01
    p["bm"] = jnp.zeros((KITER, DMEM), jnp.float32)
    inp["params"] = p
    return inp


def _forward(V0, Ys, Yc, S, params, src, dst, e_mask):
    p = params
    ef = jnp.stack([Ys[:, 0], Ys[:, 1], Yc], -1)
    ef = jnp.concatenate([ef, ef], 0)
    h1 = ef @ p["We1"] + p["be1"]
    h1 = jnp.where(h1 > 0, h1, 0.1 * h1)
    bias = h1 @ p["We2"] + p["be2"]
    P = S[..., 0]
    Qs = S[..., 1]
    v = V0[..., 0]
    th = V0[..., 1]
    m = jnp.zeros((B, N, DMEM), V0.dtype)
    Ed = src.shape[0]
    for k in range(KITER):
        feat = jnp.concatenate([v[..., None], th[..., None], P[..., None], Qs[..., None], m], -1)
        x = feat @ p["Win"] + p["bin"]
        y = _ln(x, p["ln1_g"], p["ln1_b"])
        Qh = (y @ p["Wq"]).reshape(B, N, H, DH)
        Kh = (y @ p["Wk"]).reshape(B, N, H, DH)
        Vh = (y @ p["Wv"]).reshape(B, N, H, DH)
        Qi = Qh[:, dst]
        Kj = Kh[:, src]
        Vj = Vh[:, src]
        logits = (Qi * Kj).sum(-1) / np.sqrt(DH) + bias[None]
        logits = jnp.where(e_mask[None, :, None], logits, -jnp.inf)
        lt = jnp.transpose(logits, (0, 2, 1)).reshape(B * H * Ed)
        seg = (jnp.arange(B * H)[:, None] * N + dst[None, :]).reshape(-1)
        mx = jax.ops.segment_max(lt, seg, num_segments=B * H * N)
        mx = jnp.where(jnp.isfinite(mx), mx, 0.0)
        ew = jnp.exp(lt - mx[seg])
        den = jax.ops.segment_sum(ew, seg, num_segments=B * H * N)
        alpha = (ew / (den[seg] + 1e-12)).reshape(B, H, Ed).transpose(0, 2, 1)
        msg = alpha[..., None] * Vj
        out = jnp.zeros((B, N, H, DH), x.dtype).at[:, dst].add(msg)
        out = out.reshape(B, N, D) @ p["Wo"]
        x = x + out
        z = _ln(x, p["ln2_g"], p["ln2_b"])
        z = jax.nn.gelu(z @ p["Wf1"] + p["bf1"]) @ p["Wf2"] + p["bf2"]
        x = x + z
        th = th + x @ p["Wth"][k] + p["bth"][k]
        v = v + x @ p["Wvh"][k] + p["bvh"][k]
        m = m + x @ p["Wm"][k] + p["bm"][k]
    return jnp.stack([v, th], -1)


def reference(bus_type, Line, Y, Ys, Yc, S, V0, n_nodes_per_graph, params):
    iu = np.triu_indices(N, 1)
    s0 = jnp.asarray(iu[0])
    d0 = jnp.asarray(iu[1])
    src = jnp.concatenate([s0, d0])
    dst = jnp.concatenate([d0, s0])
    e_mask = jnp.concatenate([Line, Line], 0)
    return _forward(V0, Ys, Yc, S, params, src, dst, e_mask)

if __name__ == "__main__":
    import jax
    _d = setup_inputs()
    print(jax.jit(kernel)(*tuple(_d.values())))

</pallas_src>

<mosaic_0001>
#map = affine_map<(d0, d1) -> (0)>
module attributes {stable_mosaic.version = 14 : i64} {
  func.func @_sc_unflatten_body(%arg0: i32, %arg1: i32, %arg2: memref<2228224xf32, #tpu.memory_space<hbm>>, %arg3: memref<4194304xf32, #tpu.memory_space<hbm>>, %arg4: memref<32768xf32, #tpu.memory_space<vmem>>, %arg5: memref<32768xf32, #tpu.memory_space<vmem>>) attributes {dimension_semantics = [#tpu.dimension_semantics<core_parallel>, #tpu.dimension_semantics<subcore_parallel>], iteration_bounds = array<i64: 2, 16>, scalar_prefetch = 0 : i64, scratch_operands = 2 : i64, tpu.core_type = #tpu.core_type<sc_vector_subcore>, window_params = [{transform_indices = #map}, {transform_indices = #map}]} {
    %mul3A = arith.constant 2 : i32
    %mul3A_0 = arith.muli %arg1, %mul3A : i32
    %add3A = arith.addi %mul3A_0, %arg0 : i32
    %scan3A = arith.constant 0 : i32
    %scan3A_1 = arith.constant 0 : i32
    %scan3A_2 = arith.constant 4 : i32
    %scan3A_3 = arith.addi %scan3A_1, %scan3A_2 : i32
    %scan3A_4 = arith.constant 1 : i32
    scf.for %scan3A_6 = %scan3A_1 to %scan3A_3 step %scan3A_4  : i32 {
      %mul3A_7 = arith.constant 4 : i32
      %mul3A_8 = arith.muli %add3A, %mul3A_7 : i32
      %add3A_9 = arith.addi %mul3A_8, %scan3A_6 : i32
      %jit3A = arith.constant 32 : i32
      %div3A = arith.divsi %add3A_9, %jit3A : i32
      %sign3A = arith.constant 0 : i32
      %sign3A_10 = arith.cmpi sgt, %add3A_9, %sign3A : i32
      %sign3A_11 = arith.extui %sign3A_10 : i1 to i32
      %sign3A_12 = arith.constant 0 : i32
      %sign3A_13 = arith.cmpi slt, %add3A_9, %sign3A_12 : i32
      %sign3A_14 = arith.extui %sign3A_13 : i1 to i32
      %sign3A_15 = arith.subi %sign3A_11, %sign3A_14 : i32
      %sign3A_16 = arith.constant 0 : i32
      %sign3A_17 = arith.cmpi sgt, %jit3A, %sign3A_16 : i32
      %sign3A_18 = arith.extui %sign3A_17 : i1 to i32
      %sign3A_19 = arith.constant 0 : i32
      %sign3A_20 = arith.cmpi slt, %jit3A, %sign3A_19 : i32
      %sign3A_21 = arith.extui %sign3A_20 : i1 to i32
      %sign3A_22 = arith.subi %sign3A_18, %sign3A_21 : i32
      %ne3A = arith.cmpi ne, %sign3A_15, %sign3A_22 : i32
      %rem3A = arith.remsi %add3A_9, %jit3A : i32
      %ne3A_23 = arith.constant 0 : i32
      %ne3A_24 = arith.cmpi ne, %rem3A, %ne3A_23 : i32
      %and3A = arith.andi %ne3A, %ne3A_24 : i1
      %sub3A = arith.constant 1 : i32
      %sub3A_25 = arith.subi %div3A, %sub3A : i32
      %select_n3A = arith.select %and3A, %sub3A_25, %div3A : i32
      %jit3A_26 = arith.constant 32 : i32
      %eq3A = arith.constant 0 : i32
      %eq3A_27 = arith.cmpi eq, %jit3A_26, %eq3A : i32
      %jit3A_28 = arith.constant 1 : i32
      %select_n3A_29 = arith.select %eq3A_27, %jit3A_28, %jit3A_26 : i32
      %rem3A_30 = arith.remsi %add3A_9, %select_n3A_29 : i32
      %ne3A_31 = arith.constant 0 : i32
      %ne3A_32 = arith.cmpi ne, %rem3A_30, %ne3A_31 : i32
      %lt3A = arith.constant 0 : i32
      %lt3A_33 = arith.cmpi slt, %rem3A_30, %lt3A : i32
      %lt3A_34 = arith.constant 0 : i32
      %lt3A_35 = arith.cmpi slt, %select_n3A_29, %lt3A_34 : i32
      %ne3A_36 = arith.xori %lt3A_33, %lt3A_35 : i1
      %and3A_37 = arith.andi %ne3A_36, %ne3A_32 : i1
      %add3A_38 = arith.addi %rem3A_30, %select_n3A_29 : i32
      %select_n3A_39 = arith.select %and3A_37, %add3A_38, %rem3A_30 : i32
      %mul3A_40 = arith.constant 32 : i32
      %mul3A_41 = arith.muli %select_n3A_39, %mul3A_40 : i32
      %mul3A_42 = arith.constant 1023 : i32
      %mul3A_43 = arith.muli %mul3A_41, %mul3A_42 : i32
      %sub3A_44 = arith.constant 1 : i32
      %sub3A_45 = arith.subi %mul3A_41, %sub3A_44 : i32
      %mul3A_46 = arith.muli %mul3A_41, %sub3A_45 : i32
      %jit3A_47 = arith.constant 2 : i32
      %div3A_48 = arith.divsi %mul3A_46, %jit3A_47 : i32
      %sign3A_49 = arith.constant 0 : i32
      %sign3A_50 = arith.cmpi sgt, %mul3A_46, %sign3A_49 : i32
      %sign3A_51 = arith.extui %sign3A_50 : i1 to i32
      %sign3A_52 = arith.constant 0 : i32
      %sign3A_53 = arith.cmpi slt, %mul3A_46, %sign3A_52 : i32
      %sign3A_54 = arith.extui %sign3A_53 : i1 to i32
      %sign3A_55 = arith.subi %sign3A_51, %sign3A_54 : i32
      %sign3A_56 = arith.constant 0 : i32
      %sign3A_57 = arith.cmpi sgt, %jit3A_47, %sign3A_56 : i32
      %sign3A_58 = arith.extui %sign3A_57 : i1 to i32
      %sign3A_59 = arith.constant 0 : i32
      %sign3A_60 = arith.cmpi slt, %jit3A_47, %sign3A_59 : i32
      %sign3A_61 = arith.extui %sign3A_60 : i1 to i32
      %sign3A_62 = arith.subi %sign3A_58, %sign3A_61 : i32
      %ne3A_63 = arith.cmpi ne, %sign3A_55, %sign3A_62 : i32
      %rem3A_64 = arith.remsi %mul3A_46, %jit3A_47 : i32
      %ne3A_65 = arith.constant 0 : i32
      %ne3A_66 = arith.cmpi ne, %rem3A_64, %ne3A_65 : i32
      %and3A_67 = arith.andi %ne3A_63, %ne3A_66 : i1
      %sub3A_68 = arith.constant 1 : i32
      %sub3A_69 = arith.subi %div3A_48, %sub3A_68 : i32
      %select_n3A_70 = arith.select %and3A_67, %sub3A_69, %div3A_48 : i32
      %sub3A_71 = arith.subi %mul3A_43, %select_n3A_70 : i32
      %sub3A_72 = arith.subi %sub3A_71, %mul3A_41 : i32
      %jit3A_73 = arith.constant 8 : i32
      %div3A_74 = arith.divsi %sub3A_72, %jit3A_73 : i32
      %sign3A_75 = arith.constant 0 : i32
      %sign3A_76 = arith.cmpi sgt, %sub3A_72, %sign3A_75 : i32
      %sign3A_77 = arith.extui %sign3A_76 : i1 to i32
      %sign3A_78 = arith.constant 0 : i32
      %sign3A_79 = arith.cmpi slt, %sub3A_72, %sign3A_78 : i32
      %sign3A_80 = arith.extui %sign3A_79 : i1 to i32
      %sign3A_81 = arith.subi %sign3A_77, %sign3A_80 : i32
      %sign3A_82 = arith.constant 0 : i32
      %sign3A_83 = arith.cmpi sgt, %jit3A_73, %sign3A_82 : i32
      %sign3A_84 = arith.extui %sign3A_83 : i1 to i32
      %sign3A_85 = arith.constant 0 : i32
      %sign3A_86 = arith.cmpi slt, %jit3A_73, %sign3A_85 : i32
      %sign3A_87 = arith.extui %sign3A_86 : i1 to i32
      %sign3A_88 = arith.subi %sign3A_84, %sign3A_87 : i32
      %ne3A_89 = arith.cmpi ne, %sign3A_81, %sign3A_88 : i32
      %rem3A_90 = arith.remsi %sub3A_72, %jit3A_73 : i32
      %ne3A_91 = arith.constant 0 : i32
      %ne3A_92 = arith.cmpi ne, %rem3A_90, %ne3A_91 : i32
      %and3A_93 = arith.andi %ne3A_89, %ne3A_92 : i1
      %sub3A_94 = arith.constant 1 : i32
      %sub3A_95 = arith.subi %div3A_74, %sub3A_94 : i32
      %select_n3A_96 = arith.select %and3A_93, %sub3A_95, %div3A_74 : i32
      %mul3A_97 = arith.constant 8 : i32
      %mul3A_98 = arith.muli %select_n3A_96, %mul3A_97 : i32
      %mul3A_99 = arith.constant 557056 : i32
      %mul3A_100 = arith.muli %select_n3A, %mul3A_99 : i32
      %add3A_101 = arith.addi %mul3A_100, %mul3A_98 : i32
      %multiple_of3A = tpu.assume_multiple %add3A_101, 8 : i32
      "tpu.region"() ({
        %run_scoped3A = tpu.sem_alloc : memref<!tpu.dma_semaphore, #tpu.memory_space<semaphore_mem>>
        %dma_start3A = tpu.memref_slice %arg2[%multiple_of3A] : memref<2228224xf32, #tpu.memory_space<hbm>> -> memref<32768xf32, #tpu.memory_space<hbm>>
        %dma_start3A_114 = tpu.memref_slice %arg2[%multiple_of3A] : memref<2228224xf32, #tpu.memory_space<hbm>> -> memref<32768xf32, #tpu.memory_space<hbm>>
        tpu.enqueue_dma source(%dma_start3A_114 : memref<32768xf32, #tpu.memory_space<hbm>>) target(%arg4 : memref<32768xf32, #tpu.memory_space<vmem>>) target_semaphore(%run_scoped3A : memref<!tpu.dma_semaphore, #tpu.memory_space<semaphore_mem>>)
        %dma_wait3A = tpu.memref_slice %arg2[%multiple_of3A] : memref<2228224xf32, #tpu.memory_space<hbm>> -> memref<32768xf32, #tpu.memory_space<hbm>>
        %dma_wait3A_115 = tpu.memref_slice %arg2[%multiple_of3A] : memref<2228224xf32, #tpu.memory_space<hbm>> -> memref<32768xf32, #tpu.memory_space<hbm>>
        tpu.wait_dma2 semaphore(%run_scoped3A : memref<!tpu.dma_semaphore, #tpu.memory_space<semaphore_mem>>) src(%dma_wait3A_115 : memref<32768xf32, #tpu.memory_space<hbm>>) dst(%arg4 : memref<32768xf32, #tpu.memory_space<vmem>>)
        tpu.yield
      }) : () -> ()
      %scan3A_102 = arith.constant 0 : i32
      %scan3A_103 = arith.constant 0 : i32
      %scan3A_104 = arith.constant 32 : i32
      %scan3A_105 = arith.addi %scan3A_103, %scan3A_104 : i32
      %scan3A_106 = arith.constant 1 : i32
      scf.for %scan3A_114 = %scan3A_103 to %scan3A_105 step %scan3A_106  : i32 {
        %add3A_115 = arith.addi %mul3A_41, %scan3A_114 : i32
        %mul3A_116 = arith.constant 1023 : i32
        %mul3A_117 = arith.muli %add3A_115, %mul3A_116 : i32
        %sub3A_118 = arith.constant 1 : i32
        %sub3A_119 = arith.subi %add3A_115, %sub3A_118 : i32
        %mul3A_120 = arith.muli %add3A_115, %sub3A_119 : i32
        %jit3A_121 = arith.constant 2 : i32
        %div3A_122 = arith.divsi %mul3A_120, %jit3A_121 : i32
        %sign3A_123 = arith.constant 0 : i32
        %sign3A_124 = arith.cmpi sgt, %mul3A_120, %sign3A_123 : i32
        %sign3A_125 = arith.extui %sign3A_124 : i1 to i32
        %sign3A_126 = arith.constant 0 : i32
        %sign3A_127 = arith.cmpi slt, %mul3A_120, %sign3A_126 : i32
        %sign3A_128 = arith.extui %sign3A_127 : i1 to i32
        %sign3A_129 = arith.subi %sign3A_125, %sign3A_128 : i32
        %sign3A_130 = arith.constant 0 : i32
        %sign3A_131 = arith.cmpi sgt, %jit3A_121, %sign3A_130 : i32
        %sign3A_132 = arith.extui %sign3A_131 : i1 to i32
        %sign3A_133 = arith.constant 0 : i32
        %sign3A_134 = arith.cmpi slt, %jit3A_121, %sign3A_133 : i32
        %sign3A_135 = arith.extui %sign3A_134 : i1 to i32
        %sign3A_136 = arith.subi %sign3A_132, %sign3A_135 : i32
        %ne3A_137 = arith.cmpi ne, %sign3A_129, %sign3A_136 : i32
        %rem3A_138 = arith.remsi %mul3A_120, %jit3A_121 : i32
        %ne3A_139 = arith.constant 0 : i32
        %ne3A_140 = arith.cmpi ne, %rem3A_138, %ne3A_139 : i32
        %and3A_141 = arith.andi %ne3A_137, %ne3A_140 : i1
        %sub3A_142 = arith.constant 1 : i32
        %sub3A_143 = arith.subi %div3A_122, %sub3A_142 : i32
        %select_n3A_144 = arith.select %and3A_141, %sub3A_143, %div3A_122 : i32
        %sub3A_145 = arith.subi %mul3A_117, %select_n3A_144 : i32
        %sub3A_146 = arith.subi %sub3A_145, %add3A_115 : i32
        %sub3A_147 = arith.subi %sub3A_146, %mul3A_98 : i32
        %add3A_148 = arith.constant 0 : i32
        %add3A_149 = arith.addi %sub3A_147, %add3A_148 : i32
        %get3A = arith.index_cast %add3A_149 : i32 to index
        %get3A_150 = tpu.vector_load %arg4[%get3A] {strides = array<i32>} : memref<32768xf32, #tpu.memory_space<vmem>>, vector<16xf32>,
        %get3A_151 = vector.shape_cast %get3A_150 : vector<16xf32> to vector<16xf32>
        %mul3A_152 = arith.constant 1024 : i32
        %mul3A_153 = arith.muli %scan3A_114, %mul3A_152 : i32
        %add3A_154 = arith.constant 0 : i32
        %add3A_155 = arith.addi %mul3A_153, %add3A_154 : i32
        %swap3A = arith.index_cast %add3A_155 : i32 to index
        %swap3A_156 = tpu.vector_load %arg5[%swap3A] {strides = array<i32>} : memref<32768xf32, #tpu.memory_space<vmem>>, vector<16xf32>,
        %swap3A_157 = vector.shape_cast %swap3A_156 : vector<16xf32> to vector<16xf32>
        %swap3A_158 = vector.shape_cast %get3A_151 : vector<16xf32> to vector<16xf32>
        tpu.vector_store %arg5[%swap3A], %swap3A_158 {strides = array<i32>} : memref<32768xf32, #tpu.memory_space<vmem>>, vector<16xf32>,
        %add3A_159 = arith.constant 16 : i32
        %add3A_160 = arith.addi %sub3A_147, %add3A_159 : i32
        %get3A_161 = arith.index_cast %add3A_160 : i32 to index
        %get3A_162 = tpu.vector_load %arg4[%get3A_161] {strides = array<i32>} : memref<32768xf32, #tpu.memory_space<vmem>>, vector<16xf32>,
        %get3A_163 = vector.shape_cast %get3A_162 : vector<16xf32> to vector<16xf32>
        %mul3A_164 = arith.constant 1024 : i32
        %mul3A_165 = arith.muli %scan3A_114, %mul3A_164 : i32
        %add3A_166 = arith.constant 16 : i32
        %add3A_167 = arith.addi %mul3A_165, %add3A_166 : i32
        %swap3A_168 = arith.index_cast %add3A_167 : i32 to index
        %swap3A_169 = tpu.vector_load %arg5[%swap3A_168] {strides = array<i32>} : memref<32768xf32, #tpu.memory_space<vmem>>, vector<16xf32>,
        %swap3A_170 = vector.shape_cast %swap3A_169 : vector<16xf32> to vector<16xf32>
        %swap3A_171 = vector.shape_cast %get3A_163 : vector<16xf32> to vector<16xf32>
        tpu.vector_store %arg5[%swap3A_168], %swap3A_171 {strides = array<i32>} : memref<32768xf32, #tpu.memory_space<vmem>>, vector<16xf32>,
        %add3A_172 = arith.constant 32 : i32
        %add3A_173 = arith.addi %sub3A_147, %add3A_172 : i32
        %get3A_174 = arith.index_cast %add3A_173 : i32 to index
        %get3A_175 = tpu.vector_load %arg4[%get3A_174] {strides = array<i32>} : memref<32768xf32, #tpu.memory_space<vmem>>, vector<16xf32>,
        %get3A_176 = vector.shape_cast %get3A_175 : vector<16xf32> to vector<16xf32>
        %mul3A_177 = arith.constant 1024 : i32
        %mul3A_178 = arith.muli %scan3A_114, %mul3A_177 : i32
        %add3A_179 = arith.constant 32 : i32
        %add3A_180 = arith.addi %mul3A_178, %add3A_179 : i32
        %swap3A_181 = arith.index_cast %add3A_180 : i32 to index
        %swap3A_182 = tpu.vector_load %arg5[%swap3A_181] {strides = array<i32>} : memref<32768xf32, #tpu.memory_space<vmem>>, vector<16xf32>,
        %swap3A_183 = vector.shape_cast %swap3A_182 : vector<16xf32> to vector<16xf32>
        %swap3A_184 = vector.shape_cast %get3A_176 : vector<16xf32> to vector<16xf32>
        tpu.vector_store %arg5[%swap3A_181], %swap3A_184 {strides = array<i32>} : memref<32768xf32, #tpu.memory_space<vmem>>, vector<16xf32>,
        %add3A_185 = arith.constant 48 : i32
        %add3A_186 = arith.addi %sub3A_147, %add3A_185 : i32
        %get3A_187 = arith.index_cast %add3A_186 : i32 to index
        %get3A_188 = tpu.vector_load %arg4[%get3A_187] {strides = array<i32>} : memref<32768xf32, #tpu.memory_space<vmem>>, vector<16xf32>,
        %get3A_189 = vector.shape_cast %get3A_188 : vector<16xf32> to vector<16xf32>
        %mul3A_190 = arith.constant 1024 : i32
        %mul3A_191 = arith.muli %scan3A_114, %mul3A_190 : i32
        %add3A_192 = arith.constant 48 : i32
        %add3A_193 = arith.addi %mul3A_191, %add3A_192 : i32
        %swap3A_194 = arith.index_cast %add3A_193 : i32 to index
        %swap3A_195 = tpu.vector_load %arg5[%swap3A_194] {strides = array<i32>} : memref<32768xf32, #tpu.memory_space<vmem>>, vector<16xf32>,
        %swap3A_196 = vector.shape_cast %swap3A_195 : vector<16xf32> to vector<16xf32>
        %swap3A_197 = vector.shape_cast %get3A_189 : vector<16xf32> to vector<16xf32>
        tpu.vector_store %arg5[%swap3A_194], %swap3A_197 {strides = array<i32>} : memref<32768xf32, #tpu.memory_space<vmem>>, vector<16xf32>,
        %add3A_198 = arith.constant 64 : i32
        %add3A_199 = arith.addi %sub3A_147, %add3A_198 : i32
        %get3A_200 = arith.index_cast %add3A_199 : i32 to index
        %get3A_201 = tpu.vector_load %arg4[%get3A_200] {strides = array<i32>} : memref<32768xf32, #tpu.memory_space<vmem>>, vector<16xf32>,
        %get3A_202 = vector.shape_cast %get3A_201 : vector<16xf32> to vector<16xf32>
        %mul3A_203 = arith.constant 1024 : i32
        %mul3A_204 = arith.muli %scan3A_114, %mul3A_203 : i32
        %add3A_205 = arith.constant 64 : i32
        %add3A_206 = arith.addi %mul3A_204, %add3A_205 : i32
        %swap3A_207 = arith.index_cast %add3A_206 : i32 to index
        %swap3A_208 = tpu.vector_load %arg5[%swap3A_207] {strides = array<i32>} : memref<32768xf32, #tpu.memory_space<vmem>>, vector<16xf32>,
        %swap3A_209 = vector.shape_cast %swap3A_208 : vector<16xf32> to vector<16xf32>
        %swap3A_210 = vector.shape_cast %get3A_202 : vector<16xf32> to vector<16xf32>
        tpu.vector_store %arg5[%swap3A_207], %swap3A_210 {strides = array<i32>} : memref<32768xf32, #tpu.memory_space<vmem>>, vector<16xf32>,
        %add3A_211 = arith.constant 80 : i32
        %add3A_212 = arith.addi %sub3A_147, %add3A_211 : i32
        %get3A_213 = arith.index_cast %add3A_212 : i32 to index
        %get3A_214 = tpu.vector_load %arg4[%get3A_213] {strides = array<i32>} : memref<32768xf32, #tpu.memory_space<vmem>>, vector<16xf32>,
        %get3A_215 = vector.shape_cast %get3A_214 : vector<16xf32> to vector<16xf32>
        %mul3A_216 = arith.constant 1024 : i32
        %mul3A_217 = arith.muli %scan3A_114, %mul3A_216 : i32
        %add3A_218 = arith.constant 80 : i32
        %add3A_219 = arith.addi %mul3A_217, %add3A_218 : i32
        %swap3A_220 = arith.index_cast %add3A_219 : i32 to index
        %swap3A_221 = tpu.vector_load %arg5[%swap3A_220] {strides = array<i32>} : memref<32768xf32, #tpu.memory_space<vmem>>, vector<16xf32>,
        %swap3A_222 = vector.shape_cast %swap3A_221 : vector<16xf32> to vector<16xf32>
        %swap3A_223 = vector.shape_cast %get3A_215 : vector<16xf32> to vector<16xf32>
        tpu.vector_store %arg5[%swap3A_220], %swap3A_223 {strides = array<i32>} : memref<32768xf32, #tpu.memory_space<vmem>>, vector<16xf32>,
        %add3A_224 = arith.constant 96 : i32
        %add3A_225 = arith.addi %sub3A_147, %add3A_224 : i32
        %get3A_226 = arith.index_cast %add3A_225 : i32 to index
        %get3A_227 = tpu.vector_load %arg4[%get3A_226] {strides = array<i32>} : memref<32768xf32, #tpu.memory_space<vmem>>, vector<16xf32>,
        %get3A_228 = vector.shape_cast %get3A_227 : vector<16xf32> to vector<16xf32>
        %mul3A_229 = arith.constant 1024 : i32
        %mul3A_230 = arith.muli %scan3A_114, %mul3A_229 : i32
        %add3A_231 = arith.constant 96 : i32
        %add3A_232 = arith.addi %mul3A_230, %add3A_231 : i32
        %swap3A_233 = arith.index_cast %add3A_232 : i32 to index
        %swap3A_234 = tpu.vector_load %arg5[%swap3A_233] {strides = array<i32>} : memref<32768xf32, #tpu.memory_space<vmem>>, vector<16xf32>,
        %swap3A_235 = vector.shape_cast %swap3A_234 : vector<16xf32> to vector<16xf32>
        %swap3A_236 = vector.shape_cast %get3A_228 : vector<16xf32> to vector<16xf32>
        tpu.vector_store %arg5[%swap3A_233], %swap3A_236 {strides = array<i32>} : memref<32768xf32, #tpu.memory_space<vmem>>, vector<16xf32>,
        %add3A_237 = arith.constant 112 : i32
        %add3A_238 = arith.addi %sub3A_147, %add3A_237 : i32
        %get3A_239 = arith.index_cast %add3A_238 : i32 to index
        %get3A_240 = tpu.vector_load %arg4[%get3A_239] {strides = array<i32>} : memref<32768xf32, #tpu.memory_space<vmem>>, vector<16xf32>,
        %get3A_241 = vector.shape_cast %get3A_240 : vector<16xf32> to vector<16xf32>
        %mul3A_242 = arith.constant 1024 : i32
        %mul3A_243 = arith.muli %scan3A_114, %mul3A_242 : i32
        %add3A_244 = arith.constant 112 : i32
        %add3A_245 = arith.addi %mul3A_243, %add3A_244 : i32
        %swap3A_246 = arith.index_cast %add3A_245 : i32 to index
        %swap3A_247 = tpu.vector_load %arg5[%swap3A_246] {strides = array<i32>} : memref<32768xf32, #tpu.memory_space<vmem>>, vector<16xf32>,
        %swap3A_248 = vector.shape_cast %swap3A_247 : vector<16xf32> to vector<16xf32>
        %swap3A_249 = vector.shape_cast %get3A_241 : vector<16xf32> to vector<16xf32>
        tpu.vector_store %arg5[%swap3A_246], %swap3A_249 {strides = array<i32>} : memref<32768xf32, #tpu.memory_space<vmem>>, vector<16xf32>,
        %add3A_250 = arith.constant 128 : i32
        %add3A_251 = arith.addi %sub3A_147, %add3A_250 : i32
        %get3A_252 = arith.index_cast %add3A_251 : i32 to index
        %get3A_253 = tpu.vector_load %arg4[%get3A_252] {strides = array<i32>} : memref<32768xf32, #tpu.memory_space<vmem>>, vector<16xf32>,
        %get3A_254 = vector.shape_cast %get3A_253 : vector<16xf32> to vector<16xf32>
        %mul3A_255 = arith.constant 1024 : i32
        %mul3A_256 = arith.muli %scan3A_114, %mul3A_255 : i32
        %add3A_257 = arith.constant 128 : i32
        %add3A_258 = arith.addi %mul3A_256, %add3A_257 : i32
        %swap3A_259 = arith.index_cast %add3A_258 : i32 to index
        %swap3A_260 = tpu.vector_load %arg5[%swap3A_259] {strides = array<i32>} : memref<32768xf32, #tpu.memory_space<vmem>>, vector<16xf32>,
        %swap3A_261 = vector.shape_cast %swap3A_260 : vector<16xf32> to vector<16xf32>
        %swap3A_262 = vector.shape_cast %get3A_254 : vector<16xf32> to vector<16xf32>
        tpu.vector_store %arg5[%swap3A_259], %swap3A_262 {strides = array<i32>} : memref<32768xf32, #tpu.memory_space<vmem>>, vector<16xf32>,
        %add3A_263 = arith.constant 144 : i32
        %add3A_264 = arith.addi %sub3A_147, %add3A_263 : i32
        %get3A_265 = arith.index_cast %add3A_264 : i32 to index
        %get3A_266 = tpu.vector_load %arg4[%get3A_265] {strides = array<i32>} : memref<32768xf32, #tpu.memory_space<vmem>>, vector<16xf32>,
        %get3A_267 = vector.shape_cast %get3A_266 : vector<16xf32> to vector<16xf32>
        %mul3A_268 = arith.constant 1024 : i32
        %mul3A_269 = arith.muli %scan3A_114, %mul3A_268 : i32
        %add3A_270 = arith.constant 144 : i32
        %add3A_271 = arith.addi %mul3A_269, %add3A_270 : i32
        %swap3A_272 = arith.index_cast %add3A_271 : i32 to index
        %swap3A_273 = tpu.vector_load %arg5[%swap3A_272] {strides = array<i32>} : memref<32768xf32, #tpu.memory_space<vmem>>, vector<16xf32>,
        %swap3A_274 = vector.shape_cast %swap3A_273 : vector<16xf32> to vector<16xf32>
        %swap3A_275 = vector.shape_cast %get3A_267 : vector<16xf32> to vector<16xf32>
        tpu.vector_store %arg5[%swap3A_272], %swap3A_275 {strides = array<i32>} : memref<32768xf32, #tpu.memory_space<vmem>>, vector<16xf32>,
        %add3A_276 = arith.constant 160 : i32
        %add3A_277 = arith.addi %sub3A_147, %add3A_276 : i32
        %get3A_278 = arith.index_cast %add3A_277 : i32 to index
        %get3A_279 = tpu.vector_load %arg4[%get3A_278] {strides = array<i32>} : memref<32768xf32, #tpu.memory_space<vmem>>, vector<16xf32>,
        %get3A_280 = vector.shape_cast %get3A_279 : vector<16xf32> to vector<16xf32>
        %mul3A_281 = arith.constant 1024 : i32
        %mul3A_282 = arith.muli %scan3A_114, %mul3A_281 : i32
        %add3A_283 = arith.constant 160 : i32
        %add3A_284 = arith.addi %mul3A_282, %add3A_283 : i32
        %swap3A_285 = arith.index_cast %add3A_284 : i32 to index
        %swap3A_286 = tpu.vector_load %arg5[%swap3A_285] {strides = array<i32>} : memref<32768xf32, #tpu.memory_space<vmem>>, vector<16xf32>,
        %swap3A_287 = vector.shape_cast %swap3A_286 : vector<16xf32> to vector<16xf32>
        %swap3A_288 = vector.shape_cast %get3A_280 : vector<16xf32> to vector<16xf32>
        tpu.vector_store %arg5[%swap3A_285], %swap3A_288 {strides = array<i32>} : memref<32768xf32, #tpu.memory_space<vmem>>, vector<16xf32>,
        %add3A_289 = arith.constant 176 : i32
        %add3A_290 = arith.addi %sub3A_147, %add3A_289 : i32
        %get3A_291 = arith.index_cast %add3A_290 : i32 to index
        %get3A_292 = tpu.vector_load %arg4[%get3A_291] {strides = array<i32>} : memref<32768xf32, #tpu.memory_space<vmem>>, vector<16xf32>,
        %get3A_293 = vector.shape_cast %get3A_292 : vector<16xf32> to vector<16xf32>
        %mul3A_294 = arith.constant 1024 : i32
        %mul3A_295 = arith.muli %scan3A_114, %mul3A_294 : i32
        %add3A_296 = arith.constant 176 : i32
        %add3A_297 = arith.addi %mul3A_295, %add3A_296 : i32
        %swap3A_298 = arith.index_cast %add3A_297 : i32 to index
        %swap3A_299 = tpu.vector_load %arg5[%swap3A_298] {strides = array<i32>} : memref<32768xf32, #tpu.memory_space<vmem>>, vector<16xf32>,
        %swap3A_300 = vector.shape_cast %swap3A_299 : vector<16xf32> to vector<16xf32>
        %swap3A_301 = vector.shape_cast %get3A_293 : vector<16xf32> to vector<16xf32>
        tpu.vector_store %arg5[%swap3A_298], %swap3A_301 {strides = array<i32>} : memref<32768xf32, #tpu.memory_space<vmem>>, vector<16xf32>,
        %add3A_302 = arith.constant 192 : i32
        %add3A_303 = arith.addi %sub3A_147, %add3A_302 : i32
        %get3A_304 = arith.index_cast %add3A_303 : i32 to index
        %get3A_305 = tpu.vector_load %arg4[%get3A_304] {strides = array<i32>} : memref<32768xf32, #tpu.memory_space<vmem>>, vector<16xf32>,
        %get3A_306 = vector.shape_cast %get3A_305 : vector<16xf32> to vector<16xf32>
        %mul3A_307 = arith.constant 1024 : i32
        %mul3A_308 = arith.muli %scan3A_114, %mul3A_307 : i32
        %add3A_309 = arith.constant 192 : i32
        %add3A_310 = arith.addi %mul3A_308, %add3A_309 : i32
        %swap3A_311 = arith.index_cast %add3A_310 : i32 to index
        %swap3A_312 = tpu.vector_load %arg5[%swap3A_311] {strides = array<i32>} : memref<32768xf32, #tpu.memory_space<vmem>>, vector<16xf32>,
        %swap3A_313 = vector.shape_cast %swap3A_312 : vector<16xf32> to vector<16xf32>
        %swap3A_314 = vector.shape_cast %get3A_306 : vector<16xf32> to vector<16xf32>
        tpu.vector_store %arg5[%swap3A_311], %swap3A_314 {strides = array<i32>} : memref<32768xf32, #tpu.memory_space<vmem>>, vector<16xf32>,
        %add3A_315 = arith.constant 208 : i32
        %add3A_316 = arith.addi %sub3A_147, %add3A_315 : i32
        %get3A_317 = arith.index_cast %add3A_316 : i32 to index
        %get3A_318 = tpu.vector_load %arg4[%get3A_317] {strides = array<i32>} : memref<32768xf32, #tpu.memory_space<vmem>>, vector<16xf32>,
        %get3A_319 = vector.shape_cast %get3A_318 : vector<16xf32> to vector<16xf32>
        %mul3A_320 = arith.constant 1024 : i32
        %mul3A_321 = arith.muli %scan3A_114, %mul3A_320 : i32
        %add3A_322 = arith.constant 208 : i32
        %add3A_323 = arith.addi %mul3A_321, %add3A_322 : i32
        %swap3A_324 = arith.index_cast %add3A_323 : i32 to index
        %swap3A_325 = tpu.vector_load %arg5[%swap3A_324] {strides = array<i32>} : memref<32768xf32, #tpu.memory_space<vmem>>, vector<16xf32>,
        %swap3A_326 = vector.shape_cast %swap3A_325 : vector<16xf32> to vector<16xf32>
        %swap3A_327 = vector.shape_cast %get3A_319 : vector<16xf32> to vector<16xf32>
        tpu.vector_store %arg5[%swap3A_324], %swap3A_327 {strides = array<i32>} : memref<32768xf32, #tpu.memory_space<vmem>>, vector<16xf32>,
        %add3A_328 = arith.constant 224 : i32
        %add3A_329 = arith.addi %sub3A_147, %add3A_328 : i32
        %get3A_330 = arith.index_cast %add3A_329 : i32 to index
        %get3A_331 = tpu.vector_load %arg4[%get3A_330] {strides = array<i32>} : memref<32768xf32, #tpu.memory_space<vmem>>, vector<16xf32>,
        %get3A_332 = vector.shape_cast %get3A_331 : vector<16xf32> to vector<16xf32>
        %mul3A_333 = arith.constant 1024 : i32
        %mul3A_334 = arith.muli %scan3A_114, %mul3A_333 : i32
        %add3A_335 = arith.constant 224 : i32
        %add3A_336 = arith.addi %mul3A_334, %add3A_335 : i32
        %swap3A_337 = arith.index_cast %add3A_336 : i32 to index
        %swap3A_338 = tpu.vector_load %arg5[%swap3A_337] {strides = array<i32>} : memref<32768xf32, #tpu.memory_space<vmem>>, vector<16xf32>,
        %swap3A_339 = vector.shape_cast %swap3A_338 : vector<16xf32> to vector<16xf32>
        %swap3A_340 = vector.shape_cast %get3A_332 : vector<16xf32> to vector<16xf32>
        tpu.vector_store %arg5[%swap3A_337], %swap3A_340 {strides = array<i32>} : memref<32768xf32, #tpu.memory_space<vmem>>, vector<16xf32>,
        %add3A_341 = arith.constant 240 : i32
        %add3A_342 = arith.addi %sub3A_147, %add3A_341 : i32
        %get3A_343 = arith.index_cast %add3A_342 : i32 to index
        %get3A_344 = tpu.vector_load %arg4[%get3A_343] {strides = array<i32>} : memref<32768xf32, #tpu.memory_space<vmem>>, vector<16xf32>,
        %get3A_345 = vector.shape_cast %get3A_344 : vector<16xf32> to vector<16xf32>
        %mul3A_346 = arith.constant 1024 : i32
        %mul3A_347 = arith.muli %scan3A_114, %mul3A_346 : i32
        %add3A_348 = arith.constant 240 : i32
        %add3A_349 = arith.addi %mul3A_347, %add3A_348 : i32
        %swap3A_350 = arith.index_cast %add3A_349 : i32 to index
        %swap3A_351 = tpu.vector_load %arg5[%swap3A_350] {strides = array<i32>} : memref<32768xf32, #tpu.memory_space<vmem>>, vector<16xf32>,
        %swap3A_352 = vector.shape_cast %swap3A_351 : vector<16xf32> to vector<16xf32>
        %swap3A_353 = vector.shape_cast %get3A_345 : vector<16xf32> to vector<16xf32>
        tpu.vector_store %arg5[%swap3A_350], %swap3A_353 {strides = array<i32>} : memref<32768xf32, #tpu.memory_space<vmem>>, vector<16xf32>,
        %add3A_354 = arith.constant 256 : i32
        %add3A_355 = arith.addi %sub3A_147, %add3A_354 : i32
        %get3A_356 = arith.index_cast %add3A_355 : i32 to index
        %get3A_357 = tpu.vector_load %arg4[%get3A_356] {strides = array<i32>} : memref<32768xf32, #tpu.memory_space<vmem>>, vector<16xf32>,
        %get3A_358 = vector.shape_cast %get3A_357 : vector<16xf32> to vector<16xf32>
        %mul3A_359 = arith.constant 1024 : i32
        %mul3A_360 = arith.muli %scan3A_114, %mul3A_359 : i32
        %add3A_361 = arith.constant 256 : i32
        %add3A_362 = arith.addi %mul3A_360, %add3A_361 : i32
        %swap3A_363 = arith.index_cast %add3A_362 : i32 to index
        %swap3A_364 = tpu.vector_load %arg5[%swap3A_363] {strides = array<i32>} : memref<32768xf32, #tpu.memory_space<vmem>>, vector<16xf32>,
        %swap3A_365 = vector.shape_cast %swap3A_364 : vector<16xf32> to vector<16xf32>
        %swap3A_366 = vector.shape_cast %get3A_358 : vector<16xf32> to vector<16xf32>
        tpu.vector_store %arg5[%swap3A_363], %swap3A_366 {strides = array<i32>} : memref<32768xf32, #tpu.memory_space<vmem>>, vector<16xf32>,
        %add3A_367 = arith.constant 272 : i32
        %add3A_368 = arith.addi %sub3A_147, %add3A_367 : i32
        %get3A_369 = arith.index_cast %add3A_368 : i32 to index
        %get3A_370 = tpu.vector_load %arg4[%get3A_369] {strides = array<i32>} : memref<32768xf32, #tpu.memory_space<vmem>>, vector<16xf32>,
        %get3A_371 = vector.shape_cast %get3A_370 : vector<16xf32> to vector<16xf32>
        %mul3A_372 = arith.constant 1024 : i32
        %mul3A_373 = arith.muli %scan3A_114, %mul3A_372 : i32
        %add3A_374 = arith.constant 272 : i32
        %add3A_375 = arith.addi %mul3A_373, %add3A_374 : i32
        %swap3A_376 = arith.index_cast %add3A_375 : i32 to index
        %swap3A_377 = tpu.vector_load %arg5[%swap3A_376] {strides = array<i32>} : memref<32768xf32, #tpu.memory_space<vmem>>, vector<16xf32>,
        %swap3A_378 = vector.shape_cast %swap3A_377 : vector<16xf32> to vector<16xf32>
        %swap3A_379 = vector.shape_cast %get3A_371 : vector<16xf32> to vector<16xf32>
        tpu.vector_store %arg5[%swap3A_376], %swap3A_379 {strides = array<i32>} : memref<32768xf32, #tpu.memory_space<vmem>>, vector<16xf32>,
        %add3A_380 = arith.constant 288 : i32
        %add3A_381 = arith.addi %sub3A_147, %add3A_380 : i32
        %get3A_382 = arith.index_cast %add3A_381 : i32 to index
        %get3A_383 = tpu.vector_load %arg4[%get3A_382] {strides = array<i32>} : memref<32768xf32, #tpu.memory_space<vmem>>, vector<16xf32>,
        %get3A_384 = vector.shape_cast %get3A_383 : vector<16xf32> to vector<16xf32>
        %mul3A_385 = arith.constant 1024 : i32
        %mul3A_386 = arith.muli %scan3A_114, %mul3A_385 : i32
        %add3A_387 = arith.constant 288 : i32
        %add3A_388 = arith.addi %mul3A_386, %add3A_387 : i32
        %swap3A_389 = arith.index_cast %add3A_388 : i32 to index
        %swap3A_390 = tpu.vector_load %arg5[%swap3A_389] {strides = array<i32>} : memref<32768xf32, #tpu.memory_space<vmem>>, vector<16xf32>,
        %swap3A_391 = vector.shape_cast %swap3A_390 : vector<16xf32> to vector<16xf32>
        %swap3A_392 = vector.shape_cast %get3A_384 : vector<16xf32> to vector<16xf32>
        tpu.vector_store %arg5[%swap3A_389], %swap3A_392 {strides = array<i32>} : memref<32768xf32, #tpu.memory_space<vmem>>, vector<16xf32>,
        %add3A_393 = arith.constant 304 : i32
        %add3A_394 = arith.addi %sub3A_147, %add3A_393 : i32
        %get3A_395 = arith.index_cast %add3A_394 : i32 to index
        %get3A_396 = tpu.vector_load %arg4[%get3A_395] {strides = array<i32>} : memref<32768xf32, #tpu.memory_space<vmem>>, vector<16xf32>,
        %get3A_397 = vector.shape_cast %get3A_396 : vector<16xf32> to vector<16xf32>
        %mul3A_398 = arith.constant 1024 : i32
        %mul3A_399 = arith.muli %scan3A_114, %mul3A_398 : i32
        %add3A_400 = arith.constant 304 : i32
        %add3A_401 = arith.addi %mul3A_399, %add3A_400 : i32
        %swap3A_402 = arith.index_cast %add3A_401 : i32 to index
        %swap3A_403 = tpu.vector_load %arg5[%swap3A_402] {strides = array<i32>} : memref<32768xf32, #tpu.memory_space<vmem>>, vector<16xf32>,
        %swap3A_404 = vector.shape_cast %swap3A_403 : vector<16xf32> to vector<16xf32>
        %swap3A_405 = vector.shape_cast %get3A_397 : vector<16xf32> to vector<16xf32>
        tpu.vector_store %arg5[%swap3A_402], %swap3A_405 {strides = array<i32>} : memref<32768xf32, #tpu.memory_space<vmem>>, vector<16xf32>,
        %add3A_406 = arith.constant 320 : i32
        %add3A_407 = arith.addi %sub3A_147, %add3A_406 : i32
        %get3A_408 = arith.index_cast %add3A_407 : i32 to index
        %get3A_409 = tpu.vector_load %arg4[%get3A_408] {strides = array<i32>} : memref<32768xf32, #tpu.memory_space<vmem>>, vector<16xf32>,
        %get3A_410 = vector.shape_cast %get3A_409 : vector<16xf32> to vector<16xf32>
        %mul3A_411 = arith.constant 1024 : i32
        %mul3A_412 = arith.muli %scan3A_114, %mul3A_411 : i32
        %add3A_413 = arith.constant 320 : i32
        %add3A_414 = arith.addi %mul3A_412, %add3A_413 : i32
        %swap3A_415 = arith.index_cast %add3A_414 : i32 to index
        %swap3A_416 = tpu.vector_load %arg5[%swap3A_415] {strides = array<i32>} : memref<32768xf32, #tpu.memory_space<vmem>>, vector<16xf32>,
        %swap3A_417 = vector.shape_cast %swap3A_416 : vector<16xf32> to vector<16xf32>
        %swap3A_418 = vector.shape_cast %get3A_410 : vector<16xf32> to vector<16xf32>
        tpu.vector_store %arg5[%swap3A_415], %swap3A_418 {strides = array<i32>} : memref<32768xf32, #tpu.memory_space<vmem>>, vector<16xf32>,
        %add3A_419 = arith.constant 336 : i32
        %add3A_420 = arith.addi %sub3A_147, %add3A_419 : i32
        %get3A_421 = arith.index_cast %add3A_420 : i32 to index
        %get3A_422 = tpu.vector_load %arg4[%get3A_421] {strides = array<i32>} : memref<32768xf32, #tpu.memory_space<vmem>>, vector<16xf32>,
        %get3A_423 = vector.shape_cast %get3A_422 : vector<16xf32> to vector<16xf32>
        %mul3A_424 = arith.constant 1024 : i32
        %mul3A_425 = arith.muli %scan3A_114, %mul3A_424 : i32
        %add3A_426 = arith.constant 336 : i32
        %add3A_427 = arith.addi %mul3A_425, %add3A_426 : i32
        %swap3A_428 = arith.index_cast %add3A_427 : i32 to index
        %swap3A_429 = tpu.vector_load %arg5[%swap3A_428] {strides = array<i32>} : memref<32768xf32, #tpu.memory_space<vmem>>, vector<16xf32>,
        %swap3A_430 = vector.shape_cast %swap3A_429 : vector<16xf32> to vector<16xf32>
        %swap3A_431 = vector.shape_cast %get3A_423 : vector<16xf32> to vector<16xf32>
        tpu.vector_store %arg5[%swap3A_428], %swap3A_431 {strides = array<i32>} : memref<32768xf32, #tpu.memory_space<vmem>>, vector<16xf32>,
        %add3A_432 = arith.constant 352 : i32
        %add3A_433 = arith.addi %sub3A_147, %add3A_432 : i32
        %get3A_434 = arith.index_cast %add3A_433 : i32 to index
        %get3A_435 = tpu.vector_load %arg4[%get3A_434] {strides = array<i32>} : memref<32768xf32, #tpu.memory_space<vmem>>, vector<16xf32>,
        %get3A_436 = vector.shape_cast %get3A_435 : vector<16xf32> to vector<16xf32>
        %mul3A_437 = arith.constant 1024 : i32
        %mul3A_438 = arith.muli %scan3A_114, %mul3A_437 : i32
        %add3A_439 = arith.constant 352 : i32
        %add3A_440 = arith.addi %mul3A_438, %add3A_439 : i32
        %swap3A_441 = arith.index_cast %add3A_440 : i32 to index
        %swap3A_442 = tpu.vector_load %arg5[%swap3A_441] {strides = array<i32>} : memref<32768xf32, #tpu.memory_space<vmem>>, vector<16xf32>,
        %swap3A_443 = vector.shape_cast %swap3A_442 : vector<16xf32> to vector<16xf32>
        %swap3A_444 = vector.shape_cast %get3A_436 : vector<16xf32> to vector<16xf32>
        tpu.vector_store %arg5[%swap3A_441], %swap3A_444 {strides = array<i32>} : memref<32768xf32, #tpu.memory_space<vmem>>, vector<16xf32>,
        %add3A_445 = arith.constant 368 : i32
        %add3A_446 = arith.addi %sub3A_147, %add3A_445 : i32
        %get3A_447 = arith.index_cast %add3A_446 : i32 to index
        %get3A_448 = tpu.vector_load %arg4[%get3A_447] {strides = array<i32>} : memref<32768xf32, #tpu.memory_space<vmem>>, vector<16xf32>,
        %get3A_449 = vector.shape_cast %get3A_448 : vector<16xf32> to vector<16xf32>
        %mul3A_450 = arith.constant 1024 : i32
        %mul3A_451 = arith.muli %scan3A_114, %mul3A_450 : i32
        %add3A_452 = arith.constant 368 : i32
        %add3A_453 = arith.addi %mul3A_451, %add3A_452 : i32
        %swap3A_454 = arith.index_cast %add3A_453 : i32 to index
        %swap3A_455 = tpu.vector_load %arg5[%swap3A_454] {strides = array<i32>} : memref<32768xf32, #tpu.memory_space<vmem>>, vector<16xf32>,
        %swap3A_456 = vector.shape_cast %swap3A_455 : vector<16xf32> to vector<16xf32>
        %swap3A_457 = vector.shape_cast %get3A_449 : vector<16xf32> to vector<16xf32>
        tpu.vector_store %arg5[%swap3A_454], %swap3A_457 {strides = array<i32>} : memref<32768xf32, #tpu.memory_space<vmem>>, vector<16xf32>,
        %add3A_458 = arith.constant 384 : i32
        %add3A_459 = arith.addi %sub3A_147, %add3A_458 : i32
        %get3A_460 = arith.index_cast %add3A_459 : i32 to index
        %get3A_461 = tpu.vector_load %arg4[%get3A_460] {strides = array<i32>} : memref<32768xf32, #tpu.memory_space<vmem>>, vector<16xf32>,
        %get3A_462 = vector.shape_cast %get3A_461 : vector<16xf32> to vector<16xf32>
        %mul3A_463 = arith.constant 1024 : i32
        %mul3A_464 = arith.muli %scan3A_114, %mul3A_463 : i32
        %add3A_465 = arith.constant 384 : i32
        %add3A_466 = arith.addi %mul3A_464, %add3A_465 : i32
        %swap3A_467 = arith.index_cast %add3A_466 : i32 to index
        %swap3A_468 = tpu.vector_load %arg5[%swap3A_467] {strides = array<i32>} : memref<32768xf32, #tpu.memory_space<vmem>>, vector<16xf32>,
        %swap3A_469 = vector.shape_cast %swap3A_468 : vector<16xf32> to vector<16xf32>
        %swap3A_470 = vector.shape_cast %get3A_462 : vector<16xf32> to vector<16xf32>
        tpu.vector_store %arg5[%swap3A_467], %swap3A_470 {strides = array<i32>} : memref<32768xf32, #tpu.memory_space<vmem>>, vector<16xf32>,
        %add3A_471 = arith.constant 400 : i32
        %add3A_472 = arith.addi %sub3A_147, %add3A_471 : i32
        %get3A_473 = arith.index_cast %add3A_472 : i32 to index
        %get3A_474 = tpu.vector_load %arg4[%get3A_473] {strides = array<i32>} : memref<32768xf32, #tpu.memory_space<vmem>>, vector<16xf32>,
        %get3A_475 = vector.shape_cast %get3A_474 : vector<16xf32> to vector<16xf32>
        %mul3A_476 = arith.constant 1024 : i32
        %mul3A_477 = arith.muli %scan3A_114, %mul3A_476 : i32
        %add3A_478 = arith.constant 400 : i32
        %add3A_479 = arith.addi %mul3A_477, %add3A_478 : i32
        %swap3A_480 = arith.index_cast %add3A_479 : i32 to index
        %swap3A_481 = tpu.vector_load %arg5[%swap3A_480] {strides = array<i32>} : memref<32768xf32, #tpu.memory_space<vmem>>, vector<16xf32>,
        %swap3A_482 = vector.shape_cast %swap3A_481 : vector<16xf32> to vector<16xf32>
        %swap3A_483 = vector.shape_cast %get3A_475 : vector<16xf32> to vector<16xf32>
        tpu.vector_store %arg5[%swap3A_480], %swap3A_483 {strides = array<i32>} : memref<32768xf32, #tpu.memory_space<vmem>>, vector<16xf32>,
        %add3A_484 = arith.constant 416 : i32
        %add3A_485 = arith.addi %sub3A_147, %add3A_484 : i32
        %get3A_486 = arith.index_cast %add3A_485 : i32 to index
        %get3A_487 = tpu.vector_load %arg4[%get3A_486] {strides = array<i32>} : memref<32768xf32, #tpu.memory_space<vmem>>, vector<16xf32>,
        %get3A_488 = vector.shape_cast %get3A_487 : vector<16xf32> to vector<16xf32>
        %mul3A_489 = arith.constant 1024 : i32
        %mul3A_490 = arith.muli %scan3A_114, %mul3A_489 : i32
        %add3A_491 = arith.constant 416 : i32
        %add3A_492 = arith.addi %mul3A_490, %add3A_491 : i32
        %swap3A_493 = arith.index_cast %add3A_492 : i32 to index
        %swap3A_494 = tpu.vector_load %arg5[%swap3A_493] {strides = array<i32>} : memref<32768xf32, #tpu.memory_space<vmem>>, vector<16xf32>,
        %swap3A_495 = vector.shape_cast %swap3A_494 : vector<16xf32> to vector<16xf32>
        %swap3A_496 = vector.shape_cast %get3A_488 : vector<16xf32> to vector<16xf32>
        tpu.vector_store %arg5[%swap3A_493], %swap3A_496 {strides = array<i32>} : memref<32768xf32, #tpu.memory_space<vmem>>, vector<16xf32>,
        %add3A_497 = arith.constant 432 : i32
        %add3A_498 = arith.addi %sub3A_147, %add3A_497 : i32
        %get3A_499 = arith.index_cast %add3A_498 : i32 to index
        %get3A_500 = tpu.vector_load %arg4[%get3A_499] {strides = array<i32>} : memref<32768xf32, #tpu.memory_space<vmem>>, vector<16xf32>,
        %get3A_501 = vector.shape_cast %get3A_500 : vector<16xf32> to vector<16xf32>
        %mul3A_502 = arith.constant 1024 : i32
        %mul3A_503 = arith.muli %scan3A_114, %mul3A_502 : i32
        %add3A_504 = arith.constant 432 : i32
        %add3A_505 = arith.addi %mul3A_503, %add3A_504 : i32
        %swap3A_506 = arith.index_cast %add3A_505 : i32 to index
        %swap3A_507 = tpu.vector_load %arg5[%swap3A_506] {strides = array<i32>} : memref<32768xf32, #tpu.memory_space<vmem>>, vector<16xf32>,
        %swap3A_508 = vector.shape_cast %swap3A_507 : vector<16xf32> to vector<16xf32>
        %swap3A_509 = vector.shape_cast %get3A_501 : vector<16xf32> to vector<16xf32>
        tpu.vector_store %arg5[%swap3A_506], %swap3A_509 {strides = array<i32>} : memref<32768xf32, #tpu.memory_space<vmem>>, vector<16xf32>,
        %add3A_510 = arith.constant 448 : i32
        %add3A_511 = arith.addi %sub3A_147, %add3A_510 : i32
        %get3A_512 = arith.index_cast %add3A_511 : i32 to index
        %get3A_513 = tpu.vector_load %arg4[%get3A_512] {strides = array<i32>} : memref<32768xf32, #tpu.memory_space<vmem>>, vector<16xf32>,
        %get3A_514 = vector.shape_cast %get3A_513 : vector<16xf32> to vector<16xf32>
        %mul3A_515 = arith.constant 1024 : i32
        %mul3A_516 = arith.muli %scan3A_114, %mul3A_515 : i32
        %add3A_517 = arith.constant 448 : i32
        %add3A_518 = arith.addi %mul3A_516, %add3A_517 : i32
        %swap3A_519 = arith.index_cast %add3A_518 : i32 to index
        %swap3A_520 = tpu.vector_load %arg5[%swap3A_519] {strides = array<i32>} : memref<32768xf32, #tpu.memory_space<vmem>>, vector<16xf32>,
        %swap3A_521 = vector.shape_cast %swap3A_520 : vector<16xf32> to vector<16xf32>
        %swap3A_522 = vector.shape_cast %get3A_514 : vector<16xf32> to vector<16xf32>
        tpu.vector_store %arg5[%swap3A_519], %swap3A_522 {strides = array<i32>} : memref<32768xf32, #tpu.memory_space<vmem>>, vector<16xf32>,
        %add3A_523 = arith.constant 464 : i32
        %add3A_524 = arith.addi %sub3A_147, %add3A_523 : i32
        %get3A_525 = arith.index_cast %add3A_524 : i32 to index
        %get3A_526 = tpu.vector_load %arg4[%get3A_525] {strides = array<i32>} : memref<32768xf32, #tpu.memory_space<vmem>>, vector<16xf32>,
        %get3A_527 = vector.shape_cast %get3A_526 : vector<16xf32> to vector<16xf32>
        %mul3A_528 = arith.constant 1024 : i32
        %mul3A_529 = arith.muli %scan3A_114, %mul3A_528 : i32
        %add3A_530 = arith.constant 464 : i32
        %add3A_531 = arith.addi %mul3A_529, %add3A_530 : i32
        %swap3A_532 = arith.index_cast %add3A_531 : i32 to index
        %swap3A_533 = tpu.vector_load %arg5[%swap3A_532] {strides = array<i32>} : memref<32768xf32, #tpu.memory_space<vmem>>, vector<16xf32>,
        %swap3A_534 = vector.shape_cast %swap3A_533 : vector<16xf32> to vector<16xf32>
        %swap3A_535 = vector.shape_cast %get3A_527 : vector<16xf32> to vector<16xf32>
        tpu.vector_store %arg5[%swap3A_532], %swap3A_535 {strides = array<i32>} : memref<32768xf32, #tpu.memory_space<vmem>>, vector<16xf32>,
        %add3A_536 = arith.constant 480 : i32
        %add3A_537 = arith.addi %sub3A_147, %add3A_536 : i32
        %get3A_538 = arith.index_cast %add3A_537 : i32 to index
        %get3A_539 = tpu.vector_load %arg4[%get3A_538] {strides = array<i32>} : memref<32768xf32, #tpu.memory_space<vmem>>, vector<16xf32>,
        %get3A_540 = vector.shape_cast %get3A_539 : vector<16xf32> to vector<16xf32>
        %mul3A_541 = arith.constant 1024 : i32
        %mul3A_542 = arith.muli %scan3A_114, %mul3A_541 : i32
        %add3A_543 = arith.constant 480 : i32
        %add3A_544 = arith.addi %mul3A_542, %add3A_543 : i32
        %swap3A_545 = arith.index_cast %add3A_544 : i32 to index
        %swap3A_546 = tpu.vector_load %arg5[%swap3A_545] {strides = array<i32>} : memref<32768xf32, #tpu.memory_space<vmem>>, vector<16xf32>,
        %swap3A_547 = vector.shape_cast %swap3A_546 : vector<16xf32> to vector<16xf32>
        %swap3A_548 = vector.shape_cast %get3A_540 : vector<16xf32> to vector<16xf32>
        tpu.vector_store %arg5[%swap3A_545], %swap3A_548 {strides = array<i32>} : memref<32768xf32, #tpu.memory_space<vmem>>, vector<16xf32>,
        %add3A_549 = arith.constant 496 : i32
        %add3A_550 = arith.addi %sub3A_147, %add3A_549 : i32
        %get3A_551 = arith.index_cast %add3A_550 : i32 to index
        %get3A_552 = tpu.vector_load %arg4[%get3A_551] {strides = array<i32>} : memref<32768xf32, #tpu.memory_space<vmem>>, vector<16xf32>,
        %get3A_553 = vector.shape_cast %get3A_552 : vector<16xf32> to vector<16xf32>
        %mul3A_554 = arith.constant 1024 : i32
        %mul3A_555 = arith.muli %scan3A_114, %mul3A_554 : i32
        %add3A_556 = arith.constant 496 : i32
        %add3A_557 = arith.addi %mul3A_555, %add3A_556 : i32
        %swap3A_558 = arith.index_cast %add3A_557 : i32 to index
        %swap3A_559 = tpu.vector_load %arg5[%swap3A_558] {strides = array<i32>} : memref<32768xf32, #tpu.memory_space<vmem>>, vector<16xf32>,
        %swap3A_560 = vector.shape_cast %swap3A_559 : vector<16xf32> to vector<16xf32>
        %swap3A_561 = vector.shape_cast %get3A_553 : vector<16xf32> to vector<16xf32>
        tpu.vector_store %arg5[%swap3A_558], %swap3A_561 {strides = array<i32>} : memref<32768xf32, #tpu.memory_space<vmem>>, vector<16xf32>,
        %add3A_562 = arith.constant 512 : i32
        %add3A_563 = arith.addi %sub3A_147, %add3A_562 : i32
        %get3A_564 = arith.index_cast %add3A_563 : i32 to index
        %get3A_565 = tpu.vector_load %arg4[%get3A_564] {strides = array<i32>} : memref<32768xf32, #tpu.memory_space<vmem>>, vector<16xf32>,
        %get3A_566 = vector.shape_cast %get3A_565 : vector<16xf32> to vector<16xf32>
        %mul3A_567 = arith.constant 1024 : i32
        %mul3A_568 = arith.muli %scan3A_114, %mul3A_567 : i32
        %add3A_569 = arith.constant 512 : i32
        %add3A_570 = arith.addi %mul3A_568, %add3A_569 : i32
        %swap3A_571 = arith.index_cast %add3A_570 : i32 to index
        %swap3A_572 = tpu.vector_load %arg5[%swap3A_571] {strides = array<i32>} : memref<32768xf32, #tpu.memory_space<vmem>>, vector<16xf32>,
        %swap3A_573 = vector.shape_cast %swap3A_572 : vector<16xf32> to vector<16xf32>
        %swap3A_574 = vector.shape_cast %get3A_566 : vector<16xf32> to vector<16xf32>
        tpu.vector_store %arg5[%swap3A_571], %swap3A_574 {strides = array<i32>} : memref<32768xf32, #tpu.memory_space<vmem>>, vector<16xf32>,
        %add3A_575 = arith.constant 528 : i32
        %add3A_576 = arith.addi %sub3A_147, %add3A_575 : i32
        %get3A_577 = arith.index_cast %add3A_576 : i32 to index
        %get3A_578 = tpu.vector_load %arg4[%get3A_577] {strides = array<i32>} : memref<32768xf32, #tpu.memory_space<vmem>>, vector<16xf32>,
        %get3A_579 = vector.shape_cast %get3A_578 : vector<16xf32> to vector<16xf32>
        %mul3A_580 = arith.constant 1024 : i32
        %mul3A_581 = arith.muli %scan3A_114, %mul3A_580 : i32
        %add3A_582 = arith.constant 528 : i32
        %add3A_583 = arith.addi %mul3A_581, %add3A_582 : i32
        %swap3A_584 = arith.index_cast %add3A_583 : i32 to index
        %swap3A_585 = tpu.vector_load %arg5[%swap3A_584] {strides = array<i32>} : memref<32768xf32, #tpu.memory_space<vmem>>, vector<16xf32>,
        %swap3A_586 = vector.shape_cast %swap3A_585 : vector<16xf32> to vector<16xf32>
        %swap3A_587 = vector.shape_cast %get3A_579 : vector<16xf32> to vector<16xf32>
        tpu.vector_store %arg5[%swap3A_584], %swap3A_587 {strides = array<i32>} : memref<32768xf32, #tpu.memory_space<vmem>>, vector<16xf32>,
        %add3A_588 = arith.constant 544 : i32
        %add3A_589 = arith.addi %sub3A_147, %add3A_588 : i32
        %get3A_590 = arith.index_cast %add3A_589 : i32 to index
        %get3A_591 = tpu.vector_load %arg4[%get3A_590] {strides = array<i32>} : memref<32768xf32, #tpu.memory_space<vmem>>, vector<16xf32>,
        %get3A_592 = vector.shape_cast %get3A_591 : vector<16xf32> to vector<16xf32>
        %mul3A_593 = arith.constant 1024 : i32
        %mul3A_594 = arith.muli %scan3A_114, %mul3A_593 : i32
        %add3A_595 = arith.constant 544 : i32
        %add3A_596 = arith.addi %mul3A_594, %add3A_595 : i32
        %swap3A_597 = arith.index_cast %add3A_596 : i32 to index
        %swap3A_598 = tpu.vector_load %arg5[%swap3A_597] {strides = array<i32>} : memref<32768xf32, #tpu.memory_space<vmem>>, vector<16xf32>,
        %swap3A_599 = vector.shape_cast %swap3A_598 : vector<16xf32> to vector<16xf32>
        %swap3A_600 = vector.shape_cast %get3A_592 : vector<16xf32> to vector<16xf32>
        tpu.vector_store %arg5[%swap3A_597], %swap3A_600 {strides = array<i32>} : memref<32768xf32, #tpu.memory_space<vmem>>, vector<16xf32>,
        %add3A_601 = arith.constant 560 : i32
        %add3A_602 = arith.addi %sub3A_147, %add3A_601 : i32
        %get3A_603 = arith.index_cast %add3A_602 : i32 to index
        %get3A_604 = tpu.vector_load %arg4[%get3A_603] {strides = array<i32>} : memref<32768xf32, #tpu.memory_space<vmem>>, vector<16xf32>,
        %get3A_605 = vector.shape_cast %get3A_604 : vector<16xf32> to vector<16xf32>
        %mul3A_606 = arith.constant 1024 : i32
        %mul3A_607 = arith.muli %scan3A_114, %mul3A_606 : i32
        %add3A_608 = arith.constant 560 : i32
        %add3A_609 = arith.addi %mul3A_607, %add3A_608 : i32
        %swap3A_610 = arith.index_cast %add3A_609 : i32 to index
        %swap3A_611 = tpu.vector_load %arg5[%swap3A_610] {strides = array<i32>} : memref<32768xf32, #tpu.memory_space<vmem>>, vector<16xf32>,
        %swap3A_612 = vector.shape_cast %swap3A_611 : vector<16xf32> to vector<16xf32>
        %swap3A_613 = vector.shape_cast %get3A_605 : vector<16xf32> to vector<16xf32>
        tpu.vector_store %arg5[%swap3A_610], %swap3A_613 {strides = array<i32>} : memref<32768xf32, #tpu.memory_space<vmem>>, vector<16xf32>,
        %add3A_614 = arith.constant 576 : i32
        %add3A_615 = arith.addi %sub3A_147, %add3A_614 : i32
        %get3A_616 = arith.index_cast %add3A_615 : i32 to index
        %get3A_617 = tpu.vector_load %arg4[%get3A_616] {strides = array<i32>} : memref<32768xf32, #tpu.memory_space<vmem>>, vector<16xf32>,
        %get3A_618 = vector.shape_cast %get3A_617 : vector<16xf32> to vector<16xf32>
        %mul3A_619 = arith.constant 1024 : i32
        %mul3A_620 = arith.muli %scan3A_114, %mul3A_619 : i32
        %add3A_621 = arith.constant 576 : i32
        %add3A_622 = arith.addi %mul3A_620, %add3A_621 : i32
        %swap3A_623 = arith.index_cast %add3A_622 : i32 to index
        %swap3A_624 = tpu.vector_load %arg5[%swap3A_623] {strides = array<i32>} : memref<32768xf32, #tpu.memory_space<vmem>>, vector<16xf32>,
        %swap3A_625 = vector.shape_cast %swap3A_624 : vector<16xf32> to vector<16xf32>
        %swap3A_626 = vector.shape_cast %get3A_618 : vector<16xf32> to vector<16xf32>
        tpu.vector_store %arg5[%swap3A_623], %swap3A_626 {strides = array<i32>} : memref<32768xf32, #tpu.memory_space<vmem>>, vector<16xf32>,
        %add3A_627 = arith.constant 592 : i32
        %add3A_628 = arith.addi %sub3A_147, %add3A_627 : i32
        %get3A_629 = arith.index_cast %add3A_628 : i32 to index
        %get3A_630 = tpu.vector_load %arg4[%get3A_629] {strides = array<i32>} : memref<32768xf32, #tpu.memory_space<vmem>>, vector<16xf32>,
        %get3A_631 = vector.shape_cast %get3A_630 : vector<16xf32> to vector<16xf32>
        %mul3A_632 = arith.constant 1024 : i32
        %mul3A_633 = arith.muli %scan3A_114, %mul3A_632 : i32
        %add3A_634 = arith.constant 592 : i32
        %add3A_635 = arith.addi %mul3A_633, %add3A_634 : i32
        %swap3A_636 = arith.index_cast %add3A_635 : i32 to index
        %swap3A_637 = tpu.vector_load %arg5[%swap3A_636] {strides = array<i32>} : memref<32768xf32, #tpu.memory_space<vmem>>, vector<16xf32>,
        %swap3A_638 = vector.shape_cast %swap3A_637 : vector<16xf32> to vector<16xf32>
        %swap3A_639 = vector.shape_cast %get3A_631 : vector<16xf32> to vector<16xf32>
        tpu.vector_store %arg5[%swap3A_636], %swap3A_639 {strides = array<i32>} : memref<32768xf32, #tpu.memory_space<vmem>>, vector<16xf32>,
        %add3A_640 = arith.constant 608 : i32
        %add3A_641 = arith.addi %sub3A_147, %add3A_640 : i32
        %get3A_642 = arith.index_cast %add3A_641 : i32 to index
        %get3A_643 = tpu.vector_load %arg4[%get3A_642] {strides = array<i32>} : memref<32768xf32, #tpu.memory_space<vmem>>, vector<16xf32>,
        %get3A_644 = vector.shape_cast %get3A_643 : vector<16xf32> to vector<16xf32>
        %mul3A_645 = arith.constant 1024 : i32
        %mul3A_646 = arith.muli %scan3A_114, %mul3A_645 : i32
        %add3A_647 = arith.constant 608 : i32
        %add3A_648 = arith.addi %mul3A_646, %add3A_647 : i32
        %swap3A_649 = arith.index_cast %add3A_648 : i32 to index
        %swap3A_650 = tpu.vector_load %arg5[%swap3A_649] {strides = array<i32>} : memref<32768xf32, #tpu.memory_space<vmem>>, vector<16xf32>,
        %swap3A_651 = vector.shape_cast %swap3A_650 : vector<16xf32> to vector<16xf32>
        %swap3A_652 = vector.shape_cast %get3A_644 : vector<16xf32> to vector<16xf32>
        tpu.vector_store %arg5[%swap3A_649], %swap3A_652 {strides = array<i32>} : memref<32768xf32, #tpu.memory_space<vmem>>, vector<16xf32>,
        %add3A_653 = arith.constant 624 : i32
        %add3A_654 = arith.addi %sub3A_147, %add3A_653 : i32
        %get3A_655 = arith.index_cast %add3A_654 : i32 to index
        %get3A_656 = tpu.vector_load %arg4[%get3A_655] {strides = array<i32>} : memref<32768xf32, #tpu.memory_space<vmem>>, vector<16xf32>,
        %get3A_657 = vector.shape_cast %get3A_656 : vector<16xf32> to vector<16xf32>
        %mul3A_658 = arith.constant 1024 : i32
        %mul3A_659 = arith.muli %scan3A_114, %mul3A_658 : i32
        %add3A_660 = arith.constant 624 : i32
        %add3A_661 = arith.addi %mul3A_659, %add3A_660 : i32
        %swap3A_662 = arith.index_cast %add3A_661 : i32 to index
        %swap3A_663 = tpu.vector_load %arg5[%swap3A_662] {strides = array<i32>} : memref<32768xf32, #tpu.memory_space<vmem>>, vector<16xf32>,
        %swap3A_664 = vector.shape_cast %swap3A_663 : vector<16xf32> to vector<16xf32>
        %swap3A_665 = vector.shape_cast %get3A_657 : vector<16xf32> to vector<16xf32>
        tpu.vector_store %arg5[%swap3A_662], %swap3A_665 {strides = array<i32>} : memref<32768xf32, #tpu.memory_space<vmem>>, vector<16xf32>,
        %add3A_666 = arith.constant 640 : i32
        %add3A_667 = arith.addi %sub3A_147, %add3A_666 : i32
        %get3A_668 = arith.index_cast %add3A_667 : i32 to index
        %get3A_669 = tpu.vector_load %arg4[%get3A_668] {strides = array<i32>} : memref<32768xf32, #tpu.memory_space<vmem>>, vector<16xf32>,
        %get3A_670 = vector.shape_cast %get3A_669 : vector<16xf32> to vector<16xf32>
        %mul3A_671 = arith.constant 1024 : i32
        %mul3A_672 = arith.muli %scan3A_114, %mul3A_671 : i32
        %add3A_673 = arith.constant 640 : i32
        %add3A_674 = arith.addi %mul3A_672, %add3A_673 : i32
        %swap3A_675 = arith.index_cast %add3A_674 : i32 to index
        %swap3A_676 = tpu.vector_load %arg5[%swap3A_675] {strides = array<i32>} : memref<32768xf32, #tpu.memory_space<vmem>>, vector<16xf32>,
        %swap3A_677 = vector.shape_cast %swap3A_676 : vector<16xf32> to vector<16xf32>
        %swap3A_678 = vector.shape_cast %get3A_670 : vector<16xf32> to vector<16xf32>
        tpu.vector_store %arg5[%swap3A_675], %swap3A_678 {strides = array<i32>} : memref<32768xf32, #tpu.memory_space<vmem>>, vector<16xf32>,
        %add3A_679 = arith.constant 656 : i32
        %add3A_680 = arith.addi %sub3A_147, %add3A_679 : i32
        %get3A_681 = arith.index_cast %add3A_680 : i32 to index
        %get3A_682 = tpu.vector_load %arg4[%get3A_681] {strides = array<i32>} : memref<32768xf32, #tpu.memory_space<vmem>>, vector<16xf32>,
        %get3A_683 = vector.shape_cast %get3A_682 : vector<16xf32> to vector<16xf32>
        %mul3A_684 = arith.constant 1024 : i32
        %mul3A_685 = arith.muli %scan3A_114, %mul3A_684 : i32
        %add3A_686 = arith.constant 656 : i32
        %add3A_687 = arith.addi %mul3A_685, %add3A_686 : i32
        %swap3A_688 = arith.index_cast %add3A_687 : i32 to index
        %swap3A_689 = tpu.vector_load %arg5[%swap3A_688] {strides = array<i32>} : memref<32768xf32, #tpu.memory_space<vmem>>, vector<16xf32>,
        %swap3A_690 = vector.shape_cast %swap3A_689 : vector<16xf32> to vector<16xf32>
        %swap3A_691 = vector.shape_cast %get3A_683 : vector<16xf32> to vector<16xf32>
        tpu.vector_store %arg5[%swap3A_688], %swap3A_691 {strides = array<i32>} : memref<32768xf32, #tpu.memory_space<vmem>>, vector<16xf32>,
        %add3A_692 = arith.constant 672 : i32
        %add3A_693 = arith.addi %sub3A_147, %add3A_692 : i32
        %get3A_694 = arith.index_cast %add3A_693 : i32 to index
        %get3A_695 = tpu.vector_load %arg4[%get3A_694] {strides = array<i32>} : memref<32768xf32, #tpu.memory_space<vmem>>, vector<16xf32>,
        %get3A_696 = vector.shape_cast %get3A_695 : vector<16xf32> to vector<16xf32>
        %mul3A_697 = arith.constant 1024 : i32
        %mul3A_698 = arith.muli %scan3A_114, %mul3A_697 : i32
        %add3A_699 = arith.constant 672 : i32
        %add3A_700 = arith.addi %mul3A_698, %add3A_699 : i32
        %swap3A_701 = arith.index_cast %add3A_700 : i32 to index
        %swap3A_702 = tpu.vector_load %arg5[%swap3A_701] {strides = array<i32>} : memref<32768xf32, #tpu.memory_space<vmem>>, vector<16xf32>,
        %swap3A_703 = vector.shape_cast %swap3A_702 : vector<16xf32> to vector<16xf32>
        %swap3A_704 = vector.shape_cast %get3A_696 : vector<16xf32> to vector<16xf32>
        tpu.vector_store %arg5[%swap3A_701], %swap3A_704 {strides = array<i32>} : memref<32768xf32, #tpu.memory_space<vmem>>, vector<16xf32>,
        %add3A_705 = arith.constant 688 : i32
        %add3A_706 = arith.addi %sub3A_147, %add3A_705 : i32
        %get3A_707 = arith.index_cast %add3A_706 : i32 to index
        %get3A_708 = tpu.vector_load %arg4[%get3A_707] {strides = array<i32>} : memref<32768xf32, #tpu.memory_space<vmem>>, vector<16xf32>,
        %get3A_709 = vector.shape_cast %get3A_708 : vector<16xf32> to vector<16xf32>
        %mul3A_710 = arith.constant 1024 : i32
        %mul3A_711 = arith.muli %scan3A_114, %mul3A_710 : i32
        %add3A_712 = arith.constant 688 : i32
        %add3A_713 = arith.addi %mul3A_711, %add3A_712 : i32
        %swap3A_714 = arith.index_cast %add3A_713 : i32 to index
        %swap3A_715 = tpu.vector_load %arg5[%swap3A_714] {strides = array<i32>} : memref<32768xf32, #tpu.memory_space<vmem>>, vector<16xf32>,
        %swap3A_716 = vector.shape_cast %swap3A_715 : vector<16xf32> to vector<16xf32>
        %swap3A_717 = vector.shape_cast %get3A_709 : vector<16xf32> to vector<16xf32>
        tpu.vector_store %arg5[%swap3A_714], %swap3A_717 {strides = array<i32>} : memref<32768xf32, #tpu.memory_space<vmem>>, vector<16xf32>,
        %add3A_718 = arith.constant 704 : i32
        %add3A_719 = arith.addi %sub3A_147, %add3A_718 : i32
        %get3A_720 = arith.index_cast %add3A_719 : i32 to index
        %get3A_721 = tpu.vector_load %arg4[%get3A_720] {strides = array<i32>} : memref<32768xf32, #tpu.memory_space<vmem>>, vector<16xf32>,
        %get3A_722 = vector.shape_cast %get3A_721 : vector<16xf32> to vector<16xf32>
        %mul3A_723 = arith.constant 1024 : i32
        %mul3A_724 = arith.muli %scan3A_114, %mul3A_723 : i32
        %add3A_725 = arith.constant 704 : i32
        %add3A_726 = arith.addi %mul3A_724, %add3A_725 : i32
        %swap3A_727 = arith.index_cast %add3A_726 : i32 to index
        %swap3A_728 = tpu.vector_load %arg5[%swap3A_727] {strides = array<i32>} : memref<32768xf32, #tpu.memory_space<vmem>>, vector<16xf32>,
        %swap3A_729 = vector.shape_cast %swap3A_728 : vector<16xf32> to vector<16xf32>
        %swap3A_730 = vector.shape_cast %get3A_722 : vector<16xf32> to vector<16xf32>
        tpu.vector_store %arg5[%swap3A_727], %swap3A_730 {strides = array<i32>} : memref<32768xf32, #tpu.memory_space<vmem>>, vector<16xf32>,
        %add3A_731 = arith.constant 720 : i32
        %add3A_732 = arith.addi %sub3A_147, %add3A_731 : i32
        %get3A_733 = arith.index_cast %add3A_732 : i32 to index
        %get3A_734 = tpu.vector_load %arg4[%get3A_733] {strides = array<i32>} : memref<32768xf32, #tpu.memory_space<vmem>>, vector<16xf32>,
        %get3A_735 = vector.shape_cast %get3A_734 : vector<16xf32> to vector<16xf32>
        %mul3A_736 = arith.constant 1024 : i32
        %mul3A_737 = arith.muli %scan3A_114, %mul3A_736 : i32
        %add3A_738 = arith.constant 720 : i32
        %add3A_739 = arith.addi %mul3A_737, %add3A_738 : i32
        %swap3A_740 = arith.index_cast %add3A_739 : i32 to index
        %swap3A_741 = tpu.vector_load %arg5[%swap3A_740] {strides = array<i32>} : memref<32768xf32, #tpu.memory_space<vmem>>, vector<16xf32>,
        %swap3A_742 = vector.shape_cast %swap3A_741 : vector<16xf32> to vector<16xf32>
        %swap3A_743 = vector.shape_cast %get3A_735 : vector<16xf32> to vector<16xf32>
        tpu.vector_store %arg5[%swap3A_740], %swap3A_743 {strides = array<i32>} : memref<32768xf32, #tpu.memory_space<vmem>>, vector<16xf32>,
        %add3A_744 = arith.constant 736 : i32
        %add3A_745 = arith.addi %sub3A_147, %add3A_744 : i32
        %get3A_746 = arith.index_cast %add3A_745 : i32 to index
        %get3A_747 = tpu.vector_load %arg4[%get3A_746] {strides = array<i32>} : memref<32768xf32, #tpu.memory_space<vmem>>, vector<16xf32>,
        %get3A_748 = vector.shape_cast %get3A_747 : vector<16xf32> to vector<16xf32>
        %mul3A_749 = arith.constant 1024 : i32
        %mul3A_750 = arith.muli %scan3A_114, %mul3A_749 : i32
        %add3A_751 = arith.constant 736 : i32
        %add3A_752 = arith.addi %mul3A_750, %add3A_751 : i32
        %swap3A_753 = arith.index_cast %add3A_752 : i32 to index
        %swap3A_754 = tpu.vector_load %arg5[%swap3A_753] {strides = array<i32>} : memref<32768xf32, #tpu.memory_space<vmem>>, vector<16xf32>,
        %swap3A_755 = vector.shape_cast %swap3A_754 : vector<16xf32> to vector<16xf32>
        %swap3A_756 = vector.shape_cast %get3A_748 : vector<16xf32> to vector<16xf32>
        tpu.vector_store %arg5[%swap3A_753], %swap3A_756 {strides = array<i32>} : memref<32768xf32, #tpu.memory_space<vmem>>, vector<16xf32>,
        %add3A_757 = arith.constant 752 : i32
        %add3A_758 = arith.addi %sub3A_147, %add3A_757 : i32
        %get3A_759 = arith.index_cast %add3A_758 : i32 to index
        %get3A_760 = tpu.vector_load %arg4[%get3A_759] {strides = array<i32>} : memref<32768xf32, #tpu.memory_space<vmem>>, vector<16xf32>,
        %get3A_761 = vector.shape_cast %get3A_760 : vector<16xf32> to vector<16xf32>
        %mul3A_762 = arith.constant 1024 : i32
        %mul3A_763 = arith.muli %scan3A_114, %mul3A_762 : i32
        %add3A_764 = arith.constant 752 : i32
        %add3A_765 = arith.addi %mul3A_763, %add3A_764 : i32
        %swap3A_766 = arith.index_cast %add3A_765 : i32 to index
        %swap3A_767 = tpu.vector_load %arg5[%swap3A_766] {strides = array<i32>} : memref<32768xf32, #tpu.memory_space<vmem>>, vector<16xf32>,
        %swap3A_768 = vector.shape_cast %swap3A_767 : vector<16xf32> to vector<16xf32>
        %swap3A_769 = vector.shape_cast %get3A_761 : vector<16xf32> to vector<16xf32>
        tpu.vector_store %arg5[%swap3A_766], %swap3A_769 {strides = array<i32>} : memref<32768xf32, #tpu.memory_space<vmem>>, vector<16xf32>,
        %add3A_770 = arith.constant 768 : i32
        %add3A_771 = arith.addi %sub3A_147, %add3A_770 : i32
        %get3A_772 = arith.index_cast %add3A_771 : i32 to index
        %get3A_773 = tpu.vector_load %arg4[%get3A_772] {strides = array<i32>} : memref<32768xf32, #tpu.memory_space<vmem>>, vector<16xf32>,
        %get3A_774 = vector.shape_cast %get3A_773 : vector<16xf32> to vector<16xf32>
        %mul3A_775 = arith.constant 1024 : i32
        %mul3A_776 = arith.muli %scan3A_114, %mul3A_775 : i32
        %add3A_777 = arith.constant 768 : i32
        %add3A_778 = arith.addi %mul3A_776, %add3A_777 : i32
        %swap3A_779 = arith.index_cast %add3A_778 : i32 to index
        %swap3A_780 = tpu.vector_load %arg5[%swap3A_779] {strides = array<i32>} : memref<32768xf32, #tpu.memory_space<vmem>>, vector<16xf32>,
        %swap3A_781 = vector.shape_cast %swap3A_780 : vector<16xf32> to vector<16xf32>
        %swap3A_782 = vector.shape_cast %get3A_774 : vector<16xf32> to vector<16xf32>
        tpu.vector_store %arg5[%swap3A_779], %swap3A_782 {strides = array<i32>} : memref<32768xf32, #tpu.memory_space<vmem>>, vector<16xf32>,
        %add3A_783 = arith.constant 784 : i32
        %add3A_784 = arith.addi %sub3A_147, %add3A_783 : i32
        %get3A_785 = arith.index_cast %add3A_784 : i32 to index
        %get3A_786 = tpu.vector_load %arg4[%get3A_785] {strides = array<i32>} : memref<32768xf32, #tpu.memory_space<vmem>>, vector<16xf32>,
        %get3A_787 = vector.shape_cast %get3A_786 : vector<16xf32> to vector<16xf32>
        %mul3A_788 = arith.constant 1024 : i32
        %mul3A_789 = arith.muli %scan3A_114, %mul3A_788 : i32
        %add3A_790 = arith.constant 784 : i32
        %add3A_791 = arith.addi %mul3A_789, %add3A_790 : i32
        %swap3A_792 = arith.index_cast %add3A_791 : i32 to index
        %swap3A_793 = tpu.vector_load %arg5[%swap3A_792] {strides = array<i32>} : memref<32768xf32, #tpu.memory_space<vmem>>, vector<16xf32>,
        %swap3A_794 = vector.shape_cast %swap3A_793 : vector<16xf32> to vector<16xf32>
        %swap3A_795 = vector.shape_cast %get3A_787 : vector<16xf32> to vector<16xf32>
        tpu.vector_store %arg5[%swap3A_792], %swap3A_795 {strides = array<i32>} : memref<32768xf32, #tpu.memory_space<vmem>>, vector<16xf32>,
        %add3A_796 = arith.constant 800 : i32
        %add3A_797 = arith.addi %sub3A_147, %add3A_796 : i32
        %get3A_798 = arith.index_cast %add3A_797 : i32 to index
        %get3A_799 = tpu.vector_load %arg4[%get3A_798] {strides = array<i32>} : memref<32768xf32, #tpu.memory_space<vmem>>, vector<16xf32>,
        %get3A_800 = vector.shape_cast %get3A_799 : vector<16xf32> to vector<16xf32>
        %mul3A_801 = arith.constant 1024 : i32
        %mul3A_802 = arith.muli %scan3A_114, %mul3A_801 : i32
        %add3A_803 = arith.constant 800 : i32
        %add3A_804 = arith.addi %mul3A_802, %add3A_803 : i32
        %swap3A_805 = arith.index_cast %add3A_804 : i32 to index
        %swap3A_806 = tpu.vector_load %arg5[%swap3A_805] {strides = array<i32>} : memref<32768xf32, #tpu.memory_space<vmem>>, vector<16xf32>,
        %swap3A_807 = vector.shape_cast %swap3A_806 : vector<16xf32> to vector<16xf32>
        %swap3A_808 = vector.shape_cast %get3A_800 : vector<16xf32> to vector<16xf32>
        tpu.vector_store %arg5[%swap3A_805], %swap3A_808 {strides = array<i32>} : memref<32768xf32, #tpu.memory_space<vmem>>, vector<16xf32>,
        %add3A_809 = arith.constant 816 : i32
        %add3A_810 = arith.addi %sub3A_147, %add3A_809 : i32
        %get3A_811 = arith.index_cast %add3A_810 : i32 to index
        %get3A_812 = tpu.vector_load %arg4[%get3A_811] {strides = array<i32>} : memref<32768xf32, #tpu.memory_space<vmem>>, vector<16xf32>,
        %get3A_813 = vector.shape_cast %get3A_812 : vector<16xf32> to vector<16xf32>
        %mul3A_814 = arith.constant 1024 : i32
        %mul3A_815 = arith.muli %scan3A_114, %mul3A_814 : i32
        %add3A_816 = arith.constant 816 : i32
        %add3A_817 = arith.addi %mul3A_815, %add3A_816 : i32
        %swap3A_818 = arith.index_cast %add3A_817 : i32 to index
        %swap3A_819 = tpu.vector_load %arg5[%swap3A_818] {strides = array<i32>} : memref<32768xf32, #tpu.memory_space<vmem>>, vector<16xf32>,
        %swap3A_820 = vector.shape_cast %swap3A_819 : vector<16xf32> to vector<16xf32>
        %swap3A_821 = vector.shape_cast %get3A_813 : vector<16xf32> to vector<16xf32>
        tpu.vector_store %arg5[%swap3A_818], %swap3A_821 {strides = array<i32>} : memref<32768xf32, #tpu.memory_space<vmem>>, vector<16xf32>,
        %add3A_822 = arith.constant 832 : i32
        %add3A_823 = arith.addi %sub3A_147, %add3A_822 : i32
        %get3A_824 = arith.index_cast %add3A_823 : i32 to index
        %get3A_825 = tpu.vector_load %arg4[%get3A_824] {strides = array<i32>} : memref<32768xf32, #tpu.memory_space<vmem>>, vector<16xf32>,
        %get3A_826 = vector.shape_cast %get3A_825 : vector<16xf32> to vector<16xf32>
        %mul3A_827 = arith.constant 1024 : i32
        %mul3A_828 = arith.muli %scan3A_114, %mul3A_827 : i32
        %add3A_829 = arith.constant 832 : i32
        %add3A_830 = arith.addi %mul3A_828, %add3A_829 : i32
        %swap3A_831 = arith.index_cast %add3A_830 : i32 to index
        %swap3A_832 = tpu.vector_load %arg5[%swap3A_831] {strides = array<i32>} : memref<32768xf32, #tpu.memory_space<vmem>>, vector<16xf32>,
        %swap3A_833 = vector.shape_cast %swap3A_832 : vector<16xf32> to vector<16xf32>
        %swap3A_834 = vector.shape_cast %get3A_826 : vector<16xf32> to vector<16xf32>
        tpu.vector_store %arg5[%swap3A_831], %swap3A_834 {strides = array<i32>} : memref<32768xf32, #tpu.memory_space<vmem>>, vector<16xf32>,
        %add3A_835 = arith.constant 848 : i32
        %add3A_836 = arith.addi %sub3A_147, %add3A_835 : i32
        %get3A_837 = arith.index_cast %add3A_836 : i32 to index
        %get3A_838 = tpu.vector_load %arg4[%get3A_837] {strides = array<i32>} : memref<32768xf32, #tpu.memory_space<vmem>>, vector<16xf32>,
        %get3A_839 = vector.shape_cast %get3A_838 : vector<16xf32> to vector<16xf32>
        %mul3A_840 = arith.constant 1024 : i32
        %mul3A_841 = arith.muli %scan3A_114, %mul3A_840 : i32
        %add3A_842 = arith.constant 848 : i32
        %add3A_843 = arith.addi %mul3A_841, %add3A_842 : i32
        %swap3A_844 = arith.index_cast %add3A_843 : i32 to index
        %swap3A_845 = tpu.vector_load %arg5[%swap3A_844] {strides = array<i32>} : memref<32768xf32, #tpu.memory_space<vmem>>, vector<16xf32>,
        %swap3A_846 = vector.shape_cast %swap3A_845 : vector<16xf32> to vector<16xf32>
        %swap3A_847 = vector.shape_cast %get3A_839 : vector<16xf32> to vector<16xf32>
        tpu.vector_store %arg5[%swap3A_844], %swap3A_847 {strides = array<i32>} : memref<32768xf32, #tpu.memory_space<vmem>>, vector<16xf32>,
        %add3A_848 = arith.constant 864 : i32
        %add3A_849 = arith.addi %sub3A_147, %add3A_848 : i32
        %get3A_850 = arith.index_cast %add3A_849 : i32 to index
        %get3A_851 = tpu.vector_load %arg4[%get3A_850] {strides = array<i32>} : memref<32768xf32, #tpu.memory_space<vmem>>, vector<16xf32>,
        %get3A_852 = vector.shape_cast %get3A_851 : vector<16xf32> to vector<16xf32>
        %mul3A_853 = arith.constant 1024 : i32
        %mul3A_854 = arith.muli %scan3A_114, %mul3A_853 : i32
        %add3A_855 = arith.constant 864 : i32
        %add3A_856 = arith.addi %mul3A_854, %add3A_855 : i32
        %swap3A_857 = arith.index_cast %add3A_856 : i32 to index
        %swap3A_858 = tpu.vector_load %arg5[%swap3A_857] {strides = array<i32>} : memref<32768xf32, #tpu.memory_space<vmem>>, vector<16xf32>,
        %swap3A_859 = vector.shape_cast %swap3A_858 : vector<16xf32> to vector<16xf32>
        %swap3A_860 = vector.shape_cast %get3A_852 : vector<16xf32> to vector<16xf32>
        tpu.vector_store %arg5[%swap3A_857], %swap3A_860 {strides = array<i32>} : memref<32768xf32, #tpu.memory_space<vmem>>, vector<16xf32>,
        %add3A_861 = arith.constant 880 : i32
        %add3A_862 = arith.addi %sub3A_147, %add3A_861 : i32
        %get3A_863 = arith.index_cast %add3A_862 : i32 to index
        %get3A_864 = tpu.vector_load %arg4[%get3A_863] {strides = array<i32>} : memref<32768xf32, #tpu.memory_space<vmem>>, vector<16xf32>,
        %get3A_865 = vector.shape_cast %get3A_864 : vector<16xf32> to vector<16xf32>
        %mul3A_866 = arith.constant 1024 : i32
        %mul3A_867 = arith.muli %scan3A_114, %mul3A_866 : i32
        %add3A_868 = arith.constant 880 : i32
        %add3A_869 = arith.addi %mul3A_867, %add3A_868 : i32
        %swap3A_870 = arith.index_cast %add3A_869 : i32 to index
        %swap3A_871 = tpu.vector_load %arg5[%swap3A_870] {strides = array<i32>} : memref<32768xf32, #tpu.memory_space<vmem>>, vector<16xf32>,
        %swap3A_872 = vector.shape_cast %swap3A_871 : vector<16xf32> to vector<16xf32>
        %swap3A_873 = vector.shape_cast %get3A_865 : vector<16xf32> to vector<16xf32>
        tpu.vector_store %arg5[%swap3A_870], %swap3A_873 {strides = array<i32>} : memref<32768xf32, #tpu.memory_space<vmem>>, vector<16xf32>,
        %add3A_874 = arith.constant 896 : i32
        %add3A_875 = arith.addi %sub3A_147, %add3A_874 : i32
        %get3A_876 = arith.index_cast %add3A_875 : i32 to index
        %get3A_877 = tpu.vector_load %arg4[%get3A_876] {strides = array<i32>} : memref<32768xf32, #tpu.memory_space<vmem>>, vector<16xf32>,
        %get3A_878 = vector.shape_cast %get3A_877 : vector<16xf32> to vector<16xf32>
        %mul3A_879 = arith.constant 1024 : i32
        %mul3A_880 = arith.muli %scan3A_114, %mul3A_879 : i32
        %add3A_881 = arith.constant 896 : i32
        %add3A_882 = arith.addi %mul3A_880, %add3A_881 : i32
        %swap3A_883 = arith.index_cast %add3A_882 : i32 to index
        %swap3A_884 = tpu.vector_load %arg5[%swap3A_883] {strides = array<i32>} : memref<32768xf32, #tpu.memory_space<vmem>>, vector<16xf32>,
        %swap3A_885 = vector.shape_cast %swap3A_884 : vector<16xf32> to vector<16xf32>
        %swap3A_886 = vector.shape_cast %get3A_878 : vector<16xf32> to vector<16xf32>
        tpu.vector_store %arg5[%swap3A_883], %swap3A_886 {strides = array<i32>} : memref<32768xf32, #tpu.memory_space<vmem>>, vector<16xf32>,
        %add3A_887 = arith.constant 912 : i32
        %add3A_888 = arith.addi %sub3A_147, %add3A_887 : i32
        %get3A_889 = arith.index_cast %add3A_888 : i32 to index
        %get3A_890 = tpu.vector_load %arg4[%get3A_889] {strides = array<i32>} : memref<32768xf32, #tpu.memory_space<vmem>>, vector<16xf32>,
        %get3A_891 = vector.shape_cast %get3A_890 : vector<16xf32> to vector<16xf32>
        %mul3A_892 = arith.constant 1024 : i32
        %mul3A_893 = arith.muli %scan3A_114, %mul3A_892 : i32
        %add3A_894 = arith.constant 912 : i32
        %add3A_895 = arith.addi %mul3A_893, %add3A_894 : i32
        %swap3A_896 = arith.index_cast %add3A_895 : i32 to index
        %swap3A_897 = tpu.vector_load %arg5[%swap3A_896] {strides = array<i32>} : memref<32768xf32, #tpu.memory_space<vmem>>, vector<16xf32>,
        %swap3A_898 = vector.shape_cast %swap3A_897 : vector<16xf32> to vector<16xf32>
        %swap3A_899 = vector.shape_cast %get3A_891 : vector<16xf32> to vector<16xf32>
        tpu.vector_store %arg5[%swap3A_896], %swap3A_899 {strides = array<i32>} : memref<32768xf32, #tpu.memory_space<vmem>>, vector<16xf32>,
        %add3A_900 = arith.constant 928 : i32
        %add3A_901 = arith.addi %sub3A_147, %add3A_900 : i32
        %get3A_902 = arith.index_cast %add3A_901 : i32 to index
        %get3A_903 = tpu.vector_load %arg4[%get3A_902] {strides = array<i32>} : memref<32768xf32, #tpu.memory_space<vmem>>, vector<16xf32>,
        %get3A_904 = vector.shape_cast %get3A_903 : vector<16xf32> to vector<16xf32>
        %mul3A_905 = arith.constant 1024 : i32
        %mul3A_906 = arith.muli %scan3A_114, %mul3A_905 : i32
        %add3A_907 = arith.constant 928 : i32
        %add3A_908 = arith.addi %mul3A_906, %add3A_907 : i32
        %swap3A_909 = arith.index_cast %add3A_908 : i32 to index
        %swap3A_910 = tpu.vector_load %arg5[%swap3A_909] {strides = array<i32>} : memref<32768xf32, #tpu.memory_space<vmem>>, vector<16xf32>,
        %swap3A_911 = vector.shape_cast %swap3A_910 : vector<16xf32> to vector<16xf32>
        %swap3A_912 = vector.shape_cast %get3A_904 : vector<16xf32> to vector<16xf32>
        tpu.vector_store %arg5[%swap3A_909], %swap3A_912 {strides = array<i32>} : memref<32768xf32, #tpu.memory_space<vmem>>, vector<16xf32>,
        %add3A_913 = arith.constant 944 : i32
        %add3A_914 = arith.addi %sub3A_147, %add3A_913 : i32
        %get3A_915 = arith.index_cast %add3A_914 : i32 to index
        %get3A_916 = tpu.vector_load %arg4[%get3A_915] {strides = array<i32>} : memref<32768xf32, #tpu.memory_space<vmem>>, vector<16xf32>,
        %get3A_917 = vector.shape_cast %get3A_916 : vector<16xf32> to vector<16xf32>
        %mul3A_918 = arith.constant 1024 : i32
        %mul3A_919 = arith.muli %scan3A_114, %mul3A_918 : i32
        %add3A_920 = arith.constant 944 : i32
        %add3A_921 = arith.addi %mul3A_919, %add3A_920 : i32
        %swap3A_922 = arith.index_cast %add3A_921 : i32 to index
        %swap3A_923 = tpu.vector_load %arg5[%swap3A_922] {strides = array<i32>} : memref<32768xf32, #tpu.memory_space<vmem>>, vector<16xf32>,
        %swap3A_924 = vector.shape_cast %swap3A_923 : vector<16xf32> to vector<16xf32>
        %swap3A_925 = vector.shape_cast %get3A_917 : vector<16xf32> to vector<16xf32>
        tpu.vector_store %arg5[%swap3A_922], %swap3A_925 {strides = array<i32>} : memref<32768xf32, #tpu.memory_space<vmem>>, vector<16xf32>,
        %add3A_926 = arith.constant 960 : i32
        %add3A_927 = arith.addi %sub3A_147, %add3A_926 : i32
        %get3A_928 = arith.index_cast %add3A_927 : i32 to index
        %get3A_929 = tpu.vector_load %arg4[%get3A_928] {strides = array<i32>} : memref<32768xf32, #tpu.memory_space<vmem>>, vector<16xf32>,
        %get3A_930 = vector.shape_cast %get3A_929 : vector<16xf32> to vector<16xf32>
        %mul3A_931 = arith.constant 1024 : i32
        %mul3A_932 = arith.muli %scan3A_114, %mul3A_931 : i32
        %add3A_933 = arith.constant 960 : i32
        %add3A_934 = arith.addi %mul3A_932, %add3A_933 : i32
        %swap3A_935 = arith.index_cast %add3A_934 : i32 to index
        %swap3A_936 = tpu.vector_load %arg5[%swap3A_935] {strides = array<i32>} : memref<32768xf32, #tpu.memory_space<vmem>>, vector<16xf32>,
        %swap3A_937 = vector.shape_cast %swap3A_936 : vector<16xf32> to vector<16xf32>
        %swap3A_938 = vector.shape_cast %get3A_930 : vector<16xf32> to vector<16xf32>
        tpu.vector_store %arg5[%swap3A_935], %swap3A_938 {strides = array<i32>} : memref<32768xf32, #tpu.memory_space<vmem>>, vector<16xf32>,
        %add3A_939 = arith.constant 976 : i32
        %add3A_940 = arith.addi %sub3A_147, %add3A_939 : i32
        %get3A_941 = arith.index_cast %add3A_940 : i32 to index
        %get3A_942 = tpu.vector_load %arg4[%get3A_941] {strides = array<i32>} : memref<32768xf32, #tpu.memory_space<vmem>>, vector<16xf32>,
        %get3A_943 = vector.shape_cast %get3A_942 : vector<16xf32> to vector<16xf32>
        %mul3A_944 = arith.constant 1024 : i32
        %mul3A_945 = arith.muli %scan3A_114, %mul3A_944 : i32
        %add3A_946 = arith.constant 976 : i32
        %add3A_947 = arith.addi %mul3A_945, %add3A_946 : i32
        %swap3A_948 = arith.index_cast %add3A_947 : i32 to index
        %swap3A_949 = tpu.vector_load %arg5[%swap3A_948] {strides = array<i32>} : memref<32768xf32, #tpu.memory_space<vmem>>, vector<16xf32>,
        %swap3A_950 = vector.shape_cast %swap3A_949 : vector<16xf32> to vector<16xf32>
        %swap3A_951 = vector.shape_cast %get3A_943 : vector<16xf32> to vector<16xf32>
        tpu.vector_store %arg5[%swap3A_948], %swap3A_951 {strides = array<i32>} : memref<32768xf32, #tpu.memory_space<vmem>>, vector<16xf32>,
        %add3A_952 = arith.constant 992 : i32
        %add3A_953 = arith.addi %sub3A_147, %add3A_952 : i32
        %get3A_954 = arith.index_cast %add3A_953 : i32 to index
        %get3A_955 = tpu.vector_load %arg4[%get3A_954] {strides = array<i32>} : memref<32768xf32, #tpu.memory_space<vmem>>, vector<16xf32>,
        %get3A_956 = vector.shape_cast %get3A_955 : vector<16xf32> to vector<16xf32>
        %mul3A_957 = arith.constant 1024 : i32
        %mul3A_958 = arith.muli %scan3A_114, %mul3A_957 : i32
        %add3A_959 = arith.constant 992 : i32
        %add3A_960 = arith.addi %mul3A_958, %add3A_959 : i32
        %swap3A_961 = arith.index_cast %add3A_960 : i32 to index
        %swap3A_962 = tpu.vector_load %arg5[%swap3A_961] {strides = array<i32>} : memref<32768xf32, #tpu.memory_space<vmem>>, vector<16xf32>,
        %swap3A_963 = vector.shape_cast %swap3A_962 : vector<16xf32> to vector<16xf32>
        %swap3A_964 = vector.shape_cast %get3A_956 : vector<16xf32> to vector<16xf32>
        tpu.vector_store %arg5[%swap3A_961], %swap3A_964 {strides = array<i32>} : memref<32768xf32, #tpu.memory_space<vmem>>, vector<16xf32>,
        %add3A_965 = arith.constant 1008 : i32
        %add3A_966 = arith.addi %sub3A_147, %add3A_965 : i32
        %get3A_967 = arith.index_cast %add3A_966 : i32 to index
        %get3A_968 = tpu.vector_load %arg4[%get3A_967] {strides = array<i32>} : memref<32768xf32, #tpu.memory_space<vmem>>, vector<16xf32>,
        %get3A_969 = vector.shape_cast %get3A_968 : vector<16xf32> to vector<16xf32>
        %mul3A_970 = arith.constant 1024 : i32
        %mul3A_971 = arith.muli %scan3A_114, %mul3A_970 : i32
        %add3A_972 = arith.constant 1008 : i32
        %add3A_973 = arith.addi %mul3A_971, %add3A_972 : i32
        %swap3A_974 = arith.index_cast %add3A_973 : i32 to index
        %swap3A_975 = tpu.vector_load %arg5[%swap3A_974] {strides = array<i32>} : memref<32768xf32, #tpu.memory_space<vmem>>, vector<16xf32>,
        %swap3A_976 = vector.shape_cast %swap3A_975 : vector<16xf32> to vector<16xf32>
        %swap3A_977 = vector.shape_cast %get3A_969 : vector<16xf32> to vector<16xf32>
        tpu.vector_store %arg5[%swap3A_974], %swap3A_977 {strides = array<i32>} : memref<32768xf32, #tpu.memory_space<vmem>>, vector<16xf32>,
      }
      %scan3A_107 = arith.constant 32 : i32
      %mul3A_108 = arith.constant 1024 : i32
      %mul3A_109 = arith.muli %select_n3A, %mul3A_108 : i32
      %add3A_110 = arith.addi %mul3A_109, %mul3A_41 : i32
      %mul3A_111 = arith.constant 1024 : i32
      %mul3A_112 = arith.muli %add3A_110, %mul3A_111 : i32
      %multiple_of3A_113 = tpu.assume_multiple %mul3A_112, 8 : i32
      "tpu.region"() ({
        %run_scoped3A = tpu.sem_alloc : memref<!tpu.dma_semaphore, #tpu.memory_space<semaphore_mem>>
        %dma_start3A = tpu.memref_slice %arg3[%multiple_of3A_113] : memref<4194304xf32, #tpu.memory_space<hbm>> -> memref<32768xf32, #tpu.memory_space<hbm>>
        %dma_start3A_114 = tpu.memref_slice %arg3[%multiple_of3A_113] : memref<4194304xf32, #tpu.memory_space<hbm>> -> memref<32768xf32, #tpu.memory_space<hbm>>
        tpu.enqueue_dma source(%arg5 : memref<32768xf32, #tpu.memory_space<vmem>>) target(%dma_start3A_114 : memref<32768xf32, #tpu.memory_space<hbm>>) target_semaphore(%run_scoped3A : memref<!tpu.dma_semaphore, #tpu.memory_space<semaphore_mem>>)
        %dma_wait3A = tpu.memref_slice %arg3[%multiple_of3A_113] : memref<4194304xf32, #tpu.memory_space<hbm>> -> memref<32768xf32, #tpu.memory_space<hbm>>
        %dma_wait3A_115 = tpu.memref_slice %arg3[%multiple_of3A_113] : memref<4194304xf32, #tpu.memory_space<hbm>> -> memref<32768xf32, #tpu.memory_space<hbm>>
        tpu.wait_dma2 semaphore(%run_scoped3A : memref<!tpu.dma_semaphore, #tpu.memory_space<semaphore_mem>>) src(%arg5 : memref<32768xf32, #tpu.memory_space<vmem>>) dst(%dma_wait3A_115 : memref<32768xf32, #tpu.memory_space<hbm>>)
        tpu.yield
      }) : () -> ()
    }
    %scan3A_5 = arith.constant 4 : i32
    return
  }
}

module attributes {stable_mosaic.version = 14 : i64} {
  func.func @_edge_bias_body(%arg0: i32, %arg1: memref<1x8192xf32, #tpu.memory_space<vmem>>, %arg2: memref<1x8192xf32, #tpu.memory_space<vmem>>, %arg3: memref<1x8192xf32, #tpu.memory_space<vmem>>, %arg4: memref<1x8192xf32, #tpu.memory_space<vmem>>, %arg5: memref<3x8xf32, #tpu.memory_space<smem>>, %arg6: memref<8xf32, #tpu.memory_space<smem>>, %arg7: memref<8x4xf32, #tpu.memory_space<smem>>, %arg8: memref<4xf32, #tpu.memory_space<smem>>, %arg9: memref<4x8x1024xf32, #tpu.memory_space<vmem>>) attributes {dimension_semantics = [#tpu.dimension_semantics<arbitrary>], iteration_bounds = array<i64: 68>, scalar_prefetch = 0 : i64, scratch_operands = 0 : i64, tpu.core_type = #tpu.core_type<tc>, window_params = [{transform_indices = @transform_0, window_bounds = array<i64: 1, 8192>}, {transform_indices = @transform_1, window_bounds = array<i64: 1, 8192>}, {transform_indices = @transform_2, window_bounds = array<i64: 1, 8192>}, {transform_indices = @transform_3, window_bounds = array<i64: 1, 8192>}, {transform_indices = @transform_4, window_bounds = array<i64: 3, 8>}, {transform_indices = @transform_5, window_bounds = array<i64: 8>}, {transform_indices = @transform_6, window_bounds = array<i64: 8, 4>}, {transform_indices = @transform_7, window_bounds = array<i64: 4>}, {transform_indices = @transform_8, window_bounds = array<i64: 4, 8, 1024>}]} {
    %get3A = arith.constant 0 : index
    %get3A_0 = arith.constant 0 : index
    %get3A_1 = vector.load %arg1[%get3A, %get3A_0] : memref<1x8192xf32, #tpu.memory_space<vmem>>, vector<1x8192xf32>
    %get3A_2 = arith.constant 0 : index
    %get3A_3 = arith.constant 0 : index
    %get3A_4 = vector.load %arg2[%get3A_2, %get3A_3] : memref<1x8192xf32, #tpu.memory_space<vmem>>, vector<1x8192xf32>
    %get3A_5 = arith.constant 0 : index
    %get3A_6 = arith.constant 0 : index
    %get3A_7 = vector.load %arg3[%get3A_5, %get3A_6] : memref<1x8192xf32, #tpu.memory_space<vmem>>, vector<1x8192xf32>
    %get3A_8 = arith.constant 0 : index
    %get3A_9 = arith.constant 0 : index
    %get3A_10 = vector.load %arg4[%get3A_8, %get3A_9] : memref<1x8192xf32, #tpu.memory_space<vmem>>, vector<1x8192xf32>
    %gt3A = arith.constant 5.000000e-01 : f32
    %gt3A_11 = vector.broadcast %gt3A : f32 to vector<1x8192xf32>
    %gt3A_12 = arith.cmpf ogt, %get3A_10, %gt3A_11 : vector<1x8192xf32>
    %broadcast_in_dim3A = arith.constant 0.000000e+00 : f32
    %broadcast_in_dim3A_13 = vector.broadcast %broadcast_in_dim3A : f32 to vector<1x8192xf32>
    %broadcast_in_dim3A_14 = arith.constant 0.000000e+00 : f32
    %broadcast_in_dim3A_15 = vector.broadcast %broadcast_in_dim3A_14 : f32 to vector<1x8192xf32>
    %broadcast_in_dim3A_16 = arith.constant 0.000000e+00 : f32
    %broadcast_in_dim3A_17 = vector.broadcast %broadcast_in_dim3A_16 : f32 to vector<1x8192xf32>
    %broadcast_in_dim3A_18 = arith.constant 0.000000e+00 : f32
    %broadcast_in_dim3A_19 = vector.broadcast %broadcast_in_dim3A_18 : f32 to vector<1x8192xf32>
    %get3A_20 = arith.constant 0 : index
    %get3A_21 = arith.constant 0 : index
    %get3A_22 = memref.load %arg5[%get3A_20, %get3A_21] : memref<3x8xf32, #tpu.memory_space<smem>>
    %mul3A = vector.broadcast %get3A_22 : f32 to vector<1x8192xf32>
    %mul3A_23 = arith.mulf %get3A_1, %mul3A : vector<1x8192xf32>
    %get3A_24 = arith.constant 1 : index
    %get3A_25 = arith.constant 0 : index
    %get3A_26 = memref.load %arg5[%get3A_24, %get3A_25] : memref<3x8xf32, #tpu.memory_space<smem>>
    %mul3A_27 = vector.broadcast %get3A_26 : f32 to vector<1x8192xf32>
    %mul3A_28 = arith.mulf %get3A_4, %mul3A_27 : vector<1x8192xf32>
    %add3A = arith.addf %mul3A_23, %mul3A_28 : vector<1x8192xf32>
    %get3A_29 = arith.constant 2 : index
    %get3A_30 = arith.constant 0 : index
    %get3A_31 = memref.load %arg5[%get3A_29, %get3A_30] : memref<3x8xf32, #tpu.memory_space<smem>>
    %mul3A_32 = vector.broadcast %get3A_31 : f32 to vector<1x8192xf32>
    %mul3A_33 = arith.mulf %get3A_7, %mul3A_32 : vector<1x8192xf32>
    %add3A_34 = arith.addf %add3A, %mul3A_33 : vector<1x8192xf32>
    %get3A_35 = arith.constant 0 : index
    %get3A_36 = memref.load %arg6[%get3A_35] : memref<8xf32, #tpu.memory_space<smem>>
    %add3A_37 = vector.broadcast %get3A_36 : f32 to vector<1x8192xf32>
    %add3A_38 = arith.addf %add3A_34, %add3A_37 : vector<1x8192xf32>
    %gt3A_39 = arith.constant 0.000000e+00 : f32
    %gt3A_40 = vector.broadcast %gt3A_39 : f32 to vector<1x8192xf32>
    %gt3A_41 = arith.cmpf ogt, %add3A_38, %gt3A_40 : vector<1x8192xf32>
    %mul3A_42 = arith.constant 1.000000e-01 : f32
    %mul3A_43 = vector.broadcast %mul3A_42 : f32 to vector<1x8192xf32>
    %mul3A_44 = arith.mulf %mul3A_43, %add3A_38 : vector<1x8192xf32>
    %select_n3A = arith.select %gt3A_41, %add3A_38, %mul3A_44 : vector<1x8192xi1>, vector<1x8192xf32>
    %get3A_45 = arith.constant 0 : index
    %get3A_46 = arith.constant 0 : index
    %get3A_47 = memref.load %arg7[%get3A_45, %get3A_46] : memref<8x4xf32, #tpu.memory_space<smem>>
    %mul3A_48 = vector.broadcast %get3A_47 : f32 to vector<1x8192xf32>
    %mul3A_49 = arith.mulf %select_n3A, %mul3A_48 : vector<1x8192xf32>
    %add3A_50 = arith.addf %broadcast_in_dim3A_13, %mul3A_49 : vector<1x8192xf32>
    %get3A_51 = arith.constant 0 : index
    %get3A_52 = arith.constant 1 : index
    %get3A_53 = memref.load %arg7[%get3A_51, %get3A_52] : memref<8x4xf32, #tpu.memory_space<smem>>
    %mul3A_54 = vector.broadcast %get3A_53 : f32 to vector<1x8192xf32>
    %mul3A_55 = arith.mulf %select_n3A, %mul3A_54 : vector<1x8192xf32>
    %add3A_56 = arith.addf %broadcast_in_dim3A_15, %mul3A_55 : vector<1x8192xf32>
    %get3A_57 = arith.constant 0 : index
    %get3A_58 = arith.constant 2 : index
    %get3A_59 = memref.load %arg7[%get3A_57, %get3A_58] : memref<8x4xf32, #tpu.memory_space<smem>>
    %mul3A_60 = vector.broadcast %get3A_59 : f32 to vector<1x8192xf32>
    %mul3A_61 = arith.mulf %select_n3A, %mul3A_60 : vector<1x8192xf32>
    %add3A_62 = arith.addf %broadcast_in_dim3A_17, %mul3A_61 : vector<1x8192xf32>
    %get3A_63 = arith.constant 0 : index
    %get3A_64 = arith.constant 3 : index
    %get3A_65 = memref.load %arg7[%get3A_63, %get3A_64] : memref<8x4xf32, #tpu.memory_space<smem>>
    %mul3A_66 = vector.broadcast %get3A_65 : f32 to vector<1x8192xf32>
    %mul3A_67 = arith.mulf %select_n3A, %mul3A_66 : vector<1x8192xf32>
    %add3A_68 = arith.addf %broadcast_in_dim3A_19, %mul3A_67 : vector<1x8192xf32>
    %get3A_69 = arith.constant 0 : index
    %get3A_70 = arith.constant 1 : index
    %get3A_71 = memref.load %arg5[%get3A_69, %get3A_70] : memref<3x8xf32, #tpu.memory_space<smem>>
    %mul3A_72 = vector.broadcast %get3A_71 : f32 to vector<1x8192xf32>
    %mul3A_73 = arith.mulf %get3A_1, %mul3A_72 : vector<1x8192xf32>
    %get3A_74 = arith.constant 1 : index
    %get3A_75 = arith.constant 1 : index
    %get3A_76 = memref.load %arg5[%get3A_74, %get3A_75] : memref<3x8xf32, #tpu.memory_space<smem>>
    %mul3A_77 = vector.broadcast %get3A_76 : f32 to vector<1x8192xf32>
    %mul3A_78 = arith.mulf %get3A_4, %mul3A_77 : vector<1x8192xf32>
    %add3A_79 = arith.addf %mul3A_73, %mul3A_78 : vector<1x8192xf32>
    %get3A_80 = arith.constant 2 : index
    %get3A_81 = arith.constant 1 : index
    %get3A_82 = memref.load %arg5[%get3A_80, %get3A_81] : memref<3x8xf32, #tpu.memory_space<smem>>
    %mul3A_83 = vector.broadcast %get3A_82 : f32 to vector<1x8192xf32>
    %mul3A_84 = arith.mulf %get3A_7, %mul3A_83 : vector<1x8192xf32>
    %add3A_85 = arith.addf %add3A_79, %mul3A_84 : vector<1x8192xf32>
    %get3A_86 = arith.constant 1 : index
    %get3A_87 = memref.load %arg6[%get3A_86] : memref<8xf32, #tpu.memory_space<smem>>
    %add3A_88 = vector.broadcast %get3A_87 : f32 to vector<1x8192xf32>
    %add3A_89 = arith.addf %add3A_85, %add3A_88 : vector<1x8192xf32>
    %gt3A_90 = arith.constant 0.000000e+00 : f32
    %gt3A_91 = vector.broadcast %gt3A_90 : f32 to vector<1x8192xf32>
    %gt3A_92 = arith.cmpf ogt, %add3A_89, %gt3A_91 : vector<1x8192xf32>
    %mul3A_93 = arith.constant 1.000000e-01 : f32
    %mul3A_94 = vector.broadcast %mul3A_93 : f32 to vector<1x8192xf32>
    %mul3A_95 = arith.mulf %mul3A_94, %add3A_89 : vector<1x8192xf32>
    %select_n3A_96 = arith.select %gt3A_92, %add3A_89, %mul3A_95 : vector<1x8192xi1>, vector<1x8192xf32>
    %get3A_97 = arith.constant 1 : index
    %get3A_98 = arith.constant 0 : index
    %get3A_99 = memref.load %arg7[%get3A_97, %get3A_98] : memref<8x4xf32, #tpu.memory_space<smem>>
    %mul3A_100 = vector.broadcast %get3A_99 : f32 to vector<1x8192xf32>
    %mul3A_101 = arith.mulf %select_n3A_96, %mul3A_100 : vector<1x8192xf32>
    %add3A_102 = arith.addf %add3A_50, %mul3A_101 : vector<1x8192xf32>
    %get3A_103 = arith.constant 1 : index
    %get3A_104 = arith.constant 1 : index
    %get3A_105 = memref.load %arg7[%get3A_103, %get3A_104] : memref<8x4xf32, #tpu.memory_space<smem>>
    %mul3A_106 = vector.broadcast %get3A_105 : f32 to vector<1x8192xf32>
    %mul3A_107 = arith.mulf %select_n3A_96, %mul3A_106 : vector<1x8192xf32>
    %add3A_108 = arith.addf %add3A_56, %mul3A_107 : vector<1x8192xf32>
    %get3A_109 = arith.constant 1 : index
    %get3A_110 = arith.constant 2 : index
    %get3A_111 = memref.load %arg7[%get3A_109, %get3A_110] : memref<8x4xf32, #tpu.memory_space<smem>>
    %mul3A_112 = vector.broadcast %get3A_111 : f32 to vector<1x8192xf32>
    %mul3A_113 = arith.mulf %select_n3A_96, %mul3A_112 : vector<1x8192xf32>
    %add3A_114 = arith.addf %add3A_62, %mul3A_113 : vector<1x8192xf32>
    %get3A_115 = arith.constant 1 : index
    %get3A_116 = arith.constant 3 : index
    %get3A_117 = memref.load %arg7[%get3A_115, %get3A_116] : memref<8x4xf32, #tpu.memory_space<smem>>
    %mul3A_118 = vector.broadcast %get3A_117 : f32 to vector<1x8192xf32>
    %mul3A_119 = arith.mulf %select_n3A_96, %mul3A_118 : vector<1x8192xf32>
    %add3A_120 = arith.addf %add3A_68, %mul3A_119 : vector<1x8192xf32>
    %get3A_121 = arith.constant 0 : index
    %get3A_122 = arith.constant 2 : index
    %get3A_123 = memref.load %arg5[%get3A_121, %get3A_122] : memref<3x8xf32, #tpu.memory_space<smem>>
    %mul3A_124 = vector.broadcast %get3A_123 : f32 to vector<1x8192xf32>
    %mul3A_125 = arith.mulf %get3A_1, %mul3A_124 : vector<1x8192xf32>
    %get3A_126 = arith.constant 1 : index
    %get3A_127 = arith.constant 2 : index
    %get3A_128 = memref.load %arg5[%get3A_126, %get3A_127] : memref<3x8xf32, #tpu.memory_space<smem>>
    %mul3A_129 = vector.broadcast %get3A_128 : f32 to vector<1x8192xf32>
    %mul3A_130 = arith.mulf %get3A_4, %mul3A_129 : vector<1x8192xf32>
    %add3A_131 = arith.addf %mul3A_125, %mul3A_130 : vector<1x8192xf32>
    %get3A_132 = arith.constant 2 : index
    %get3A_133 = arith.constant 2 : index
    %get3A_134 = memref.load %arg5[%get3A_132, %get3A_133] : memref<3x8xf32, #tpu.memory_space<smem>>
    %mul3A_135 = vector.broadcast %get3A_134 : f32 to vector<1x8192xf32>
    %mul3A_136 = arith.mulf %get3A_7, %mul3A_135 : vector<1x8192xf32>
    %add3A_137 = arith.addf %add3A_131, %mul3A_136 : vector<1x8192xf32>
    %get3A_138 = arith.constant 2 : index
    %get3A_139 = memref.load %arg6[%get3A_138] : memref<8xf32, #tpu.memory_space<smem>>
    %add3A_140 = vector.broadcast %get3A_139 : f32 to vector<1x8192xf32>
    %add3A_141 = arith.addf %add3A_137, %add3A_140 : vector<1x8192xf32>
    %gt3A_142 = arith.constant 0.000000e+00 : f32
    %gt3A_143 = vector.broadcast %gt3A_142 : f32 to vector<1x8192xf32>
    %gt3A_144 = arith.cmpf ogt, %add3A_141, %gt3A_143 : vector<1x8192xf32>
    %mul3A_145 = arith.constant 1.000000e-01 : f32
    %mul3A_146 = vector.broadcast %mul3A_145 : f32 to vector<1x8192xf32>
    %mul3A_147 = arith.mulf %mul3A_146, %add3A_141 : vector<1x8192xf32>
    %select_n3A_148 = arith.select %gt3A_144, %add3A_141, %mul3A_147 : vector<1x8192xi1>, vector<1x8192xf32>
    %get3A_149 = arith.constant 2 : index
    %get3A_150 = arith.constant 0 : index
    %get3A_151 = memref.load %arg7[%get3A_149, %get3A_150] : memref<8x4xf32, #tpu.memory_space<smem>>
    %mul3A_152 = vector.broadcast %get3A_151 : f32 to vector<1x8192xf32>
    %mul3A_153 = arith.mulf %select_n3A_148, %mul3A_152 : vector<1x8192xf32>
    %add3A_154 = arith.addf %add3A_102, %mul3A_153 : vector<1x8192xf32>
    %get3A_155 = arith.constant 2 : index
    %get3A_156 = arith.constant 1 : index
    %get3A_157 = memref.load %arg7[%get3A_155, %get3A_156] : memref<8x4xf32, #tpu.memory_space<smem>>
    %mul3A_158 = vector.broadcast %get3A_157 : f32 to vector<1x8192xf32>
    %mul3A_159 = arith.mulf %select_n3A_148, %mul3A_158 : vector<1x8192xf32>
    %add3A_160 = arith.addf %add3A_108, %mul3A_159 : vector<1x8192xf32>
    %get3A_161 = arith.constant 2 : index
    %get3A_162 = arith.constant 2 : index
    %get3A_163 = memref.load %arg7[%get3A_161, %get3A_162] : memref<8x4xf32, #tpu.memory_space<smem>>
    %mul3A_164 = vector.broadcast %get3A_163 : f32 to vector<1x8192xf32>
    %mul3A_165 = arith.mulf %select_n3A_148, %mul3A_164 : vector<1x8192xf32>
    %add3A_166 = arith.addf %add3A_114, %mul3A_165 : vector<1x8192xf32>
    %get3A_167 = arith.constant 2 : index
    %get3A_168 = arith.constant 3 : index
    %get3A_169 = memref.load %arg7[%get3A_167, %get3A_168] : memref<8x4xf32, #tpu.memory_space<smem>>
    %mul3A_170 = vector.broadcast %get3A_169 : f32 to vector<1x8192xf32>
    %mul3A_171 = arith.mulf %select_n3A_148, %mul3A_170 : vector<1x8192xf32>
    %add3A_172 = arith.addf %add3A_120, %mul3A_171 : vector<1x8192xf32>
    %get3A_173 = arith.constant 0 : index
    %get3A_174 = arith.constant 3 : index
    %get3A_175 = memref.load %arg5[%get3A_173, %get3A_174] : memref<3x8xf32, #tpu.memory_space<smem>>
    %mul3A_176 = vector.broadcast %get3A_175 : f32 to vector<1x8192xf32>
    %mul3A_177 = arith.mulf %get3A_1, %mul3A_176 : vector<1x8192xf32>
    %get3A_178 = arith.constant 1 : index
    %get3A_179 = arith.constant 3 : index
    %get3A_180 = memref.load %arg5[%get3A_178, %get3A_179] : memref<3x8xf32, #tpu.memory_space<smem>>
    %mul3A_181 = vector.broadcast %get3A_180 : f32 to vector<1x8192xf32>
    %mul3A_182 = arith.mulf %get3A_4, %mul3A_181 : vector<1x8192xf32>
    %add3A_183 = arith.addf %mul3A_177, %mul3A_182 : vector<1x8192xf32>
    %get3A_184 = arith.constant 2 : index
    %get3A_185 = arith.constant 3 : index
    %get3A_186 = memref.load %arg5[%get3A_184, %get3A_185] : memref<3x8xf32, #tpu.memory_space<smem>>
    %mul3A_187 = vector.broadcast %get3A_186 : f32 to vector<1x8192xf32>
    %mul3A_188 = arith.mulf %get3A_7, %mul3A_187 : vector<1x8192xf32>
    %add3A_189 = arith.addf %add3A_183, %mul3A_188 : vector<1x8192xf32>
    %get3A_190 = arith.constant 3 : index
    %get3A_191 = memref.load %arg6[%get3A_190] : memref<8xf32, #tpu.memory_space<smem>>
    %add3A_192 = vector.broadcast %get3A_191 : f32 to vector<1x8192xf32>
    %add3A_193 = arith.addf %add3A_189, %add3A_192 : vector<1x8192xf32>
    %gt3A_194 = arith.constant 0.000000e+00 : f32
    %gt3A_195 = vector.broadcast %gt3A_194 : f32 to vector<1x8192xf32>
    %gt3A_196 = arith.cmpf ogt, %add3A_193, %gt3A_195 : vector<1x8192xf32>
    %mul3A_197 = arith.constant 1.000000e-01 : f32
    %mul3A_198 = vector.broadcast %mul3A_197 : f32 to vector<1x8192xf32>
    %mul3A_199 = arith.mulf %mul3A_198, %add3A_193 : vector<1x8192xf32>
    %select_n3A_200 = arith.select %gt3A_196, %add3A_193, %mul3A_199 : vector<1x8192xi1>, vector<1x8192xf32>
    %get3A_201 = arith.constant 3 : index
    %get3A_202 = arith.constant 0 : index
    %get3A_203 = memref.load %arg7[%get3A_201, %get3A_202] : memref<8x4xf32, #tpu.memory_space<smem>>
    %mul3A_204 = vector.broadcast %get3A_203 : f32 to vector<1x8192xf32>
    %mul3A_205 = arith.mulf %select_n3A_200, %mul3A_204 : vector<1x8192xf32>
    %add3A_206 = arith.addf %add3A_154, %mul3A_205 : vector<1x8192xf32>
    %get3A_207 = arith.constant 3 : index
    %get3A_208 = arith.constant 1 : index
    %get3A_209 = memref.load %arg7[%get3A_207, %get3A_208] : memref<8x4xf32, #tpu.memory_space<smem>>
    %mul3A_210 = vector.broadcast %get3A_209 : f32 to vector<1x8192xf32>
    %mul3A_211 = arith.mulf %select_n3A_200, %mul3A_210 : vector<1x8192xf32>
    %add3A_212 = arith.addf %add3A_160, %mul3A_211 : vector<1x8192xf32>
    %get3A_213 = arith.constant 3 : index
    %get3A_214 = arith.constant 2 : index
    %get3A_215 = memref.load %arg7[%get3A_213, %get3A_214] : memref<8x4xf32, #tpu.memory_space<smem>>
    %mul3A_216 = vector.broadcast %get3A_215 : f32 to vector<1x8192xf32>
    %mul3A_217 = arith.mulf %select_n3A_200, %mul3A_216 : vector<1x8192xf32>
    %add3A_218 = arith.addf %add3A_166, %mul3A_217 : vector<1x8192xf32>
    %get3A_219 = arith.constant 3 : index
    %get3A_220 = arith.constant 3 : index
    %get3A_221 = memref.load %arg7[%get3A_219, %get3A_220] : memref<8x4xf32, #tpu.memory_space<smem>>
    %mul3A_222 = vector.broadcast %get3A_221 : f32 to vector<1x8192xf32>
    %mul3A_223 = arith.mulf %select_n3A_200, %mul3A_222 : vector<1x8192xf32>
    %add3A_224 = arith.addf %add3A_172, %mul3A_223 : vector<1x8192xf32>
    %get3A_225 = arith.constant 0 : index
    %get3A_226 = arith.constant 4 : index
    %get3A_227 = memref.load %arg5[%get3A_225, %get3A_226] : memref<3x8xf32, #tpu.memory_space<smem>>
    %mul3A_228 = vector.broadcast %get3A_227 : f32 to vector<1x8192xf32>
    %mul3A_229 = arith.mulf %get3A_1, %mul3A_228 : vector<1x8192xf32>
    %get3A_230 = arith.constant 1 : index
    %get3A_231 = arith.constant 4 : index
    %get3A_232 = memref.load %arg5[%get3A_230, %get3A_231] : memref<3x8xf32, #tpu.memory_space<smem>>
    %mul3A_233 = vector.broadcast %get3A_232 : f32 to vector<1x8192xf32>
    %mul3A_234 = arith.mulf %get3A_4, %mul3A_233 : vector<1x8192xf32>
    %add3A_235 = arith.addf %mul3A_229, %mul3A_234 : vector<1x8192xf32>
    %get3A_236 = arith.constant 2 : index
    %get3A_237 = arith.constant 4 : index
    %get3A_238 = memref.load %arg5[%get3A_236, %get3A_237] : memref<3x8xf32, #tpu.memory_space<smem>>
    %mul3A_239 = vector.broadcast %get3A_238 : f32 to vector<1x8192xf32>
    %mul3A_240 = arith.mulf %get3A_7, %mul3A_239 : vector<1x8192xf32>
    %add3A_241 = arith.addf %add3A_235, %mul3A_240 : vector<1x8192xf32>
    %get3A_242 = arith.constant 4 : index
    %get3A_243 = memref.load %arg6[%get3A_242] : memref<8xf32, #tpu.memory_space<smem>>
    %add3A_244 = vector.broadcast %get3A_243 : f32 to vector<1x8192xf32>
    %add3A_245 = arith.addf %add3A_241, %add3A_244 : vector<1x8192xf32>
    %gt3A_246 = arith.constant 0.000000e+00 : f32
    %gt3A_247 = vector.broadcast %gt3A_246 : f32 to vector<1x8192xf32>
    %gt3A_248 = arith.cmpf ogt, %add3A_245, %gt3A_247 : vector<1x8192xf32>
    %mul3A_249 = arith.constant 1.000000e-01 : f32
    %mul3A_250 = vector.broadcast %mul3A_249 : f32 to vector<1x8192xf32>
    %mul3A_251 = arith.mulf %mul3A_250, %add3A_245 : vector<1x8192xf32>
    %select_n3A_252 = arith.select %gt3A_248, %add3A_245, %mul3A_251 : vector<1x8192xi1>, vector<1x8192xf32>
    %get3A_253 = arith.constant 4 : index
    %get3A_254 = arith.constant 0 : index
    %get3A_255 = memref.load %arg7[%get3A_253, %get3A_254] : memref<8x4xf32, #tpu.memory_space<smem>>
    %mul3A_256 = vector.broadcast %get3A_255 : f32 to vector<1x8192xf32>
    %mul3A_257 = arith.mulf %select_n3A_252, %mul3A_256 : vector<1x8192xf32>
    %add3A_258 = arith.addf %add3A_206, %mul3A_257 : vector<1x8192xf32>
    %get3A_259 = arith.constant 4 : index
    %get3A_260 = arith.constant 1 : index
    %get3A_261 = memref.load %arg7[%get3A_259, %get3A_260] : memref<8x4xf32, #tpu.memory_space<smem>>
    %mul3A_262 = vector.broadcast %get3A_261 : f32 to vector<1x8192xf32>
    %mul3A_263 = arith.mulf %select_n3A_252, %mul3A_262 : vector<1x8192xf32>
    %add3A_264 = arith.addf %add3A_212, %mul3A_263 : vector<1x8192xf32>
    %get3A_265 = arith.constant 4 : index
    %get3A_266 = arith.constant 2 : index
    %get3A_267 = memref.load %arg7[%get3A_265, %get3A_266] : memref<8x4xf32, #tpu.memory_space<smem>>
    %mul3A_268 = vector.broadcast %get3A_267 : f32 to vector<1x8192xf32>
    %mul3A_269 = arith.mulf %select_n3A_252, %mul3A_268 : vector<1x8192xf32>
    %add3A_270 = arith.addf %add3A_218, %mul3A_269 : vector<1x8192xf32>
    %get3A_271 = arith.constant 4 : index
    %get3A_272 = arith.constant 3 : index
    %get3A_273 = memref.load %arg7[%get3A_271, %get3A_272] : memref<8x4xf32, #tpu.memory_space<smem>>
    %mul3A_274 = vector.broadcast %get3A_273 : f32 to vector<1x8192xf32>
    %mul3A_275 = arith.mulf %select_n3A_252, %mul3A_274 : vector<1x8192xf32>
    %add3A_276 = arith.addf %add3A_224, %mul3A_275 : vector<1x8192xf32>
    %get3A_277 = arith.constant 0 : index
    %get3A_278 = arith.constant 5 : index
    %get3A_279 = memref.load %arg5[%get3A_277, %get3A_278] : memref<3x8xf32, #tpu.memory_space<smem>>
    %mul3A_280 = vector.broadcast %get3A_279 : f32 to vector<1x8192xf32>
    %mul3A_281 = arith.mulf %get3A_1, %mul3A_280 : vector<1x8192xf32>
    %get3A_282 = arith.constant 1 : index
    %get3A_283 = arith.constant 5 : index
    %get3A_284 = memref.load %arg5[%get3A_282, %get3A_283] : memref<3x8xf32, #tpu.memory_space<smem>>
    %mul3A_285 = vector.broadcast %get3A_284 : f32 to vector<1x8192xf32>
    %mul3A_286 = arith.mulf %get3A_4, %mul3A_285 : vector<1x8192xf32>
    %add3A_287 = arith.addf %mul3A_281, %mul3A_286 : vector<1x8192xf32>
    %get3A_288 = arith.constant 2 : index
    %get3A_289 = arith.constant 5 : index
    %get3A_290 = memref.load %arg5[%get3A_288, %get3A_289] : memref<3x8xf32, #tpu.memory_space<smem>>
    %mul3A_291 = vector.broadcast %get3A_290 : f32 to vector<1x8192xf32>
    %mul3A_292 = arith.mulf %get3A_7, %mul3A_291 : vector<1x8192xf32>
    %add3A_293 = arith.addf %add3A_287, %mul3A_292 : vector<1x8192xf32>
    %get3A_294 = arith.constant 5 : index
    %get3A_295 = memref.load %arg6[%get3A_294] : memref<8xf32, #tpu.memory_space<smem>>
    %add3A_296 = vector.broadcast %get3A_295 : f32 to vector<1x8192xf32>
    %add3A_297 = arith.addf %add3A_293, %add3A_296 : vector<1x8192xf32>
    %gt3A_298 = arith.constant 0.000000e+00 : f32
    %gt3A_299 = vector.broadcast %gt3A_298 : f32 to vector<1x8192xf32>
    %gt3A_300 = arith.cmpf ogt, %add3A_297, %gt3A_299 : vector<1x8192xf32>
    %mul3A_301 = arith.constant 1.000000e-01 : f32
    %mul3A_302 = vector.broadcast %mul3A_301 : f32 to vector<1x8192xf32>
    %mul3A_303 = arith.mulf %mul3A_302, %add3A_297 : vector<1x8192xf32>
    %select_n3A_304 = arith.select %gt3A_300, %add3A_297, %mul3A_303 : vector<1x8192xi1>, vector<1x8192xf32>
    %get3A_305 = arith.constant 5 : index
    %get3A_306 = arith.constant 0 : index
    %get3A_307 = memref.load %arg7[%get3A_305, %get3A_306] : memref<8x4xf32, #tpu.memory_space<smem>>
    %mul3A_308 = vector.broadcast %get3A_307 : f32 to vector<1x8192xf32>
    %mul3A_309 = arith.mulf %select_n3A_304, %mul3A_308 : vector<1x8192xf32>
    %add3A_310 = arith.addf %add3A_258, %mul3A_309 : vector<1x8192xf32>
    %get3A_311 = arith.constant 5 : index
    %get3A_312 = arith.constant 1 : index
    %get3A_313 = memref.load %arg7[%get3A_311, %get3A_312] : memref<8x4xf32, #tpu.memory_space<smem>>
    %mul3A_314 = vector.broadcast %get3A_313 : f32 to vector<1x8192xf32>
    %mul3A_315 = arith.mulf %select_n3A_304, %mul3A_314 : vector<1x8192xf32>
    %add3A_316 = arith.addf %add3A_264, %mul3A_315 : vector<1x8192xf32>
    %get3A_317 = arith.constant 5 : index
    %get3A_318 = arith.constant 2 : index
    %get3A_319 = memref.load %arg7[%get3A_317, %get3A_318] : memref<8x4xf32, #tpu.memory_space<smem>>
    %mul3A_320 = vector.broadcast %get3A_319 : f32 to vector<1x8192xf32>
    %mul3A_321 = arith.mulf %select_n3A_304, %mul3A_320 : vector<1x8192xf32>
    %add3A_322 = arith.addf %add3A_270, %mul3A_321 : vector<1x8192xf32>
    %get3A_323 = arith.constant 5 : index
    %get3A_324 = arith.constant 3 : index
    %get3A_325 = memref.load %arg7[%get3A_323, %get3A_324] : memref<8x4xf32, #tpu.memory_space<smem>>
    %mul3A_326 = vector.broadcast %get3A_325 : f32 to vector<1x8192xf32>
    %mul3A_327 = arith.mulf %select_n3A_304, %mul3A_326 : vector<1x8192xf32>
    %add3A_328 = arith.addf %add3A_276, %mul3A_327 : vector<1x8192xf32>
    %get3A_329 = arith.constant 0 : index
    %get3A_330 = arith.constant 6 : index
    %get3A_331 = memref.load %arg5[%get3A_329, %get3A_330] : memref<3x8xf32, #tpu.memory_space<smem>>
    %mul3A_332 = vector.broadcast %get3A_331 : f32 to vector<1x8192xf32>
    %mul3A_333 = arith.mulf %get3A_1, %mul3A_332 : vector<1x8192xf32>
    %get3A_334 = arith.constant 1 : index
    %get3A_335 = arith.constant 6 : index
    %get3A_336 = memref.load %arg5[%get3A_334, %get3A_335] : memref<3x8xf32, #tpu.memory_space<smem>>
    %mul3A_337 = vector.broadcast %get3A_336 : f32 to vector<1x8192xf32>
    %mul3A_338 = arith.mulf %get3A_4, %mul3A_337 : vector<1x8192xf32>
    %add3A_339 = arith.addf %mul3A_333, %mul3A_338 : vector<1x8192xf32>
    %get3A_340 = arith.constant 2 : index
    %get3A_341 = arith.constant 6 : index
    %get3A_342 = memref.load %arg5[%get3A_340, %get3A_341] : memref<3x8xf32, #tpu.memory_space<smem>>
    %mul3A_343 = vector.broadcast %get3A_342 : f32 to vector<1x8192xf32>
    %mul3A_344 = arith.mulf %get3A_7, %mul3A_343 : vector<1x8192xf32>
    %add3A_345 = arith.addf %add3A_339, %mul3A_344 : vector<1x8192xf32>
    %get3A_346 = arith.constant 6 : index
    %get3A_347 = memref.load %arg6[%get3A_346] : memref<8xf32, #tpu.memory_space<smem>>
    %add3A_348 = vector.broadcast %get3A_347 : f32 to vector<1x8192xf32>
    %add3A_349 = arith.addf %add3A_345, %add3A_348 : vector<1x8192xf32>
    %gt3A_350 = arith.constant 0.000000e+00 : f32
    %gt3A_351 = vector.broadcast %gt3A_350 : f32 to vector<1x8192xf32>
    %gt3A_352 = arith.cmpf ogt, %add3A_349, %gt3A_351 : vector<1x8192xf32>
    %mul3A_353 = arith.constant 1.000000e-01 : f32
    %mul3A_354 = vector.broadcast %mul3A_353 : f32 to vector<1x8192xf32>
    %mul3A_355 = arith.mulf %mul3A_354, %add3A_349 : vector<1x8192xf32>
    %select_n3A_356 = arith.select %gt3A_352, %add3A_349, %mul3A_355 : vector<1x8192xi1>, vector<1x8192xf32>
    %get3A_357 = arith.constant 6 : index
    %get3A_358 = arith.constant 0 : index
    %get3A_359 = memref.load %arg7[%get3A_357, %get3A_358] : memref<8x4xf32, #tpu.memory_space<smem>>
    %mul3A_360 = vector.broadcast %get3A_359 : f32 to vector<1x8192xf32>
    %mul3A_361 = arith.mulf %select_n3A_356, %mul3A_360 : vector<1x8192xf32>
    %add3A_362 = arith.addf %add3A_310, %mul3A_361 : vector<1x8192xf32>
    %get3A_363 = arith.constant 6 : index
    %get3A_364 = arith.constant 1 : index
    %get3A_365 = memref.load %arg7[%get3A_363, %get3A_364] : memref<8x4xf32, #tpu.memory_space<smem>>
    %mul3A_366 = vector.broadcast %get3A_365 : f32 to vector<1x8192xf32>
    %mul3A_367 = arith.mulf %select_n3A_356, %mul3A_366 : vector<1x8192xf32>
    %add3A_368 = arith.addf %add3A_316, %mul3A_367 : vector<1x8192xf32>
    %get3A_369 = arith.constant 6 : index
    %get3A_370 = arith.constant 2 : index
    %get3A_371 = memref.load %arg7[%get3A_369, %get3A_370] : memref<8x4xf32, #tpu.memory_space<smem>>
    %mul3A_372 = vector.broadcast %get3A_371 : f32 to vector<1x8192xf32>
    %mul3A_373 = arith.mulf %select_n3A_356, %mul3A_372 : vector<1x8192xf32>
    %add3A_374 = arith.addf %add3A_322, %mul3A_373 : vector<1x8192xf32>
    %get3A_375 = arith.constant 6 : index
    %get3A_376 = arith.constant 3 : index
    %get3A_377 = memref.load %arg7[%get3A_375, %get3A_376] : memref<8x4xf32, #tpu.memory_space<smem>>
    %mul3A_378 = vector.broadcast %get3A_377 : f32 to vector<1x8192xf32>
    %mul3A_379 = arith.mulf %select_n3A_356, %mul3A_378 : vector<1x8192xf32>
    %add3A_380 = arith.addf %add3A_328, %mul3A_379 : vector<1x8192xf32>
    %get3A_381 = arith.constant 0 : index
    %get3A_382 = arith.constant 7 : index
    %get3A_383 = memref.load %arg5[%get3A_381, %get3A_382] : memref<3x8xf32, #tpu.memory_space<smem>>
    %mul3A_384 = vector.broadcast %get3A_383 : f32 to vector<1x8192xf32>
    %mul3A_385 = arith.mulf %get3A_1, %mul3A_384 : vector<1x8192xf32>
    %get3A_386 = arith.constant 1 : index
    %get3A_387 = arith.constant 7 : index
    %get3A_388 = memref.load %arg5[%get3A_386, %get3A_387] : memref<3x8xf32, #tpu.memory_space<smem>>
    %mul3A_389 = vector.broadcast %get3A_388 : f32 to vector<1x8192xf32>
    %mul3A_390 = arith.mulf %get3A_4, %mul3A_389 : vector<1x8192xf32>
    %add3A_391 = arith.addf %mul3A_385, %mul3A_390 : vector<1x8192xf32>
    %get3A_392 = arith.constant 2 : index
    %get3A_393 = arith.constant 7 : index
    %get3A_394 = memref.load %arg5[%get3A_392, %get3A_393] : memref<3x8xf32, #tpu.memory_space<smem>>
    %mul3A_395 = vector.broadcast %get3A_394 : f32 to vector<1x8192xf32>
    %mul3A_396 = arith.mulf %get3A_7, %mul3A_395 : vector<1x8192xf32>
    %add3A_397 = arith.addf %add3A_391, %mul3A_396 : vector<1x8192xf32>
    %get3A_398 = arith.constant 7 : index
    %get3A_399 = memref.load %arg6[%get3A_398] : memref<8xf32, #tpu.memory_space<smem>>
    %add3A_400 = vector.broadcast %get3A_399 : f32 to vector<1x8192xf32>
    %add3A_401 = arith.addf %add3A_397, %add3A_400 : vector<1x8192xf32>
    %gt3A_402 = arith.constant 0.000000e+00 : f32
    %gt3A_403 = vector.broadcast %gt3A_402 : f32 to vector<1x8192xf32>
    %gt3A_404 = arith.cmpf ogt, %add3A_401, %gt3A_403 : vector<1x8192xf32>
    %mul3A_405 = arith.constant 1.000000e-01 : f32
    %mul3A_406 = vector.broadcast %mul3A_405 : f32 to vector<1x8192xf32>
    %mul3A_407 = arith.mulf %mul3A_406, %add3A_401 : vector<1x8192xf32>
    %select_n3A_408 = arith.select %gt3A_404, %add3A_401, %mul3A_407 : vector<1x8192xi1>, vector<1x8192xf32>
    %get3A_409 = arith.constant 7 : index
    %get3A_410 = arith.constant 0 : index
    %get3A_411 = memref.load %arg7[%get3A_409, %get3A_410] : memref<8x4xf32, #tpu.memory_space<smem>>
    %mul3A_412 = vector.broadcast %get3A_411 : f32 to vector<1x8192xf32>
    %mul3A_413 = arith.mulf %select_n3A_408, %mul3A_412 : vector<1x8192xf32>
    %add3A_414 = arith.addf %add3A_362, %mul3A_413 : vector<1x8192xf32>
    %get3A_415 = arith.constant 7 : index
    %get3A_416 = arith.constant 1 : index
    %get3A_417 = memref.load %arg7[%get3A_415, %get3A_416] : memref<8x4xf32, #tpu.memory_space<smem>>
    %mul3A_418 = vector.broadcast %get3A_417 : f32 to vector<1x8192xf32>
    %mul3A_419 = arith.mulf %select_n3A_408, %mul3A_418 : vector<1x8192xf32>
    %add3A_420 = arith.addf %add3A_368, %mul3A_419 : vector<1x8192xf32>
    %get3A_421 = arith.constant 7 : index
    %get3A_422 = arith.constant 2 : index
    %get3A_423 = memref.load %arg7[%get3A_421, %get3A_422] : memref<8x4xf32, #tpu.memory_space<smem>>
    %mul3A_424 = vector.broadcast %get3A_423 : f32 to vector<1x8192xf32>
    %mul3A_425 = arith.mulf %select_n3A_408, %mul3A_424 : vector<1x8192xf32>
    %add3A_426 = arith.addf %add3A_374, %mul3A_425 : vector<1x8192xf32>
    %get3A_427 = arith.constant 7 : index
    %get3A_428 = arith.constant 3 : index
    %get3A_429 = memref.load %arg7[%get3A_427, %get3A_428] : memref<8x4xf32, #tpu.memory_space<smem>>
    %mul3A_430 = vector.broadcast %get3A_429 : f32 to vector<1x8192xf32>
    %mul3A_431 = arith.mulf %select_n3A_408, %mul3A_430 : vector<1x8192xf32>
    %add3A_432 = arith.addf %add3A_380, %mul3A_431 : vector<1x8192xf32>
    %get3A_433 = arith.constant 0 : index
    %get3A_434 = memref.load %arg8[%get3A_433] : memref<4xf32, #tpu.memory_space<smem>>
    %add3A_435 = vector.broadcast %get3A_434 : f32 to vector<1x8192xf32>
    %add3A_436 = arith.addf %add3A_414, %add3A_435 : vector<1x8192xf32>
    %jit3A = arith.constant 0xFF800000 : f32
    %broadcast_in_dim3A_437 = vector.broadcast %jit3A : f32 to vector<1x8192xf32>
    %select_n3A_438 = arith.select %gt3A_12, %add3A_436, %broadcast_in_dim3A_437 : vector<1x8192xi1>, vector<1x8192xf32>
    %get3A_439 = arith.constant 1 : index
    %get3A_440 = memref.load %arg8[%get3A_439] : memref<4xf32, #tpu.memory_space<smem>>
    %add3A_441 = vector.broadcast %get3A_440 : f32 to vector<1x8192xf32>
    %add3A_442 = arith.addf %add3A_420, %add3A_441 : vector<1x8192xf32>
    %jit3A_443 = arith.constant 0xFF800000 : f32
    %broadcast_in_dim3A_444 = vector.broadcast %jit3A_443 : f32 to vector<1x8192xf32>
    %select_n3A_445 = arith.select %gt3A_12, %add3A_442, %broadcast_in_dim3A_444 : vector<1x8192xi1>, vector<1x8192xf32>
    %get3A_446 = arith.constant 2 : index
    %get3A_447 = memref.load %arg8[%get3A_446] : memref<4xf32, #tpu.memory_space<smem>>
    %add3A_448 = vector.broadcast %get3A_447 : f32 to vector<1x8192xf32>
    %add3A_449 = arith.addf %add3A_426, %add3A_448 : vector<1x8192xf32>
    %jit3A_450 = arith.constant 0xFF800000 : f32
    %broadcast_in_dim3A_451 = vector.broadcast %jit3A_450 : f32 to vector<1x8192xf32>
    %select_n3A_452 = arith.select %gt3A_12, %add3A_449, %broadcast_in_dim3A_451 : vector<1x8192xi1>, vector<1x8192xf32>
    %get3A_453 = arith.constant 3 : index
    %get3A_454 = memref.load %arg8[%get3A_453] : memref<4xf32, #tpu.memory_space<smem>>
    %add3A_455 = vector.broadcast %get3A_454 : f32 to vector<1x8192xf32>
    %add3A_456 = arith.addf %add3A_432, %add3A_455 : vector<1x8192xf32>
    %jit3A_457 = arith.constant 0xFF800000 : f32
    %broadcast_in_dim3A_458 = vector.broadcast %jit3A_457 : f32 to vector<1x8192xf32>
    %select_n3A_459 = arith.select %gt3A_12, %add3A_456, %broadcast_in_dim3A_458 : vector<1x8192xi1>, vector<1x8192xf32>
    %reshape3A = vector.shape_cast %select_n3A_438 : vector<1x8192xf32> to vector<1x8x1024xf32>
    %reshape3A_460 = vector.shape_cast %select_n3A_445 : vector<1x8192xf32> to vector<1x8x1024xf32>
    %reshape3A_461 = vector.shape_cast %select_n3A_452 : vector<1x8192xf32> to vector<1x8x1024xf32>
    %reshape3A_462 = vector.shape_cast %select_n3A_459 : vector<1x8192xf32> to vector<1x8x1024xf32>
    %concatenate3A = tpu.concatenate %reshape3A, %reshape3A_460, %reshape3A_461, %reshape3A_462 in 0 : vector<1x8x1024xf32>, vector<1x8x1024xf32>, vector<1x8x1024xf32>, vector<1x8x1024xf32> -> vector<4x8x1024xf32>
    %swap3A = arith.constant 0 : index
    %swap3A_463 = arith.constant 0 : index
    %swap3A_464 = arith.constant 0 : index
    %swap3A_465 = vector.load %arg9[%swap3A, %swap3A_463, %swap3A_464] : memref<4x8x1024xf32, #tpu.memory_space<vmem>>, vector<4x8x1024xf32>
    tpu.vector_store %arg9[%swap3A, %swap3A_463, %swap3A_464], %concatenate3A {strides = array<i32>} : memref<4x8x1024xf32, #tpu.memory_space<vmem>>, vector<4x8x1024xf32>,
    return
  }
  func.func @transform_0(%arg0: i32) -> (i32, i32) {
    %c0_i32 = arith.constant 0 : i32
    %c0_i32_0 = arith.constant 0 : i32
    return %c0_i32, %arg0 : i32, i32
  }
  func.func @transform_1(%arg0: i32) -> (i32, i32) {
    %c0_i32 = arith.constant 0 : i32
    %c0_i32_0 = arith.constant 0 : i32
    return %c0_i32, %arg0 : i32, i32
  }
  func.func @transform_2(%arg0: i32) -> (i32, i32) {
    %c0_i32 = arith.constant 0 : i32
    %c0_i32_0 = arith.constant 0 : i32
    return %c0_i32, %arg0 : i32, i32
  }
  func.func @transform_3(%arg0: i32) -> (i32, i32) {
    %c0_i32 = arith.constant 0 : i32
    %c0_i32_0 = arith.constant 0 : i32
    return %c0_i32, %arg0 : i32, i32
  }
  func.func @transform_4(%arg0: i32) -> (i32, i32) {
    %c0_i32 = arith.constant 0 : i32
    %c0_i32_0 = arith.constant 0 : i32
    %c0_i32_1 = arith.constant 0 : i32
    return %c0_i32, %c0_i32_0 : i32, i32
  }
  func.func @transform_5(%arg0: i32) -> i32 {
    %c0_i32 = arith.constant 0 : i32
    %c0_i32_0 = arith.constant 0 : i32
    return %c0_i32 : i32
  }
  func.func @transform_6(%arg0: i32) -> (i32, i32) {
    %c0_i32 = arith.constant 0 : i32
    %c0_i32_0 = arith.constant 0 : i32
    %c0_i32_1 = arith.constant 0 : i32
    return %c0_i32, %c0_i32_0 : i32, i32
  }
  func.func @transform_7(%arg0: i32) -> i32 {
    %c0_i32 = arith.constant 0 : i32
    %c0_i32_0 = arith.constant 0 : i32
    return %c0_i32 : i32
  }
  func.func @transform_8(%arg0: i32) -> (i32, i32, i32) {
    %c0_i32 = arith.constant 0 : i32
    %c0_i32_0 = arith.constant 0 : i32
    %c0_i32_1 = arith.constant 0 : i32
    return %c0_i32, %arg0, %c0_i32_0 : i32, i32, i32
  }
}

module attributes {stable_mosaic.version = 14 : i64} {
  func.func @_attn_body(%arg0: memref<4x1024x1024xf32, #tpu.memory_space<vmem>>, %arg1: memref<1024x16xf32, #tpu.memory_space<vmem>>, %arg2: memref<16x32xf32, #tpu.memory_space<vmem>>, %arg3: memref<1x32xf32, #tpu.memory_space<vmem>>, %arg4: memref<1x32xf32, #tpu.memory_space<vmem>>, %arg5: memref<1x32xf32, #tpu.memory_space<vmem>>, %arg6: memref<4x32x8xf32, #tpu.memory_space<vmem>>, %arg7: memref<4x32x8xf32, #tpu.memory_space<vmem>>, %arg8: memref<4x32x8xf32, #tpu.memory_space<vmem>>, %arg9: memref<4x8x32xf32, #tpu.memory_space<vmem>>, %arg10: memref<1x32xf32, #tpu.memory_space<vmem>>, %arg11: memref<1x32xf32, #tpu.memory_space<vmem>>, %arg12: memref<32x128xf32, #tpu.memory_space<vmem>>, %arg13: memref<1x128xf32, #tpu.memory_space<vmem>>, %arg14: memref<128x32xf32, #tpu.memory_space<vmem>>, %arg15: memref<1x32xf32, #tpu.memory_space<vmem>>, %arg16: memref<4x32x16xf32, #tpu.memory_space<vmem>>, %arg17: memref<4x1x16xf32, #tpu.memory_space<vmem>>, %arg18: memref<1024x16xf32, #tpu.memory_space<vmem>>, %arg19: memref<4x1024x1024xf32, #tpu.memory_space<vmem>>) attributes {dimension_semantics = [], scalar_prefetch = 0 : i64, scratch_operands = 1 : i64, tpu.core_type = #tpu.core_type<tc>} {
    %iota3A = tpu.iota {dimensions = array<i32: 0>} : vector<256x256xi32>
    %iota3A_0 = tpu.iota {dimensions = array<i32: 1>} : vector<256x256xi32>
    %get3A = arith.constant 0 : index
    %get3A_1 = arith.constant 0 : index
    %get3A_2 = arith.constant 0 : index
    %get3A_3 = vector.load %arg0[%get3A, %get3A_1, %get3A_2] : memref<4x1024x1024xf32, #tpu.memory_space<vmem>>, vector<1x256x256xf32>
    %get3A_4 = vector.shape_cast %get3A_3 : vector<1x256x256xf32> to vector<256x256xf32>
    %get3A_5 = arith.constant 0 : index
    %get3A_6 = arith.constant 0 : index
    %get3A_7 = arith.constant 0 : index
    %get3A_8 = vector.load %arg0[%get3A_5, %get3A_6, %get3A_7] : memref<4x1024x1024xf32, #tpu.memory_space<vmem>>, vector<1x256x256xf32>
    %get3A_9 = vector.shape_cast %get3A_8 : vector<1x256x256xf32> to vector<256x256xf32>
    %transpose3A = tpu.transpose %get3A_9, [1, 0] : vector<256x256xf32> -> vector<256x256xf32>
    %add3A = arith.constant 0 : i32
    %add3A_10 = vector.broadcast %add3A : i32 to vector<256x256xi32>
    %add3A_11 = arith.addi %iota3A, %add3A_10 : vector<256x256xi32>
    %add3A_12 = arith.constant 0 : i32
    %add3A_13 = vector.broadcast %add3A_12 : i32 to vector<256x256xi32>
    %add3A_14 = arith.addi %iota3A_0, %add3A_13 : vector<256x256xi32>
    %gt3A = arith.cmpi sgt, %add3A_14, %add3A_11 : vector<256x256xi32>
    %jit3A = arith.constant 0.000000e+00 : f32
    %broadcast_in_dim3A = vector.broadcast %jit3A : f32 to vector<256x256xf32>
    %select_n3A = arith.select %gt3A, %get3A_4, %broadcast_in_dim3A : vector<256x256xi1>, vector<256x256xf32>
    %lt3A = arith.cmpi slt, %add3A_14, %add3A_11 : vector<256x256xi32>
    %jit3A_15 = arith.constant 0.000000e+00 : f32
    %broadcast_in_dim3A_16 = vector.broadcast %jit3A_15 : f32 to vector<256x256xf32>
    %select_n3A_17 = arith.select %lt3A, %transpose3A, %broadcast_in_dim3A_16 : vector<256x256xi1>, vector<256x256xf32>
    %add3A_18 = arith.addf %select_n3A, %select_n3A_17 : vector<256x256xf32>
    %eq3A = arith.cmpi eq, %add3A_14, %add3A_11 : vector<256x256xi32>
    %jit3A_19 = arith.constant 0xFF800000 : f32
    %broadcast_in_dim3A_20 = vector.broadcast %jit3A_19 : f32 to vector<256x256xf32>
    %select_n3A_21 = arith.select %eq3A, %broadcast_in_dim3A_20, %add3A_18 : vector<256x256xi1>, vector<256x256xf32>
    %swap3A = arith.constant 0 : index
    %swap3A_22 = arith.constant 0 : index
    %swap3A_23 = arith.constant 0 : index
    %swap3A_24 = vector.load %arg19[%swap3A, %swap3A_22, %swap3A_23] : memref<4x1024x1024xf32, #tpu.memory_space<vmem>>, vector<1x256x256xf32>
    %swap3A_25 = vector.shape_cast %swap3A_24 : vector<1x256x256xf32> to vector<256x256xf32>
    %swap3A_26 = vector.shape_cast %select_n3A_21 : vector<256x256xf32> to vector<1x256x256xf32>
    tpu.vector_store %arg19[%swap3A, %swap3A_22, %swap3A_23], %swap3A_26 {strides = array<i32>} : memref<4x1024x1024xf32, #tpu.memory_space<vmem>>, vector<1x256x256xf32>,
    %get3A_27 = arith.constant 0 : index
    %get3A_28 = arith.constant 0 : index
    %get3A_29 = arith.constant 256 : index
    %get3A_30 = vector.load %arg0[%get3A_27, %get3A_28, %get3A_29] : memref<4x1024x1024xf32, #tpu.memory_space<vmem>>, vector<1x256x256xf32>
    %get3A_31 = vector.shape_cast %get3A_30 : vector<1x256x256xf32> to vector<256x256xf32>
    %get3A_32 = arith.constant 0 : index
    %get3A_33 = arith.constant 256 : index
    %get3A_34 = arith.constant 0 : index
    %get3A_35 = vector.load %arg0[%get3A_32, %get3A_33, %get3A_34] : memref<4x1024x1024xf32, #tpu.memory_space<vmem>>, vector<1x256x256xf32>
    %get3A_36 = vector.shape_cast %get3A_35 : vector<1x256x256xf32> to vector<256x256xf32>
    %transpose3A_37 = tpu.transpose %get3A_36, [1, 0] : vector<256x256xf32> -> vector<256x256xf32>
    %add3A_38 = arith.constant 0 : i32
    %add3A_39 = vector.broadcast %add3A_38 : i32 to vector<256x256xi32>
    %add3A_40 = arith.addi %iota3A, %add3A_39 : vector<256x256xi32>
    %add3A_41 = arith.constant 256 : i32
    %add3A_42 = vector.broadcast %add3A_41 : i32 to vector<256x256xi32>
    %add3A_43 = arith.addi %iota3A_0, %add3A_42 : vector<256x256xi32>
    %gt3A_44 = arith.cmpi sgt, %add3A_43, %add3A_40 : vector<256x256xi32>
    %jit3A_45 = arith.constant 0.000000e+00 : f32
    %broadcast_in_dim3A_46 = vector.broadcast %jit3A_45 : f32 to vector<256x256xf32>
    %select_n3A_47 = arith.select %gt3A_44, %get3A_31, %broadcast_in_dim3A_46 : vector<256x256xi1>, vector<256x256xf32>
    %lt3A_48 = arith.cmpi slt, %add3A_43, %add3A_40 : vector<256x256xi32>
    %jit3A_49 = arith.constant 0.000000e+00 : f32
    %broadcast_in_dim3A_50 = vector.broadcast %jit3A_49 : f32 to vector<256x256xf32>
    %select_n3A_51 = arith.select %lt3A_48, %transpose3A_37, %broadcast_in_dim3A_50 : vector<256x256xi1>, vector<256x256xf32>
    %add3A_52 = arith.addf %select_n3A_47, %select_n3A_51 : vector<256x256xf32>
    %eq3A_53 = arith.cmpi eq, %add3A_43, %add3A_40 : vector<256x256xi32>
    %jit3A_54 = arith.constant 0xFF800000 : f32
    %broadcast_in_dim3A_55 = vector.broadcast %jit3A_54 : f32 to vector<256x256xf32>
    %select_n3A_56 = arith.select %eq3A_53, %broadcast_in_dim3A_55, %add3A_52 : vector<256x256xi1>, vector<256x256xf32>
    %swap3A_57 = arith.constant 0 : index
    %swap3A_58 = arith.constant 0 : index
    %swap3A_59 = arith.constant 256 : index
    %swap3A_60 = vector.load %arg19[%swap3A_57, %swap3A_58, %swap3A_59] : memref<4x1024x1024xf32, #tpu.memory_space<vmem>>, vector<1x256x256xf32>
    %swap3A_61 = vector.shape_cast %swap3A_60 : vector<1x256x256xf32> to vector<256x256xf32>
    %swap3A_62 = vector.shape_cast %select_n3A_56 : vector<256x256xf32> to vector<1x256x256xf32>
    tpu.vector_store %arg19[%swap3A_57, %swap3A_58, %swap3A_59], %swap3A_62 {strides = array<i32>} : memref<4x1024x1024xf32, #tpu.memory_space<vmem>>, vector<1x256x256xf32>,
    %get3A_63 = arith.constant 0 : index
    %get3A_64 = arith.constant 0 : index
    %get3A_65 = arith.constant 512 : index
    %get3A_66 = vector.load %arg0[%get3A_63, %get3A_64, %get3A_65] : memref<4x1024x1024xf32, #tpu.memory_space<vmem>>, vector<1x256x256xf32>
    %get3A_67 = vector.shape_cast %get3A_66 : vector<1x256x256xf32> to vector<256x256xf32>
    %get3A_68 = arith.constant 0 : index
    %get3A_69 = arith.constant 512 : index
    %get3A_70 = arith.constant 0 : index
    %get3A_71 = vector.load %arg0[%get3A_68, %get3A_69, %get3A_70] : memref<4x1024x1024xf32, #tpu.memory_space<vmem>>, vector<1x256x256xf32>
    %get3A_72 = vector.shape_cast %get3A_71 : vector<1x256x256xf32> to vector<256x256xf32>
    %transpose3A_73 = tpu.transpose %get3A_72, [1, 0] : vector<256x256xf32> -> vector<256x256xf32>
    %add3A_74 = arith.constant 0 : i32
    %add3A_75 = vector.broadcast %add3A_74 : i32 to vector<256x256xi32>
    %add3A_76 = arith.addi %iota3A, %add3A_75 : vector<256x256xi32>
    %add3A_77 = arith.constant 512 : i32
    %add3A_78 = vector.broadcast %add3A_77 : i32 to vector<256x256xi32>
    %add3A_79 = arith.addi %iota3A_0, %add3A_78 : vector<256x256xi32>
    %gt3A_80 = arith.cmpi sgt, %add3A_79, %add3A_76 : vector<256x256xi32>
    %jit3A_81 = arith.constant 0.000000e+00 : f32
    %broadcast_in_dim3A_82 = vector.broadcast %jit3A_81 : f32 to vector<256x256xf32>
    %select_n3A_83 = arith.select %gt3A_80, %get3A_67, %broadcast_in_dim3A_82 : vector<256x256xi1>, vector<256x256xf32>
    %lt3A_84 = arith.cmpi slt, %add3A_79, %add3A_76 : vector<256x256xi32>
    %jit3A_85 = arith.constant 0.000000e+00 : f32
    %broadcast_in_dim3A_86 = vector.broadcast %jit3A_85 : f32 to vector<256x256xf32>
    %select_n3A_87 = arith.select %lt3A_84, %transpose3A_73, %broadcast_in_dim3A_86 : vector<256x256xi1>, vector<256x256xf32>
    %add3A_88 = arith.addf %select_n3A_83, %select_n3A_87 : vector<256x256xf32>
    %eq3A_89 = arith.cmpi eq, %add3A_79, %add3A_76 : vector<256x256xi32>
    %jit3A_90 = arith.constant 0xFF800000 : f32
    %broadcast_in_dim3A_91 = vector.broadcast %jit3A_90 : f32 to vector<256x256xf32>
    %select_n3A_92 = arith.select %eq3A_89, %broadcast_in_dim3A_91, %add3A_88 : vector<256x256xi1>, vector<256x256xf32>
    %swap3A_93 = arith.constant 0 : index
    %swap3A_94 = arith.constant 0 : index
    %swap3A_95 = arith.constant 512 : index
    %swap3A_96 = vector.load %arg19[%swap3A_93, %swap3A_94, %swap3A_95] : memref<4x1024x1024xf32, #tpu.memory_space<vmem>>, vector<1x256x256xf32>
    %swap3A_97 = vector.shape_cast %swap3A_96 : vector<1x256x256xf32> to vector<256x256xf32>
    %swap3A_98 = vector.shape_cast %select_n3A_92 : vector<256x256xf32> to vector<1x256x256xf32>
    tpu.vector_store %arg19[%swap3A_93, %swap3A_94, %swap3A_95], %swap3A_98 {strides = array<i32>} : memref<4x1024x1024xf32, #tpu.memory_space<vmem>>, vector<1x256x256xf32>,
    %get3A_99 = arith.constant 0 : index
    %get3A_100 = arith.constant 0 : index
    %get3A_101 = arith.constant 768 : index
    %get3A_102 = vector.load %arg0[%get3A_99, %get3A_100, %get3A_101] : memref<4x1024x1024xf32, #tpu.memory_space<vmem>>, vector<1x256x256xf32>
    %get3A_103 = vector.shape_cast %get3A_102 : vector<1x256x256xf32> to vector<256x256xf32>
    %get3A_104 = arith.constant 0 : index
    %get3A_105 = arith.constant 768 : index
    %get3A_106 = arith.constant 0 : index
    %get3A_107 = vector.load %arg0[%get3A_104, %get3A_105, %get3A_106] : memref<4x1024x1024xf32, #tpu.memory_space<vmem>>, vector<1x256x256xf32>
    %get3A_108 = vector.shape_cast %get3A_107 : vector<1x256x256xf32> to vector<256x256xf32>
    %transpose3A_109 = tpu.transpose %get3A_108, [1, 0] : vector<256x256xf32> -> vector<256x256xf32>
    %add3A_110 = arith.constant 0 : i32
    %add3A_111 = vector.broadcast %add3A_110 : i32 to vector<256x256xi32>
    %add3A_112 = arith.addi %iota3A, %add3A_111 : vector<256x256xi32>
    %add3A_113 = arith.constant 768 : i32
    %add3A_114 = vector.broadcast %add3A_113 : i32 to vector<256x256xi32>
    %add3A_115 = arith.addi %iota3A_0, %add3A_114 : vector<256x256xi32>
    %gt3A_116 = arith.cmpi sgt, %add3A_115, %add3A_112 : vector<256x256xi32>
    %jit3A_117 = arith.constant 0.000000e+00 : f32
    %broadcast_in_dim3A_118 = vector.broadcast %jit3A_117 : f32 to vector<256x256xf32>
    %select_n3A_119 = arith.select %gt3A_116, %get3A_103, %broadcast_in_dim3A_118 : vector<256x256xi1>, vector<256x256xf32>
    %lt3A_120 = arith.cmpi slt, %add3A_115, %add3A_112 : vector<256x256xi32>
    %jit3A_121 = arith.constant 0.000000e+00 : f32
    %broadcast_in_dim3A_122 = vector.broadcast %jit3A_121 : f32 to vector<256x256xf32>
    %select_n3A_123 = arith.select %lt3A_120, %transpose3A_109, %broadcast_in_dim3A_122 : vector<256x256xi1>, vector<256x256xf32>
    %add3A_124 = arith.addf %select_n3A_119, %select_n3A_123 : vector<256x256xf32>
    %eq3A_125 = arith.cmpi eq, %add3A_115, %add3A_112 : vector<256x256xi32>
    %jit3A_126 = arith.constant 0xFF800000 : f32
    %broadcast_in_dim3A_127 = vector.broadcast %jit3A_126 : f32 to vector<256x256xf32>
    %select_n3A_128 = arith.select %eq3A_125, %broadcast_in_dim3A_127, %add3A_124 : vector<256x256xi1>, vector<256x256xf32>
    %swap3A_129 = arith.constant 0 : index
    %swap3A_130 = arith.constant 0 : index
    %swap3A_131 = arith.constant 768 : index
    %swap3A_132 = vector.load %arg19[%swap3A_129, %swap3A_130, %swap3A_131] : memref<4x1024x1024xf32, #tpu.memory_space<vmem>>, vector<1x256x256xf32>
    %swap3A_133 = vector.shape_cast %swap3A_132 : vector<1x256x256xf32> to vector<256x256xf32>
    %swap3A_134 = vector.shape_cast %select_n3A_128 : vector<256x256xf32> to vector<1x256x256xf32>
    tpu.vector_store %arg19[%swap3A_129, %swap3A_130, %swap3A_131], %swap3A_134 {strides = array<i32>} : memref<4x1024x1024xf32, #tpu.memory_space<vmem>>, vector<1x256x256xf32>,
    %get3A_135 = arith.constant 0 : index
    %get3A_136 = arith.constant 256 : index
    %get3A_137 = arith.constant 0 : index
    %get3A_138 = vector.load %arg0[%get3A_135, %get3A_136, %get3A_137] : memref<4x1024x1024xf32, #tpu.memory_space<vmem>>, vector<1x256x256xf32>
    %get3A_139 = vector.shape_cast %get3A_138 : vector<1x256x256xf32> to vector<256x256xf32>
    %get3A_140 = arith.constant 0 : index
    %get3A_141 = arith.constant 0 : index
    %get3A_142 = arith.constant 256 : index
    %get3A_143 = vector.load %arg0[%get3A_140, %get3A_141, %get3A_142] : memref<4x1024x1024xf32, #tpu.memory_space<vmem>>, vector<1x256x256xf32>
    %get3A_144 = vector.shape_cast %get3A_143 : vector<1x256x256xf32> to vector<256x256xf32>
    %transpose3A_145 = tpu.transpose %get3A_144, [1, 0] : vector<256x256xf32> -> vector<256x256xf32>
    %add3A_146 = arith.constant 256 : i32
    %add3A_147 = vector.broadcast %add3A_146 : i32 to vector<256x256xi32>
    %add3A_148 = arith.addi %iota3A, %add3A_147 : vector<256x256xi32>
    %add3A_149 = arith.constant 0 : i32
    %add3A_150 = vector.broadcast %add3A_149 : i32 to vector<256x256xi32>
    %add3A_151 = arith.addi %iota3A_0, %add3A_150 : vector<256x256xi32>
    %gt3A_152 = arith.cmpi sgt, %add3A_151, %add3A_148 : vector<256x256xi32>
    %jit3A_153 = arith.constant 0.000000e+00 : f32
    %broadcast_in_dim3A_154 = vector.broadcast %jit3A_153 : f32 to vector<256x256xf32>
    %select_n3A_155 = arith.select %gt3A_152, %get3A_139, %broadcast_in_dim3A_154 : vector<256x256xi1>, vector<256x256xf32>
    %lt3A_156 = arith.cmpi slt, %add3A_151, %add3A_148 : vector<256x256xi32>
    %jit3A_157 = arith.constant 0.000000e+00 : f32
    %broadcast_in_dim3A_158 = vector.broadcast %jit3A_157 : f32 to vector<256x256xf32>
    %select_n3A_159 = arith.select %lt3A_156, %transpose3A_145, %broadcast_in_dim3A_158 : vector<256x256xi1>, vector<256x256xf32>
    %add3A_160 = arith.addf %select_n3A_155, %select_n3A_159 : vector<256x256xf32>
    %eq3A_161 = arith.cmpi eq, %add3A_151, %add3A_148 : vector<256x256xi32>
    %jit3A_162 = arith.constant 0xFF800000 : f32
    %broadcast_in_dim3A_163 = vector.broadcast %jit3A_162 : f32 to vector<256x256xf32>
    %select_n3A_164 = arith.select %eq3A_161, %broadcast_in_dim3A_163, %add3A_160 : vector<256x256xi1>, vector<256x256xf32>
    %swap3A_165 = arith.constant 0 : index
    %swap3A_166 = arith.constant 256 : index
    %swap3A_167 = arith.constant 0 : index
    %swap3A_168 = vector.load %arg19[%swap3A_165, %swap3A_166, %swap3A_167] : memref<4x1024x1024xf32, #tpu.memory_space<vmem>>, vector<1x256x256xf32>
    %swap3A_169 = vector.shape_cast %swap3A_168 : vector<1x256x256xf32> to vector<256x256xf32>
    %swap3A_170 = vector.shape_cast %select_n3A_164 : vector<256x256xf32> to vector<1x256x256xf32>
    tpu.vector_store %arg19[%swap3A_165, %swap3A_166, %swap3A_167], %swap3A_170 {strides = array<i32>} : memref<4x1024x1024xf32, #tpu.memory_space<vmem>>, vector<1x256x256xf32>,
    %get3A_171 = arith.constant 0 : index
    %get3A_172 = arith.constant 256 : index
    %get3A_173 = arith.constant 256 : index
    %get3A_174 = vector.load %arg0[%get3A_171, %get3A_172, %get3A_173] : memref<4x1024x1024xf32, #tpu.memory_space<vmem>>, vector<1x256x256xf32>
    %get3A_175 = vector.shape_cast %get3A_174 : vector<1x256x256xf32> to vector<256x256xf32>
    %get3A_176 = arith.constant 0 : index
    %get3A_177 = arith.constant 256 : index
    %get3A_178 = arith.constant 256 : index
    %get3A_179 = vector.load %arg0[%get3A_176, %get3A_177, %get3A_178] : memref<4x1024x1024xf32, #tpu.memory_space<vmem>>, vector<1x256x256xf32>
    %get3A_180 = vector.shape_cast %get3A_179 : vector<1x256x256xf32> to vector<256x256xf32>
    %transpose3A_181 = tpu.transpose %get3A_180, [1, 0] : vector<256x256xf32> -> vector<256x256xf32>
    %add3A_182 = arith.constant 256 : i32
    %add3A_183 = vector.broadcast %add3A_182 : i32 to vector<256x256xi32>
    %add3A_184 = arith.addi %iota3A, %add3A_183 : vector<256x256xi32>
    %add3A_185 = arith.constant 256 : i32
    %add3A_186 = vector.broadcast %add3A_185 : i32 to vector<256x256xi32>
    %add3A_187 = arith.addi %iota3A_0, %add3A_186 : vector<256x256xi32>
    %gt3A_188 = arith.cmpi sgt, %add3A_187, %add3A_184 : vector<256x256xi32>
    %jit3A_189 = arith.constant 0.000000e+00 : f32
    %broadcast_in_dim3A_190 = vector.broadcast %jit3A_189 : f32 to vector<256x256xf32>
    %select_n3A_191 = arith.select %gt3A_188, %get3A_175, %broadcast_in_dim3A_190 : vector<256x256xi1>, vector<256x256xf32>
    %lt3A_192 = arith.cmpi slt, %add3A_187, %add3A_184 : vector<256x256xi32>
    %jit3A_193 = arith.constant 0.000000e+00 : f32
    %broadcast_in_dim3A_194 = vector.broadcast %jit3A_193 : f32 to vector<256x256xf32>
    %select_n3A_195 = arith.select %lt3A_192, %transpose3A_181, %broadcast_in_dim3A_194 : vector<256x256xi1>, vector<256x256xf32>
    %add3A_196 = arith.addf %select_n3A_191, %select_n3A_195 : vector<256x256xf32>
    %eq3A_197 = arith.cmpi eq, %add3A_187, %add3A_184 : vector<256x256xi32>
    %jit3A_198 = arith.constant 0xFF800000 : f32
    %broadcast_in_dim3A_199 = vector.broadcast %jit3A_198 : f32 to vector<256x256xf32>
    %select_n3A_200 = arith.select %eq3A_197, %broadcast_in_dim3A_199, %add3A_196 : vector<256x256xi1>, vector<256x256xf32>
    %swap3A_201 = arith.constant 0 : index
    %swap3A_202 = arith.constant 256 : index
    %swap3A_203 = arith.constant 256 : index
    %swap3A_204 = vector.load %arg19[%swap3A_201, %swap3A_202, %swap3A_203] : memref<4x1024x1024xf32, #tpu.memory_space<vmem>>, vector<1x256x256xf32>
    %swap3A_205 = vector.shape_cast %swap3A_204 : vector<1x256x256xf32> to vector<256x256xf32>
    %swap3A_206 = vector.shape_cast %select_n3A_200 : vector<256x256xf32> to vector<1x256x256xf32>
    tpu.vector_store %arg19[%swap3A_201, %swap3A_202, %swap3A_203], %swap3A_206 {strides = array<i32>} : memref<4x1024x1024xf32, #tpu.memory_space<vmem>>, vector<1x256x256xf32>,
    %get3A_207 = arith.constant 0 : index
    %get3A_208 = arith.constant 256 : index
    %get3A_209 = arith.constant 512 : index
    %get3A_210 = vector.load %arg0[%get3A_207, %get3A_208, %get3A_209] : memref<4x1024x1024xf32, #tpu.memory_space<vmem>>, vector<1x256x256xf32>
    %get3A_211 = vector.shape_cast %get3A_210 : vector<1x256x256xf32> to vector<256x256xf32>
    %get3A_212 = arith.constant 0 : index
    %get3A_213 = arith.constant 512 : index
    %get3A_214 = arith.constant 256 : index
    %get3A_215 = vector.load %arg0[%get3A_212, %get3A_213, %get3A_214] : memref<4x1024x1024xf32, #tpu.memory_space<vmem>>, vector<1x256x256xf32>
    %get3A_216 = vector.shape_cast %get3A_215 : vector<1x256x256xf32> to vector<256x256xf32>
    %transpose3A_217 = tpu.transpose %get3A_216, [1, 0] : vector<256x256xf32> -> vector<256x256xf32>
    %add3A_218 = arith.constant 256 : i32
    %add3A_219 = vector.broadcast %add3A_218 : i32 to vector<256x256xi32>
    %add3A_220 = arith.addi %iota3A, %add3A_219 : vector<256x256xi32>
    %add3A_221 = arith.constant 512 : i32
    %add3A_222 = vector.broadcast %add3A_221 : i32 to vector<256x256xi32>
    %add3A_223 = arith.addi %iota3A_0, %add3A_222 : vector<256x256xi32>
    %gt3A_224 = arith.cmpi sgt, %add3A_223, %add3A_220 : vector<256x256xi32>
    %jit3A_225 = arith.constant 0.000000e+00 : f32
    %broadcast_in_dim3A_226 = vector.broadcast %jit3A_225 : f32 to vector<256x256xf32>
    %select_n3A_227 = arith.select %gt3A_224, %get3A_211, %broadcast_in_dim3A_226 : vector<256x256xi1>, vector<256x256xf32>
    %lt3A_228 = arith.cmpi slt, %add3A_223, %add3A_220 : vector<256x256xi32>
    %jit3A_229 = arith.constant 0.000000e+00 : f32
    %broadcast_in_dim3A_230 = vector.broadcast %jit3A_229 : f32 to vector<256x256xf32>
    %select_n3A_231 = arith.select %lt3A_228, %transpose3A_217, %broadcast_in_dim3A_230 : vector<256x256xi1>, vector<256x256xf32>
    %add3A_232 = arith.addf %select_n3A_227, %select_n3A_231 : vector<256x256xf32>
    %eq3A_233 = arith.cmpi eq, %add3A_223, %add3A_220 : vector<256x256xi32>
    %jit3A_234 = arith.constant 0xFF800000 : f32
    %broadcast_in_dim3A_235 = vector.broadcast %jit3A_234 : f32 to vector<256x256xf32>
    %select_n3A_236 = arith.select %eq3A_233, %broadcast_in_dim3A_235, %add3A_232 : vector<256x256xi1>, vector<256x256xf32>
    %swap3A_237 = arith.constant 0 : index
    %swap3A_238 = arith.constant 256 : index
    %swap3A_239 = arith.constant 512 : index
    %swap3A_240 = vector.load %arg19[%swap3A_237, %swap3A_238, %swap3A_239] : memref<4x1024x1024xf32, #tpu.memory_space<vmem>>, vector<1x256x256xf32>
    %swap3A_241 = vector.shape_cast %swap3A_240 : vector<1x256x256xf32> to vector<256x256xf32>
    %swap3A_242 = vector.shape_cast %select_n3A_236 : vector<256x256xf32> to vector<1x256x256xf32>
    tpu.vector_store %arg19[%swap3A_237, %swap3A_238, %swap3A_239], %swap3A_242 {strides = array<i32>} : memref<4x1024x1024xf32, #tpu.memory_space<vmem>>, vector<1x256x256xf32>,
    %get3A_243 = arith.constant 0 : index
    %get3A_244 = arith.constant 256 : index
    %get3A_245 = arith.constant 768 : index
    %get3A_246 = vector.load %arg0[%get3A_243, %get3A_244, %get3A_245] : memref<4x1024x1024xf32, #tpu.memory_space<vmem>>, vector<1x256x256xf32>
    %get3A_247 = vector.shape_cast %get3A_246 : vector<1x256x256xf32> to vector<256x256xf32>
    %get3A_248 = arith.constant 0 : index
    %get3A_249 = arith.constant 768 : index
    %get3A_250 = arith.constant 256 : index
    %get3A_251 = vector.load %arg0[%get3A_248, %get3A_249, %get3A_250] : memref<4x1024x1024xf32, #tpu.memory_space<vmem>>, vector<1x256x256xf32>
    %get3A_252 = vector.shape_cast %get3A_251 : vector<1x256x256xf32> to vector<256x256xf32>
    %transpose3A_253 = tpu.transpose %get3A_252, [1, 0] : vector<256x256xf32> -> vector<256x256xf32>
    %add3A_254 = arith.constant 256 : i32
    %add3A_255 = vector.broadcast %add3A_254 : i32 to vector<256x256xi32>
    %add3A_256 = arith.addi %iota3A, %add3A_255 : vector<256x256xi32>
    %add3A_257 = arith.constant 768 : i32
    %add3A_258 = vector.broadcast %add3A_257 : i32 to vector<256x256xi32>
    %add3A_259 = arith.addi %iota3A_0, %add3A_258 : vector<256x256xi32>
    %gt3A_260 = arith.cmpi sgt, %add3A_259, %add3A_256 : vector<256x256xi32>
    %jit3A_261 = arith.constant 0.000000e+00 : f32
    %broadcast_in_dim3A_262 = vector.broadcast %jit3A_261 : f32 to vector<256x256xf32>
    %select_n3A_263 = arith.select %gt3A_260, %get3A_247, %broadcast_in_dim3A_262 : vector<256x256xi1>, vector<256x256xf32>
    %lt3A_264 = arith.cmpi slt, %add3A_259, %add3A_256 : vector<256x256xi32>
    %jit3A_265 = arith.constant 0.000000e+00 : f32
    %broadcast_in_dim3A_266 = vector.broadcast %jit3A_265 : f32 to vector<256x256xf32>
    %select_n3A_267 = arith.select %lt3A_264, %transpose3A_253, %broadcast_in_dim3A_266 : vector<256x256xi1>, vector<256x256xf32>
    %add3A_268 = arith.addf %select_n3A_263, %select_n3A_267 : vector<256x256xf32>
    %eq3A_269 = arith.cmpi eq, %add3A_259, %add3A_256 : vector<256x256xi32>
    %jit3A_270 = arith.constant 0xFF800000 : f32
    %broadcast_in_dim3A_271 = vector.broadcast %jit3A_270 : f32 to vector<256x256xf32>
    %select_n3A_272 = arith.select %eq3A_269, %broadcast_in_dim3A_271, %add3A_268 : vector<256x256xi1>, vector<256x256xf32>
    %swap3A_273 = arith.constant 0 : index
    %swap3A_274 = arith.constant 256 : index
    %swap3A_275 = arith.constant 768 : index
    %swap3A_276 = vector.load %arg19[%swap3A_273, %swap3A_274, %swap3A_275] : memref<4x1024x1024xf32, #tpu.memory_space<vmem>>, vector<1x256x256xf32>
    %swap3A_277 = vector.shape_cast %swap3A_276 : vector<1x256x256xf32> to vector<256x256xf32>
    %swap3A_278 = vector.shape_cast %select_n3A_272 : vector<256x256xf32> to vector<1x256x256xf32>
    tpu.vector_store %arg19[%swap3A_273, %swap3A_274, %swap3A_275], %swap3A_278 {strides = array<i32>} : memref<4x1024x1024xf32, #tpu.memory_space<vmem>>, vector<1x256x256xf32>,
    %get3A_279 = arith.constant 0 : index
    %get3A_280 = arith.constant 512 : index
    %get3A_281 = arith.constant 0 : index
    %get3A_282 = vector.load %arg0[%get3A_279, %get3A_280, %get3A_281] : memref<4x1024x1024xf32, #tpu.memory_space<vmem>>, vector<1x256x256xf32>
    %get3A_283 = vector.shape_cast %get3A_282 : vector<1x256x256xf32> to vector<256x256xf32>
    %get3A_284 = arith.constant 0 : index
    %get3A_285 = arith.constant 0 : index
    %get3A_286 = arith.constant 512 : index
    %get3A_287 = vector.load %arg0[%get3A_284, %get3A_285, %get3A_286] : memref<4x1024x1024xf32, #tpu.memory_space<vmem>>, vector<1x256x256xf32>
    %get3A_288 = vector.shape_cast %get3A_287 : vector<1x256x256xf32> to vector<256x256xf32>
    %transpose3A_289 = tpu.transpose %get3A_288, [1, 0] : vector<256x256xf32> -> vector<256x256xf32>
    %add3A_290 = arith.constant 512 : i32
    %add3A_291 = vector.broadcast %add3A_290 : i32 to vector<256x256xi32>
    %add3A_292 = arith.addi %iota3A, %add3A_291 : vector<256x256xi32>
    %add3A_293 = arith.constant 0 : i32
    %add3A_294 = vector.broadcast %add3A_293 : i32 to vector<256x256xi32>
    %add3A_295 = arith.addi %iota3A_0, %add3A_294 : vector<256x256xi32>
    %gt3A_296 = arith.cmpi sgt, %add3A_295, %add3A_292 : vector<256x256xi32>
    %jit3A_297 = arith.constant 0.000000e+00 : f32
    %broadcast_in_dim3A_298 = vector.broadcast %jit3A_297 : f32 to vector<256x256xf32>
    %select_n3A_299 = arith.select %gt3A_296, %get3A_283, %broadcast_in_dim3A_298 : vector<256x256xi1>, vector<256x256xf32>
    %lt3A_300 = arith.cmpi slt, %add3A_295, %add3A_292 : vector<256x256xi32>
    %jit3A_301 = arith.constant 0.000000e+00 : f32
    %broadcast_in_dim3A_302 = vector.broadcast %jit3A_301 : f32 to vector<256x256xf32>
    %select_n3A_303 = arith.select %lt3A_300, %transpose3A_289, %broadcast_in_dim3A_302 : vector<256x256xi1>, vector<256x256xf32>
    %add3A_304 = arith.addf %select_n3A_299, %select_n3A_303 : vector<256x256xf32>
    %eq3A_305 = arith.cmpi eq, %add3A_295, %add3A_292 : vector<256x256xi32>
    %jit3A_306 = arith.constant 0xFF800000 : f32
    %broadcast_in_dim3A_307 = vector.broadcast %jit3A_306 : f32 to vector<256x256xf32>
    %select_n3A_308 = arith.select %eq3A_305, %broadcast_in_dim3A_307, %add3A_304 : vector<256x256xi1>, vector<256x256xf32>
    %swap3A_309 = arith.constant 0 : index
    %swap3A_310 = arith.constant 512 : index
    %swap3A_311 = arith.constant 0 : index
    %swap3A_312 = vector.load %arg19[%swap3A_309, %swap3A_310, %swap3A_311] : memref<4x1024x1024xf32, #tpu.memory_space<vmem>>, vector<1x256x256xf32>
    %swap3A_313 = vector.shape_cast %swap3A_312 : vector<1x256x256xf32> to vector<256x256xf32>
    %swap3A_314 = vector.shape_cast %select_n3A_308 : vector<256x256xf32> to vector<1x256x256xf32>
    tpu.vector_store %arg19[%swap3A_309, %swap3A_310, %swap3A_311], %swap3A_314 {strides = array<i32>} : memref<4x1024x1024xf32, #tpu.memory_space<vmem>>, vector<1x256x256xf32>,
    %get3A_315 = arith.constant 0 : index
    %get3A_316 = arith.constant 512 : index
    %get3A_317 = arith.constant 256 : index
    %get3A_318 = vector.load %arg0[%get3A_315, %get3A_316, %get3A_317] : memref<4x1024x1024xf32, #tpu.memory_space<vmem>>, vector<1x256x256xf32>
    %get3A_319 = vector.shape_cast %get3A_318 : vector<1x256x256xf32> to vector<256x256xf32>
    %get3A_320 = arith.constant 0 : index
    %get3A_321 = arith.constant 256 : index
    %get3A_322 = arith.constant 512 : index
    %get3A_323 = vector.load %arg0[%get3A_320, %get3A_321, %get3A_322] : memref<4x1024x1024xf32, #tpu.memory_space<vmem>>, vector<1x256x256xf32>
    %get3A_324 = vector.shape_cast %get3A_323 : vector<1x256x256xf32> to vector<256x256xf32>
    %transpose3A_325 = tpu.transpose %get3A_324, [1, 0] : vector<256x256xf32> -> vector<256x256xf32>
    %add3A_326 = arith.constant 512 : i32
    %add3A_327 = vector.broadcast %add3A_326 : i32 to vector<256x256xi32>
    %add3A_328 = arith.addi %iota3A, %add3A_327 : vector<256x256xi32>
    %add3A_329 = arith.constant 256 : i32
    %add3A_330 = vector.broadcast %add3A_329 : i32 to vector<256x256xi32>
    %add3A_331 = arith.addi %iota3A_0, %add3A_330 : vector<256x256xi32>
    %gt3A_332 = arith.cmpi sgt, %add3A_331, %add3A_328 : vector<256x256xi32>
    %jit3A_333 = arith.constant 0.000000e+00 : f32
    %broadcast_in_dim3A_334 = vector.broadcast %jit3A_333 : f32 to vector<256x256xf32>
    %select_n3A_335 = arith.select %gt3A_332, %get3A_319, %broadcast_in_dim3A_334 : vector<256x256xi1>, vector<256x256xf32>
    %lt3A_336 = arith.cmpi slt, %add3A_331, %add3A_328 : vector<256x256xi32>
    %jit3A_337 = arith.constant 0.000000e+00 : f32
    %broadcast_in_dim3A_338 = vector.broadcast %jit3A_337 : f32 to vector<256x256xf32>
    %select_n3A_339 = arith.select %lt3A_336, %transpose3A_325, %broadcast_in_dim3A_338 : vector<256x256xi1>, vector<256x256xf32>
    %add3A_340 = arith.addf %select_n3A_335, %select_n3A_339 : vector<256x256xf32>
    %eq3A_341 = arith.cmpi eq, %add3A_331, %add3A_328 : vector<256x256xi32>
    %jit3A_342 = arith.constant 0xFF800000 : f32
    %broadcast_in_dim3A_343 = vector.broadcast %jit3A_342 : f32 to vector<256x256xf32>
    %select_n3A_344 = arith.select %eq3A_341, %broadcast_in_dim3A_343, %add3A_340 : vector<256x256xi1>, vector<256x256xf32>
    %swap3A_345 = arith.constant 0 : index
    %swap3A_346 = arith.constant 512 : index
    %swap3A_347 = arith.constant 256 : index
    %swap3A_348 = vector.load %arg19[%swap3A_345, %swap3A_346, %swap3A_347] : memref<4x1024x1024xf32, #tpu.memory_space<vmem>>, vector<1x256x256xf32>
    %swap3A_349 = vector.shape_cast %swap3A_348 : vector<1x256x256xf32> to vector<256x256xf32>
    %swap3A_350 = vector.shape_cast %select_n3A_344 : vector<256x256xf32> to vector<1x256x256xf32>
    tpu.vector_store %arg19[%swap3A_345, %swap3A_346, %swap3A_347], %swap3A_350 {strides = array<i32>} : memref<4x1024x1024xf32, #tpu.memory_space<vmem>>, vector<1x256x256xf32>,
    %get3A_351 = arith.constant 0 : index
    %get3A_352 = arith.constant 512 : index
    %get3A_353 = arith.constant 512 : index
    %get3A_354 = vector.load %arg0[%get3A_351, %get3A_352, %get3A_353] : memref<4x1024x1024xf32, #tpu.memory_space<vmem>>, vector<1x256x256xf32>
    %get3A_355 = vector.shape_cast %get3A_354 : vector<1x256x256xf32> to vector<256x256xf32>
    %get3A_356 = arith.constant 0 : index
    %get3A_357 = arith.constant 512 : index
    %get3A_358 = arith.constant 512 : index
    %get3A_359 = vector.load %arg0[%get3A_356, %get3A_357, %get3A_358] : memref<4x1024x1024xf32, #tpu.memory_space<vmem>>, vector<1x256x256xf32>
    %get3A_360 = vector.shape_cast %get3A_359 : vector<1x256x256xf32> to vector<256x256xf32>
    %transpose3A_361 = tpu.transpose %get3A_360, [1, 0] : vector<256x256xf32> -> vector<256x256xf32>
    %add3A_362 = arith.constant 512 : i32
    %add3A_363 = vector.broadcast %add3A_362 : i32 to vector<256x256xi32>
    %add3A_364 = arith.addi %iota3A, %add3A_363 : vector<256x256xi32>
    %add3A_365 = arith.constant 512 : i32
    %add3A_366 = vector.broadcast %add3A_365 : i32 to vector<256x256xi32>
    %add3A_367 = arith.addi %iota3A_0, %add3A_366 : vector<256x256xi32>
    %gt3A_368 = arith.cmpi sgt, %add3A_367, %add3A_364 : vector<256x256xi32>
    %jit3A_369 = arith.constant 0.000000e+00 : f32
    %broadcast_in_dim3A_370 = vector.broadcast %jit3A_369 : f32 to vector<256x256xf32>
    %select_n3A_371 = arith.select %gt3A_368, %get3A_355, %broadcast_in_dim3A_370 : vector<256x256xi1>, vector<256x256xf32>
    %lt3A_372 = arith.cmpi slt, %add3A_367, %add3A_364 : vector<256x256xi32>
    %jit3A_373 = arith.constant 0.000000e+00 : f32
    %broadcast_in_dim3A_374 = vector.broadcast %jit3A_373 : f32 to vector<256x256xf32>
    %select_n3A_375 = arith.select %lt3A_372, %transpose3A_361, %broadcast_in_dim3A_374 : vector<256x256xi1>, vector<256x256xf32>
    %add3A_376 = arith.addf %select_n3A_371, %select_n3A_375 : vector<256x256xf32>
    %eq3A_377 = arith.cmpi eq, %add3A_367, %add3A_364 : vector<256x256xi32>
    %jit3A_378 = arith.constant 0xFF800000 : f32
    %broadcast_in_dim3A_379 = vector.broadcast %jit3A_378 : f32 to vector<256x256xf32>
    %select_n3A_380 = arith.select %eq3A_377, %broadcast_in_dim3A_379, %add3A_376 : vector<256x256xi1>, vector<256x256xf32>
    %swap3A_381 = arith.constant 0 : index
    %swap3A_382 = arith.constant 512 : index
    %swap3A_383 = arith.constant 512 : index
    %swap3A_384 = vector.load %arg19[%swap3A_381, %swap3A_382, %swap3A_383] : memref<4x1024x1024xf32, #tpu.memory_space<vmem>>, vector<1x256x256xf32>
    %swap3A_385 = vector.shape_cast %swap3A_384 : vector<1x256x256xf32> to vector<256x256xf32>
    %swap3A_386 = vector.shape_cast %select_n3A_380 : vector<256x256xf32> to vector<1x256x256xf32>
    tpu.vector_store %arg19[%swap3A_381, %swap3A_382, %swap3A_383], %swap3A_386 {strides = array<i32>} : memref<4x1024x1024xf32, #tpu.memory_space<vmem>>, vector<1x256x256xf32>,
    %get3A_387 = arith.constant 0 : index
    %get3A_388 = arith.constant 512 : index
    %get3A_389 = arith.constant 768 : index
    %get3A_390 = vector.load %arg0[%get3A_387, %get3A_388, %get3A_389] : memref<4x1024x1024xf32, #tpu.memory_space<vmem>>, vector<1x256x256xf32>
    %get3A_391 = vector.shape_cast %get3A_390 : vector<1x256x256xf32> to vector<256x256xf32>
    %get3A_392 = arith.constant 0 : index
    %get3A_393 = arith.constant 768 : index
    %get3A_394 = arith.constant 512 : index
    %get3A_395 = vector.load %arg0[%get3A_392, %get3A_393, %get3A_394] : memref<4x1024x1024xf32, #tpu.memory_space<vmem>>, vector<1x256x256xf32>
    %get3A_396 = vector.shape_cast %get3A_395 : vector<1x256x256xf32> to vector<256x256xf32>
    %transpose3A_397 = tpu.transpose %get3A_396, [1, 0] : vector<256x256xf32> -> vector<256x256xf32>
    %add3A_398 = arith.constant 512 : i32
    %add3A_399 = vector.broadcast %add3A_398 : i32 to vector<256x256xi32>
    %add3A_400 = arith.addi %iota3A, %add3A_399 : vector<256x256xi32>
    %add3A_401 = arith.constant 768 : i32
    %add3A_402 = vector.broadcast %add3A_401 : i32 to vector<256x256xi32>
    %add3A_403 = arith.addi %iota3A_0, %add3A_402 : vector<256x256xi32>
    %gt3A_404 = arith.cmpi sgt, %add3A_403, %add3A_400 : vector<256x256xi32>
    %jit3A_405 = arith.constant 0.000000e+00 : f32
    %broadcast_in_dim3A_406 = vector.broadcast %jit3A_405 : f32 to vector<256x256xf32>
    %select_n3A_407 = arith.select %gt3A_404, %get3A_391, %broadcast_in_dim3A_406 : vector<256x256xi1>, vector<256x256xf32>
    %lt3A_408 = arith.cmpi slt, %add3A_403, %add3A_400 : vector<256x256xi32>
    %jit3A_409 = arith.constant 0.000000e+00 : f32
    %broadcast_in_dim3A_410 = vector.broadcast %jit3A_409 : f32 to vector<256x256xf32>
    %select_n3A_411 = arith.select %lt3A_408, %transpose3A_397, %broadcast_in_dim3A_410 : vector<256x256xi1>, vector<256x256xf32>
    %add3A_412 = arith.addf %select_n3A_407, %select_n3A_411 : vector<256x256xf32>
    %eq3A_413 = arith.cmpi eq, %add3A_403, %add3A_400 : vector<256x256xi32>
    %jit3A_414 = arith.constant 0xFF800000 : f32
    %broadcast_in_dim3A_415 = vector.broadcast %jit3A_414 : f32 to vector<256x256xf32>
    %select_n3A_416 = arith.select %eq3A_413, %broadcast_in_dim3A_415, %add3A_412 : vector<256x256xi1>, vector<256x256xf32>
    %swap3A_417 = arith.constant 0 : index
    %swap3A_418 = arith.constant 512 : index
    %swap3A_419 = arith.constant 768 : index
    %swap3A_420 = vector.load %arg19[%swap3A_417, %swap3A_418, %swap3A_419] : memref<4x1024x1024xf32, #tpu.memory_space<vmem>>, vector<1x256x256xf32>
    %swap3A_421 = vector.shape_cast %swap3A_420 : vector<1x256x256xf32> to vector<256x256xf32>
    %swap3A_422 = vector.shape_cast %select_n3A_416 : vector<256x256xf32> to vector<1x256x256xf32>
    tpu.vector_store %arg19[%swap3A_417, %swap3A_418, %swap3A_419], %swap3A_422 {strides = array<i32>} : memref<4x1024x1024xf32, #tpu.memory_space<vmem>>, vector<1x256x256xf32>,
    %get3A_423 = arith.constant 0 : index
    %get3A_424 = arith.constant 768 : index
    %get3A_425 = arith.constant 0 : index
    %get3A_426 = vector.load %arg0[%get3A_423, %get3A_424, %get3A_425] : memref<4x1024x1024xf32, #tpu.memory_space<vmem>>, vector<1x256x256xf32>
    %get3A_427 = vector.shape_cast %get3A_426 : vector<1x256x256xf32> to vector<256x256xf32>
    %get3A_428 = arith.constant 0 : index
    %get3A_429 = arith.constant 0 : index
    %get3A_430 = arith.constant 768 : index
    %get3A_431 = vector.load %arg0[%get3A_428, %get3A_429, %get3A_430] : memref<4x1024x1024xf32, #tpu.memory_space<vmem>>, vector<1x256x256xf32>
    %get3A_432 = vector.shape_cast %get3A_431 : vector<1x256x256xf32> to vector<256x256xf32>
    %transpose3A_433 = tpu.transpose %get3A_432, [1, 0] : vector<256x256xf32> -> vector<256x256xf32>
    %add3A_434 = arith.constant 768 : i32
    %add3A_435 = vector.broadcast %add3A_434 : i32 to vector<256x256xi32>
    %add3A_436 = arith.addi %iota3A, %add3A_435 : vector<256x256xi32>
    %add3A_437 = arith.constant 0 : i32
    %add3A_438 = vector.broadcast %add3A_437 : i32 to vector<256x256xi32>
    %add3A_439 = arith.addi %iota3A_0, %add3A_438 : vector<256x256xi32>
    %gt3A_440 = arith.cmpi sgt, %add3A_439, %add3A_436 : vector<256x256xi32>
    %jit3A_441 = arith.constant 0.000000e+00 : f32
    %broadcast_in_dim3A_442 = vector.broadcast %jit3A_441 : f32 to vector<256x256xf32>
    %select_n3A_443 = arith.select %gt3A_440, %get3A_427, %broadcast_in_dim3A_442 : vector<256x256xi1>, vector<256x256xf32>
    %lt3A_444 = arith.cmpi slt, %add3A_439, %add3A_436 : vector<256x256xi32>
    %jit3A_445 = arith.constant 0.000000e+00 : f32
    %broadcast_in_dim3A_446 = vector.broadcast %jit3A_445 : f32 to vector<256x256xf32>
    %select_n3A_447 = arith.select %lt3A_444, %transpose3A_433, %broadcast_in_dim3A_446 : vector<256x256xi1>, vector<256x256xf32>
    %add3A_448 = arith.addf %select_n3A_443, %select_n3A_447 : vector<256x256xf32>
    %eq3A_449 = arith.cmpi eq, %add3A_439, %add3A_436 : vector<256x256xi32>
    %jit3A_450 = arith.constant 0xFF800000 : f32
    %broadcast_in_dim3A_451 = vector.broadcast %jit3A_450 : f32 to vector<256x256xf32>
    %select_n3A_452 = arith.select %eq3A_449, %broadcast_in_dim3A_451, %add3A_448 : vector<256x256xi1>, vector<256x256xf32>
    %swap3A_453 = arith.constant 0 : index
    %swap3A_454 = arith.constant 768 : index
    %swap3A_455 = arith.constant 0 : index
    %swap3A_456 = vector.load %arg19[%swap3A_453, %swap3A_454, %swap3A_455] : memref<4x1024x1024xf32, #tpu.memory_space<vmem>>, vector<1x256x256xf32>
    %swap3A_457 = vector.shape_cast %swap3A_456 : vector<1x256x256xf32> to vector<256x256xf32>
    %swap3A_458 = vector.shape_cast %select_n3A_452 : vector<256x256xf32> to vector<1x256x256xf32>
    tpu.vector_store %arg19[%swap3A_453, %swap3A_454, %swap3A_455], %swap3A_458 {strides = array<i32>} : memref<4x1024x1024xf32, #tpu.memory_space<vmem>>, vector<1x256x256xf32>,
    %get3A_459 = arith.constant 0 : index
    %get3A_460 = arith.constant 768 : index
    %get3A_461 = arith.constant 256 : index
    %get3A_462 = vector.load %arg0[%get3A_459, %get3A_460, %get3A_461] : memref<4x1024x1024xf32, #tpu.memory_space<vmem>>, vector<1x256x256xf32>
    %get3A_463 = vector.shape_cast %get3A_462 : vector<1x256x256xf32> to vector<256x256xf32>
    %get3A_464 = arith.constant 0 : index
    %get3A_465 = arith.constant 256 : index
    %get3A_466 = arith.constant 768 : index
    %get3A_467 = vector.load %arg0[%get3A_464, %get3A_465, %get3A_466] : memref<4x1024x1024xf32, #tpu.memory_space<vmem>>, vector<1x256x256xf32>
    %get3A_468 = vector.shape_cast %get3A_467 : vector<1x256x256xf32> to vector<256x256xf32>
    %transpose3A_469 = tpu.transpose %get3A_468, [1, 0] : vector<256x256xf32> -> vector<256x256xf32>
    %add3A_470 = arith.constant 768 : i32
    %add3A_471 = vector.broadcast %add3A_470 : i32 to vector<256x256xi32>
    %add3A_472 = arith.addi %iota3A, %add3A_471 : vector<256x256xi32>
    %add3A_473 = arith.constant 256 : i32
    %add3A_474 = vector.broadcast %add3A_473 : i32 to vector<256x256xi32>
    %add3A_475 = arith.addi %iota3A_0, %add3A_474 : vector<256x256xi32>
    %gt3A_476 = arith.cmpi sgt, %add3A_475, %add3A_472 : vector<256x256xi32>
    %jit3A_477 = arith.constant 0.000000e+00 : f32
    %broadcast_in_dim3A_478 = vector.broadcast %jit3A_477 : f32 to vector<256x256xf32>
    %select_n3A_479 = arith.select %gt3A_476, %get3A_463, %broadcast_in_dim3A_478 : vector<256x256xi1>, vector<256x256xf32>
    %lt3A_480 = arith.cmpi slt, %add3A_475, %add3A_472 : vector<256x256xi32>
    %jit3A_481 = arith.constant 0.000000e+00 : f32
    %broadcast_in_dim3A_482 = vector.broadcast %jit3A_481 : f32 to vector<256x256xf32>
    %select_n3A_483 = arith.select %lt3A_480, %transpose3A_469, %broadcast_in_dim3A_482 : vector<256x256xi1>, vector<256x256xf32>
    %add3A_484 = arith.addf %select_n3A_479, %select_n3A_483 : vector<256x256xf32>
    %eq3A_485 = arith.cmpi eq, %add3A_475, %add3A_472 : vector<256x256xi32>
    %jit3A_486 = arith.constant 0xFF800000 : f32
    %broadcast_in_dim3A_487 = vector.broadcast %jit3A_486 : f32 to vector<256x256xf32>
    %select_n3A_488 = arith.select %eq3A_485, %broadcast_in_dim3A_487, %add3A_484 : vector<256x256xi1>, vector<256x256xf32>
    %swap3A_489 = arith.constant 0 : index
    %swap3A_490 = arith.constant 768 : index
    %swap3A_491 = arith.constant 256 : index
    %swap3A_492 = vector.load %arg19[%swap3A_489, %swap3A_490, %swap3A_491] : memref<4x1024x1024xf32, #tpu.memory_space<vmem>>, vector<1x256x256xf32>
    %swap3A_493 = vector.shape_cast %swap3A_492 : vector<1x256x256xf32> to vector<256x256xf32>
    %swap3A_494 = vector.shape_cast %select_n3A_488 : vector<256x256xf32> to vector<1x256x256xf32>
    tpu.vector_store %arg19[%swap3A_489, %swap3A_490, %swap3A_491], %swap3A_494 {strides = array<i32>} : memref<4x1024x1024xf32, #tpu.memory_space<vmem>>, vector<1x256x256xf32>,
    %get3A_495 = arith.constant 0 : index
    %get3A_496 = arith.constant 768 : index
    %get3A_497 = arith.constant 512 : index
    %get3A_498 = vector.load %arg0[%get3A_495, %get3A_496, %get3A_497] : memref<4x1024x1024xf32, #tpu.memory_space<vmem>>, vector<1x256x256xf32>
    %get3A_499 = vector.shape_cast %get3A_498 : vector<1x256x256xf32> to vector<256x256xf32>
    %get3A_500 = arith.constant 0 : index
    %get3A_501 = arith.constant 512 : index
    %get3A_502 = arith.constant 768 : index
    %get3A_503 = vector.load %arg0[%get3A_500, %get3A_501, %get3A_502] : memref<4x1024x1024xf32, #tpu.memory_space<vmem>>, vector<1x256x256xf32>
    %get3A_504 = vector.shape_cast %get3A_503 : vector<1x256x256xf32> to vector<256x256xf32>
    %transpose3A_505 = tpu.transpose %get3A_504, [1, 0] : vector<256x256xf32> -> vector<256x256xf32>
    %add3A_506 = arith.constant 768 : i32
    %add3A_507 = vector.broadcast %add3A_506 : i32 to vector<256x256xi32>
    %add3A_508 = arith.addi %iota3A, %add3A_507 : vector<256x256xi32>
    %add3A_509 = arith.constant 512 : i32
    %add3A_510 = vector.broadcast %add3A_509 : i32 to vector<256x256xi32>
    %add3A_511 = arith.addi %iota3A_0, %add3A_510 : vector<256x256xi32>
    %gt3A_512 = arith.cmpi sgt, %add3A_511, %add3A_508 : vector<256x256xi32>
    %jit3A_513 = arith.constant 0.000000e+00 : f32
    %broadcast_in_dim3A_514 = vector.broadcast %jit3A_513 : f32 to vector<256x256xf32>
    %select_n3A_515 = arith.select %gt3A_512, %get3A_499, %broadcast_in_dim3A_514 : vector<256x256xi1>, vector<256x256xf32>
    %lt3A_516 = arith.cmpi slt, %add3A_511, %add3A_508 : vector<256x256xi32>
    %jit3A_517 = arith.constant 0.000000e+00 : f32
    %broadcast_in_dim3A_518 = vector.broadcast %jit3A_517 : f32 to vector<256x256xf32>
    %select_n3A_519 = arith.select %lt3A_516, %transpose3A_505, %broadcast_in_dim3A_518 : vector<256x256xi1>, vector<256x256xf32>
    %add3A_520 = arith.addf %select_n3A_515, %select_n3A_519 : vector<256x256xf32>
    %eq3A_521 = arith.cmpi eq, %add3A_511, %add3A_508 : vector<256x256xi32>
    %jit3A_522 = arith.constant 0xFF800000 : f32
    %broadcast_in_dim3A_523 = vector.broadcast %jit3A_522 : f32 to vector<256x256xf32>
    %select_n3A_524 = arith.select %eq3A_521, %broadcast_in_dim3A_523, %add3A_520 : vector<256x256xi1>, vector<256x256xf32>
    %swap3A_525 = arith.constant 0 : index
    %swap3A_526 = arith.constant 768 : index
    %swap3A_527 = arith.constant 512 : index
    %swap3A_528 = vector.load %arg19[%swap3A_525, %swap3A_526, %swap3A_527] : memref<4x1024x1024xf32, #tpu.memory_space<vmem>>, vector<1x256x256xf32>
    %swap3A_529 = vector.shape_cast %swap3A_528 : vector<1x256x256xf32> to vector<256x256xf32>
    %swap3A_530 = vector.shape_cast %select_n3A_524 : vector<256x256xf32> to vector<1x256x256xf32>
    tpu.vector_store %arg19[%swap3A_525, %swap3A_526, %swap3A_527], %swap3A_530 {strides = array<i32>} : memref<4x1024x1024xf32, #tpu.memory_space<vmem>>, vector<1x256x256xf32>,
    %get3A_531 = arith.constant 0 : index
    %get3A_532 = arith.constant 768 : index
    %get3A_533 = arith.constant 768 : index
    %get3A_534 = vector.load %arg0[%get3A_531, %get3A_532, %get3A_533] : memref<4x1024x1024xf32, #tpu.memory_space<vmem>>, vector<1x256x256xf32>
    %get3A_535 = vector.shape_cast %get3A_534 : vector<1x256x256xf32> to vector<256x256xf32>
    %get3A_536 = arith.constant 0 : index
    %get3A_537 = arith.constant 768 : index
    %get3A_538 = arith.constant 768 : index
    %get3A_539 = vector.load %arg0[%get3A_536, %get3A_537, %get3A_538] : memref<4x1024x1024xf32, #tpu.memory_space<vmem>>, vector<1x256x256xf32>
    %get3A_540 = vector.shape_cast %get3A_539 : vector<1x256x256xf32> to vector<256x256xf32>
    %transpose3A_541 = tpu.transpose %get3A_540, [1, 0] : vector<256x256xf32> -> vector<256x256xf32>
    %add3A_542 = arith.constant 768 : i32
    %add3A_543 = vector.broadcast %add3A_542 : i32 to vector<256x256xi32>
    %add3A_544 = arith.addi %iota3A, %add3A_543 : vector<256x256xi32>
    %add3A_545 = arith.constant 768 : i32
    %add3A_546 = vector.broadcast %add3A_545 : i32 to vector<256x256xi32>
    %add3A_547 = arith.addi %iota3A_0, %add3A_546 : vector<256x256xi32>
    %gt3A_548 = arith.cmpi sgt, %add3A_547, %add3A_544 : vector<256x256xi32>
    %jit3A_549 = arith.constant 0.000000e+00 : f32
    %broadcast_in_dim3A_550 = vector.broadcast %jit3A_549 : f32 to vector<256x256xf32>
    %select_n3A_551 = arith.select %gt3A_548, %get3A_535, %broadcast_in_dim3A_550 : vector<256x256xi1>, vector<256x256xf32>
    %lt3A_552 = arith.cmpi slt, %add3A_547, %add3A_544 : vector<256x256xi32>
    %jit3A_553 = arith.constant 0.000000e+00 : f32
    %broadcast_in_dim3A_554 = vector.broadcast %jit3A_553 : f32 to vector<256x256xf32>
    %select_n3A_555 = arith.select %lt3A_552, %transpose3A_541, %broadcast_in_dim3A_554 : vector<256x256xi1>, vector<256x256xf32>
    %add3A_556 = arith.addf %select_n3A_551, %select_n3A_555 : vector<256x256xf32>
    %eq3A_557 = arith.cmpi eq, %add3A_547, %add3A_544 : vector<256x256xi32>
    %jit3A_558 = arith.constant 0xFF800000 : f32
    %broadcast_in_dim3A_559 = vector.broadcast %jit3A_558 : f32 to vector<256x256xf32>
    %select_n3A_560 = arith.select %eq3A_557, %broadcast_in_dim3A_559, %add3A_556 : vector<256x256xi1>, vector<256x256xf32>
    %swap3A_561 = arith.constant 0 : index
    %swap3A_562 = arith.constant 768 : index
    %swap3A_563 = arith.constant 768 : index
    %swap3A_564 = vector.load %arg19[%swap3A_561, %swap3A_562, %swap3A_563] : memref<4x1024x1024xf32, #tpu.memory_space<vmem>>, vector<1x256x256xf32>
    %swap3A_565 = vector.shape_cast %swap3A_564 : vector<1x256x256xf32> to vector<256x256xf32>
    %swap3A_566 = vector.shape_cast %select_n3A_560 : vector<256x256xf32> to vector<1x256x256xf32>
    tpu.vector_store %arg19[%swap3A_561, %swap3A_562, %swap3A_563], %swap3A_566 {strides = array<i32>} : memref<4x1024x1024xf32, #tpu.memory_space<vmem>>, vector<1x256x256xf32>,
    %get3A_567 = arith.constant 1 : index
    %get3A_568 = arith.constant 0 : index
    %get3A_569 = arith.constant 0 : index
    %get3A_570 = vector.load %arg0[%get3A_567, %get3A_568, %get3A_569] : memref<4x1024x1024xf32, #tpu.memory_space<vmem>>, vector<1x256x256xf32>
    %get3A_571 = vector.shape_cast %get3A_570 : vector<1x256x256xf32> to vector<256x256xf32>
    %get3A_572 = arith.constant 1 : index
    %get3A_573 = arith.constant 0 : index
    %get3A_574 = arith.constant 0 : index
    %get3A_575 = vector.load %arg0[%get3A_572, %get3A_573, %get3A_574] : memref<4x1024x1024xf32, #tpu.memory_space<vmem>>, vector<1x256x256xf32>
    %get3A_576 = vector.shape_cast %get3A_575 : vector<1x256x256xf32> to vector<256x256xf32>
    %transpose3A_577 = tpu.transpose %get3A_576, [1, 0] : vector<256x256xf32> -> vector<256x256xf32>
    %add3A_578 = arith.constant 0 : i32
    %add3A_579 = vector.broadcast %add3A_578 : i32 to vector<256x256xi32>
    %add3A_580 = arith.addi %iota3A, %add3A_579 : vector<256x256xi32>
    %add3A_581 = arith.constant 0 : i32
    %add3A_582 = vector.broadcast %add3A_581 : i32 to vector<256x256xi32>
    %add3A_583 = arith.addi %iota3A_0, %add3A_582 : vector<256x256xi32>
    %gt3A_584 = arith.cmpi sgt, %add3A_583, %add3A_580 : vector<256x256xi32>
    %jit3A_585 = arith.constant 0.000000e+00 : f32
    %broadcast_in_dim3A_586 = vector.broadcast %jit3A_585 : f32 to vector<256x256xf32>
    %select_n3A_587 = arith.select %gt3A_584, %get3A_571, %broadcast_in_dim3A_586 : vector<256x256xi1>, vector<256x256xf32>
    %lt3A_588 = arith.cmpi slt, %add3A_583, %add3A_580 : vector<256x256xi32>
    %jit3A_589 = arith.constant 0.000000e+00 : f32
    %broadcast_in_dim3A_590 = vector.broadcast %jit3A_589 : f32 to vector<256x256xf32>
    %select_n3A_591 = arith.select %lt3A_588, %transpose3A_577, %broadcast_in_dim3A_590 : vector<256x256xi1>, vector<256x256xf32>
    %add3A_592 = arith.addf %select_n3A_587, %select_n3A_591 : vector<256x256xf32>
    %eq3A_593 = arith.cmpi eq, %add3A_583, %add3A_580 : vector<256x256xi32>
    %jit3A_594 = arith.constant 0xFF800000 : f32
    %broadcast_in_dim3A_595 = vector.broadcast %jit3A_594 : f32 to vector<256x256xf32>
    %select_n3A_596 = arith.select %eq3A_593, %broadcast_in_dim3A_595, %add3A_592 : vector<256x256xi1>, vector<256x256xf32>
    %swap3A_597 = arith.constant 1 : index
    %swap3A_598 = arith.constant 0 : index
    %swap3A_599 = arith.constant 0 : index
    %swap3A_600 = vector.load %arg19[%swap3A_597, %swap3A_598, %swap3A_599] : memref<4x1024x1024xf32, #tpu.memory_space<vmem>>, vector<1x256x256xf32>
    %swap3A_601 = vector.shape_cast %swap3A_600 : vector<1x256x256xf32> to vector<256x256xf32>
    %swap3A_602 = vector.shape_cast %select_n3A_596 : vector<256x256xf32> to vector<1x256x256xf32>
    tpu.vector_store %arg19[%swap3A_597, %swap3A_598, %swap3A_599], %swap3A_602 {strides = array<i32>} : memref<4x1024x1024xf32, #tpu.memory_space<vmem>>, vector<1x256x256xf32>,
    %get3A_603 = arith.constant 1 : index
    %get3A_604 = arith.constant 0 : index
    %get3A_605 = arith.constant 256 : index
    %get3A_606 = vector.load %arg0[%get3A_603, %get3A_604, %get3A_605] : memref<4x1024x1024xf32, #tpu.memory_space<vmem>>, vector<1x256x256xf32>
    %get3A_607 = vector.shape_cast %get3A_606 : vector<1x256x256xf32> to vector<256x256xf32>
    %get3A_608 = arith.constant 1 : index
    %get3A_609 = arith.constant 256 : index
    %get3A_610 = arith.constant 0 : index
    %get3A_611 = vector.load %arg0[%get3A_608, %get3A_609, %get3A_610] : memref<4x1024x1024xf32, #tpu.memory_space<vmem>>, vector<1x256x256xf32>
    %get3A_612 = vector.shape_cast %get3A_611 : vector<1x256x256xf32> to vector<256x256xf32>
    %transpose3A_613 = tpu.transpose %get3A_612, [1, 0] : vector<256x256xf32> -> vector<256x256xf32>
    %add3A_614 = arith.constant 0 : i32
    %add3A_615 = vector.broadcast %add3A_614 : i32 to vector<256x256xi32>
    %add3A_616 = arith.addi %iota3A, %add3A_615 : vector<256x256xi32>
    %add3A_617 = arith.constant 256 : i32
    %add3A_618 = vector.broadcast %add3A_617 : i32 to vector<256x256xi32>
    %add3A_619 = arith.addi %iota3A_0, %add3A_618 : vector<256x256xi32>
    %gt3A_620 = arith.cmpi sgt, %add3A_619, %add3A_616 : vector<256x256xi32>
    %jit3A_621 = arith.constant 0.000000e+00 : f32
    %broadcast_in_dim3A_622 = vector.broadcast %jit3A_621 : f32 to vector<256x256xf32>
    %select_n3A_623 = arith.select %gt3A_620, %get3A_607, %broadcast_in_dim3A_622 : vector<256x256xi1>, vector<256x256xf32>
    %lt3A_624 = arith.cmpi slt, %add3A_619, %add3A_616 : vector<256x256xi32>
    %jit3A_625 = arith.constant 0.000000e+00 : f32
    %broadcast_in_dim3A_626 = vector.broadcast %jit3A_625 : f32 to vector<256x256xf32>
    %select_n3A_627 = arith.select %lt3A_624, %transpose3A_613, %broadcast_in_dim3A_626 : vector<256x256xi1>, vector<256x256xf32>
    %add3A_628 = arith.addf %select_n3A_623, %select_n3A_627 : vector<256x256xf32>
    %eq3A_629 = arith.cmpi eq, %add3A_619, %add3A_616 : vector<256x256xi32>
    %jit3A_630 = arith.constant 0xFF800000 : f32
    %broadcast_in_dim3A_631 = vector.broadcast %jit3A_630 : f32 to vector<256x256xf32>
    %select_n3A_632 = arith.select %eq3A_629, %broadcast_in_dim3A_631, %add3A_628 : vector<256x256xi1>, vector<256x256xf32>
    %swap3A_633 = arith.constant 1 : index
    %swap3A_634 = arith.constant 0 : index
    %swap3A_635 = arith.constant 256 : index
    %swap3A_636 = vector.load %arg19[%swap3A_633, %swap3A_634, %swap3A_635] : memref<4x1024x1024xf32, #tpu.memory_space<vmem>>, vector<1x256x256xf32>
    %swap3A_637 = vector.shape_cast %swap3A_636 : vector<1x256x256xf32> to vector<256x256xf32>
    %swap3A_638 = vector.shape_cast %select_n3A_632 : vector<256x256xf32> to vector<1x256x256xf32>
    tpu.vector_store %arg19[%swap3A_633, %swap3A_634, %swap3A_635], %swap3A_638 {strides = array<i32>} : memref<4x1024x1024xf32, #tpu.memory_space<vmem>>, vector<1x256x256xf32>,
    %get3A_639 = arith.constant 1 : index
    %get3A_640 = arith.constant 0 : index
    %get3A_641 = arith.constant 512 : index
    %get3A_642 = vector.load %arg0[%get3A_639, %get3A_640, %get3A_641] : memref<4x1024x1024xf32, #tpu.memory_space<vmem>>, vector<1x256x256xf32>
    %get3A_643 = vector.shape_cast %get3A_642 : vector<1x256x256xf32> to vector<256x256xf32>
    %get3A_644 = arith.constant 1 : index
    %get3A_645 = arith.constant 512 : index
    %get3A_646 = arith.constant 0 : index
    %get3A_647 = vector.load %arg0[%get3A_644, %get3A_645, %get3A_646] : memref<4x1024x1024xf32, #tpu.memory_space<vmem>>, vector<1x256x256xf32>
    %get3A_648 = vector.shape_cast %get3A_647 : vector<1x256x256xf32> to vector<256x256xf32>
    %transpose3A_649 = tpu.transpose %get3A_648, [1, 0] : vector<256x256xf32> -> vector<256x256xf32>
    %add3A_650 = arith.constant 0 : i32
    %add3A_651 = vector.broadcast %add3A_650 : i32 to vector<256x256xi32>
    %add3A_652 = arith.addi %iota3A, %add3A_651 : vector<256x256xi32>
    %add3A_653 = arith.constant 512 : i32
    %add3A_654 = vector.broadcast %add3A_653 : i32 to vector<256x256xi32>
    %add3A_655 = arith.addi %iota3A_0, %add3A_654 : vector<256x256xi32>
    %gt3A_656 = arith.cmpi sgt, %add3A_655, %add3A_652 : vector<256x256xi32>
    %jit3A_657 = arith.constant 0.000000e+00 : f32
    %broadcast_in_dim3A_658 = vector.broadcast %jit3A_657 : f32 to vector<256x256xf32>
    %select_n3A_659 = arith.select %gt3A_656, %get3A_643, %broadcast_in_dim3A_658 : vector<256x256xi1>, vector<256x256xf32>
    %lt3A_660 = arith.cmpi slt, %add3A_655, %add3A_652 : vector<256x256xi32>
    %jit3A_661 = arith.constant 0.000000e+00 : f32
    %broadcast_in_dim3A_662 = vector.broadcast %jit3A_661 : f32 to vector<256x256xf32>
    %select_n3A_663 = arith.select %lt3A_660, %transpose3A_649, %broadcast_in_dim3A_662 : vector<256x256xi1>, vector<256x256xf32>
    %add3A_664 = arith.addf %select_n3A_659, %select_n3A_663 : vector<256x256xf32>
    %eq3A_665 = arith.cmpi eq, %add3A_655, %add3A_652 : vector<256x256xi32>
    %jit3A_666 = arith.constant 0xFF800000 : f32
    %broadcast_in_dim3A_667 = vector.broadcast %jit3A_666 : f32 to vector<256x256xf32>
    %select_n3A_668 = arith.select %eq3A_665, %broadcast_in_dim3A_667, %add3A_664 : vector<256x256xi1>, vector<256x256xf32>
    %swap3A_669 = arith.constant 1 : index
    %swap3A_670 = arith.constant 0 : index
    %swap3A_671 = arith.constant 512 : index
    %swap3A_672 = vector.load %arg19[%swap3A_669, %swap3A_670, %swap3A_671] : memref<4x1024x1024xf32, #tpu.memory_space<vmem>>, vector<1x256x256xf32>
    %swap3A_673 = vector.shape_cast %swap3A_672 : vector<1x256x256xf32> to vector<256x256xf32>
    %swap3A_674 = vector.shape_cast %select_n3A_668 : vector<256x256xf32> to vector<1x256x256xf32>
    tpu.vector_store %arg19[%swap3A_669, %swap3A_670, %swap3A_671], %swap3A_674 {strides = array<i32>} : memref<4x1024x1024xf32, #tpu.memory_space<vmem>>, vector<1x256x256xf32>,
    %get3A_675 = arith.constant 1 : index
    %get3A_676 = arith.constant 0 : index
    %get3A_677 = arith.constant 768 : index
    %get3A_678 = vector.load %arg0[%get3A_675, %get3A_676, %get3A_677] : memref<4x1024x1024xf32, #tpu.memory_space<vmem>>, vector<1x256x256xf32>
    %get3A_679 = vector.shape_cast %get3A_678 : vector<1x256x256xf32> to vector<256x256xf32>
    %get3A_680 = arith.constant 1 : index
    %get3A_681 = arith.constant 768 : index
    %get3A_682 = arith.constant 0 : index
    %get3A_683 = vector.load %arg0[%get3A_680, %get3A_681, %get3A_682] : memref<4x1024x1024xf32, #tpu.memory_space<vmem>>, vector<1x256x256xf32>
    %get3A_684 = vector.shape_cast %get3A_683 : vector<1x256x256xf32> to vector<256x256xf32>
    %transpose3A_685 = tpu.transpose %get3A_684, [1, 0] : vector<256x256xf32> -> vector<256x256xf32>
    %add3A_686 = arith.constant 0 : i32
    %add3A_687 = vector.broadcast %add3A_686 : i32 to vector<256x256xi32>
    %add3A_688 = arith.addi %iota3A, %add3A_687 : vector<256x256xi32>
    %add3A_689 = arith.constant 768 : i32
    %add3A_690 = vector.broadcast %add3A_689 : i32 to vector<256x256xi32>
    %add3A_691 = arith.addi %iota3A_0, %add3A_690 : vector<256x256xi32>
    %gt3A_692 = arith.cmpi sgt, %add3A_691, %add3A_688 : vector<256x256xi32>
    %jit3A_693 = arith.constant 0.000000e+00 : f32
    %broadcast_in_dim3A_694 = vector.broadcast %jit3A_693 : f32 to vector<256x256xf32>
    %select_n3A_695 = arith.select %gt3A_692, %get3A_679, %broadcast_in_dim3A_694 : vector<256x256xi1>, vector<256x256xf32>
    %lt3A_696 = arith.cmpi slt, %add3A_691, %add3A_688 : vector<256x256xi32>
    %jit3A_697 = arith.constant 0.000000e+00 : f32
    %broadcast_in_dim3A_698 = vector.broadcast %jit3A_697 : f32 to vector<256x256xf32>
    %select_n3A_699 = arith.select %lt3A_696, %transpose3A_685, %broadcast_in_dim3A_698 : vector<256x256xi1>, vector<256x256xf32>
    %add3A_700 = arith.addf %select_n3A_695, %select_n3A_699 : vector<256x256xf32>
    %eq3A_701 = arith.cmpi eq, %add3A_691, %add3A_688 : vector<256x256xi32>
    %jit3A_702 = arith.constant 0xFF800000 : f32
    %broadcast_in_dim3A_703 = vector.broadcast %jit3A_702 : f32 to vector<256x256xf32>
    %select_n3A_704 = arith.select %eq3A_701, %broadcast_in_dim3A_703, %add3A_700 : vector<256x256xi1>, vector<256x256xf32>
    %swap3A_705 = arith.constant 1 : index
    %swap3A_706 = arith.constant 0 : index
    %swap3A_707 = arith.constant 768 : index
    %swap3A_708 = vector.load %arg19[%swap3A_705, %swap3A_706, %swap3A_707] : memref<4x1024x1024xf32, #tpu.memory_space<vmem>>, vector<1x256x256xf32>
    %swap3A_709 = vector.shape_cast %swap3A_708 : vector<1x256x256xf32> to vector<256x256xf32>
    %swap3A_710 = vector.shape_cast %select_n3A_704 : vector<256x256xf32> to vector<1x256x256xf32>
    tpu.vector_store %arg19[%swap3A_705, %swap3A_706, %swap3A_707], %swap3A_710 {strides = array<i32>} : memref<4x1024x1024xf32, #tpu.memory_space<vmem>>, vector<1x256x256xf32>,
    %get3A_711 = arith.constant 1 : index
    %get3A_712 = arith.constant 256 : index
    %get3A_713 = arith.constant 0 : index
    %get3A_714 = vector.load %arg0[%get3A_711, %get3A_712, %get3A_713] : memref<4x1024x1024xf32, #tpu.memory_space<vmem>>, vector<1x256x256xf32>
    %get3A_715 = vector.shape_cast %get3A_714 : vector<1x256x256xf32> to vector<256x256xf32>
    %get3A_716 = arith.constant 1 : index
    %get3A_717 = arith.constant 0 : index
    %get3A_718 = arith.constant 256 : index
    %get3A_719 = vector.load %arg0[%get3A_716, %get3A_717, %get3A_718] : memref<4x1024x1024xf32, #tpu.memory_space<vmem>>, vector<1x256x256xf32>
    %get3A_720 = vector.shape_cast %get3A_719 : vector<1x256x256xf32> to vector<256x256xf32>
    %transpose3A_721 = tpu.transpose %get3A_720, [1, 0] : vector<256x256xf32> -> vector<256x256xf32>
    %add3A_722 = arith.constant 256 : i32
    %add3A_723 = vector.broadcast %add3A_722 : i32 to vector<256x256xi32>
    %add3A_724 = arith.addi %iota3A, %add3A_723 : vector<256x256xi32>
    %add3A_725 = arith.constant 0 : i32
    %add3A_726 = vector.broadcast %add3A_725 : i32 to vector<256x256xi32>
    %add3A_727 = arith.addi %iota3A_0, %add3A_726 : vector<256x256xi32>
    %gt3A_728 = arith.cmpi sgt, %add3A_727, %add3A_724 : vector<256x256xi32>
    %jit3A_729 = arith.constant 0.000000e+00 : f32
    %broadcast_in_dim3A_730 = vector.broadcast %jit3A_729 : f32 to vector<256x256xf32>
    %select_n3A_731 = arith.select %gt3A_728, %get3A_715, %broadcast_in_dim3A_730 : vector<256x256xi1>, vector<256x256xf32>
    %lt3A_732 = arith.cmpi slt, %add3A_727, %add3A_724 : vector<256x256xi32>
    %jit3A_733 = arith.constant 0.000000e+00 : f32
    %broadcast_in_dim3A_734 = vector.broadcast %jit3A_733 : f32 to vector<256x256xf32>
    %select_n3A_735 = arith.select %lt3A_732, %transpose3A_721, %broadcast_in_dim3A_734 : vector<256x256xi1>, vector<256x256xf32>
    %add3A_736 = arith.addf %select_n3A_731, %select_n3A_735 : vector<256x256xf32>
    %eq3A_737 = arith.cmpi eq, %add3A_727, %add3A_724 : vector<256x256xi32>
    %jit3A_738 = arith.constant 0xFF800000 : f32
    %broadcast_in_dim3A_739 = vector.broadcast %jit3A_738 : f32 to vector<256x256xf32>
    %select_n3A_740 = arith.select %eq3A_737, %broadcast_in_dim3A_739, %add3A_736 : vector<256x256xi1>, vector<256x256xf32>
    %swap3A_741 = arith.constant 1 : index
    %swap3A_742 = arith.constant 256 : index
    %swap3A_743 = arith.constant 0 : index
    %swap3A_744 = vector.load %arg19[%swap3A_741, %swap3A_742, %swap3A_743] : memref<4x1024x1024xf32, #tpu.memory_space<vmem>>, vector<1x256x256xf32>
    %swap3A_745 = vector.shape_cast %swap3A_744 : vector<1x256x256xf32> to vector<256x256xf32>
    %swap3A_746 = vector.shape_cast %select_n3A_740 : vector<256x256xf32> to vector<1x256x256xf32>
    tpu.vector_store %arg19[%swap3A_741, %swap3A_742, %swap3A_743], %swap3A_746 {strides = array<i32>} : memref<4x1024x1024xf32, #tpu.memory_space<vmem>>, vector<1x256x256xf32>,
    %get3A_747 = arith.constant 1 : index
    %get3A_748 = arith.constant 256 : index
    %get3A_749 = arith.constant 256 : index
    %get3A_750 = vector.load %arg0[%get3A_747, %get3A_748, %get3A_749] : memref<4x1024x1024xf32, #tpu.memory_space<vmem>>, vector<1x256x256xf32>
    %get3A_751 = vector.shape_cast %get3A_750 : vector<1x256x256xf32> to vector<256x256xf32>
    %get3A_752 = arith.constant 1 : index
    %get3A_753 = arith.constant 256 : index
    %get3A_754 = arith.constant 256 : index
    %get3A_755 = vector.load %arg0[%get3A_752, %get3A_753, %get3A_754] : memref<4x1024x1024xf32, #tpu.memory_space<vmem>>, vector<1x256x256xf32>
    %get3A_756 = vector.shape_cast %get3A_755 : vector<1x256x256xf32> to vector<256x256xf32>
    %transpose3A_757 = tpu.transpose %get3A_756, [1, 0] : vector<256x256xf32> -> vector<256x256xf32>
    %add3A_758 = arith.constant 256 : i32
    %add3A_759 = vector.broadcast %add3A_758 : i32 to vector<256x256xi32>
    %add3A_760 = arith.addi %iota3A, %add3A_759 : vector<256x256xi32>
    %add3A_761 = arith.constant 256 : i32
    %add3A_762 = vector.broadcast %add3A_761 : i32 to vector<256x256xi32>
    %add3A_763 = arith.addi %iota3A_0, %add3A_762 : vector<256x256xi32>
    %gt3A_764 = arith.cmpi sgt, %add3A_763, %add3A_760 : vector<256x256xi32>
    %jit3A_765 = arith.constant 0.000000e+00 : f32
    %broadcast_in_dim3A_766 = vector.broadcast %jit3A_765 : f32 to vector<256x256xf32>
    %select_n3A_767 = arith.select %gt3A_764, %get3A_751, %broadcast_in_dim3A_766 : vector<256x256xi1>, vector<256x256xf32>
    %lt3A_768 = arith.cmpi slt, %add3A_763, %add3A_760 : vector<256x256xi32>
    %jit3A_769 = arith.constant 0.000000e+00 : f32
    %broadcast_in_dim3A_770 = vector.broadcast %jit3A_769 : f32 to vector<256x256xf32>
    %select_n3A_771 = arith.select %lt3A_768, %transpose3A_757, %broadcast_in_dim3A_770 : vector<256x256xi1>, vector<256x256xf32>
    %add3A_772 = arith.addf %select_n3A_767, %select_n3A_771 : vector<256x256xf32>
    %eq3A_773 = arith.cmpi eq, %add3A_763, %add3A_760 : vector<256x256xi32>
    %jit3A_774 = arith.constant 0xFF800000 : f32
    %broadcast_in_dim3A_775 = vector.broadcast %jit3A_774 : f32 to vector<256x256xf32>
    %select_n3A_776 = arith.select %eq3A_773, %broadcast_in_dim3A_775, %add3A_772 : vector<256x256xi1>, vector<256x256xf32>
    %swap3A_777 = arith.constant 1 : index
    %swap3A_778 = arith.constant 256 : index
    %swap3A_779 = arith.constant 256 : index
    %swap3A_780 = vector.load %arg19[%swap3A_777, %swap3A_778, %swap3A_779] : memref<4x1024x1024xf32, #tpu.memory_space<vmem>>, vector<1x256x256xf32>
    %swap3A_781 = vector.shape_cast %swap3A_780 : vector<1x256x256xf32> to vector<256x256xf32>
    %swap3A_782 = vector.shape_cast %select_n3A_776 : vector<256x256xf32> to vector<1x256x256xf32>
    tpu.vector_store %arg19[%swap3A_777, %swap3A_778, %swap3A_779], %swap3A_782 {strides = array<i32>} : memref<4x1024x1024xf32, #tpu.memory_space<vmem>>, vector<1x256x256xf32>,
    %get3A_783 = arith.constant 1 : index
    %get3A_784 = arith.constant 256 : index
    %get3A_785 = arith.constant 512 : index
    %get3A_786 = vector.load %arg0[%get3A_783, %get3A_784, %get3A_785] : memref<4x1024x1024xf32, #tpu.memory_space<vmem>>, vector<1x256x256xf32>
    %get3A_787 = vector.shape_cast %get3A_786 : vector<1x256x256xf32> to vector<256x256xf32>
    %get3A_788 = arith.constant 1 : index
    %get3A_789 = arith.constant 512 : index
    %get3A_790 = arith.constant 256 : index
    %get3A_791 = vector.load %arg0[%get3A_788, %get3A_789, %get3A_790] : memref<4x1024x1024xf32, #tpu.memory_space<vmem>>, vector<1x256x256xf32>
    %get3A_792 = vector.shape_cast %get3A_791 : vector<1x256x256xf32> to vector<256x256xf32>
    %transpose3A_793 = tpu.transpose %get3A_792, [1, 0] : vector<256x256xf32> -> vector<256x256xf32>
    %add3A_794 = arith.constant 256 : i32
    %add3A_795 = vector.broadcast %add3A_794 : i32 to vector<256x256xi32>
    %add3A_796 = arith.addi %iota3A, %add3A_795 : vector<256x256xi32>
    %add3A_797 = arith.constant 512 : i32
    %add3A_798 = vector.broadcast %add3A_797 : i32 to vector<256x256xi32>
    %add3A_799 = arith.addi %iota3A_0, %add3A_798 : vector<256x256xi32>
    %gt3A_800 = arith.cmpi sgt, %add3A_799, %add3A_796 : vector<256x256xi32>
    %jit3A_801 = arith.constant 0.000000e+00 : f32
    %broadcast_in_dim3A_802 = vector.broadcast %jit3A_801 : f32 to vector<256x256xf32>
    %select_n3A_803 = arith.select %gt3A_800, %get3A_787, %broadcast_in_dim3A_802 : vector<256x256xi1>, vector<256x256xf32>
    %lt3A_804 = arith.cmpi slt, %add3A_799, %add3A_796 : vector<256x256xi32>
    %jit3A_805 = arith.constant 0.000000e+00 : f32
    %broadcast_in_dim3A_806 = vector.broadcast %jit3A_805 : f32 to vector<256x256xf32>
    %select_n3A_807 = arith.select %lt3A_804, %transpose3A_793, %broadcast_in_dim3A_806 : vector<256x256xi1>, vector<256x256xf32>
    %add3A_808 = arith.addf %select_n3A_803, %select_n3A_807 : vector<256x256xf32>
    %eq3A_809 = arith.cmpi eq, %add3A_799, %add3A_796 : vector<256x256xi32>
    %jit3A_810 = arith.constant 0xFF800000 : f32
    %broadcast_in_dim3A_811 = vector.broadcast %jit3A_810 : f32 to vector<256x256xf32>
    %select_n3A_812 = arith.select %eq3A_809, %broadcast_in_dim3A_811, %add3A_808 : vector<256x256xi1>, vector<256x256xf32>
    %swap3A_813 = arith.constant 1 : index
    %swap3A_814 = arith.constant 256 : index
    %swap3A_815 = arith.constant 512 : index
    %swap3A_816 = vector.load %arg19[%swap3A_813, %swap3A_814, %swap3A_815] : memref<4x1024x1024xf32, #tpu.memory_space<vmem>>, vector<1x256x256xf32>
    %swap3A_817 = vector.shape_cast %swap3A_816 : vector<1x256x256xf32> to vector<256x256xf32>
    %swap3A_818 = vector.shape_cast %select_n3A_812 : vector<256x256xf32> to vector<1x256x256xf32>
    tpu.vector_store %arg19[%swap3A_813, %swap3A_814, %swap3A_815], %swap3A_818 {strides = array<i32>} : memref<4x1024x1024xf32, #tpu.memory_space<vmem>>, vector<1x256x256xf32>,
    %get3A_819 = arith.constant 1 : index
    %get3A_820 = arith.constant 256 : index
    %get3A_821 = arith.constant 768 : index
    %get3A_822 = vector.load %arg0[%get3A_819, %get3A_820, %get3A_821] : memref<4x1024x1024xf32, #tpu.memory_space<vmem>>, vector<1x256x256xf32>
    %get3A_823 = vector.shape_cast %get3A_822 : vector<1x256x256xf32> to vector<256x256xf32>
    %get3A_824 = arith.constant 1 : index
    %get3A_825 = arith.constant 768 : index
    %get3A_826 = arith.constant 256 : index
    %get3A_827 = vector.load %arg0[%get3A_824, %get3A_825, %get3A_826] : memref<4x1024x1024xf32, #tpu.memory_space<vmem>>, vector<1x256x256xf32>
    %get3A_828 = vector.shape_cast %get3A_827 : vector<1x256x256xf32> to vector<256x256xf32>
    %transpose3A_829 = tpu.transpose %get3A_828, [1, 0] : vector<256x256xf32> -> vector<256x256xf32>
    %add3A_830 = arith.constant 256 : i32
    %add3A_831 = vector.broadcast %add3A_830 : i32 to vector<256x256xi32>
    %add3A_832 = arith.addi %iota3A, %add3A_831 : vector<256x256xi32>
    %add3A_833 = arith.constant 768 : i32
    %add3A_834 = vector.broadcast %add3A_833 : i32 to vector<256x256xi32>
    %add3A_835 = arith.addi %iota3A_0, %add3A_834 : vector<256x256xi32>
    %gt3A_836 = arith.cmpi sgt, %add3A_835, %add3A_832 : vector<256x256xi32>
    %jit3A_837 = arith.constant 0.000000e+00 : f32
    %broadcast_in_dim3A_838 = vector.broadcast %jit3A_837 : f32 to vector<256x256xf32>
    %select_n3A_839 = arith.select %gt3A_836, %get3A_823, %broadcast_in_dim3A_838 : vector<256x256xi1>, vector<256x256xf32>
    %lt3A_840 = arith.cmpi slt, %add3A_835, %add3A_832 : vector<256x256xi32>
    %jit3A_841 = arith.constant 0.000000e+00 : f32
    %broadcast_in_dim3A_842 = vector.broadcast %jit3A_841 : f32 to vector<256x256xf32>
    %select_n3A_843 = arith.select %lt3A_840, %transpose3A_829, %broadcast_in_dim3A_842 : vector<256x256xi1>, vector<256x256xf32>
    %add3A_844 = arith.addf %select_n3A_839, %select_n3A_843 : vector<256x256xf32>
    %eq3A_845 = arith.cmpi eq, %add3A_835, %add3A_832 : vector<256x256xi32>
    %jit3A_846 = arith.constant 0xFF800000 : f32
    %broadcast_in_dim3A_847 = vector.broadcast %jit3A_846 : f32 to vector<256x256xf32>
    %select_n3A_848 = arith.select %eq3A_845, %broadcast_in_dim3A_847, %add3A_844 : vector<256x256xi1>, vector<256x256xf32>
    %swap3A_849 = arith.constant 1 : index
    %swap3A_850 = arith.constant 256 : index
    %swap3A_851 = arith.constant 768 : index
    %swap3A_852 = vector.load %arg19[%swap3A_849, %swap3A_850, %swap3A_851] : memref<4x1024x1024xf32, #tpu.memory_space<vmem>>, vector<1x256x256xf32>
    %swap3A_853 = vector.shape_cast %swap3A_852 : vector<1x256x256xf32> to vector<256x256xf32>
    %swap3A_854 = vector.shape_cast %select_n3A_848 : vector<256x256xf32> to vector<1x256x256xf32>
    tpu.vector_store %arg19[%swap3A_849, %swap3A_850, %swap3A_851], %swap3A_854 {strides = array<i32>} : memref<4x1024x1024xf32, #tpu.memory_space<vmem>>, vector<1x256x256xf32>,
    %get3A_855 = arith.constant 1 : index
    %get3A_856 = arith.constant 512 : index
    %get3A_857 = arith.constant 0 : index
    %get3A_858 = vector.load %arg0[%get3A_855, %get3A_856, %get3A_857] : memref<4x1024x1024xf32, #tpu.memory_space<vmem>>, vector<1x256x256xf32>
    %get3A_859 = vector.shape_cast %get3A_858 : vector<1x256x256xf32> to vector<256x256xf32>
    %get3A_860 = arith.constant 1 : index
    %get3A_861 = arith.constant 0 : index
    %get3A_862 = arith.constant 512 : index
    %get3A_863 = vector.load %arg0[%get3A_860, %get3A_861, %get3A_862] : memref<4x1024x1024xf32, #tpu.memory_space<vmem>>, vector<1x256x256xf32>
    %get3A_864 = vector.shape_cast %get3A_863 : vector<1x256x256xf32> to vector<256x256xf32>
    %transpose3A_865 = tpu.transpose %get3A_864, [1, 0] : vector<256x256xf32> -> vector<256x256xf32>
    %add3A_866 = arith.constant 512 : i32
    %add3A_867 = vector.broadcast %add3A_866 : i32 to vector<256x256xi32>
    %add3A_868 = arith.addi %iota3A, %add3A_867 : vector<256x256xi32>
    %add3A_869 = arith.constant 0 : i32
    %add3A_870 = vector.broadcast %add3A_869 : i32 to vector<256x256xi32>
    %add3A_871 = arith.addi %iota3A_0, %add3A_870 : vector<256x256xi32>
    %gt3A_872 = arith.cmpi sgt, %add3A_871, %add3A_868 : vector<256x256xi32>
    %jit3A_873 = arith.constant 0.000000e+00 : f32
    %broadcast_in_dim3A_874 = vector.broadcast %jit3A_873 : f32 to vector<256x256xf32>
    %select_n3A_875 = arith.select %gt3A_872, %get3A_859, %broadcast_in_dim3A_874 : vector<256x256xi1>, vector<256x256xf32>
    %lt3A_876 = arith.cmpi slt, %add3A_871, %add3A_868 : vector<256x256xi32>
    %jit3A_877 = arith.constant 0.000000e+00 : f32
    %broadcast_in_dim3A_878 = vector.broadcast %jit3A_877 : f32 to vector<256x256xf32>
    %select_n3A_879 = arith.select %lt3A_876, %transpose3A_865, %broadcast_in_dim3A_878 : vector<256x256xi1>, vector<256x256xf32>
    %add3A_880 = arith.addf %select_n3A_875, %select_n3A_879 : vector<256x256xf32>
    %eq3A_881 = arith.cmpi eq, %add3A_871, %add3A_868 : vector<256x256xi32>
    %jit3A_882 = arith.constant 0xFF800000 : f32
    %broadcast_in_dim3A_883 = vector.broadcast %jit3A_882 : f32 to vector<256x256xf32>
    %select_n3A_884 = arith.select %eq3A_881, %broadcast_in_dim3A_883, %add3A_880 : vector<256x256xi1>, vector<256x256xf32>
    %swap3A_885 = arith.constant 1 : index
    %swap3A_886 = arith.constant 512 : index
    %swap3A_887 = arith.constant 0 : index
    %swap3A_888 = vector.load %arg19[%swap3A_885, %swap3A_886, %swap3A_887] : memref<4x1024x1024xf32, #tpu.memory_space<vmem>>, vector<1x256x256xf32>
    %swap3A_889 = vector.shape_cast %swap3A_888 : vector<1x256x256xf32> to vector<256x256xf32>
    %swap3A_890 = vector.shape_cast %select_n3A_884 : vector<256x256xf32> to vector<1x256x256xf32>
    tpu.vector_store %arg19[%swap3A_885, %swap3A_886, %swap3A_887], %swap3A_890 {strides = array<i32>} : memref<4x1024x1024xf32, #tpu.memory_space<vmem>>, vector<1x256x256xf32>,
    %get3A_891 = arith.constant 1 : index
    %get3A_892 = arith.constant 512 : index
    %get3A_893 = arith.constant 256 : index
    %get3A_894 = vector.load %arg0[%get3A_891, %get3A_892, %get3A_893] : memref<4x1024x1024xf32, #tpu.memory_space<vmem>>, vector<1x256x256xf32>
    %get3A_895 = vector.shape_cast %get3A_894 : vector<1x256x256xf32> to vector<256x256xf32>
    %get3A_896 = arith.constant 1 : index
    %get3A_897 = arith.constant 256 : index
    %get3A_898 = arith.constant 512 : index
    %get3A_899 = vector.load %arg0[%get3A_896, %get3A_897, %get3A_898] : memref<4x1024x1024xf32, #tpu.memory_space<vmem>>, vector<1x256x256xf32>
    %get3A_900 = vector.shape_cast %get3A_899 : vector<1x256x256xf32> to vector<256x256xf32>
    %transpose3A_901 = tpu.transpose %get3A_900, [1, 0] : vector<256x256xf32> -> vector<256x256xf32>
    %add3A_902 = arith.constant 512 : i32
    %add3A_903 = vector.broadcast %add3A_902 : i32 to vector<256x256xi32>
    %add3A_904 = arith.addi %iota3A, %add3A_903 : vector<256x256xi32>
    %add3A_905 = arith.constant 256 : i32
    %add3A_906 = vector.broadcast %add3A_905 : i32 to vector<256x256xi32>
    %add3A_907 = arith.addi %iota3A_0, %add3A_906 : vector<256x256xi32>
    %gt3A_908 = arith.cmpi sgt, %add3A_907, %add3A_904 : vector<256x256xi32>
    %jit3A_909 = arith.constant 0.000000e+00 : f32
    %broadcast_in_dim3A_910 = vector.broadcast %jit3A_909 : f32 to vector<256x256xf32>
    %select_n3A_911 = arith.select %gt3A_908, %get3A_895, %broadcast_in_dim3A_910 : vector<256x256xi1>, vector<256x256xf32>
    %lt3A_912 = arith.cmpi slt, %add3A_907, %add3A_904 : vector<256x256xi32>
    %jit3A_913 = arith.constant 0.000000e+00 : f32
    %broadcast_in_dim3A_914 = vector.broadcast %jit3A_913 : f32 to vector<256x256xf32>
    %select_n3A_915 = arith.select %lt3A_912, %transpose3A_901, %broadcast_in_dim3A_914 : vector<256x256xi1>, vector<256x256xf32>
    %add3A_916 = arith.addf %select_n3A_911, %select_n3A_915 : vector<256x256xf32>
    %eq3A_917 = arith.cmpi eq, %add3A_907, %add3A_904 : vector<256x256xi32>
    %jit3A_918 = arith.constant 0xFF800000 : f32
    %broadcast_in_dim3A_919 = vector.broadcast %jit3A_918 : f32 to vector<256x256xf32>
    %select_n3A_920 = arith.select %eq3A_917, %broadcast_in_dim3A_919, %add3A_916 : vector<256x256xi1>, vector<256x256xf32>
    %swap3A_921 = arith.constant 1 : index
    %swap3A_922 = arith.constant 512 : index
    %swap3A_923 = arith.constant 256 : index
    %swap3A_924 = vector.load %arg19[%swap3A_921, %swap3A_922, %swap3A_923] : memref<4x1024x1024xf32, #tpu.memory_space<vmem>>, vector<1x256x256xf32>
    %swap3A_925 = vector.shape_cast %swap3A_924 : vector<1x256x256xf32> to vector<256x256xf32>
    %swap3A_926 = vector.shape_cast %select_n3A_920 : vector<256x256xf32> to vector<1x256x256xf32>
    tpu.vector_store %arg19[%swap3A_921, %swap3A_922, %swap3A_923], %swap3A_926 {strides = array<i32>} : memref<4x1024x1024xf32, #tpu.memory_space<vmem>>, vector<1x256x256xf32>,
    %get3A_927 = arith.constant 1 : index
    %get3A_928 = arith.constant 512 : index
    %get3A_929 = arith.constant 512 : index
    %get3A_930 = vector.load %arg0[%get3A_927, %get3A_928, %get3A_929] : memref<4x1024x1024xf32, #tpu.memory_space<vmem>>, vector<1x256x256xf32>
    %get3A_931 = vector.shape_cast %get3A_930 : vector<1x256x256xf32> to vector<256x256xf32>
    %get3A_932 = arith.constant 1 : index
    %get3A_933 = arith.constant 512 : index
    %get3A_934 = arith.constant 512 : index
    %get3A_935 = vector.load %arg0[%get3A_932, %get3A_933, %get3A_934] : memref<4x1024x1024xf32, #tpu.memory_space<vmem>>, vector<1x256x256xf32>
    %get3A_936 = vector.shape_cast %get3A_935 : vector<1x256x256xf32> to vector<256x256xf32>
    %transpose3A_937 = tpu.transpose %get3A_936, [1, 0] : vector<256x256xf32> -> vector<256x256xf32>
    %add3A_938 = arith.constant 512 : i32
    %add3A_939 = vector.broadcast %add3A_938 : i32 to vector<256x256xi32>
    %add3A_940 = arith.addi %iota3A, %add3A_939 : vector<256x256xi32>
    %add3A_941 = arith.constant 512 : i32
    %add3A_942 = vector.broadcast %add3A_941 : i32 to vector<256x256xi32>
    %add3A_943 = arith.addi %iota3A_0, %add3A_942 : vector<256x256xi32>
    %gt3A_944 = arith.cmpi sgt, %add3A_943, %add3A_940 : vector<256x256xi32>
    %jit3A_945 = arith.constant 0.000000e+00 : f32
    %broadcast_in_dim3A_946 = vector.broadcast %jit3A_945 : f32 to vector<256x256xf32>
    %select_n3A_947 = arith.select %gt3A_944, %get3A_931, %broadcast_in_dim3A_946 : vector<256x256xi1>, vector<256x256xf32>
    %lt3A_948 = arith.cmpi slt, %add3A_943, %add3A_940 : vector<256x256xi32>
    %jit3A_949 = arith.constant 0.000000e+00 : f32
    %broadcast_in_dim3A_950 = vector.broadcast %jit3A_949 : f32 to vector<256x256xf32>
    %select_n3A_951 = arith.select %lt3A_948, %transpose3A_937, %broadcast_in_dim3A_950 : vector<256x256xi1>, vector<256x256xf32>
    %add3A_952 = arith.addf %select_n3A_947, %select_n3A_951 : vector<256x256xf32>
    %eq3A_953 = arith.cmpi eq, %add3A_943, %add3A_940 : vector<256x256xi32>
    %jit3A_954 = arith.constant 0xFF800000 : f32
    %broadcast_in_dim3A_955 = vector.broadcast %jit3A_954 : f32 to vector<256x256xf32>
    %select_n3A_956 = arith.select %eq3A_953, %broadcast_in_dim3A_955, %add3A_952 : vector<256x256xi1>, vector<256x256xf32>
    %swap3A_957 = arith.constant 1 : index
    %swap3A_958 = arith.constant 512 : index
    %swap3A_959 = arith.constant 512 : index
    %swap3A_960 = vector.load %arg19[%swap3A_957, %swap3A_958, %swap3A_959] : memref<4x1024x1024xf32, #tpu.memory_space<vmem>>, vector<1x256x256xf32>
    %swap3A_961 = vector.shape_cast %swap3A_960 : vector<1x256x256xf32> to vector<256x256xf32>
    %swap3A_962 = vector.shape_cast %select_n3A_956 : vector<256x256xf32> to vector<1x256x256xf32>
    tpu.vector_store %arg19[%swap3A_957, %swap3A_958, %swap3A_959], %swap3A_962 {strides = array<i32>} : memref<4x1024x1024xf32, #tpu.memory_space<vmem>>, vector<1x256x256xf32>,
    %get3A_963 = arith.constant 1 : index
    %get3A_964 = arith.constant 512 : index
    %get3A_965 = arith.constant 768 : index
    %get3A_966 = vector.load %arg0[%get3A_963, %get3A_964, %get3A_965] : memref<4x1024x1024xf32, #tpu.memory_space<vmem>>, vector<1x256x256xf32>
    %get3A_967 = vector.shape_cast %get3A_966 : vector<1x256x256xf32> to vector<256x256xf32>
    %get3A_968 = arith.constant 1 : index
    %get3A_969 = arith.constant 768 : index
    %get3A_970 = arith.constant 512 : index
    %get3A_971 = vector.load %arg0[%get3A_968, %get3A_969, %get3A_970] : memref<4x1024x1024xf32, #tpu.memory_space<vmem>>, vector<1x256x256xf32>
    %get3A_972 = vector.shape_cast %get3A_971 : vector<1x256x256xf32> to vector<256x256xf32>
    %transpose3A_973 = tpu.transpose %get3A_972, [1, 0] : vector<256x256xf32> -> vector<256x256xf32>
    %add3A_974 = arith.constant 512 : i32
    %add3A_975 = vector.broadcast %add3A_974 : i32 to vector<256x256xi32>
    %add3A_976 = arith.addi %iota3A, %add3A_975 : vector<256x256xi32>
    %add3A_977 = arith.constant 768 : i32
    %add3A_978 = vector.broadcast %add3A_977 : i32 to vector<256x256xi32>
    %add3A_979 = arith.addi %iota3A_0, %add3A_978 : vector<256x256xi32>
    %gt3A_980 = arith.cmpi sgt, %add3A_979, %add3A_976 : vector<256x256xi32>
    %jit3A_981 = arith.constant 0.000000e+00 : f32
    %broadcast_in_dim3A_982 = vector.broadcast %jit3A_981 : f32 to vector<256x256xf32>
    %select_n3A_983 = arith.select %gt3A_980, %get3A_967, %broadcast_in_dim3A_982 : vector<256x256xi1>, vector<256x256xf32>
    %lt3A_984 = arith.cmpi slt, %add3A_979, %add3A_976 : vector<256x256xi32>
    %jit3A_985 = arith.constant 0.000000e+00 : f32
    %broadcast_in_dim3A_986 = vector.broadcast %jit3A_985 : f32 to vector<256x256xf32>
    %select_n3A_987 = arith.select %lt3A_984, %transpose3A_973, %broadcast_in_dim3A_986 : vector<256x256xi1>, vector<256x256xf32>
    %add3A_988 = arith.addf %select_n3A_983, %select_n3A_987 : vector<256x256xf32>
    %eq3A_989 = arith.cmpi eq, %add3A_979, %add3A_976 : vector<256x256xi32>
    %jit3A_990 = arith.constant 0xFF800000 : f32
    %broadcast_in_dim3A_991 = vector.broadcast %jit3A_990 : f32 to vector<256x256xf32>
    %select_n3A_992 = arith.select %eq3A_989, %broadcast_in_dim3A_991, %add3A_988 : vector<256x256xi1>, vector<256x256xf32>
    %swap3A_993 = arith.constant 1 : index
    %swap3A_994 = arith.constant 512 : index
    %swap3A_995 = arith.constant 768 : index
    %swap3A_996 = vector.load %arg19[%swap3A_993, %swap3A_994, %swap3A_995] : memref<4x1024x1024xf32, #tpu.memory_space<vmem>>, vector<1x256x256xf32>
    %swap3A_997 = vector.shape_cast %swap3A_996 : vector<1x256x256xf32> to vector<256x256xf32>
    %swap3A_998 = vector.shape_cast %select_n3A_992 : vector<256x256xf32> to vector<1x256x256xf32>
    tpu.vector_store %arg19[%swap3A_993, %swap3A_994, %swap3A_995], %swap3A_998 {strides = array<i32>} : memref<4x1024x1024xf32, #tpu.memory_space<vmem>>, vector<1x256x256xf32>,
    %get3A_999 = arith.constant 1 : index
    %get3A_1000 = arith.constant 768 : index
    %get3A_1001 = arith.constant 0 : index
    %get3A_1002 = vector.load %arg0[%get3A_999, %get3A_1000, %get3A_1001] : memref<4x1024x1024xf32, #tpu.memory_space<vmem>>, vector<1x256x256xf32>
    %get3A_1003 = vector.shape_cast %get3A_1002 : vector<1x256x256xf32> to vector<256x256xf32>
    %get3A_1004 = arith.constant 1 : index
    %get3A_1005 = arith.constant 0 : index
    %get3A_1006 = arith.constant 768 : index
    %get3A_1007 = vector.load %arg0[%get3A_1004, %get3A_1005, %get3A_1006] : memref<4x1024x1024xf32, #tpu.memory_space<vmem>>, vector<1x256x256xf32>
    %get3A_1008 = vector.shape_cast %get3A_1007 : vector<1x256x256xf32> to vector<256x256xf32>
    %transpose3A_1009 = tpu.transpose %get3A_1008, [1, 0] : vector<256x256xf32> -> vector<256x256xf32>
    %add3A_1010 = arith.constant 768 : i32
    %add3A_1011 = vector.broadcast %add3A_1010 : i32 to vector<256x256xi32>
    %add3A_1012 = arith.addi %iota3A, %add3A_1011 : vector<256x256xi32>
    %add3A_1013 = arith.constant 0 : i32
    %add3A_1014 = vector.broadcast %add3A_1013 : i32 to vector<256x256xi32>
    %add3A_1015 = arith.addi %iota3A_0, %add3A_1014 : vector<256x256xi32>
    %gt3A_1016 = arith.cmpi sgt, %add3A_1015, %add3A_1012 : vector<256x256xi32>
    %jit3A_1017 = arith.constant 0.000000e+00 : f32
    %broadcast_in_dim3A_1018 = vector.broadcast %jit3A_1017 : f32 to vector<256x256xf32>
    %select_n3A_1019 = arith.select %gt3A_1016, %get3A_1003, %broadcast_in_dim3A_1018 : vector<256x256xi1>, vector<256x256xf32>
    %lt3A_1020 = arith.cmpi slt, %add3A_1015, %add3A_1012 : vector<256x256xi32>
    %jit3A_1021 = arith.constant 0.000000e+00 : f32
    %broadcast_in_dim3A_1022 = vector.broadcast %jit3A_1021 : f32 to vector<256x256xf32>
    %select_n3A_1023 = arith.select %lt3A_1020, %transpose3A_1009, %broadcast_in_dim3A_1022 : vector<256x256xi1>, vector<256x256xf32>
    %add3A_1024 = arith.addf %select_n3A_1019, %select_n3A_1023 : vector<256x256xf32>
    %eq3A_1025 = arith.cmpi eq, %add3A_1015, %add3A_1012 : vector<256x256xi32>
    %jit3A_1026 = arith.constant 0xFF800000 : f32
    %broadcast_in_dim3A_1027 = vector.broadcast %jit3A_1026 : f32 to vector<256x256xf32>
    %select_n3A_1028 = arith.select %eq3A_1025, %broadcast_in_dim3A_1027, %add3A_1024 : vector<256x256xi1>, vector<256x256xf32>
    %swap3A_1029 = arith.constant 1 : index
    %swap3A_1030 = arith.constant 768 : index
    %swap3A_1031 = arith.constant 0 : index
    %swap3A_1032 = vector.load %arg19[%swap3A_1029, %swap3A_1030, %swap3A_1031] : memref<4x1024x1024xf32, #tpu.memory_space<vmem>>, vector<1x256x256xf32>
    %swap3A_1033 = vector.shape_cast %swap3A_1032 : vector<1x256x256xf32> to vector<256x256xf32>
    %swap3A_1034 = vector.shape_cast %select_n3A_1028 : vector<256x256xf32> to vector<1x256x256xf32>
    tpu.vector_store %arg19[%swap3A_1029, %swap3A_1030, %swap3A_1031], %swap3A_1034 {strides = array<i32>} : memref<4x1024x1024xf32, #tpu.memory_space<vmem>>, vector<1x256x256xf32>,
    %get3A_1035 = arith.constant 1 : index
    %get3A_1036 = arith.constant 768 : index
    %get3A_1037 = arith.constant 256 : index
    %get3A_1038 = vector.load %arg0[%get3A_1035, %get3A_1036, %get3A_1037] : memref<4x1024x1024xf32, #tpu.memory_space<vmem>>, vector<1x256x256xf32>
    %get3A_1039 = vector.shape_cast %get3A_1038 : vector<1x256x256xf32> to vector<256x256xf32>
    %get3A_1040 = arith.constant 1 : index
    %get3A_1041 = arith.constant 256 : index
    %get3A_1042 = arith.constant 768 : index
    %get3A_1043 = vector.load %arg0[%get3A_1040, %get3A_1041, %get3A_1042] : memref<4x1024x1024xf32, #tpu.memory_space<vmem>>, vector<1x256x256xf32>
    %get3A_1044 = vector.shape_cast %get3A_1043 : vector<1x256x256xf32> to vector<256x256xf32>
    %transpose3A_1045 = tpu.transpose %get3A_1044, [1, 0] : vector<256x256xf32> -> vector<256x256xf32>
    %add3A_1046 = arith.constant 768 : i32
    %add3A_1047 = vector.broadcast %add3A_1046 : i32 to vector<256x256xi32>
    %add3A_1048 = arith.addi %iota3A, %add3A_1047 : vector<256x256xi32>
    %add3A_1049 = arith.constant 256 : i32
    %add3A_1050 = vector.broadcast %add3A_1049 : i32 to vector<256x256xi32>
    %add3A_1051 = arith.addi %iota3A_0, %add3A_1050 : vector<256x256xi32>
    %gt3A_1052 = arith.cmpi sgt, %add3A_1051, %add3A_1048 : vector<256x256xi32>
    %jit3A_1053 = arith.constant 0.000000e+00 : f32
    %broadcast_in_dim3A_1054 = vector.broadcast %jit3A_1053 : f32 to vector<256x256xf32>
    %select_n3A_1055 = arith.select %gt3A_1052, %get3A_1039, %broadcast_in_dim3A_1054 : vector<256x256xi1>, vector<256x256xf32>
    %lt3A_1056 = arith.cmpi slt, %add3A_1051, %add3A_1048 : vector<256x256xi32>
    %jit3A_1057 = arith.constant 0.000000e+00 : f32
    %broadcast_in_dim3A_1058 = vector.broadcast %jit3A_1057 : f32 to vector<256x256xf32>
    %select_n3A_1059 = arith.select %lt3A_1056, %transpose3A_1045, %broadcast_in_dim3A_1058 : vector<256x256xi1>, vector<256x256xf32>
    %add3A_1060 = arith.addf %select_n3A_1055, %select_n3A_1059 : vector<256x256xf32>
    %eq3A_1061 = arith.cmpi eq, %add3A_1051, %add3A_1048 : vector<256x256xi32>
    %jit3A_1062 = arith.constant 0xFF800000 : f32
    %broadcast_in_dim3A_1063 = vector.broadcast %jit3A_1062 : f32 to vector<256x256xf32>
    %select_n3A_1064 = arith.select %eq3A_1061, %broadcast_in_dim3A_1063, %add3A_1060 : vector<256x256xi1>, vector<256x256xf32>
    %swap3A_1065 = arith.constant 1 : index
    %swap3A_1066 = arith.constant 768 : index
    %swap3A_1067 = arith.constant 256 : index
    %swap3A_1068 = vector.load %arg19[%swap3A_1065, %swap3A_1066, %swap3A_1067] : memref<4x1024x1024xf32, #tpu.memory_space<vmem>>, vector<1x256x256xf32>
    %swap3A_1069 = vector.shape_cast %swap3A_1068 : vector<1x256x256xf32> to vector<256x256xf32>
    %swap3A_1070 = vector.shape_cast %select_n3A_1064 : vector<256x256xf32> to vector<1x256x256xf32>
    tpu.vector_store %arg19[%swap3A_1065, %swap3A_1066, %swap3A_1067], %swap3A_1070 {strides = array<i32>} : memref<4x1024x1024xf32, #tpu.memory_space<vmem>>, vector<1x256x256xf32>,
    %get3A_1071 = arith.constant 1 : index
    %get3A_1072 = arith.constant 768 : index
    %get3A_1073 = arith.constant 512 : index
    %get3A_1074 = vector.load %arg0[%get3A_1071, %get3A_1072, %get3A_1073] : memref<4x1024x1024xf32, #tpu.memory_space<vmem>>, vector<1x256x256xf32>
    %get3A_1075 = vector.shape_cast %get3A_1074 : vector<1x256x256xf32> to vector<256x256xf32>
    %get3A_1076 = arith.constant 1 : index
    %get3A_1077 = arith.constant 512 : index
    %get3A_1078 = arith.constant 768 : index
    %get3A_1079 = vector.load %arg0[%get3A_1076, %get3A_1077, %get3A_1078] : memref<4x1024x1024xf32, #tpu.memory_space<vmem>>, vector<1x256x256xf32>
    %get3A_1080 = vector.shape_cast %get3A_1079 : vector<1x256x256xf32> to vector<256x256xf32>
    %transpose3A_1081 = tpu.transpose %get3A_1080, [1, 0] : vector<256x256xf32> -> vector<256x256xf32>
    %add3A_1082 = arith.constant 768 : i32
    %add3A_1083 = vector.broadcast %add3A_1082 : i32 to vector<256x256xi32>
    %add3A_1084 = arith.addi %iota3A, %add3A_1083 : vector<256x256xi32>
    %add3A_1085 = arith.constant 512 : i32
    %add3A_1086 = vector.broadcast %add3A_1085 : i32 to vector<256x256xi32>
    %add3A_1087 = arith.addi %iota3A_0, %add3A_1086 : vector<256x256xi32>
    %gt3A_1088 = arith.cmpi sgt, %add3A_1087, %add3A_1084 : vector<256x256xi32>
    %jit3A_1089 = arith.constant 0.000000e+00 : f32
    %broadcast_in_dim3A_1090 = vector.broadcast %jit3A_1089 : f32 to vector<256x256xf32>
    %select_n3A_1091 = arith.select %gt3A_1088, %get3A_1075, %broadcast_in_dim3A_1090 : vector<256x256xi1>, vector<256x256xf32>
    %lt3A_1092 = arith.cmpi slt, %add3A_1087, %add3A_1084 : vector<256x256xi32>
    %jit3A_1093 = arith.constant 0.000000e+00 : f32
    %broadcast_in_dim3A_1094 = vector.broadcast %jit3A_1093 : f32 to vector<256x256xf32>
    %select_n3A_1095 = arith.select %lt3A_1092, %transpose3A_1081, %broadcast_in_dim3A_1094 : vector<256x256xi1>, vector<256x256xf32>
    %add3A_1096 = arith.addf %select_n3A_1091, %select_n3A_1095 : vector<256x256xf32>
    %eq3A_1097 = arith.cmpi eq, %add3A_1087, %add3A_1084 : vector<256x256xi32>
    %jit3A_1098 = arith.constant 0xFF800000 : f32
    %broadcast_in_dim3A_1099 = vector.broadcast %jit3A_1098 : f32 to vector<256x256xf32>
    %select_n3A_1100 = arith.select %eq3A_1097, %broadcast_in_dim3A_1099, %add3A_1096 : vector<256x256xi1>, vector<256x256xf32>
    %swap3A_1101 = arith.constant 1 : index
    %swap3A_1102 = arith.constant 768 : index
    %swap3A_1103 = arith.constant 512 : index
    %swap3A_1104 = vector.load %arg19[%swap3A_1101, %swap3A_1102, %swap3A_1103] : memref<4x1024x1024xf32, #tpu.memory_space<vmem>>, vector<1x256x256xf32>
    %swap3A_1105 = vector.shape_cast %swap3A_1104 : vector<1x256x256xf32> to vector<256x256xf32>
    %swap3A_1106 = vector.shape_cast %select_n3A_1100 : vector<256x256xf32> to vector<1x256x256xf32>
    tpu.vector_store %arg19[%swap3A_1101, %swap3A_1102, %swap3A_1103], %swap3A_1106 {strides = array<i32>} : memref<4x1024x1024xf32, #tpu.memory_space<vmem>>, vector<1x256x256xf32>,
    %get3A_1107 = arith.constant 1 : index
    %get3A_1108 = arith.constant 768 : index
    %get3A_1109 = arith.constant 768 : index
    %get3A_1110 = vector.load %arg0[%get3A_1107, %get3A_1108, %get3A_1109] : memref<4x1024x1024xf32, #tpu.memory_space<vmem>>, vector<1x256x256xf32>
    %get3A_1111 = vector.shape_cast %get3A_1110 : vector<1x256x256xf32> to vector<256x256xf32>
    %get3A_1112 = arith.constant 1 : index
    %get3A_1113 = arith.constant 768 : index
    %get3A_1114 = arith.constant 768 : index
    %get3A_1115 = vector.load %arg0[%get3A_1112, %get3A_1113, %get3A_1114] : memref<4x1024x1024xf32, #tpu.memory_space<vmem>>, vector<1x256x256xf32>
    %get3A_1116 = vector.shape_cast %get3A_1115 : vector<1x256x256xf32> to vector<256x256xf32>
    %transpose3A_1117 = tpu.transpose %get3A_1116, [1, 0] : vector<256x256xf32> -> vector<256x256xf32>
    %add3A_1118 = arith.constant 768 : i32
    %add3A_1119 = vector.broadcast %add3A_1118 : i32 to vector<256x256xi32>
    %add3A_1120 = arith.addi %iota3A, %add3A_1119 : vector<256x256xi32>
    %add3A_1121 = arith.constant 768 : i32
    %add3A_1122 = vector.broadcast %add3A_1121 : i32 to vector<256x256xi32>
    %add3A_1123 = arith.addi %iota3A_0, %add3A_1122 : vector<256x256xi32>
    %gt3A_1124 = arith.cmpi sgt, %add3A_1123, %add3A_1120 : vector<256x256xi32>
    %jit3A_1125 = arith.constant 0.000000e+00 : f32
    %broadcast_in_dim3A_1126 = vector.broadcast %jit3A_1125 : f32 to vector<256x256xf32>
    %select_n3A_1127 = arith.select %gt3A_1124, %get3A_1111, %broadcast_in_dim3A_1126 : vector<256x256xi1>, vector<256x256xf32>
    %lt3A_1128 = arith.cmpi slt, %add3A_1123, %add3A_1120 : vector<256x256xi32>
    %jit3A_1129 = arith.constant 0.000000e+00 : f32
    %broadcast_in_dim3A_1130 = vector.broadcast %jit3A_1129 : f32 to vector<256x256xf32>
    %select_n3A_1131 = arith.select %lt3A_1128, %transpose3A_1117, %broadcast_in_dim3A_1130 : vector<256x256xi1>, vector<256x256xf32>
    %add3A_1132 = arith.addf %select_n3A_1127, %select_n3A_1131 : vector<256x256xf32>
    %eq3A_1133 = arith.cmpi eq, %add3A_1123, %add3A_1120 : vector<256x256xi32>
    %jit3A_1134 = arith.constant 0xFF800000 : f32
    %broadcast_in_dim3A_1135 = vector.broadcast %jit3A_1134 : f32 to vector<256x256xf32>
    %select_n3A_1136 = arith.select %eq3A_1133, %broadcast_in_dim3A_1135, %add3A_1132 : vector<256x256xi1>, vector<256x256xf32>
    %swap3A_1137 = arith.constant 1 : index
    %swap3A_1138 = arith.constant 768 : index
    %swap3A_1139 = arith.constant 768 : index
    %swap3A_1140 = vector.load %arg19[%swap3A_1137, %swap3A_1138, %swap3A_1139] : memref<4x1024x1024xf32, #tpu.memory_space<vmem>>, vector<1x256x256xf32>
    %swap3A_1141 = vector.shape_cast %swap3A_1140 : vector<1x256x256xf32> to vector<256x256xf32>
    %swap3A_1142 = vector.shape_cast %select_n3A_1136 : vector<256x256xf32> to vector<1x256x256xf32>
    tpu.vector_store %arg19[%swap3A_1137, %swap3A_1138, %swap3A_1139], %swap3A_1142 {strides = array<i32>} : memref<4x1024x1024xf32, #tpu.memory_space<vmem>>, vector<1x256x256xf32>,
    %get3A_1143 = arith.constant 2 : index
    %get3A_1144 = arith.constant 0 : index
    %get3A_1145 = arith.constant 0 : index
    %get3A_1146 = vector.load %arg0[%get3A_1143, %get3A_1144, %get3A_1145] : memref<4x1024x1024xf32, #tpu.memory_space<vmem>>, vector<1x256x256xf32>
    %get3A_1147 = vector.shape_cast %get3A_1146 : vector<1x256x256xf32> to vector<256x256xf32>
    %get3A_1148 = arith.constant 2 : index
    %get3A_1149 = arith.constant 0 : index
    %get3A_1150 = arith.constant 0 : index
    %get3A_1151 = vector.load %arg0[%get3A_1148, %get3A_1149, %get3A_1150] : memref<4x1024x1024xf32, #tpu.memory_space<vmem>>, vector<1x256x256xf32>
    %get3A_1152 = vector.shape_cast %get3A_1151 : vector<1x256x256xf32> to vector<256x256xf32>
    %transpose3A_1153 = tpu.transpose %get3A_1152, [1, 0] : vector<256x256xf32> -> vector<256x256xf32>
    %add3A_1154 = arith.constant 0 : i32
    %add3A_1155 = vector.broadcast %add3A_1154 : i32 to vector<256x256xi32>
    %add3A_1156 = arith.addi %iota3A, %add3A_1155 : vector<256x256xi32>
    %add3A_1157 = arith.constant 0 : i32
    %add3A_1158 = vector.broadcast %add3A_1157 : i32 to vector<256x256xi32>
    %add3A_1159 = arith.addi %iota3A_0, %add3A_1158 : vector<256x256xi32>
    %gt3A_1160 = arith.cmpi sgt, %add3A_1159, %add3A_1156 : vector<256x256xi32>
    %jit3A_1161 = arith.constant 0.000000e+00 : f32
    %broadcast_in_dim3A_1162 = vector.broadcast %jit3A_1161 : f32 to vector<256x256xf32>
    %select_n3A_1163 = arith.select %gt3A_1160, %get3A_1147, %broadcast_in_dim3A_1162 : vector<256x256xi1>, vector<256x256xf32>
    %lt3A_1164 = arith.cmpi slt, %add3A_1159, %add3A_1156 : vector<256x256xi32>
    %jit3A_1165 = arith.constant 0.000000e+00 : f32
    %broadcast_in_dim3A_1166 = vector.broadcast %jit3A_1165 : f32 to vector<256x256xf32>
    %select_n3A_1167 = arith.select %lt3A_1164, %transpose3A_1153, %broadcast_in_dim3A_1166 : vector<256x256xi1>, vector<256x256xf32>
    %add3A_1168 = arith.addf %select_n3A_1163, %select_n3A_1167 : vector<256x256xf32>
    %eq3A_1169 = arith.cmpi eq, %add3A_1159, %add3A_1156 : vector<256x256xi32>
    %jit3A_1170 = arith.constant 0xFF800000 : f32
    %broadcast_in_dim3A_1171 = vector.broadcast %jit3A_1170 : f32 to vector<256x256xf32>
    %select_n3A_1172 = arith.select %eq3A_1169, %broadcast_in_dim3A_1171, %add3A_1168 : vector<256x256xi1>, vector<256x256xf32>
    %swap3A_1173 = arith.constant 2 : index
    %swap3A_1174 = arith.constant 0 : index
    %swap3A_1175 = arith.constant 0 : index
    %swap3A_1176 = vector.load %arg19[%swap3A_1173, %swap3A_1174, %swap3A_1175] : memref<4x1024x1024xf32, #tpu.memory_space<vmem>>, vector<1x256x256xf32>
    %swap3A_1177 = vector.shape_cast %swap3A_1176 : vector<1x256x256xf32> to vector<256x256xf32>
    %swap3A_1178 = vector.shape_cast %select_n3A_1172 : vector<256x256xf32> to vector<1x256x256xf32>
    tpu.vector_store %arg19[%swap3A_1173, %swap3A_1174, %swap3A_1175], %swap3A_1178 {strides = array<i32>} : memref<4x1024x1024xf32, #tpu.memory_space<vmem>>, vector<1x256x256xf32>,
    %get3A_1179 = arith.constant 2 : index
    %get3A_1180 = arith.constant 0 : index
    %get3A_1181 = arith.constant 256 : index
    %get3A_1182 = vector.load %arg0[%get3A_1179, %get3A_1180, %get3A_1181] : memref<4x1024x1024xf32, #tpu.memory_space<vmem>>, vector<1x256x256xf32>
    %get3A_1183 = vector.shape_cast %get3A_1182 : vector<1x256x256xf32> to vector<256x256xf32>
    %get3A_1184 = arith.constant 2 : index
    %get3A_1185 = arith.constant 256 : index
    %get3A_1186 = arith.constant 0 : index
    %get3A_1187 = vector.load %arg0[%get3A_1184, %get3A_1185, %get3A_1186] : memref<4x1024x1024xf32, #tpu.memory_space<vmem>>, vector<1x256x256xf32>
    %get3A_1188 = vector.shape_cast %get3A_1187 : vector<1x256x256xf32> to vector<256x256xf32>
    %transpose3A_1189 = tpu.transpose %get3A_1188, [1, 0] : vector<256x256xf32> -> vector<256x256xf32>
    %add3A_1190 = arith.constant 0 : i32
    %add3A_1191 = vector.broadcast %add3A_1190 : i32 to vector<256x256xi32>
    %add3A_1192 = arith.addi %iota3A, %add3A_1191 : vector<256x256xi32>
    %add3A_1193 = arith.constant 256 : i32
    %add3A_1194 = vector.broadcast %add3A_1193 : i32 to vector<256x256xi32>
    %add3A_1195 = arith.addi %iota3A_0, %add3A_1194 : vector<256x256xi32>
    %gt3A_1196 = arith.cmpi sgt, %add3A_1195, %add3A_1192 : vector<256x256xi32>
    %jit3A_1197 = arith.constant 0.000000e+00 : f32
    %broadcast_in_dim3A_1198 = vector.broadcast %jit3A_1197 : f32 to vector<256x256xf32>
    %select_n3A_1199 = arith.select %gt3A_1196, %get3A_1183, %broadcast_in_dim3A_1198 : vector<256x256xi1>, vector<256x256xf32>
    %lt3A_1200 = arith.cmpi slt, %add3A_1195, %add3A_1192 : vector<256x256xi32>
    %jit3A_1201 = arith.constant 0.000000e+00 : f32
    %broadcast_in_dim3A_1202 = vector.broadcast %jit3A_1201 : f32 to vector<256x256xf32>
    %select_n3A_1203 = arith.select %lt3A_1200, %transpose3A_1189, %broadcast_in_dim3A_1202 : vector<256x256xi1>, vector<256x256xf32>
    %add3A_1204 = arith.addf %select_n3A_1199, %select_n3A_1203 : vector<256x256xf32>
    %eq3A_1205 = arith.cmpi eq, %add3A_1195, %add3A_1192 : vector<256x256xi32>
    %jit3A_1206 = arith.constant 0xFF800000 : f32
    %broadcast_in_dim3A_1207 = vector.broadcast %jit3A_1206 : f32 to vector<256x256xf32>
    %select_n3A_1208 = arith.select %eq3A_1205, %broadcast_in_dim3A_1207, %add3A_1204 : vector<256x256xi1>, vector<256x256xf32>
    %swap3A_1209 = arith.constant 2 : index
    %swap3A_1210 = arith.constant 0 : index
    %swap3A_1211 = arith.constant 256 : index
    %swap3A_1212 = vector.load %arg19[%swap3A_1209, %swap3A_1210, %swap3A_1211] : memref<4x1024x1024xf32, #tpu.memory_space<vmem>>, vector<1x256x256xf32>
    %swap3A_1213 = vector.shape_cast %swap3A_1212 : vector<1x256x256xf32> to vector<256x256xf32>
    %swap3A_1214 = vector.shape_cast %select_n3A_1208 : vector<256x256xf32> to vector<1x256x256xf32>
    tpu.vector_store %arg19[%swap3A_1209, %swap3A_1210, %swap3A_1211], %swap3A_1214 {strides = array<i32>} : memref<4x1024x1024xf32, #tpu.memory_space<vmem>>, vector<1x256x256xf32>,
    %get3A_1215 = arith.constant 2 : index
    %get3A_1216 = arith.constant 0 : index
    %get3A_1217 = arith.constant 512 : index
    %get3A_1218 = vector.load %arg0[%get3A_1215, %get3A_1216, %get3A_1217] : memref<4x1024x1024xf32, #tpu.memory_space<vmem>>, vector<1x256x256xf32>
    %get3A_1219 = vector.shape_cast %get3A_1218 : vector<1x256x256xf32> to vector<256x256xf32>
    %get3A_1220 = arith.constant 2 : index
    %get3A_1221 = arith.constant 512 : index
    %get3A_1222 = arith.constant 0 : index
    %get3A_1223 = vector.load %arg0[%get3A_1220, %get3A_1221, %get3A_1222] : memref<4x1024x1024xf32, #tpu.memory_space<vmem>>, vector<1x256x256xf32>
    %get3A_1224 = vector.shape_cast %get3A_1223 : vector<1x256x256xf32> to vector<256x256xf32>
    %transpose3A_1225 = tpu.transpose %get3A_1224, [1, 0] : vector<256x256xf32> -> vector<256x256xf32>
    %add3A_1226 = arith.constant 0 : i32
    %add3A_1227 = vector.broadcast %add3A_1226 : i32 to vector<256x256xi32>
    %add3A_1228 = arith.addi %iota3A, %add3A_1227 : vector<256x256xi32>
    %add3A_1229 = arith.constant 512 : i32
    %add3A_1230 = vector.broadcast %add3A_1229 : i32 to vector<256x256xi32>
    %add3A_1231 = arith.addi %iota3A_0, %add3A_1230 : vector<256x256xi32>
    %gt3A_1232 = arith.cmpi sgt, %add3A_1231, %add3A_1228 : vector<256x256xi32>
    %jit3A_1233 = arith.constant 0.000000e+00 : f32
    %broadcast_in_dim3A_1234 = vector.broadcast %jit3A_1233 : f32 to vector<256x256xf32>
    %select_n3A_1235 = arith.select %gt3A_1232, %get3A_1219, %broadcast_in_dim3A_1234 : vector<256x256xi1>, vector<256x256xf32>
    %lt3A_1236 = arith.cmpi slt, %add3A_1231, %add3A_1228 : vector<256x256xi32>
    %jit3A_1237 = arith.constant 0.000000e+00 : f32
    %broadcast_in_dim3A_1238 = vector.broadcast %jit3A_1237 : f32 to vector<256x256xf32>
    %select_n3A_1239 = arith.select %lt3A_1236, %transpose3A_1225, %broadcast_in_dim3A_1238 : vector<256x256xi1>, vector<256x256xf32>
    %add3A_1240 = arith.addf %select_n3A_1235, %select_n3A_1239 : vector<256x256xf32>
    %eq3A_1241 = arith.cmpi eq, %add3A_1231, %add3A_1228 : vector<256x256xi32>
    %jit3A_1242 = arith.constant 0xFF800000 : f32
    %broadcast_in_dim3A_1243 = vector.broadcast %jit3A_1242 : f32 to vector<256x256xf32>
    %select_n3A_1244 = arith.select %eq3A_1241, %broadcast_in_dim3A_1243, %add3A_1240 : vector<256x256xi1>, vector<256x256xf32>
    %swap3A_1245 = arith.constant 2 : index
    %swap3A_1246 = arith.constant 0 : index
    %swap3A_1247 = arith.constant 512 : index
    %swap3A_1248 = vector.load %arg19[%swap3A_1245, %swap3A_1246, %swap3A_1247] : memref<4x1024x1024xf32, #tpu.memory_space<vmem>>, vector<1x256x256xf32>
    %swap3A_1249 = vector.shape_cast %swap3A_1248 : vector<1x256x256xf32> to vector<256x256xf32>
    %swap3A_1250 = vector.shape_cast %select_n3A_1244 : vector<256x256xf32> to vector<1x256x256xf32>
    tpu.vector_store %arg19[%swap3A_1245, %swap3A_1246, %swap3A_1247], %swap3A_1250 {strides = array<i32>} : memref<4x1024x1024xf32, #tpu.memory_space<vmem>>, vector<1x256x256xf32>,
    %get3A_1251 = arith.constant 2 : index
    %get3A_1252 = arith.constant 0 : index
    %get3A_1253 = arith.constant 768 : index
    %get3A_1254 = vector.load %arg0[%get3A_1251, %get3A_1252, %get3A_1253] : memref<4x1024x1024xf32, #tpu.memory_space<vmem>>, vector<1x256x256xf32>
    %get3A_1255 = vector.shape_cast %get3A_1254 : vector<1x256x256xf32> to vector<256x256xf32>
    %get3A_1256 = arith.constant 2 : index
    %get3A_1257 = arith.constant 768 : index
    %get3A_1258 = arith.constant 0 : index
    %get3A_1259 = vector.load %arg0[%get3A_1256, %get3A_1257, %get3A_1258] : memref<4x1024x1024xf32, #tpu.memory_space<vmem>>, vector<1x256x256xf32>
    %get3A_1260 = vector.shape_cast %get3A_1259 : vector<1x256x256xf32> to vector<256x256xf32>
    %transpose3A_1261 = tpu.transpose %get3A_1260, [1, 0] : vector<256x256xf32> -> vector<256x256xf32>
    %add3A_1262 = arith.constant 0 : i32
    %add3A_1263 = vector.broadcast %add3A_1262 : i32 to vector<256x256xi32>
    %add3A_1264 = arith.addi %iota3A, %add3A_1263 : vector<256x256xi32>
    %add3A_1265 = arith.constant 768 : i32
    %add3A_1266 = vector.broadcast %add3A_1265 : i32 to vector<256x256xi32>
    %add3A_1267 = arith.addi %iota3A_0, %add3A_1266 : vector<256x256xi32>
    %gt3A_1268 = arith.cmpi sgt, %add3A_1267, %add3A_1264 : vector<256x256xi32>
    %jit3A_1269 = arith.constant 0.000000e+00 : f32
    %broadcast_in_dim3A_1270 = vector.broadcast %jit3A_1269 : f32 to vector<256x256xf32>
    %select_n3A_1271 = arith.select %gt3A_1268, %get3A_1255, %broadcast_in_dim3A_1270 : vector<256x256xi1>, vector<256x256xf32>
    %lt3A_1272 = arith.cmpi slt, %add3A_1267, %add3A_1264 : vector<256x256xi32>
    %jit3A_1273 = arith.constant 0.000000e+00 : f32
    %broadcast_in_dim3A_1274 = vector.broadcast %jit3A_1273 : f32 to vector<256x256xf32>
    %select_n3A_1275 = arith.select %lt3A_1272, %transpose3A_1261, %broadcast_in_dim3A_1274 : vector<256x256xi1>, vector<256x256xf32>
    %add3A_1276 = arith.addf %select_n3A_1271, %select_n3A_1275 : vector<256x256xf32>
    %eq3A_1277 = arith.cmpi eq, %add3A_1267, %add3A_1264 : vector<256x256xi32>
    %jit3A_1278 = arith.constant 0xFF800000 : f32
    %broadcast_in_dim3A_1279 = vector.broadcast %jit3A_1278 : f32 to vector<256x256xf32>
    %select_n3A_1280 = arith.select %eq3A_1277, %broadcast_in_dim3A_1279, %add3A_1276 : vector<256x256xi1>, vector<256x256xf32>
    %swap3A_1281 = arith.constant 2 : index
    %swap3A_1282 = arith.constant 0 : index
    %swap3A_1283 = arith.constant 768 : index
    %swap3A_1284 = vector.load %arg19[%swap3A_1281, %swap3A_1282, %swap3A_1283] : memref<4x1024x1024xf32, #tpu.memory_space<vmem>>, vector<1x256x256xf32>
    %swap3A_1285 = vector.shape_cast %swap3A_1284 : vector<1x256x256xf32> to vector<256x256xf32>
    %swap3A_1286 = vector.shape_cast %select_n3A_1280 : vector<256x256xf32> to vector<1x256x256xf32>
    tpu.vector_store %arg19[%swap3A_1281, %swap3A_1282, %swap3A_1283], %swap3A_1286 {strides = array<i32>} : memref<4x1024x1024xf32, #tpu.memory_space<vmem>>, vector<1x256x256xf32>,
    %get3A_1287 = arith.constant 2 : index
    %get3A_1288 = arith.constant 256 : index
    %get3A_1289 = arith.constant 0 : index
    %get3A_1290 = vector.load %arg0[%get3A_1287, %get3A_1288, %get3A_1289] : memref<4x1024x1024xf32, #tpu.memory_space<vmem>>, vector<1x256x256xf32>
    %get3A_1291 = vector.shape_cast %get3A_1290 : vector<1x256x256xf32> to vector<256x256xf32>
    %get3A_1292 = arith.constant 2 : index
    %get3A_1293 = arith.constant 0 : index
    %get3A_1294 = arith.constant 256 : index
    %get3A_1295 = vector.load %arg0[%get3A_1292, %get3A_1293, %get3A_1294] : memref<4x1024x1024xf32, #tpu.memory_space<vmem>>, vector<1x256x256xf32>
    %get3A_1296 = vector.shape_cast %get3A_1295 : vector<1x256x256xf32> to vector<256x256xf32>
    %transpose3A_1297 = tpu.transpose %get3A_1296, [1, 0] : vector<256x256xf32> -> vector<256x256xf32>
    %add3A_1298 = arith.constant 256 : i32
    %add3A_1299 = vector.broadcast %add3A_1298 : i32 to vector<256x256xi32>
    %add3A_1300 = arith.addi %iota3A, %add3A_1299 : vector<256x256xi32>
    %add3A_1301 = arith.constant 0 : i32
    %add3A_1302 = vector.broadcast %add3A_1301 : i32 to vector<256x256xi32>
    %add3A_1303 = arith.addi %iota3A_0, %add3A_1302 : vector<256x256xi32>
    %gt3A_1304 = arith.cmpi sgt, %add3A_1303, %add3A_1300 : vector<256x256xi32>
    %jit3A_1305 = arith.constant 0.000000e+00 : f32
    %broadcast_in_dim3A_1306 = vector.broadcast %jit3A_1305 : f32 to vector<256x256xf32>
    %select_n3A_1307 = arith.select %gt3A_1304, %get3A_1291, %broadcast_in_dim3A_1306 : vector<256x256xi1>, vector<256x256xf32>
    %lt3A_1308 = arith.cmpi slt, %add3A_1303, %add3A_1300 : vector<256x256xi32>
    %jit3A_1309 = arith.constant 0.000000e+00 : f32
    %broadcast_in_dim3A_1310 = vector.broadcast %jit3A_1309 : f32 to vector<256x256xf32>
    %select_n3A_1311 = arith.select %lt3A_1308, %transpose3A_1297, %broadcast_in_dim3A_1310 : vector<256x256xi1>, vector<256x256xf32>
    %add3A_1312 = arith.addf %select_n3A_1307, %select_n3A_1311 : vector<256x256xf32>
    %eq3A_1313 = arith.cmpi eq, %add3A_1303, %add3A_1300 : vector<256x256xi32>
    %jit3A_1314 = arith.constant 0xFF800000 : f32
    %broadcast_in_dim3A_1315 = vector.broadcast %jit3A_1314 : f32 to vector<256x256xf32>
    %select_n3A_1316 = arith.select %eq3A_1313, %broadcast_in_dim3A_1315, %add3A_1312 : vector<256x256xi1>, vector<256x256xf32>
    %swap3A_1317 = arith.constant 2 : index
    %swap3A_1318 = arith.constant 256 : index
    %swap3A_1319 = arith.constant 0 : index
    %swap3A_1320 = vector.load %arg19[%swap3A_1317, %swap3A_1318, %swap3A_1319] : memref<4x1024x1024xf32, #tpu.memory_space<vmem>>, vector<1x256x256xf32>
    %swap3A_1321 = vector.shape_cast %swap3A_1320 : vector<1x256x256xf32> to vector<256x256xf32>
    %swap3A_1322 = vector.shape_cast %select_n3A_1316 : vector<256x256xf32> to vector<1x256x256xf32>
    tpu.vector_store %arg19[%swap3A_1317, %swap3A_1318, %swap3A_1319], %swap3A_1322 {strides = array<i32>} : memref<4x1024x1024xf32, #tpu.memory_space<vmem>>, vector<1x256x256xf32>,
    %get3A_1323 = arith.constant 2 : index
    %get3A_1324 = arith.constant 256 : index
    %get3A_1325 = arith.constant 256 : index
    %get3A_1326 = vector.load %arg0[%get3A_1323, %get3A_1324, %get3A_1325] : memref<4x1024x1024xf32, #tpu.memory_space<vmem>>, vector<1x256x256xf32>
    %get3A_1327 = vector.shape_cast %get3A_1326 : vector<1x256x256xf32> to vector<256x256xf32>
    %get3A_1328 = arith.constant 2 : index
    %get3A_1329 = arith.constant 256 : index
    %get3A_1330 = arith.constant 256 : index
    %get3A_1331 = vector.load %arg0[%get3A_1328, %get3A_1329, %get3A_1330] : memref<4x1024x1024xf32, #tpu.memory_space<vmem>>, vector<1x256x256xf32>
    %get3A_1332 = vector.shape_cast %get3A_1331 : vector<1x256x256xf32> to vector<256x256xf32>
    %transpose3A_1333 = tpu.transpose %get3A_1332, [1, 0] : vector<256x256xf32> -> vector<256x256xf32>
    %add3A_1334 = arith.constant 256 : i32
    %add3A_1335 = vector.broadcast %add3A_1334 : i32 to vector<256x256xi32>
    %add3A_1336 = arith.addi %iota3A, %add3A_1335 : vector<256x256xi32>
    %add3A_1337 = arith.constant 256 : i32
    %add3A_1338 = vector.broadcast %add3A_1337 : i32 to vector<256x256xi32>
    %add3A_1339 = arith.addi %iota3A_0, %add3A_1338 : vector<256x256xi32>
    %gt3A_1340 = arith.cmpi sgt, %add3A_1339, %add3A_1336 : vector<256x256xi32>
    %jit3A_1341 = arith.constant 0.000000e+00 : f32
    %broadcast_in_dim3A_1342 = vector.broadcast %jit3A_1341 : f32 to vector<256x256xf32>
    %select_n3A_1343 = arith.select %gt3A_1340, %get3A_1327, %broadcast_in_dim3A_1342 : vector<256x256xi1>, vector<256x256xf32>
    %lt3A_1344 = arith.cmpi slt, %add3A_1339, %add3A_1336 : vector<256x256xi32>
    %jit3A_1345 = arith.constant 0.000000e+00 : f32
    %broadcast_in_dim3A_1346 = vector.broadcast %jit3A_1345 : f32 to vector<256x256xf32>
    %select_n3A_1347 = arith.select %lt3A_1344, %transpose3A_1333, %broadcast_in_dim3A_1346 : vector<256x256xi1>, vector<256x256xf32>
    %add3A_1348 = arith.addf %select_n3A_1343, %select_n3A_1347 : vector<256x256xf32>
    %eq3A_1349 = arith.cmpi eq, %add3A_1339, %add3A_1336 : vector<256x256xi32>
    %jit3A_1350 = arith.constant 0xFF800000 : f32
    %broadcast_in_dim3A_1351 = vector.broadcast %jit3A_1350 : f32 to vector<256x256xf32>
    %select_n3A_1352 = arith.select %eq3A_1349, %broadcast_in_dim3A_1351, %add3A_1348 : vector<256x256xi1>, vector<256x256xf32>
    %swap3A_1353 = arith.constant 2 : index
    %swap3A_1354 = arith.constant 256 : index
    %swap3A_1355 = arith.constant 256 : index
    %swap3A_1356 = vector.load %arg19[%swap3A_1353, %swap3A_1354, %swap3A_1355] : memref<4x1024x1024xf32, #tpu.memory_space<vmem>>, vector<1x256x256xf32>
    %swap3A_1357 = vector.shape_cast %swap3A_1356 : vector<1x256x256xf32> to vector<256x256xf32>
    %swap3A_1358 = vector.shape_cast %select_n3A_1352 : vector<256x256xf32> to vector<1x256x256xf32>
    tpu.vector_store %arg19[%swap3A_1353, %swap3A_1354, %swap3A_1355], %swap3A_1358 {strides = array<i32>} : memref<4x1024x1024xf32, #tpu.memory_space<vmem>>, vector<1x256x256xf32>,
    %get3A_1359 = arith.constant 2 : index
    %get3A_1360 = arith.constant 256 : index
    %get3A_1361 = arith.constant 512 : index
    %get3A_1362 = vector.load %arg0[%get3A_1359, %get3A_1360, %get3A_1361] : memref<4x1024x1024xf32, #tpu.memory_space<vmem>>, vector<1x256x256xf32>
    %get3A_1363 = vector.shape_cast %get3A_1362 : vector<1x256x256xf32> to vector<256x256xf32>
    %get3A_1364 = arith.constant 2 : index
    %get3A_1365 = arith.constant 512 : index
    %get3A_1366 = arith.constant 256 : index
    %get3A_1367 = vector.load %arg0[%get3A_1364, %get3A_1365, %get3A_1366] : memref<4x1024x1024xf32, #tpu.memory_space<vmem>>, vector<1x256x256xf32>
    %get3A_1368 = vector.shape_cast %get3A_1367 : vector<1x256x256xf32> to vector<256x256xf32>
    %transpose3A_1369 = tpu.transpose %get3A_1368, [1, 0] : vector<256x256xf32> -> vector<256x256xf32>
    %add3A_1370 = arith.constant 256 : i32
    %add3A_1371 = vector.broadcast %add3A_1370 : i32 to vector<256x256xi32>
    %add3A_1372 = arith.addi %iota3A, %add3A_1371 : vector<256x256xi32>
    %add3A_1373 = arith.constant 512 : i32
    %add3A_1374 = vector.broadcast %add3A_1373 : i32 to vector<256x256xi32>
    %add3A_1375 = arith.addi %iota3A_0, %add3A_1374 : vector<256x256xi32>
    %gt3A_1376 = arith.cmpi sgt, %add3A_1375, %add3A_1372 : vector<256x256xi32>
    %jit3A_1377 = arith.constant 0.000000e+00 : f32
    %broadcast_in_dim3A_1378 = vector.broadcast %jit3A_1377 : f32 to vector<256x256xf32>
    %select_n3A_1379 = arith.select %gt3A_1376, %get3A_1363, %broadcast_in_dim3A_1378 : vector<256x256xi1>, vector<256x256xf32>
    %lt3A_1380 = arith.cmpi slt, %add3A_1375, %add3A_1372 : vector<256x256xi32>
    %jit3A_1381 = arith.constant 0.000000e+00 : f32
    %broadcast_in_dim3A_1382 = vector.broadcast %jit3A_1381 : f32 to vector<256x256xf32>
    %select_n3A_1383 = arith.select %lt3A_1380, %transpose3A_1369, %broadcast_in_dim3A_1382 : vector<256x256xi1>, vector<256x256xf32>
    %add3A_1384 = arith.addf %select_n3A_1379, %select_n3A_1383 : vector<256x256xf32>
    %eq3A_1385 = arith.cmpi eq, %add3A_1375, %add3A_1372 : vector<256x256xi32>
    %jit3A_1386 = arith.constant 0xFF800000 : f32
    %broadcast_in_dim3A_1387 = vector.broadcast %jit3A_1386 : f32 to vector<256x256xf32>
    %select_n3A_1388 = arith.select %eq3A_1385, %broadcast_in_dim3A_1387, %add3A_1384 : vector<256x256xi1>, vector<256x256xf32>
    %swap3A_1389 = arith.constant 2 : index
    %swap3A_1390 = arith.constant 256 : index
    %swap3A_1391 = arith.constant 512 : index
    %swap3A_1392 = vector.load %arg19[%swap3A_1389, %swap3A_1390, %swap3A_1391] : memref<4x1024x1024xf32, #tpu.memory_space<vmem>>, vector<1x256x256xf32>
    %swap3A_1393 = vector.shape_cast %swap3A_1392 : vector<1x256x256xf32> to vector<256x256xf32>
    %swap3A_1394 = vector.shape_cast %select_n3A_1388 : vector<256x256xf32> to vector<1x256x256xf32>
    tpu.vector_store %arg19[%swap3A_1389, %swap3A_1390, %swap3A_1391], %swap3A_1394 {strides = array<i32>} : memref<4x1024x1024xf32, #tpu.memory_space<vmem>>, vector<1x256x256xf32>,
    %get3A_1395 = arith.constant 2 : index
    %get3A_1396 = arith.constant 256 : index
    %get3A_1397 = arith.constant 768 : index
    %get3A_1398 = vector.load %arg0[%get3A_1395, %get3A_1396, %get3A_1397] : memref<4x1024x1024xf32, #tpu.memory_space<vmem>>, vector<1x256x256xf32>
    %get3A_1399 = vector.shape_cast %get3A_1398 : vector<1x256x256xf32> to vector<256x256xf32>
    %get3A_1400 = arith.constant 2 : index
    %get3A_1401 = arith.constant 768 : index
    %get3A_1402 = arith.constant 256 : index
    %get3A_1403 = vector.load %arg0[%get3A_1400, %get3A_1401, %get3A_1402] : memref<4x1024x1024xf32, #tpu.memory_space<vmem>>, vector<1x256x256xf32>
    %get3A_1404 = vector.shape_cast %get3A_1403 : vector<1x256x256xf32> to vector<256x256xf32>
    %transpose3A_1405 = tpu.transpose %get3A_1404, [1, 0] : vector<256x256xf32> -> vector<256x256xf32>
    %add3A_1406 = arith.constant 256 : i32
    %add3A_1407 = vector.broadcast %add3A_1406 : i32 to vector<256x256xi32>
    %add3A_1408 = arith.addi %iota3A, %add3A_1407 : vector<256x256xi32>
    %add3A_1409 = arith.constant 768 : i32
    %add3A_1410 = vector.broadcast %add3A_1409 : i32 to vector<256x256xi32>
    %add3A_1411 = arith.addi %iota3A_0, %add3A_1410 : vector<256x256xi32>
    %gt3A_1412 = arith.cmpi sgt, %add3A_1411, %add3A_1408 : vector<256x256xi32>
    %jit3A_1413 = arith.constant 0.000000e+00 : f32
    %broadcast_in_dim3A_1414 = vector.broadcast %jit3A_1413 : f32 to vector<256x256xf32>
    %select_n3A_1415 = arith.select %gt3A_1412, %get3A_1399, %broadcast_in_dim3A_1414 : vector<256x256xi1>, vector<256x256xf32>
    %lt3A_1416 = arith.cmpi slt, %add3A_1411, %add3A_1408 : vector<256x256xi32>
    %jit3A_1417 = arith.constant 0.000000e+00 : f32
    %broadcast_in_dim3A_1418 = vector.broadcast %jit3A_1417 : f32 to vector<256x256xf32>
    %select_n3A_1419 = arith.select %lt3A_1416, %transpose3A_1405, %broadcast_in_dim3A_1418 : vector<256x256xi1>, vector<256x256xf32>
    %add3A_1420 = arith.addf %select_n3A_1415, %select_n3A_1419 : vector<256x256xf32>
    %eq3A_1421 = arith.cmpi eq, %add3A_1411, %add3A_1408 : vector<256x256xi32>
    %jit3A_1422 = arith.constant 0xFF800000 : f32
    %broadcast_in_dim3A_1423 = vector.broadcast %jit3A_1422 : f32 to vector<256x256xf32>
    %select_n3A_1424 = arith.select %eq3A_1421, %broadcast_in_dim3A_1423, %add3A_1420 : vector<256x256xi1>, vector<256x256xf32>
    %swap3A_1425 = arith.constant 2 : index
    %swap3A_1426 = arith.constant 256 : index
    %swap3A_1427 = arith.constant 768 : index
    %swap3A_1428 = vector.load %arg19[%swap3A_1425, %swap3A_1426, %swap3A_1427] : memref<4x1024x1024xf32, #tpu.memory_space<vmem>>, vector<1x256x256xf32>
    %swap3A_1429 = vector.shape_cast %swap3A_1428 : vector<1x256x256xf32> to vector<256x256xf32>
    %swap3A_1430 = vector.shape_cast %select_n3A_1424 : vector<256x256xf32> to vector<1x256x256xf32>
    tpu.vector_store %arg19[%swap3A_1425, %swap3A_1426, %swap3A_1427], %swap3A_1430 {strides = array<i32>} : memref<4x1024x1024xf32, #tpu.memory_space<vmem>>, vector<1x256x256xf32>,
    %get3A_1431 = arith.constant 2 : index
    %get3A_1432 = arith.constant 512 : index
    %get3A_1433 = arith.constant 0 : index
    %get3A_1434 = vector.load %arg0[%get3A_1431, %get3A_1432, %get3A_1433] : memref<4x1024x1024xf32, #tpu.memory_space<vmem>>, vector<1x256x256xf32>
    %get3A_1435 = vector.shape_cast %get3A_1434 : vector<1x256x256xf32> to vector<256x256xf32>
    %get3A_1436 = arith.constant 2 : index
    %get3A_1437 = arith.constant 0 : index
    %get3A_1438 = arith.constant 512 : index
    %get3A_1439 = vector.load %arg0[%get3A_1436, %get3A_1437, %get3A_1438] : memref<4x1024x1024xf32, #tpu.memory_space<vmem>>, vector<1x256x256xf32>
    %get3A_1440 = vector.shape_cast %get3A_1439 : vector<1x256x256xf32> to vector<256x256xf32>
    %transpose3A_1441 = tpu.transpose %get3A_1440, [1, 0] : vector<256x256xf32> -> vector<256x256xf32>
    %add3A_1442 = arith.constant 512 : i32
    %add3A_1443 = vector.broadcast %add3A_1442 : i32 to vector<256x256xi32>
    %add3A_1444 = arith.addi %iota3A, %add3A_1443 : vector<256x256xi32>
    %add3A_1445 = arith.constant 0 : i32
    %add3A_1446 = vector.broadcast %add3A_1445 : i32 to vector<256x256xi32>
    %add3A_1447 = arith.addi %iota3A_0, %add3A_1446 : vector<256x256xi32>
    %gt3A_1448 = arith.cmpi sgt, %add3A_1447, %add3A_1444 : vector<256x256xi32>
    %jit3A_1449 = arith.constant 0.000000e+00 : f32
    %broadcast_in_dim3A_1450 = vector.broadcast %jit3A_1449 : f32 to vector<256x256xf32>
    %select_n3A_1451 = arith.select %gt3A_1448, %get3A_1435, %broadcast_in_dim3A_1450 : vector<256x256xi1>, vector<256x256xf32>
    %lt3A_1452 = arith.cmpi slt, %add3A_1447, %add3A_1444 : vector<256x256xi32>
    %jit3A_1453 = arith.constant 0.000000e+00 : f32
    %broadcast_in_dim3A_1454 = vector.broadcast %jit3A_1453 : f32 to vector<256x256xf32>
    %select_n3A_1455 = arith.select %lt3A_1452, %transpose3A_1441, %broadcast_in_dim3A_1454 : vector<256x256xi1>, vector<256x256xf32>
    %add3A_1456 = arith.addf %select_n3A_1451, %select_n3A_1455 : vector<256x256xf32>
    %eq3A_1457 = arith.cmpi eq, %add3A_1447, %add3A_1444 : vector<256x256xi32>
    %jit3A_1458 = arith.constant 0xFF800000 : f32
    %broadcast_in_dim3A_1459 = vector.broadcast %jit3A_1458 : f32 to vector<256x256xf32>
    %select_n3A_1460 = arith.select %eq3A_1457, %broadcast_in_dim3A_1459, %add3A_1456 : vector<256x256xi1>, vector<256x256xf32>
    %swap3A_1461 = arith.constant 2 : index
    %swap3A_1462 = arith.constant 512 : index
    %swap3A_1463 = arith.constant 0 : index
    %swap3A_1464 = vector.load %arg19[%swap3A_1461, %swap3A_1462, %swap3A_1463] : memref<4x1024x1024xf32, #tpu.memory_space<vmem>>, vector<1x256x256xf32>
    %swap3A_1465 = vector.shape_cast %swap3A_1464 : vector<1x256x256xf32> to vector<256x256xf32>
    %swap3A_1466 = vector.shape_cast %select_n3A_1460 : vector<256x256xf32> to vector<1x256x256xf32>
    tpu.vector_store %arg19[%swap3A_1461, %swap3A_1462, %swap3A_1463], %swap3A_1466 {strides = array<i32>} : memref<4x1024x1024xf32, #tpu.memory_space<vmem>>, vector<1x256x256xf32>,
    %get3A_1467 = arith.constant 2 : index
    %get3A_1468 = arith.constant 512 : index
    %get3A_1469 = arith.constant 256 : index
    %get3A_1470 = vector.load %arg0[%get3A_1467, %get3A_1468, %get3A_1469] : memref<4x1024x1024xf32, #tpu.memory_space<vmem>>, vector<1x256x256xf32>
    %get3A_1471 = vector.shape_cast %get3A_1470 : vector<1x256x256xf32> to vector<256x256xf32>
    %get3A_1472 = arith.constant 2 : index
    %get3A_1473 = arith.constant 256 : index
    %get3A_1474 = arith.constant 512 : index
    %get3A_1475 = vector.load %arg0[%get3A_1472, %get3A_1473, %get3A_1474] : memref<4x1024x1024xf32, #tpu.memory_space<vmem>>, vector<1x256x256xf32>
    %get3A_1476 = vector.shape_cast %get3A_1475 : vector<1x256x256xf32> to vector<256x256xf32>
    %transpose3A_1477 = tpu.transpose %get3A_1476, [1, 0] : vector<256x256xf32> -> vector<256x256xf32>
    %add3A_1478 = arith.constant 512 : i32
    %add3A_1479 = vector.broadcast %add3A_1478 : i32 to vector<256x256xi32>
    %add3A_1480 = arith.addi %iota3A, %add3A_1479 : vector<256x256xi32>
    %add3A_1481 = arith.constant 256 : i32
    %add3A_1482 = vector.broadcast %add3A_1481 : i32 to vector<256x256xi32>
    %add3A_1483 = arith.addi %iota3A_0, %add3A_1482 : vector<256x256xi32>
    %gt3A_1484 = arith.cmpi sgt, %add3A_1483, %add3A_1480 : vector<256x256xi32>
    %jit3A_1485 = arith.constant 0.000000e+00 : f32
    %broadcast_in_dim3A_1486 = vector.broadcast %jit3A_1485 : f32 to vector<256x256xf32>
    %select_n3A_1487 = arith.select %gt3A_1484, %get3A_1471, %broadcast_in_dim3A_1486 : vector<256x256xi1>, vector<256x256xf32>
    %lt3A_1488 = arith.cmpi slt, %add3A_1483, %add3A_1480 : vector<256x256xi32>
    %jit3A_1489 = arith.constant 0.000000e+00 : f32
    %broadcast_in_dim3A_1490 = vector.broadcast %jit3A_1489 : f32 to vector<256x256xf32>
    %select_n3A_1491 = arith.select %lt3A_1488, %transpose3A_1477, %broadcast_in_dim3A_1490 : vector<256x256xi1>, vector<256x256xf32>
    %add3A_1492 = arith.addf %select_n3A_1487, %select_n3A_1491 : vector<256x256xf32>
    %eq3A_1493 = arith.cmpi eq, %add3A_1483, %add3A_1480 : vector<256x256xi32>
    %jit3A_1494 = arith.constant 0xFF800000 : f32
    %broadcast_in_dim3A_1495 = vector.broadcast %jit3A_1494 : f32 to vector<256x256xf32>
    %select_n3A_1496 = arith.select %eq3A_1493, %broadcast_in_dim3A_1495, %add3A_1492 : vector<256x256xi1>, vector<256x256xf32>
    %swap3A_1497 = arith.constant 2 : index
    %swap3A_1498 = arith.constant 512 : index
    %swap3A_1499 = arith.constant 256 : index
    %swap3A_1500 = vector.load %arg19[%swap3A_1497, %swap3A_1498, %swap3A_1499] : memref<4x1024x1024xf32, #tpu.memory_space<vmem>>, vector<1x256x256xf32>
    %swap3A_1501 = vector.shape_cast %swap3A_1500 : vector<1x256x256xf32> to vector<256x256xf32>
    %swap3A_1502 = vector.shape_cast %select_n3A_1496 : vector<256x256xf32> to vector<1x256x256xf32>
    tpu.vector_store %arg19[%swap3A_1497, %swap3A_1498, %swap3A_1499], %swap3A_1502 {strides = array<i32>} : memref<4x1024x1024xf32, #tpu.memory_space<vmem>>, vector<1x256x256xf32>,
    %get3A_1503 = arith.constant 2 : index
    %get3A_1504 = arith.constant 512 : index
    %get3A_1505 = arith.constant 512 : index
    %get3A_1506 = vector.load %arg0[%get3A_1503, %get3A_1504, %get3A_1505] : memref<4x1024x1024xf32, #tpu.memory_space<vmem>>, vector<1x256x256xf32>
    %get3A_1507 = vector.shape_cast %get3A_1506 : vector<1x256x256xf32> to vector<256x256xf32>
    %get3A_1508 = arith.constant 2 : index
    %get3A_1509 = arith.constant 512 : index
    %get3A_1510 = arith.constant 512 : index
    %get3A_1511 = vector.load %arg0[%get3A_1508, %get3A_1509, %get3A_1510] : memref<4x1024x1024xf32, #tpu.memory_space<vmem>>, vector<1x256x256xf32>
    %get3A_1512 = vector.shape_cast %get3A_1511 : vector<1x256x256xf32> to vector<256x256xf32>
    %transpose3A_1513 = tpu.transpose %get3A_1512, [1, 0] : vector<256x256xf32> -> vector<256x256xf32>
    %add3A_1514 = arith.constant 512 : i32
    %add3A_1515 = vector.broadcast %add3A_1514 : i32 to vector<256x256xi32>
    %add3A_1516 = arith.addi %iota3A, %add3A_1515 : vector<256x256xi32>
    %add3A_1517 = arith.constant 512 : i32
    %add3A_1518 = vector.broadcast %add3A_1517 : i32 to vector<256x256xi32>
    %add3A_1519 = arith.addi %iota3A_0, %add3A_1518 : vector<256x256xi32>
    %gt3A_1520 = arith.cmpi sgt, %add3A_1519, %add3A_1516 : vector<256x256xi32>
    %jit3A_1521 = arith.constant 0.000000e+00 : f32
    %broadcast_in_dim3A_1522 = vector.broadcast %jit3A_1521 : f32 to vector<256x256xf32>
    %select_n3A_1523 = arith.select %gt3A_1520, %get3A_1507, %broadcast_in_dim3A_1522 : vector<256x256xi1>, vector<256x256xf32>
    %lt3A_1524 = arith.cmpi slt, %add3A_1519, %add3A_1516 : vector<256x256xi32>
    %jit3A_1525 = arith.constant 0.000000e+00 : f32
    %broadcast_in_dim3A_1526 = vector.broadcast %jit3A_1525 : f32 to vector<256x256xf32>
    %select_n3A_1527 = arith.select %lt3A_1524, %transpose3A_1513, %broadcast_in_dim3A_1526 : vector<256x256xi1>, vector<256x256xf32>
    %add3A_1528 = arith.addf %select_n3A_1523, %select_n3A_1527 : vector<256x256xf32>
    %eq3A_1529 = arith.cmpi eq, %add3A_1519, %add3A_1516 : vector<256x256xi32>
    %jit3A_1530 = arith.constant 0xFF800000 : f32
    %broadcast_in_dim3A_1531 = vector.broadcast %jit3A_1530 : f32 to vector<256x256xf32>
    %select_n3A_1532 = arith.select %eq3A_1529, %broadcast_in_dim3A_1531, %add3A_1528 : vector<256x256xi1>, vector<256x256xf32>
    %swap3A_1533 = arith.constant 2 : index
    %swap3A_1534 = arith.constant 512 : index
    %swap3A_1535 = arith.constant 512 : index
    %swap3A_1536 = vector.load %arg19[%swap3A_1533, %swap3A_1534, %swap3A_1535] : memref<4x1024x1024xf32, #tpu.memory_space<vmem>>, vector<1x256x256xf32>
    %swap3A_1537 = vector.shape_cast %swap3A_1536 : vector<1x256x256xf32> to vector<256x256xf32>
    %swap3A_1538 = vector.shape_cast %select_n3A_1532 : vector<256x256xf32> to vector<1x256x256xf32>
    tpu.vector_store %arg19[%swap3A_1533, %swap3A_1534, %swap3A_1535], %swap3A_1538 {strides = array<i32>} : memref<4x1024x1024xf32, #tpu.memory_space<vmem>>, vector<1x256x256xf32>,
    %get3A_1539 = arith.constant 2 : index
    %get3A_1540 = arith.constant 512 : index
    %get3A_1541 = arith.constant 768 : index
    %get3A_1542 = vector.load %arg0[%get3A_1539, %get3A_1540, %get3A_1541] : memref<4x1024x1024xf32, #tpu.memory_space<vmem>>, vector<1x256x256xf32>
    %get3A_1543 = vector.shape_cast %get3A_1542 : vector<1x256x256xf32> to vector<256x256xf32>
    %get3A_1544 = arith.constant 2 : index
    %get3A_1545 = arith.constant 768 : index
    %get3A_1546 = arith.constant 512 : index
    %get3A_1547 = vector.load %arg0[%get3A_1544, %get3A_1545, %get3A_1546] : memref<4x1024x1024xf32, #tpu.memory_space<vmem>>, vector<1x256x256xf32>
    %get3A_1548 = vector.shape_cast %get3A_1547 : vector<1x256x256xf32> to vector<256x256xf32>
    %transpose3A_1549 = tpu.transpose %get3A_1548, [1, 0] : vector<256x256xf32> -> vector<256x256xf32>
    %add3A_1550 = arith.constant 512 : i32
    %add3A_1551 = vector.broadcast %add3A_1550 : i32 to vector<256x256xi32>
    %add3A_1552 = arith.addi %iota3A, %add3A_1551 : vector<256x256xi32>
    %add3A_1553 = arith.constant 768 : i32
    %add3A_1554 = vector.broadcast %add3A_1553 : i32 to vector<256x256xi32>
    %add3A_1555 = arith.addi %iota3A_0, %add3A_1554 : vector<256x256xi32>
    %gt3A_1556 = arith.cmpi sgt, %add3A_1555, %add3A_1552 : vector<256x256xi32>
    %jit3A_1557 = arith.constant 0.000000e+00 : f32
    %broadcast_in_dim3A_1558 = vector.broadcast %jit3A_1557 : f32 to vector<256x256xf32>
    %select_n3A_1559 = arith.select %gt3A_1556, %get3A_1543, %broadcast_in_dim3A_1558 : vector<256x256xi1>, vector<256x256xf32>
    %lt3A_1560 = arith.cmpi slt, %add3A_1555, %add3A_1552 : vector<256x256xi32>
    %jit3A_1561 = arith.constant 0.000000e+00 : f32
    %broadcast_in_dim3A_1562 = vector.broadcast %jit3A_1561 : f32 to vector<256x256xf32>
    %select_n3A_1563 = arith.select %lt3A_1560, %transpose3A_1549, %broadcast_in_dim3A_1562 : vector<256x256xi1>, vector<256x256xf32>
    %add3A_1564 = arith.addf %select_n3A_1559, %select_n3A_1563 : vector<256x256xf32>
    %eq3A_1565 = arith.cmpi eq, %add3A_1555, %add3A_1552 : vector<256x256xi32>
    %jit3A_1566 = arith.constant 0xFF800000 : f32
    %broadcast_in_dim3A_1567 = vector.broadcast %jit3A_1566 : f32 to vector<256x256xf32>
    %select_n3A_1568 = arith.select %eq3A_1565, %broadcast_in_dim3A_1567, %add3A_1564 : vector<256x256xi1>, vector<256x256xf32>
    %swap3A_1569 = arith.constant 2 : index
    %swap3A_1570 = arith.constant 512 : index
    %swap3A_1571 = arith.constant 768 : index
    %swap3A_1572 = vector.load %arg19[%swap3A_1569, %swap3A_1570, %swap3A_1571] : memref<4x1024x1024xf32, #tpu.memory_space<vmem>>, vector<1x256x256xf32>
    %swap3A_1573 = vector.shape_cast %swap3A_1572 : vector<1x256x256xf32> to vector<256x256xf32>
    %swap3A_1574 = vector.shape_cast %select_n3A_1568 : vector<256x256xf32> to vector<1x256x256xf32>
    tpu.vector_store %arg19[%swap3A_1569, %swap3A_1570, %swap3A_1571], %swap3A_1574 {strides = array<i32>} : memref<4x1024x1024xf32, #tpu.memory_space<vmem>>, vector<1x256x256xf32>,
    %get3A_1575 = arith.constant 2 : index
    %get3A_1576 = arith.constant 768 : index
    %get3A_1577 = arith.constant 0 : index
    %get3A_1578 = vector.load %arg0[%get3A_1575, %get3A_1576, %get3A_1577] : memref<4x1024x1024xf32, #tpu.memory_space<vmem>>, vector<1x256x256xf32>
    %get3A_1579 = vector.shape_cast %get3A_1578 : vector<1x256x256xf32> to vector<256x256xf32>
    %get3A_1580 = arith.constant 2 : index
    %get3A_1581 = arith.constant 0 : index
    %get3A_1582 = arith.constant 768 : index
    %get3A_1583 = vector.load %arg0[%get3A_1580, %get3A_1581, %get3A_1582] : memref<4x1024x1024xf32, #tpu.memory_space<vmem>>, vector<1x256x256xf32>
    %get3A_1584 = vector.shape_cast %get3A_1583 : vector<1x256x256xf32> to vector<256x256xf32>
    %transpose3A_1585 = tpu.transpose %get3A_1584, [1, 0] : vector<256x256xf32> -> vector<256x256xf32>
    %add3A_1586 = arith.constant 768 : i32
    %add3A_1587 = vector.broadcast %add3A_1586 : i32 to vector<256x256xi32>
    %add3A_1588 = arith.addi %iota3A, %add3A_1587 : vector<256x256xi32>
    %add3A_1589 = arith.constant 0 : i32
    %add3A_1590 = vector.broadcast %add3A_1589 : i32 to vector<256x256xi32>
    %add3A_1591 = arith.addi %iota3A_0, %add3A_1590 : vector<256x256xi32>
    %gt3A_1592 = arith.cmpi sgt, %add3A_1591, %add3A_1588 : vector<256x256xi32>
    %jit3A_1593 = arith.constant 0.000000e+00 : f32
    %broadcast_in_dim3A_1594 = vector.broadcast %jit3A_1593 : f32 to vector<256x256xf32>
    %select_n3A_1595 = arith.select %gt3A_1592, %get3A_1579, %broadcast_in_dim3A_1594 : vector<256x256xi1>, vector<256x256xf32>
    %lt3A_1596 = arith.cmpi slt, %add3A_1591, %add3A_1588 : vector<256x256xi32>
    %jit3A_1597 = arith.constant 0.000000e+00 : f32
    %broadcast_in_dim3A_1598 = vector.broadcast %jit3A_1597 : f32 to vector<256x256xf32>
    %select_n3A_1599 = arith.select %lt3A_1596, %transpose3A_1585, %broadcast_in_dim3A_1598 : vector<256x256xi1>, vector<256x256xf32>
    %add3A_1600 = arith.addf %select_n3A_1595, %select_n3A_1599 : vector<256x256xf32>
    %eq3A_1601 = arith.cmpi eq, %add3A_1591, %add3A_1588 : vector<256x256xi32>
    %jit3A_1602 = arith.constant 0xFF800000 : f32
    %broadcast_in_dim3A_1603 = vector.broadcast %jit3A_1602 : f32 to vector<256x256xf32>
    %select_n3A_1604 = arith.select %eq3A_1601, %broadcast_in_dim3A_1603, %add3A_1600 : vector<256x256xi1>, vector<256x256xf32>
    %swap3A_1605 = arith.constant 2 : index
    %swap3A_1606 = arith.constant 768 : index
    %swap3A_1607 = arith.constant 0 : index
    %swap3A_1608 = vector.load %arg19[%swap3A_1605, %swap3A_1606, %swap3A_1607] : memref<4x1024x1024xf32, #tpu.memory_space<vmem>>, vector<1x256x256xf32>
    %swap3A_1609 = vector.shape_cast %swap3A_1608 : vector<1x256x256xf32> to vector<256x256xf32>
    %swap3A_1610 = vector.shape_cast %select_n3A_1604 : vector<256x256xf32> to vector<1x256x256xf32>
    tpu.vector_store %arg19[%swap3A_1605, %swap3A_1606, %swap3A_1607], %swap3A_1610 {strides = array<i32>} : memref<4x1024x1024xf32, #tpu.memory_space<vmem>>, vector<1x256x256xf32>,
    %get3A_1611 = arith.constant 2 : index
    %get3A_1612 = arith.constant 768 : index
    %get3A_1613 = arith.constant 256 : index
    %get3A_1614 = vector.load %arg0[%get3A_1611, %get3A_1612, %get3A_1613] : memref<4x1024x1024xf32, #tpu.memory_space<vmem>>, vector<1x256x256xf32>
    %get3A_1615 = vector.shape_cast %get3A_1614 : vector<1x256x256xf32> to vector<256x256xf32>
    %get3A_1616 = arith.constant 2 : index
    %get3A_1617 = arith.constant 256 : index
    %get3A_1618 = arith.constant 768 : index
    %get3A_1619 = vector.load %arg0[%get3A_1616, %get3A_1617, %get3A_1618] : memref<4x1024x1024xf32, #tpu.memory_space<vmem>>, vector<1x256x256xf32>
    %get3A_1620 = vector.shape_cast %get3A_1619 : vector<1x256x256xf32> to vector<256x256xf32>
    %transpose3A_1621 = tpu.transpose %get3A_1620, [1, 0] : vector<256x256xf32> -> vector<256x256xf32>
    %add3A_1622 = arith.constant 768 : i32
    %add3A_1623 = vector.broadcast %add3A_1622 : i32 to vector<256x256xi32>
    %add3A_1624 = arith.addi %iota3A, %add3A_1623 : vector<256x256xi32>
    %add3A_1625 = arith.constant 256 : i32
    %add3A_1626 = vector.broadcast %add3A_1625 : i32 to vector<256x256xi32>
    %add3A_1627 = arith.addi %iota3A_0, %add3A_1626 : vector<256x256xi32>
    %gt3A_1628 = arith.cmpi sgt, %add3A_1627, %add3A_1624 : vector<256x256xi32>
    %jit3A_1629 = arith.constant 0.000000e+00 : f32
    %broadcast_in_dim3A_1630 = vector.broadcast %jit3A_1629 : f32 to vector<256x256xf32>
    %select_n3A_1631 = arith.select %gt3A_1628, %get3A_1615, %broadcast_in_dim3A_1630 : vector<256x256xi1>, vector<256x256xf32>
    %lt3A_1632 = arith.cmpi slt, %add3A_1627, %add3A_1624 : vector<256x256xi32>
    %jit3A_1633 = arith.constant 0.000000e+00 : f32
    %broadcast_in_dim3A_1634 = vector.broadcast %jit3A_1633 : f32 to vector<256x256xf32>
    %select_n3A_1635 = arith.select %lt3A_1632, %transpose3A_1621, %broadcast_in_dim3A_1634 : vector<256x256xi1>, vector<256x256xf32>
    %add3A_1636 = arith.addf %select_n3A_1631, %select_n3A_1635 : vector<256x256xf32>
    %eq3A_1637 = arith.cmpi eq, %add3A_1627, %add3A_1624 : vector<256x256xi32>
    %jit3A_1638 = arith.constant 0xFF800000 : f32
    %broadcast_in_dim3A_1639 = vector.broadcast %jit3A_1638 : f32 to vector<256x256xf32>
    %select_n3A_1640 = arith.select %eq3A_1637, %broadcast_in_dim3A_1639, %add3A_1636 : vector<256x256xi1>, vector<256x256xf32>
    %swap3A_1641 = arith.constant 2 : index
    %swap3A_1642 = arith.constant 768 : index
    %swap3A_1643 = arith.constant 256 : index
    %swap3A_1644 = vector.load %arg19[%swap3A_1641, %swap3A_1642, %swap3A_1643] : memref<4x1024x1024xf32, #tpu.memory_space<vmem>>, vector<1x256x256xf32>
    %swap3A_1645 = vector.shape_cast %swap3A_1644 : vector<1x256x256xf32> to vector<256x256xf32>
    %swap3A_1646 = vector.shape_cast %select_n3A_1640 : vector<256x256xf32> to vector<1x256x256xf32>
    tpu.vector_store %arg19[%swap3A_1641, %swap3A_1642, %swap3A_1643], %swap3A_1646 {strides = array<i32>} : memref<4x1024x1024xf32, #tpu.memory_space<vmem>>, vector<1x256x256xf32>,
    %get3A_1647 = arith.constant 2 : index
    %get3A_1648 = arith.constant 768 : index
    %get3A_1649 = arith.constant 512 : index
    %get3A_1650 = vector.load %arg0[%get3A_1647, %get3A_1648, %get3A_1649] : memref<4x1024x1024xf32, #tpu.memory_space<vmem>>, vector<1x256x256xf32>
    %get3A_1651 = vector.shape_cast %get3A_1650 : vector<1x256x256xf32> to vector<256x256xf32>
    %get3A_1652 = arith.constant 2 : index
    %get3A_1653 = arith.constant 512 : index
    %get3A_1654 = arith.constant 768 : index
    %get3A_1655 = vector.load %arg0[%get3A_1652, %get3A_1653, %get3A_1654] : memref<4x1024x1024xf32, #tpu.memory_space<vmem>>, vector<1x256x256xf32>
    %get3A_1656 = vector.shape_cast %get3A_1655 : vector<1x256x256xf32> to vector<256x256xf32>
    %transpose3A_1657 = tpu.transpose %get3A_1656, [1, 0] : vector<256x256xf32> -> vector<256x256xf32>
    %add3A_1658 = arith.constant 768 : i32
    %add3A_1659 = vector.broadcast %add3A_1658 : i32 to vector<256x256xi32>
    %add3A_1660 = arith.addi %iota3A, %add3A_1659 : vector<256x256xi32>
    %add3A_1661 = arith.constant 512 : i32
    %add3A_1662 = vector.broadcast %add3A_1661 : i32 to vector<256x256xi32>
    %add3A_1663 = arith.addi %iota3A_0, %add3A_1662 : vector<256x256xi32>
    %gt3A_1664 = arith.cmpi sgt, %add3A_1663, %add3A_1660 : vector<256x256xi32>
    %jit3A_1665 = arith.constant 0.000000e+00 : f32
    %broadcast_in_dim3A_1666 = vector.broadcast %jit3A_1665 : f32 to vector<256x256xf32>
    %select_n3A_1667 = arith.select %gt3A_1664, %get3A_1651, %broadcast_in_dim3A_1666 : vector<256x256xi1>, vector<256x256xf32>
    %lt3A_1668 = arith.cmpi slt, %add3A_1663, %add3A_1660 : vector<256x256xi32>
    %jit3A_1669 = arith.constant 0.000000e+00 : f32
    %broadcast_in_dim3A_1670 = vector.broadcast %jit3A_1669 : f32 to vector<256x256xf32>
    %select_n3A_1671 = arith.select %lt3A_1668, %transpose3A_1657, %broadcast_in_dim3A_1670 : vector<256x256xi1>, vector<256x256xf32>
    %add3A_1672 = arith.addf %select_n3A_1667, %select_n3A_1671 : vector<256x256xf32>
    %eq3A_1673 = arith.cmpi eq, %add3A_1663, %add3A_1660 : vector<256x256xi32>
    %jit3A_1674 = arith.constant 0xFF800000 : f32
    %broadcast_in_dim3A_1675 = vector.broadcast %jit3A_1674 : f32 to vector<256x256xf32>
    %select_n3A_1676 = arith.select %eq3A_1673, %broadcast_in_dim3A_1675, %add3A_1672 : vector<256x256xi1>, vector<256x256xf32>
    %swap3A_1677 = arith.constant 2 : index
    %swap3A_1678 = arith.constant 768 : index
    %swap3A_1679 = arith.constant 512 : index
    %swap3A_1680 = vector.load %arg19[%swap3A_1677, %swap3A_1678, %swap3A_1679] : memref<4x1024x1024xf32, #tpu.memory_space<vmem>>, vector<1x256x256xf32>
    %swap3A_1681 = vector.shape_cast %swap3A_1680 : vector<1x256x256xf32> to vector<256x256xf32>
    %swap3A_1682 = vector.shape_cast %select_n3A_1676 : vector<256x256xf32> to vector<1x256x256xf32>
    tpu.vector_store %arg19[%swap3A_1677, %swap3A_1678, %swap3A_1679], %swap3A_1682 {strides = array<i32>} : memref<4x1024x1024xf32, #tpu.memory_space<vmem>>, vector<1x256x256xf32>,
    %get3A_1683 = arith.constant 2 : index
    %get3A_1684 = arith.constant 768 : index
    %get3A_1685 = arith.constant 768 : index
    %get3A_1686 = vector.load %arg0[%get3A_1683, %get3A_1684, %get3A_1685] : memref<4x1024x1024xf32, #tpu.memory_space<vmem>>, vector<1x256x256xf32>
    %get3A_1687 = vector.shape_cast %get3A_1686 : vector<1x256x256xf32> to vector<256x256xf32>
    %get3A_1688 = arith.constant 2 : index
    %get3A_1689 = arith.constant 768 : index
    %get3A_1690 = arith.constant 768 : index
    %get3A_1691 = vector.load %arg0[%get3A_1688, %get3A_1689, %get3A_1690] : memref<4x1024x1024xf32, #tpu.memory_space<vmem>>, vector<1x256x256xf32>
    %get3A_1692 = vector.shape_cast %get3A_1691 : vector<1x256x256xf32> to vector<256x256xf32>
    %transpose3A_1693 = tpu.transpose %get3A_1692, [1, 0] : vector<256x256xf32> -> vector<256x256xf32>
    %add3A_1694 = arith.constant 768 : i32
    %add3A_1695 = vector.broadcast %add3A_1694 : i32 to vector<256x256xi32>
    %add3A_1696 = arith.addi %iota3A, %add3A_1695 : vector<256x256xi32>
    %add3A_1697 = arith.constant 768 : i32
    %add3A_1698 = vector.broadcast %add3A_1697 : i32 to vector<256x256xi32>
    %add3A_1699 = arith.addi %iota3A_0, %add3A_1698 : vector<256x256xi32>
    %gt3A_1700 = arith.cmpi sgt, %add3A_1699, %add3A_1696 : vector<256x256xi32>
    %jit3A_1701 = arith.constant 0.000000e+00 : f32
    %broadcast_in_dim3A_1702 = vector.broadcast %jit3A_1701 : f32 to vector<256x256xf32>
    %select_n3A_1703 = arith.select %gt3A_1700, %get3A_1687, %broadcast_in_dim3A_1702 : vector<256x256xi1>, vector<256x256xf32>
    %lt3A_1704 = arith.cmpi slt, %add3A_1699, %add3A_1696 : vector<256x256xi32>
    %jit3A_1705 = arith.constant 0.000000e+00 : f32
    %broadcast_in_dim3A_1706 = vector.broadcast %jit3A_1705 : f32 to vector<256x256xf32>
    %select_n3A_1707 = arith.select %lt3A_1704, %transpose3A_1693, %broadcast_in_dim3A_1706 : vector<256x256xi1>, vector<256x256xf32>
    %add3A_1708 = arith.addf %select_n3A_1703, %select_n3A_1707 : vector<256x256xf32>
    %eq3A_1709 = arith.cmpi eq, %add3A_1699, %add3A_1696 : vector<256x256xi32>
    %jit3A_1710 = arith.constant 0xFF800000 : f32
    %broadcast_in_dim3A_1711 = vector.broadcast %jit3A_1710 : f32 to vector<256x256xf32>
    %select_n3A_1712 = arith.select %eq3A_1709, %broadcast_in_dim3A_1711, %add3A_1708 : vector<256x256xi1>, vector<256x256xf32>
    %swap3A_1713 = arith.constant 2 : index
    %swap3A_1714 = arith.constant 768 : index
    %swap3A_1715 = arith.constant 768 : index
    %swap3A_1716 = vector.load %arg19[%swap3A_1713, %swap3A_1714, %swap3A_1715] : memref<4x1024x1024xf32, #tpu.memory_space<vmem>>, vector<1x256x256xf32>
    %swap3A_1717 = vector.shape_cast %swap3A_1716 : vector<1x256x256xf32> to vector<256x256xf32>
    %swap3A_1718 = vector.shape_cast %select_n3A_1712 : vector<256x256xf32> to vector<1x256x256xf32>
    tpu.vector_store %arg19[%swap3A_1713, %swap3A_1714, %swap3A_1715], %swap3A_1718 {strides = array<i32>} : memref<4x1024x1024xf32, #tpu.memory_space<vmem>>, vector<1x256x256xf32>,
    %get3A_1719 = arith.constant 3 : index
    %get3A_1720 = arith.constant 0 : index
    %get3A_1721 = arith.constant 0 : index
    %get3A_1722 = vector.load %arg0[%get3A_1719, %get3A_1720, %get3A_1721] : memref<4x1024x1024xf32, #tpu.memory_space<vmem>>, vector<1x256x256xf32>
    %get3A_1723 = vector.shape_cast %get3A_1722 : vector<1x256x256xf32> to vector<256x256xf32>
    %get3A_1724 = arith.constant 3 : index
    %get3A_1725 = arith.constant 0 : index
    %get3A_1726 = arith.constant 0 : index
    %get3A_1727 = vector.load %arg0[%get3A_1724, %get3A_1725, %get3A_1726] : memref<4x1024x1024xf32, #tpu.memory_space<vmem>>, vector<1x256x256xf32>
    %get3A_1728 = vector.shape_cast %get3A_1727 : vector<1x256x256xf32> to vector<256x256xf32>
    %transpose3A_1729 = tpu.transpose %get3A_1728, [1, 0] : vector<256x256xf32> -> vector<256x256xf32>
    %add3A_1730 = arith.constant 0 : i32
    %add3A_1731 = vector.broadcast %add3A_1730 : i32 to vector<256x256xi32>
    %add3A_1732 = arith.addi %iota3A, %add3A_1731 : vector<256x256xi32>
    %add3A_1733 = arith.constant 0 : i32
    %add3A_1734 = vector.broadcast %add3A_1733 : i32 to vector<256x256xi32>
    %add3A_1735 = arith.addi %iota3A_0, %add3A_1734 : vector<256x256xi32>
    %gt3A_1736 = arith.cmpi sgt, %add3A_1735, %add3A_1732 : vector<256x256xi32>
    %jit3A_1737 = arith.constant 0.000000e+00 : f32
    %broadcast_in_dim3A_1738 = vector.broadcast %jit3A_1737 : f32 to vector<256x256xf32>
    %select_n3A_1739 = arith.select %gt3A_1736, %get3A_1723, %broadcast_in_dim3A_1738 : vector<256x256xi1>, vector<256x256xf32>
    %lt3A_1740 = arith.cmpi slt, %add3A_1735, %add3A_1732 : vector<256x256xi32>
    %jit3A_1741 = arith.constant 0.000000e+00 : f32
    %broadcast_in_dim3A_1742 = vector.broadcast %jit3A_1741 : f32 to vector<256x256xf32>
    %select_n3A_1743 = arith.select %lt3A_1740, %transpose3A_1729, %broadcast_in_dim3A_1742 : vector<256x256xi1>, vector<256x256xf32>
    %add3A_1744 = arith.addf %select_n3A_1739, %select_n3A_1743 : vector<256x256xf32>
    %eq3A_1745 = arith.cmpi eq, %add3A_1735, %add3A_1732 : vector<256x256xi32>
    %jit3A_1746 = arith.constant 0xFF800000 : f32
    %broadcast_in_dim3A_1747 = vector.broadcast %jit3A_1746 : f32 to vector<256x256xf32>
    %select_n3A_1748 = arith.select %eq3A_1745, %broadcast_in_dim3A_1747, %add3A_1744 : vector<256x256xi1>, vector<256x256xf32>
    %swap3A_1749 = arith.constant 3 : index
    %swap3A_1750 = arith.constant 0 : index
    %swap3A_1751 = arith.constant 0 : index
    %swap3A_1752 = vector.load %arg19[%swap3A_1749, %swap3A_1750, %swap3A_1751] : memref<4x1024x1024xf32, #tpu.memory_space<vmem>>, vector<1x256x256xf32>
    %swap3A_1753 = vector.shape_cast %swap3A_1752 : vector<1x256x256xf32> to vector<256x256xf32>
    %swap3A_1754 = vector.shape_cast %select_n3A_1748 : vector<256x256xf32> to vector<1x256x256xf32>
    tpu.vector_store %arg19[%swap3A_1749, %swap3A_1750, %swap3A_1751], %swap3A_1754 {strides = array<i32>} : memref<4x1024x1024xf32, #tpu.memory_space<vmem>>, vector<1x256x256xf32>,
    %get3A_1755 = arith.constant 3 : index
    %get3A_1756 = arith.constant 0 : index
    %get3A_1757 = arith.constant 256 : index
    %get3A_1758 = vector.load %arg0[%get3A_1755, %get3A_1756, %get3A_1757] : memref<4x1024x1024xf32, #tpu.memory_space<vmem>>, vector<1x256x256xf32>
    %get3A_1759 = vector.shape_cast %get3A_1758 : vector<1x256x256xf32> to vector<256x256xf32>
    %get3A_1760 = arith.constant 3 : index
    %get3A_1761 = arith.constant 256 : index
    %get3A_1762 = arith.constant 0 : index
    %get3A_1763 = vector.load %arg0[%get3A_1760, %get3A_1761, %get3A_1762] : memref<4x1024x1024xf32, #tpu.memory_space<vmem>>, vector<1x256x256xf32>
    %get3A_1764 = vector.shape_cast %get3A_1763 : vector<1x256x256xf32> to vector<256x256xf32>
    %transpose3A_1765 = tpu.transpose %get3A_1764, [1, 0] : vector<256x256xf32> -> vector<256x256xf32>
    %add3A_1766 = arith.constant 0 : i32
    %add3A_1767 = vector.broadcast %add3A_1766 : i32 to vector<256x256xi32>
    %add3A_1768 = arith.addi %iota3A, %add3A_1767 : vector<256x256xi32>
    %add3A_1769 = arith.constant 256 : i32
    %add3A_1770 = vector.broadcast %add3A_1769 : i32 to vector<256x256xi32>
    %add3A_1771 = arith.addi %iota3A_0, %add3A_1770 : vector<256x256xi32>
    %gt3A_1772 = arith.cmpi sgt, %add3A_1771, %add3A_1768 : vector<256x256xi32>
    %jit3A_1773 = arith.constant 0.000000e+00 : f32
    %broadcast_in_dim3A_1774 = vector.broadcast %jit3A_1773 : f32 to vector<256x256xf32>
    %select_n3A_1775 = arith.select %gt3A_1772, %get3A_1759, %broadcast_in_dim3A_1774 : vector<256x256xi1>, vector<256x256xf32>
    %lt3A_1776 = arith.cmpi slt, %add3A_1771, %add3A_1768 : vector<256x256xi32>
    %jit3A_1777 = arith.constant 0.000000e+00 : f32
    %broadcast_in_dim3A_1778 = vector.broadcast %jit3A_1777 : f32 to vector<256x256xf32>
    %select_n3A_1779 = arith.select %lt3A_1776, %transpose3A_1765, %broadcast_in_dim3A_1778 : vector<256x256xi1>, vector<256x256xf32>
    %add3A_1780 = arith.addf %select_n3A_1775, %select_n3A_1779 : vector<256x256xf32>
    %eq3A_1781 = arith.cmpi eq, %add3A_1771, %add3A_1768 : vector<256x256xi32>
    %jit3A_1782 = arith.constant 0xFF800000 : f32
    %broadcast_in_dim3A_1783 = vector.broadcast %jit3A_1782 : f32 to vector<256x256xf32>
    %select_n3A_1784 = arith.select %eq3A_1781, %broadcast_in_dim3A_1783, %add3A_1780 : vector<256x256xi1>, vector<256x256xf32>
    %swap3A_1785 = arith.constant 3 : index
    %swap3A_1786 = arith.constant 0 : index
    %swap3A_1787 = arith.constant 256 : index
    %swap3A_1788 = vector.load %arg19[%swap3A_1785, %swap3A_1786, %swap3A_1787] : memref<4x1024x1024xf32, #tpu.memory_space<vmem>>, vector<1x256x256xf32>
    %swap3A_1789 = vector.shape_cast %swap3A_1788 : vector<1x256x256xf32> to vector<256x256xf32>
    %swap3A_1790 = vector.shape_cast %select_n3A_1784 : vector<256x256xf32> to vector<1x256x256xf32>
    tpu.vector_store %arg19[%swap3A_1785, %swap3A_1786, %swap3A_1787], %swap3A_1790 {strides = array<i32>} : memref<4x1024x1024xf32, #tpu.memory_space<vmem>>, vector<1x256x256xf32>,
    %get3A_1791 = arith.constant 3 : index
    %get3A_1792 = arith.constant 0 : index
    %get3A_1793 = arith.constant 512 : index
    %get3A_1794 = vector.load %arg0[%get3A_1791, %get3A_1792, %get3A_1793] : memref<4x1024x1024xf32, #tpu.memory_space<vmem>>, vector<1x256x256xf32>
    %get3A_1795 = vector.shape_cast %get3A_1794 : vector<1x256x256xf32> to vector<256x256xf32>
    %get3A_1796 = arith.constant 3 : index
    %get3A_1797 = arith.constant 512 : index
    %get3A_1798 = arith.constant 0 : index
    %get3A_1799 = vector.load %arg0[%get3A_1796, %get3A_1797, %get3A_1798] : memref<4x1024x1024xf32, #tpu.memory_space<vmem>>, vector<1x256x256xf32>
    %get3A_1800 = vector.shape_cast %get3A_1799 : vector<1x256x256xf32> to vector<256x256xf32>
    %transpose3A_1801 = tpu.transpose %get3A_1800, [1, 0] : vector<256x256xf32> -> vector<256x256xf32>
    %add3A_1802 = arith.constant 0 : i32
    %add3A_1803 = vector.broadcast %add3A_1802 : i32 to vector<256x256xi32>
    %add3A_1804 = arith.addi %iota3A, %add3A_1803 : vector<256x256xi32>
    %add3A_1805 = arith.constant 512 : i32
    %add3A_1806 = vector.broadcast %add3A_1805 : i32 to vector<256x256xi32>
    %add3A_1807 = arith.addi %iota3A_0, %add3A_1806 : vector<256x256xi32>
    %gt3A_1808 = arith.cmpi sgt, %add3A_1807, %add3A_1804 : vector<256x256xi32>
    %jit3A_1809 = arith.constant 0.000000e+00 : f32
    %broadcast_in_dim3A_1810 = vector.broadcast %jit3A_1809 : f32 to vector<256x256xf32>
    %select_n3A_1811 = arith.select %gt3A_1808, %get3A_1795, %broadcast_in_dim3A_1810 : vector<256x256xi1>, vector<256x256xf32>
    %lt3A_1812 = arith.cmpi slt, %add3A_1807, %add3A_1804 : vector<256x256xi32>
    %jit3A_1813 = arith.constant 0.000000e+00 : f32
    %broadcast_in_dim3A_1814 = vector.broadcast %jit3A_1813 : f32 to vector<256x256xf32>
    %select_n3A_1815 = arith.select %lt3A_1812, %transpose3A_1801, %broadcast_in_dim3A_1814 : vector<256x256xi1>, vector<256x256xf32>
    %add3A_1816 = arith.addf %select_n3A_1811, %select_n3A_1815 : vector<256x256xf32>
    %eq3A_1817 = arith.cmpi eq, %add3A_1807, %add3A_1804 : vector<256x256xi32>
    %jit3A_1818 = arith.constant 0xFF800000 : f32
    %broadcast_in_dim3A_1819 = vector.broadcast %jit3A_1818 : f32 to vector<256x256xf32>
    %select_n3A_1820 = arith.select %eq3A_1817, %broadcast_in_dim3A_1819, %add3A_1816 : vector<256x256xi1>, vector<256x256xf32>
    %swap3A_1821 = arith.constant 3 : index
    %swap3A_1822 = arith.constant 0 : index
    %swap3A_1823 = arith.constant 512 : index
    %swap3A_1824 = vector.load %arg19[%swap3A_1821, %swap3A_1822, %swap3A_1823] : memref<4x1024x1024xf32, #tpu.memory_space<vmem>>, vector<1x256x256xf32>
    %swap3A_1825 = vector.shape_cast %swap3A_1824 : vector<1x256x256xf32> to vector<256x256xf32>
    %swap3A_1826 = vector.shape_cast %select_n3A_1820 : vector<256x256xf32> to vector<1x256x256xf32>
    tpu.vector_store %arg19[%swap3A_1821, %swap3A_1822, %swap3A_1823], %swap3A_1826 {strides = array<i32>} : memref<4x1024x1024xf32, #tpu.memory_space<vmem>>, vector<1x256x256xf32>,
    %get3A_1827 = arith.constant 3 : index
    %get3A_1828 = arith.constant 0 : index
    %get3A_1829 = arith.constant 768 : index
    %get3A_1830 = vector.load %arg0[%get3A_1827, %get3A_1828, %get3A_1829] : memref<4x1024x1024xf32, #tpu.memory_space<vmem>>, vector<1x256x256xf32>
    %get3A_1831 = vector.shape_cast %get3A_1830 : vector<1x256x256xf32> to vector<256x256xf32>
    %get3A_1832 = arith.constant 3 : index
    %get3A_1833 = arith.constant 768 : index
    %get3A_1834 = arith.constant 0 : index
    %get3A_1835 = vector.load %arg0[%get3A_1832, %get3A_1833, %get3A_1834] : memref<4x1024x1024xf32, #tpu.memory_space<vmem>>, vector<1x256x256xf32>
    %get3A_1836 = vector.shape_cast %get3A_1835 : vector<1x256x256xf32> to vector<256x256xf32>
    %transpose3A_1837 = tpu.transpose %get3A_1836, [1, 0] : vector<256x256xf32> -> vector<256x256xf32>
    %add3A_1838 = arith.constant 0 : i32
    %add3A_1839 = vector.broadcast %add3A_1838 : i32 to vector<256x256xi32>
    %add3A_1840 = arith.addi %iota3A, %add3A_1839 : vector<256x256xi32>
    %add3A_1841 = arith.constant 768 : i32
    %add3A_1842 = vector.broadcast %add3A_1841 : i32 to vector<256x256xi32>
    %add3A_1843 = arith.addi %iota3A_0, %add3A_1842 : vector<256x256xi32>
    %gt3A_1844 = arith.cmpi sgt, %add3A_1843, %add3A_1840 : vector<256x256xi32>
    %jit3A_1845 = arith.constant 0.000000e+00 : f32
    %broadcast_in_dim3A_1846 = vector.broadcast %jit3A_1845 : f32 to vector<256x256xf32>
    %select_n3A_1847 = arith.select %gt3A_1844, %get3A_1831, %broadcast_in_dim3A_1846 : vector<256x256xi1>, vector<256x256xf32>
    %lt3A_1848 = arith.cmpi slt, %add3A_1843, %add3A_1840 : vector<256x256xi32>
    %jit3A_1849 = arith.constant 0.000000e+00 : f32
    %broadcast_in_dim3A_1850 = vector.broadcast %jit3A_1849 : f32 to vector<256x256xf32>
    %select_n3A_1851 = arith.select %lt3A_1848, %transpose3A_1837, %broadcast_in_dim3A_1850 : vector<256x256xi1>, vector<256x256xf32>
    %add3A_1852 = arith.addf %select_n3A_1847, %select_n3A_1851 : vector<256x256xf32>
    %eq3A_1853 = arith.cmpi eq, %add3A_1843, %add3A_1840 : vector<256x256xi32>
    %jit3A_1854 = arith.constant 0xFF800000 : f32
    %broadcast_in_dim3A_1855 = vector.broadcast %jit3A_1854 : f32 to vector<256x256xf32>
    %select_n3A_1856 = arith.select %eq3A_1853, %broadcast_in_dim3A_1855, %add3A_1852 : vector<256x256xi1>, vector<256x256xf32>
    %swap3A_1857 = arith.constant 3 : index
    %swap3A_1858 = arith.constant 0 : index
    %swap3A_1859 = arith.constant 768 : index
    %swap3A_1860 = vector.load %arg19[%swap3A_1857, %swap3A_1858, %swap3A_1859] : memref<4x1024x1024xf32, #tpu.memory_space<vmem>>, vector<1x256x256xf32>
    %swap3A_1861 = vector.shape_cast %swap3A_1860 : vector<1x256x256xf32> to vector<256x256xf32>
    %swap3A_1862 = vector.shape_cast %select_n3A_1856 : vector<256x256xf32> to vector<1x256x256xf32>
    tpu.vector_store %arg19[%swap3A_1857, %swap3A_1858, %swap3A_1859], %swap3A_1862 {strides = array<i32>} : memref<4x1024x1024xf32, #tpu.memory_space<vmem>>, vector<1x256x256xf32>,
    %get3A_1863 = arith.constant 3 : index
    %get3A_1864 = arith.constant 256 : index
    %get3A_1865 = arith.constant 0 : index
    %get3A_1866 = vector.load %arg0[%get3A_1863, %get3A_1864, %get3A_1865] : memref<4x1024x1024xf32, #tpu.memory_space<vmem>>, vector<1x256x256xf32>
    %get3A_1867 = vector.shape_cast %get3A_1866 : vector<1x256x256xf32> to vector<256x256xf32>
    %get3A_1868 = arith.constant 3 : index
    %get3A_1869 = arith.constant 0 : index
    %get3A_1870 = arith.constant 256 : index
    %get3A_1871 = vector.load %arg0[%get3A_1868, %get3A_1869, %get3A_1870] : memref<4x1024x1024xf32, #tpu.memory_space<vmem>>, vector<1x256x256xf32>
    %get3A_1872 = vector.shape_cast %get3A_1871 : vector<1x256x256xf32> to vector<256x256xf32>
    %transpose3A_1873 = tpu.transpose %get3A_1872, [1, 0] : vector<256x256xf32> -> vector<256x256xf32>
    %add3A_1874 = arith.constant 256 : i32
    %add3A_1875 = vector.broadcast %add3A_1874 : i32 to vector<256x256xi32>
    %add3A_1876 = arith.addi %iota3A, %add3A_1875 : vector<256x256xi32>
    %add3A_1877 = arith.constant 0 : i32
    %add3A_1878 = vector.broadcast %add3A_1877 : i32 to vector<256x256xi32>
    %add3A_1879 = arith.addi %iota3A_0, %add3A_1878 : vector<256x256xi32>
    %gt3A_1880 = arith.cmpi sgt, %add3A_1879, %add3A_1876 : vector<256x256xi32>
    %jit3A_1881 = arith.constant 0.000000e+00 : f32
    %broadcast_in_dim3A_1882 = vector.broadcast %jit3A_1881 : f32 to vector<256x256xf32>
    %select_n3A_1883 = arith.select %gt3A_1880, %get3A_1867, %broadcast_in_dim3A_1882 : vector<256x256xi1>, vector<256x256xf32>
    %lt3A_1884 = arith.cmpi slt, %add3A_1879, %add3A_1876 : vector<256x256xi32>
    %jit3A_1885 = arith.constant 0.000000e+00 : f32
    %broadcast_in_dim3A_1886 = vector.broadcast %jit3A_1885 : f32 to vector<256x256xf32>
    %select_n3A_1887 = arith.select %lt3A_1884, %transpose3A_1873, %broadcast_in_dim3A_1886 : vector<256x256xi1>, vector<256x256xf32>
    %add3A_1888 = arith.addf %select_n3A_1883, %select_n3A_1887 : vector<256x256xf32>
    %eq3A_1889 = arith.cmpi eq, %add3A_1879, %add3A_1876 : vector<256x256xi32>
    %jit3A_1890 = arith.constant 0xFF800000 : f32
    %broadcast_in_dim3A_1891 = vector.broadcast %jit3A_1890 : f32 to vector<256x256xf32>
    %select_n3A_1892 = arith.select %eq3A_1889, %broadcast_in_dim3A_1891, %add3A_1888 : vector<256x256xi1>, vector<256x256xf32>
    %swap3A_1893 = arith.constant 3 : index
    %swap3A_1894 = arith.constant 256 : index
    %swap3A_1895 = arith.constant 0 : index
    %swap3A_1896 = vector.load %arg19[%swap3A_1893, %swap3A_1894, %swap3A_1895] : memref<4x1024x1024xf32, #tpu.memory_space<vmem>>, vector<1x256x256xf32>
    %swap3A_1897 = vector.shape_cast %swap3A_1896 : vector<1x256x256xf32> to vector<256x256xf32>
    %swap3A_1898 = vector.shape_cast %select_n3A_1892 : vector<256x256xf32> to vector<1x256x256xf32>
    tpu.vector_store %arg19[%swap3A_1893, %swap3A_1894, %swap3A_1895], %swap3A_1898 {strides = array<i32>} : memref<4x1024x1024xf32, #tpu.memory_space<vmem>>, vector<1x256x256xf32>,
    %get3A_1899 = arith.constant 3 : index
    %get3A_1900 = arith.constant 256 : index
    %get3A_1901 = arith.constant 256 : index
    %get3A_1902 = vector.load %arg0[%get3A_1899, %get3A_1900, %get3A_1901] : memref<4x1024x1024xf32, #tpu.memory_space<vmem>>, vector<1x256x256xf32>
    %get3A_1903 = vector.shape_cast %get3A_1902 : vector<1x256x256xf32> to vector<256x256xf32>
    %get3A_1904 = arith.constant 3 : index
    %get3A_1905 = arith.constant 256 : index
    %get3A_1906 = arith.constant 256 : index
    %get3A_1907 = vector.load %arg0[%get3A_1904, %get3A_1905, %get3A_1906] : memref<4x1024x1024xf32, #tpu.memory_space<vmem>>, vector<1x256x256xf32>
    %get3A_1908 = vector.shape_cast %get3A_1907 : vector<1x256x256xf32> to vector<256x256xf32>
    %transpose3A_1909 = tpu.transpose %get3A_1908, [1, 0] : vector<256x256xf32> -> vector<256x256xf32>
    %add3A_1910 = arith.constant 256 : i32
    %add3A_1911 = vector.broadcast %add3A_1910 : i32 to vector<256x256xi32>
    %add3A_1912 = arith.addi %iota3A, %add3A_1911 : vector<256x256xi32>
    %add3A_1913 = arith.constant 256 : i32
    %add3A_1914 = vector.broadcast %add3A_1913 : i32 to vector<256x256xi32>
    %add3A_1915 = arith.addi %iota3A_0, %add3A_1914 : vector<256x256xi32>
    %gt3A_1916 = arith.cmpi sgt, %add3A_1915, %add3A_1912 : vector<256x256xi32>
    %jit3A_1917 = arith.constant 0.000000e+00 : f32
    %broadcast_in_dim3A_1918 = vector.broadcast %jit3A_1917 : f32 to vector<256x256xf32>
    %select_n3A_1919 = arith.select %gt3A_1916, %get3A_1903, %broadcast_in_dim3A_1918 : vector<256x256xi1>, vector<256x256xf32>
    %lt3A_1920 = arith.cmpi slt, %add3A_1915, %add3A_1912 : vector<256x256xi32>
    %jit3A_1921 = arith.constant 0.000000e+00 : f32
    %broadcast_in_dim3A_1922 = vector.broadcast %jit3A_1921 : f32 to vector<256x256xf32>
    %select_n3A_1923 = arith.select %lt3A_1920, %transpose3A_1909, %broadcast_in_dim3A_1922 : vector<256x256xi1>, vector<256x256xf32>
    %add3A_1924 = arith.addf %select_n3A_1919, %select_n3A_1923 : vector<256x256xf32>
    %eq3A_1925 = arith.cmpi eq, %add3A_1915, %add3A_1912 : vector<256x256xi32>
    %jit3A_1926 = arith.constant 0xFF800000 : f32
    %broadcast_in_dim3A_1927 = vector.broadcast %jit3A_1926 : f32 to vector<256x256xf32>
    %select_n3A_1928 = arith.select %eq3A_1925, %broadcast_in_dim3A_1927, %add3A_1924 : vector<256x256xi1>, vector<256x256xf32>
    %swap3A_1929 = arith.constant 3 : index
    %swap3A_1930 = arith.constant 256 : index
    %swap3A_1931 = arith.constant 256 : index
    %swap3A_1932 = vector.load %arg19[%swap3A_1929, %swap3A_1930, %swap3A_1931] : memref<4x1024x1024xf32, #tpu.memory_space<vmem>>, vector<1x256x256xf32>
    %swap3A_1933 = vector.shape_cast %swap3A_1932 : vector<1x256x256xf32> to vector<256x256xf32>
    %swap3A_1934 = vector.shape_cast %select_n3A_1928 : vector<256x256xf32> to vector<1x256x256xf32>
    tpu.vector_store %arg19[%swap3A_1929, %swap3A_1930, %swap3A_1931], %swap3A_1934 {strides = array<i32>} : memref<4x1024x1024xf32, #tpu.memory_space<vmem>>, vector<1x256x256xf32>,
    %get3A_1935 = arith.constant 3 : index
    %get3A_1936 = arith.constant 256 : index
    %get3A_1937 = arith.constant 512 : index
    %get3A_1938 = vector.load %arg0[%get3A_1935, %get3A_1936, %get3A_1937] : memref<4x1024x1024xf32, #tpu.memory_space<vmem>>, vector<1x256x256xf32>
    %get3A_1939 = vector.shape_cast %get3A_1938 : vector<1x256x256xf32> to vector<256x256xf32>
    %get3A_1940 = arith.constant 3 : index
    %get3A_1941 = arith.constant 512 : index
    %get3A_1942 = arith.constant 256 : index
    %get3A_1943 = vector.load %arg0[%get3A_1940, %get3A_1941, %get3A_1942] : memref<4x1024x1024xf32, #tpu.memory_space<vmem>>, vector<1x256x256xf32>
    %get3A_1944 = vector.shape_cast %get3A_1943 : vector<1x256x256xf32> to vector<256x256xf32>
    %transpose3A_1945 = tpu.transpose %get3A_1944, [1, 0] : vector<256x256xf32> -> vector<256x256xf32>
    %add3A_1946 = arith.constant 256 : i32
    %add3A_1947 = vector.broadcast %add3A_1946 : i32 to vector<256x256xi32>
    %add3A_1948 = arith.addi %iota3A, %add3A_1947 : vector<256x256xi32>
    %add3A_1949 = arith.constant 512 : i32
    %add3A_1950 = vector.broadcast %add3A_1949 : i32 to vector<256x256xi32>
    %add3A_1951 = arith.addi %iota3A_0, %add3A_1950 : vector<256x256xi32>
    %gt3A_1952 = arith.cmpi sgt, %add3A_1951, %add3A_1948 : vector<256x256xi32>
    %jit3A_1953 = arith.constant 0.000000e+00 : f32
    %broadcast_in_dim3A_1954 = vector.broadcast %jit3A_1953 : f32 to vector<256x256xf32>
    %select_n3A_1955 = arith.select %gt3A_1952, %get3A_1939, %broadcast_in_dim3A_1954 : vector<256x256xi1>, vector<256x256xf32>
    %lt3A_1956 = arith.cmpi slt, %add3A_1951, %add3A_1948 : vector<256x256xi32>
    %jit3A_1957 = arith.constant 0.000000e+00 : f32
    %broadcast_in_dim3A_1958 = vector.broadcast %jit3A_1957 : f32 to vector<256x256xf32>
    %select_n3A_1959 = arith.select %lt3A_1956, %transpose3A_1945, %broadcast_in_dim3A_1958 : vector<256x256xi1>, vector<256x256xf32>
    %add3A_1960 = arith.addf %select_n3A_1955, %select_n3A_1959 : vector<256x256xf32>
    %eq3A_1961 = arith.cmpi eq, %add3A_1951, %add3A_1948 : vector<256x256xi32>
    %jit3A_1962 = arith.constant 0xFF800000 : f32
    %broadcast_in_dim3A_1963 = vector.broadcast %jit3A_1962 : f32 to vector<256x256xf32>
    %select_n3A_1964 = arith.select %eq3A_1961, %broadcast_in_dim3A_1963, %add3A_1960 : vector<256x256xi1>, vector<256x256xf32>
    %swap3A_1965 = arith.constant 3 : index
    %swap3A_1966 = arith.constant 256 : index
    %swap3A_1967 = arith.constant 512 : index
    %swap3A_1968 = vector.load %arg19[%swap3A_1965, %swap3A_1966, %swap3A_1967] : memref<4x1024x1024xf32, #tpu.memory_space<vmem>>, vector<1x256x256xf32>
    %swap3A_1969 = vector.shape_cast %swap3A_1968 : vector<1x256x256xf32> to vector<256x256xf32>
    %swap3A_1970 = vector.shape_cast %select_n3A_1964 : vector<256x256xf32> to vector<1x256x256xf32>
    tpu.vector_store %arg19[%swap3A_1965, %swap3A_1966, %swap3A_1967], %swap3A_1970 {strides = array<i32>} : memref<4x1024x1024xf32, #tpu.memory_space<vmem>>, vector<1x256x256xf32>,
    %get3A_1971 = arith.constant 3 : index
    %get3A_1972 = arith.constant 256 : index
    %get3A_1973 = arith.constant 768 : index
    %get3A_1974 = vector.load %arg0[%get3A_1971, %get3A_1972, %get3A_1973] : memref<4x1024x1024xf32, #tpu.memory_space<vmem>>, vector<1x256x256xf32>
    %get3A_1975 = vector.shape_cast %get3A_1974 : vector<1x256x256xf32> to vector<256x256xf32>
    %get3A_1976 = arith.constant 3 : index
    %get3A_1977 = arith.constant 768 : index
    %get3A_1978 = arith.constant 256 : index
    %get3A_1979 = vector.load %arg0[%get3A_1976, %get3A_1977, %get3A_1978] : memref<4x1024x1024xf32, #tpu.memory_space<vmem>>, vector<1x256x256xf32>
    %get3A_1980 = vector.shape_cast %get3A_1979 : vector<1x256x256xf32> to vector<256x256xf32>
    %transpose3A_1981 = tpu.transpose %get3A_1980, [1, 0] : vector<256x256xf32> -> vector<256x256xf32>
    %add3A_1982 = arith.constant 256 : i32
    %add3A_1983 = vector.broadcast %add3A_1982 : i32 to vector<256x256xi32>
    %add3A_1984 = arith.addi %iota3A, %add3A_1983 : vector<256x256xi32>
    %add3A_1985 = arith.constant 768 : i32
    %add3A_1986 = vector.broadcast %add3A_1985 : i32 to vector<256x256xi32>
    %add3A_1987 = arith.addi %iota3A_0, %add3A_1986 : vector<256x256xi32>
    %gt3A_1988 = arith.cmpi sgt, %add3A_1987, %add3A_1984 : vector<256x256xi32>
    %jit3A_1989 = arith.constant 0.000000e+00 : f32
    %broadcast_in_dim3A_1990 = vector.broadcast %jit3A_1989 : f32 to vector<256x256xf32>
    %select_n3A_1991 = arith.select %gt3A_1988, %get3A_1975, %broadcast_in_dim3A_1990 : vector<256x256xi1>, vector<256x256xf32>
    %lt3A_1992 = arith.cmpi slt, %add3A_1987, %add3A_1984 : vector<256x256xi32>
    %jit3A_1993 = arith.constant 0.000000e+00 : f32
    %broadcast_in_dim3A_1994 = vector.broadcast %jit3A_1993 : f32 to vector<256x256xf32>
    %select_n3A_1995 = arith.select %lt3A_1992, %transpose3A_1981, %broadcast_in_dim3A_1994 : vector<256x256xi1>, vector<256x256xf32>
    %add3A_1996 = arith.addf %select_n3A_1991, %select_n3A_1995 : vector<256x256xf32>
    %eq3A_1997 = arith.cmpi eq, %add3A_1987, %add3A_1984 : vector<256x256xi32>
    %jit3A_1998 = arith.constant 0xFF800000 : f32
    %broadcast_in_dim3A_1999 = vector.broadcast %jit3A_1998 : f32 to vector<256x256xf32>
    %select_n3A_2000 = arith.select %eq3A_1997, %broadcast_in_dim3A_1999, %add3A_1996 : vector<256x256xi1>, vector<256x256xf32>
    %swap3A_2001 = arith.constant 3 : index
    %swap3A_2002 = arith.constant 256 : index
    %swap3A_2003 = arith.constant 768 : index
    %swap3A_2004 = vector.load %arg19[%swap3A_2001, %swap3A_2002, %swap3A_2003] : memref<4x1024x1024xf32, #tpu.memory_space<vmem>>, vector<1x256x256xf32>
    %swap3A_2005 = vector.shape_cast %swap3A_2004 : vector<1x256x256xf32> to vector<256x256xf32>
    %swap3A_2006 = vector.shape_cast %select_n3A_2000 : vector<256x256xf32> to vector<1x256x256xf32>
    tpu.vector_store %arg19[%swap3A_2001, %swap3A_2002, %swap3A_2003], %swap3A_2006 {strides = array<i32>} : memref<4x1024x1024xf32, #tpu.memory_space<vmem>>, vector<1x256x256xf32>,
    %get3A_2007 = arith.constant 3 : index
    %get3A_2008 = arith.constant 512 : index
    %get3A_2009 = arith.constant 0 : index
    %get3A_2010 = vector.load %arg0[%get3A_2007, %get3A_2008, %get3A_2009] : memref<4x1024x1024xf32, #tpu.memory_space<vmem>>, vector<1x256x256xf32>
    %get3A_2011 = vector.shape_cast %get3A_2010 : vector<1x256x256xf32> to vector<256x256xf32>
    %get3A_2012 = arith.constant 3 : index
    %get3A_2013 = arith.constant 0 : index
    %get3A_2014 = arith.constant 512 : index
    %get3A_2015 = vector.load %arg0[%get3A_2012, %get3A_2013, %get3A_2014] : memref<4x1024x1024xf32, #tpu.memory_space<vmem>>, vector<1x256x256xf32>
    %get3A_2016 = vector.shape_cast %get3A_2015 : vector<1x256x256xf32> to vector<256x256xf32>
    %transpose3A_2017 = tpu.transpose %get3A_2016, [1, 0] : vector<256x256xf32> -> vector<256x256xf32>
    %add3A_2018 = arith.constant 512 : i32
    %add3A_2019 = vector.broadcast %add3A_2018 : i32 to vector<256x256xi32>
    %add3A_2020 = arith.addi %iota3A, %add3A_2019 : vector<256x256xi32>
    %add3A_2021 = arith.constant 0 : i32
    %add3A_2022 = vector.broadcast %add3A_2021 : i32 to vector<256x256xi32>
    %add3A_2023 = arith.addi %iota3A_0, %add3A_2022 : vector<256x256xi32>
    %gt3A_2024 = arith.cmpi sgt, %add3A_2023, %add3A_2020 : vector<256x256xi32>
    %jit3A_2025 = arith.constant 0.000000e+00 : f32
    %broadcast_in_dim3A_2026 = vector.broadcast %jit3A_2025 : f32 to vector<256x256xf32>
    %select_n3A_2027 = arith.select %gt3A_2024, %get3A_2011, %broadcast_in_dim3A_2026 : vector<256x256xi1>, vector<256x256xf32>
    %lt3A_2028 = arith.cmpi slt, %add3A_2023, %add3A_2020 : vector<256x256xi32>
    %jit3A_2029 = arith.constant 0.000000e+00 : f32
    %broadcast_in_dim3A_2030 = vector.broadcast %jit3A_2029 : f32 to vector<256x256xf32>
    %select_n3A_2031 = arith.select %lt3A_2028, %transpose3A_2017, %broadcast_in_dim3A_2030 : vector<256x256xi1>, vector<256x256xf32>
    %add3A_2032 = arith.addf %select_n3A_2027, %select_n3A_2031 : vector<256x256xf32>
    %eq3A_2033 = arith.cmpi eq, %add3A_2023, %add3A_2020 : vector<256x256xi32>
    %jit3A_2034 = arith.constant 0xFF800000 : f32
    %broadcast_in_dim3A_2035 = vector.broadcast %jit3A_2034 : f32 to vector<256x256xf32>
    %select_n3A_2036 = arith.select %eq3A_2033, %broadcast_in_dim3A_2035, %add3A_2032 : vector<256x256xi1>, vector<256x256xf32>
    %swap3A_2037 = arith.constant 3 : index
    %swap3A_2038 = arith.constant 512 : index
    %swap3A_2039 = arith.constant 0 : index
    %swap3A_2040 = vector.load %arg19[%swap3A_2037, %swap3A_2038, %swap3A_2039] : memref<4x1024x1024xf32, #tpu.memory_space<vmem>>, vector<1x256x256xf32>
    %swap3A_2041 = vector.shape_cast %swap3A_2040 : vector<1x256x256xf32> to vector<256x256xf32>
    %swap3A_2042 = vector.shape_cast %select_n3A_2036 : vector<256x256xf32> to vector<1x256x256xf32>
    tpu.vector_store %arg19[%swap3A_2037, %swap3A_2038, %swap3A_2039], %swap3A_2042 {strides = array<i32>} : memref<4x1024x1024xf32, #tpu.memory_space<vmem>>, vector<1x256x256xf32>,
    %get3A_2043 = arith.constant 3 : index
    %get3A_2044 = arith.constant 512 : index
    %get3A_2045 = arith.constant 256 : index
    %get3A_2046 = vector.load %arg0[%get3A_2043, %get3A_2044, %get3A_2045] : memref<4x1024x1024xf32, #tpu.memory_space<vmem>>, vector<1x256x256xf32>
    %get3A_2047 = vector.shape_cast %get3A_2046 : vector<1x256x256xf32> to vector<256x256xf32>
    %get3A_2048 = arith.constant 3 : index
    %get3A_2049 = arith.constant 256 : index
    %get3A_2050 = arith.constant 512 : index
    %get3A_2051 = vector.load %arg0[%get3A_2048, %get3A_2049, %get3A_2050] : memref<4x1024x1024xf32, #tpu.memory_space<vmem>>, vector<1x256x256xf32>
    %get3A_2052 = vector.shape_cast %get3A_2051 : vector<1x256x256xf32> to vector<256x256xf32>
    %transpose3A_2053 = tpu.transpose %get3A_2052, [1, 0] : vector<256x256xf32> -> vector<256x256xf32>
    %add3A_2054 = arith.constant 512 : i32
    %add3A_2055 = vector.broadcast %add3A_2054 : i32 to vector<256x256xi32>
    %add3A_2056 = arith.addi %iota3A, %add3A_2055 : vector<256x256xi32>
    %add3A_2057 = arith.constant 256 : i32
    %add3A_2058 = vector.broadcast %add3A_2057 : i32 to vector<256x256xi32>
    %add3A_2059 = arith.addi %iota3A_0, %add3A_2058 : vector<256x256xi32>
    %gt3A_2060 = arith.cmpi sgt, %add3A_2059, %add3A_2056 : vector<256x256xi32>
    %jit3A_2061 = arith.constant 0.000000e+00 : f32
    %broadcast_in_dim3A_2062 = vector.broadcast %jit3A_2061 : f32 to vector<256x256xf32>
    %select_n3A_2063 = arith.select %gt3A_2060, %get3A_2047, %broadcast_in_dim3A_2062 : vector<256x256xi1>, vector<256x256xf32>
    %lt3A_2064 = arith.cmpi slt, %add3A_2059, %add3A_2056 : vector<256x256xi32>
    %jit3A_2065 = arith.constant 0.000000e+00 : f32
    %broadcast_in_dim3A_2066 = vector.broadcast %jit3A_2065 : f32 to vector<256x256xf32>
    %select_n3A_2067 = arith.select %lt3A_2064, %transpose3A_2053, %broadcast_in_dim3A_2066 : vector<256x256xi1>, vector<256x256xf32>
    %add3A_2068 = arith.addf %select_n3A_2063, %select_n3A_2067 : vector<256x256xf32>
    %eq3A_2069 = arith.cmpi eq, %add3A_2059, %add3A_2056 : vector<256x256xi32>
    %jit3A_2070 = arith.constant 0xFF800000 : f32
    %broadcast_in_dim3A_2071 = vector.broadcast %jit3A_2070 : f32 to vector<256x256xf32>
    %select_n3A_2072 = arith.select %eq3A_2069, %broadcast_in_dim3A_2071, %add3A_2068 : vector<256x256xi1>, vector<256x256xf32>
    %swap3A_2073 = arith.constant 3 : index
    %swap3A_2074 = arith.constant 512 : index
    %swap3A_2075 = arith.constant 256 : index
    %swap3A_2076 = vector.load %arg19[%swap3A_2073, %swap3A_2074, %swap3A_2075] : memref<4x1024x1024xf32, #tpu.memory_space<vmem>>, vector<1x256x256xf32>
    %swap3A_2077 = vector.shape_cast %swap3A_2076 : vector<1x256x256xf32> to vector<256x256xf32>
    %swap3A_2078 = vector.shape_cast %select_n3A_2072 : vector<256x256xf32> to vector<1x256x256xf32>
    tpu.vector_store %arg19[%swap3A_2073, %swap3A_2074, %swap3A_2075], %swap3A_2078 {strides = array<i32>} : memref<4x1024x1024xf32, #tpu.memory_space<vmem>>, vector<1x256x256xf32>,
    %get3A_2079 = arith.constant 3 : index
    %get3A_2080 = arith.constant 512 : index
    %get3A_2081 = arith.constant 512 : index
    %get3A_2082 = vector.load %arg0[%get3A_2079, %get3A_2080, %get3A_2081] : memref<4x1024x1024xf32, #tpu.memory_space<vmem>>, vector<1x256x256xf32>
    %get3A_2083 = vector.shape_cast %get3A_2082 : vector<1x256x256xf32> to vector<256x256xf32>
    %get3A_2084 = arith.constant 3 : index
    %get3A_2085 = arith.constant 512 : index
    %get3A_2086 = arith.constant 512 : index
    %get3A_2087 = vector.load %arg0[%get3A_2084, %get3A_2085, %get3A_2086] : memref<4x1024x1024xf32, #tpu.memory_space<vmem>>, vector<1x256x256xf32>
    %get3A_2088 = vector.shape_cast %get3A_2087 : vector<1x256x256xf32> to vector<256x256xf32>
    %transpose3A_2089 = tpu.transpose %get3A_2088, [1, 0] : vector<256x256xf32> -> vector<256x256xf32>
    %add3A_2090 = arith.constant 512 : i32
    %add3A_2091 = vector.broadcast %add3A_2090 : i32 to vector<256x256xi32>
    %add3A_2092 = arith.addi %iota3A, %add3A_2091 : vector<256x256xi32>
    %add3A_2093 = arith.constant 512 : i32
    %add3A_2094 = vector.broadcast %add3A_2093 : i32 to vector<256x256xi32>
    %add3A_2095 = arith.addi %iota3A_0, %add3A_2094 : vector<256x256xi32>
    %gt3A_2096 = arith.cmpi sgt, %add3A_2095, %add3A_2092 : vector<256x256xi32>
    %jit3A_2097 = arith.constant 0.000000e+00 : f32
    %broadcast_in_dim3A_2098 = vector.broadcast %jit3A_2097 : f32 to vector<256x256xf32>
    %select_n3A_2099 = arith.select %gt3A_2096, %get3A_2083, %broadcast_in_dim3A_2098 : vector<256x256xi1>, vector<256x256xf32>
    %lt3A_2100 = arith.cmpi slt, %add3A_2095, %add3A_2092 : vector<256x256xi32>
    %jit3A_2101 = arith.constant 0.000000e+00 : f32
    %broadcast_in_dim3A_2102 = vector.broadcast %jit3A_2101 : f32 to vector<256x256xf32>
    %select_n3A_2103 = arith.select %lt3A_2100, %transpose3A_2089, %broadcast_in_dim3A_2102 : vector<256x256xi1>, vector<256x256xf32>
    %add3A_2104 = arith.addf %select_n3A_2099, %select_n3A_2103 : vector<256x256xf32>
    %eq3A_2105 = arith.cmpi eq, %add3A_2095, %add3A_2092 : vector<256x256xi32>
    %jit3A_2106 = arith.constant 0xFF800000 : f32
    %broadcast_in_dim3A_2107 = vector.broadcast %jit3A_2106 : f32 to vector<256x256xf32>
    %select_n3A_2108 = arith.select %eq3A_2105, %broadcast_in_dim3A_2107, %add3A_2104 : vector<256x256xi1>, vector<256x256xf32>
    %swap3A_2109 = arith.constant 3 : index
    %swap3A_2110 = arith.constant 512 : index
    %swap3A_2111 = arith.constant 512 : index
    %swap3A_2112 = vector.load %arg19[%swap3A_2109, %swap3A_2110, %swap3A_2111] : memref<4x1024x1024xf32, #tpu.memory_space<vmem>>, vector<1x256x256xf32>
    %swap3A_2113 = vector.shape_cast %swap3A_2112 : vector<1x256x256xf32> to vector<256x256xf32>
    %swap3A_2114 = vector.shape_cast %select_n3A_2108 : vector<256x256xf32> to vector<1x256x256xf32>
    tpu.vector_store %arg19[%swap3A_2109, %swap3A_2110, %swap3A_2111], %swap3A_2114 {strides = array<i32>} : memref<4x1024x1024xf32, #tpu.memory_space<vmem>>, vector<1x256x256xf32>,
    %get3A_2115 = arith.constant 3 : index
    %get3A_2116 = arith.constant 512 : index
    %get3A_2117 = arith.constant 768 : index
    %get3A_2118 = vector.load %arg0[%get3A_2115, %get3A_2116, %get3A_2117] : memref<4x1024x1024xf32, #tpu.memory_space<vmem>>, vector<1x256x256xf32>
    %get3A_2119 = vector.shape_cast %get3A_2118 : vector<1x256x256xf32> to vector<256x256xf32>
    %get3A_2120 = arith.constant 3 : index
    %get3A_2121 = arith.constant 768 : index
    %get3A_2122 = arith.constant 512 : index
    %get3A_2123 = vector.load %arg0[%get3A_2120, %get3A_2121, %get3A_2122] : memref<4x1024x1024xf32, #tpu.memory_space<vmem>>, vector<1x256x256xf32>
    %get3A_2124 = vector.shape_cast %get3A_2123 : vector<1x256x256xf32> to vector<256x256xf32>
    %transpose3A_2125 = tpu.transpose %get3A_2124, [1, 0] : vector<256x256xf32> -> vector<256x256xf32>
    %add3A_2126 = arith.constant 512 : i32
    %add3A_2127 = vector.broadcast %add3A_2126 : i32 to vector<256x256xi32>
    %add3A_2128 = arith.addi %iota3A, %add3A_2127 : vector<256x256xi32>
    %add3A_2129 = arith.constant 768 : i32
    %add3A_2130 = vector.broadcast %add3A_2129 : i32 to vector<256x256xi32>
    %add3A_2131 = arith.addi %iota3A_0, %add3A_2130 : vector<256x256xi32>
    %gt3A_2132 = arith.cmpi sgt, %add3A_2131, %add3A_2128 : vector<256x256xi32>
    %jit3A_2133 = arith.constant 0.000000e+00 : f32
    %broadcast_in_dim3A_2134 = vector.broadcast %jit3A_2133 : f32 to vector<256x256xf32>
    %select_n3A_2135 = arith.select %gt3A_2132, %get3A_2119, %broadcast_in_dim3A_2134 : vector<256x256xi1>, vector<256x256xf32>
    %lt3A_2136 = arith.cmpi slt, %add3A_2131, %add3A_2128 : vector<256x256xi32>
    %jit3A_2137 = arith.constant 0.000000e+00 : f32
    %broadcast_in_dim3A_2138 = vector.broadcast %jit3A_2137 : f32 to vector<256x256xf32>
    %select_n3A_2139 = arith.select %lt3A_2136, %transpose3A_2125, %broadcast_in_dim3A_2138 : vector<256x256xi1>, vector<256x256xf32>
    %add3A_2140 = arith.addf %select_n3A_2135, %select_n3A_2139 : vector<256x256xf32>
    %eq3A_2141 = arith.cmpi eq, %add3A_2131, %add3A_2128 : vector<256x256xi32>
    %jit3A_2142 = arith.constant 0xFF800000 : f32
    %broadcast_in_dim3A_2143 = vector.broadcast %jit3A_2142 : f32 to vector<256x256xf32>
    %select_n3A_2144 = arith.select %eq3A_2141, %broadcast_in_dim3A_2143, %add3A_2140 : vector<256x256xi1>, vector<256x256xf32>
    %swap3A_2145 = arith.constant 3 : index
    %swap3A_2146 = arith.constant 512 : index
    %swap3A_2147 = arith.constant 768 : index
    %swap3A_2148 = vector.load %arg19[%swap3A_2145, %swap3A_2146, %swap3A_2147] : memref<4x1024x1024xf32, #tpu.memory_space<vmem>>, vector<1x256x256xf32>
    %swap3A_2149 = vector.shape_cast %swap3A_2148 : vector<1x256x256xf32> to vector<256x256xf32>
    %swap3A_2150 = vector.shape_cast %select_n3A_2144 : vector<256x256xf32> to vector<1x256x256xf32>
    tpu.vector_store %arg19[%swap3A_2145, %swap3A_2146, %swap3A_2147], %swap3A_2150 {strides = array<i32>} : memref<4x1024x1024xf32, #tpu.memory_space<vmem>>, vector<1x256x256xf32>,
    %get3A_2151 = arith.constant 3 : index
    %get3A_2152 = arith.constant 768 : index
    %get3A_2153 = arith.constant 0 : index
    %get3A_2154 = vector.load %arg0[%get3A_2151, %get3A_2152, %get3A_2153] : memref<4x1024x1024xf32, #tpu.memory_space<vmem>>, vector<1x256x256xf32>
    %get3A_2155 = vector.shape_cast %get3A_2154 : vector<1x256x256xf32> to vector<256x256xf32>
    %get3A_2156 = arith.constant 3 : index
    %get3A_2157 = arith.constant 0 : index
    %get3A_2158 = arith.constant 768 : index
    %get3A_2159 = vector.load %arg0[%get3A_2156, %get3A_2157, %get3A_2158] : memref<4x1024x1024xf32, #tpu.memory_space<vmem>>, vector<1x256x256xf32>
    %get3A_2160 = vector.shape_cast %get3A_2159 : vector<1x256x256xf32> to vector<256x256xf32>
    %transpose3A_2161 = tpu.transpose %get3A_2160, [1, 0] : vector<256x256xf32> -> vector<256x256xf32>
    %add3A_2162 = arith.constant 768 : i32
    %add3A_2163 = vector.broadcast %add3A_2162 : i32 to vector<256x256xi32>
    %add3A_2164 = arith.addi %iota3A, %add3A_2163 : vector<256x256xi32>
    %add3A_2165 = arith.constant 0 : i32
    %add3A_2166 = vector.broadcast %add3A_2165 : i32 to vector<256x256xi32>
    %add3A_2167 = arith.addi %iota3A_0, %add3A_2166 : vector<256x256xi32>
    %gt3A_2168 = arith.cmpi sgt, %add3A_2167, %add3A_2164 : vector<256x256xi32>
    %jit3A_2169 = arith.constant 0.000000e+00 : f32
    %broadcast_in_dim3A_2170 = vector.broadcast %jit3A_2169 : f32 to vector<256x256xf32>
    %select_n3A_2171 = arith.select %gt3A_2168, %get3A_2155, %broadcast_in_dim3A_2170 : vector<256x256xi1>, vector<256x256xf32>
    %lt3A_2172 = arith.cmpi slt, %add3A_2167, %add3A_2164 : vector<256x256xi32>
    %jit3A_2173 = arith.constant 0.000000e+00 : f32
    %broadcast_in_dim3A_2174 = vector.broadcast %jit3A_2173 : f32 to vector<256x256xf32>
    %select_n3A_2175 = arith.select %lt3A_2172, %transpose3A_2161, %broadcast_in_dim3A_2174 : vector<256x256xi1>, vector<256x256xf32>
    %add3A_2176 = arith.addf %select_n3A_2171, %select_n3A_2175 : vector<256x256xf32>
    %eq3A_2177 = arith.cmpi eq, %add3A_2167, %add3A_2164 : vector<256x256xi32>
    %jit3A_2178 = arith.constant 0xFF800000 : f32
    %broadcast_in_dim3A_2179 = vector.broadcast %jit3A_2178 : f32 to vector<256x256xf32>
    %select_n3A_2180 = arith.select %eq3A_2177, %broadcast_in_dim3A_2179, %add3A_2176 : vector<256x256xi1>, vector<256x256xf32>
    %swap3A_2181 = arith.constant 3 : index
    %swap3A_2182 = arith.constant 768 : index
    %swap3A_2183 = arith.constant 0 : index
    %swap3A_2184 = vector.load %arg19[%swap3A_2181, %swap3A_2182, %swap3A_2183] : memref<4x1024x1024xf32, #tpu.memory_space<vmem>>, vector<1x256x256xf32>
    %swap3A_2185 = vector.shape_cast %swap3A_2184 : vector<1x256x256xf32> to vector<256x256xf32>
    %swap3A_2186 = vector.shape_cast %select_n3A_2180 : vector<256x256xf32> to vector<1x256x256xf32>
    tpu.vector_store %arg19[%swap3A_2181, %swap3A_2182, %swap3A_2183], %swap3A_2186 {strides = array<i32>} : memref<4x1024x1024xf32, #tpu.memory_space<vmem>>, vector<1x256x256xf32>,
    %get3A_2187 = arith.constant 3 : index
    %get3A_2188 = arith.constant 768 : index
    %get3A_2189 = arith.constant 256 : index
    %get3A_2190 = vector.load %arg0[%get3A_2187, %get3A_2188, %get3A_2189] : memref<4x1024x1024xf32, #tpu.memory_space<vmem>>, vector<1x256x256xf32>
    %get3A_2191 = vector.shape_cast %get3A_2190 : vector<1x256x256xf32> to vector<256x256xf32>
    %get3A_2192 = arith.constant 3 : index
    %get3A_2193 = arith.constant 256 : index
    %get3A_2194 = arith.constant 768 : index
    %get3A_2195 = vector.load %arg0[%get3A_2192, %get3A_2193, %get3A_2194] : memref<4x1024x1024xf32, #tpu.memory_space<vmem>>, vector<1x256x256xf32>
    %get3A_2196 = vector.shape_cast %get3A_2195 : vector<1x256x256xf32> to vector<256x256xf32>
    %transpose3A_2197 = tpu.transpose %get3A_2196, [1, 0] : vector<256x256xf32> -> vector<256x256xf32>
    %add3A_2198 = arith.constant 768 : i32
    %add3A_2199 = vector.broadcast %add3A_2198 : i32 to vector<256x256xi32>
    %add3A_2200 = arith.addi %iota3A, %add3A_2199 : vector<256x256xi32>
    %add3A_2201 = arith.constant 256 : i32
    %add3A_2202 = vector.broadcast %add3A_2201 : i32 to vector<256x256xi32>
    %add3A_2203 = arith.addi %iota3A_0, %add3A_2202 : vector<256x256xi32>
    %gt3A_2204 = arith.cmpi sgt, %add3A_2203, %add3A_2200 : vector<256x256xi32>
    %jit3A_2205 = arith.constant 0.000000e+00 : f32
    %broadcast_in_dim3A_2206 = vector.broadcast %jit3A_2205 : f32 to vector<256x256xf32>
    %select_n3A_2207 = arith.select %gt3A_2204, %get3A_2191, %broadcast_in_dim3A_2206 : vector<256x256xi1>, vector<256x256xf32>
    %lt3A_2208 = arith.cmpi slt, %add3A_2203, %add3A_2200 : vector<256x256xi32>
    %jit3A_2209 = arith.constant 0.000000e+00 : f32
    %broadcast_in_dim3A_2210 = vector.broadcast %jit3A_2209 : f32 to vector<256x256xf32>
    %select_n3A_2211 = arith.select %lt3A_2208, %transpose3A_2197, %broadcast_in_dim3A_2210 : vector<256x256xi1>, vector<256x256xf32>
    %add3A_2212 = arith.addf %select_n3A_2207, %select_n3A_2211 : vector<256x256xf32>
    %eq3A_2213 = arith.cmpi eq, %add3A_2203, %add3A_2200 : vector<256x256xi32>
    %jit3A_2214 = arith.constant 0xFF800000 : f32
    %broadcast_in_dim3A_2215 = vector.broadcast %jit3A_2214 : f32 to vector<256x256xf32>
    %select_n3A_2216 = arith.select %eq3A_2213, %broadcast_in_dim3A_2215, %add3A_2212 : vector<256x256xi1>, vector<256x256xf32>
    %swap3A_2217 = arith.constant 3 : index
    %swap3A_2218 = arith.constant 768 : index
    %swap3A_2219 = arith.constant 256 : index
    %swap3A_2220 = vector.load %arg19[%swap3A_2217, %swap3A_2218, %swap3A_2219] : memref<4x1024x1024xf32, #tpu.memory_space<vmem>>, vector<1x256x256xf32>
    %swap3A_2221 = vector.shape_cast %swap3A_2220 : vector<1x256x256xf32> to vector<256x256xf32>
    %swap3A_2222 = vector.shape_cast %select_n3A_2216 : vector<256x256xf32> to vector<1x256x256xf32>
    tpu.vector_store %arg19[%swap3A_2217, %swap3A_2218, %swap3A_2219], %swap3A_2222 {strides = array<i32>} : memref<4x1024x1024xf32, #tpu.memory_space<vmem>>, vector<1x256x256xf32>,
    %get3A_2223 = arith.constant 3 : index
    %get3A_2224 = arith.constant 768 : index
    %get3A_2225 = arith.constant 512 : index
    %get3A_2226 = vector.load %arg0[%get3A_2223, %get3A_2224, %get3A_2225] : memref<4x1024x1024xf32, #tpu.memory_space<vmem>>, vector<1x256x256xf32>
    %get3A_2227 = vector.shape_cast %get3A_2226 : vector<1x256x256xf32> to vector<256x256xf32>
    %get3A_2228 = arith.constant 3 : index
    %get3A_2229 = arith.constant 512 : index
    %get3A_2230 = arith.constant 768 : index
    %get3A_2231 = vector.load %arg0[%get3A_2228, %get3A_2229, %get3A_2230] : memref<4x1024x1024xf32, #tpu.memory_space<vmem>>, vector<1x256x256xf32>
    %get3A_2232 = vector.shape_cast %get3A_2231 : vector<1x256x256xf32> to vector<256x256xf32>
    %transpose3A_2233 = tpu.transpose %get3A_2232, [1, 0] : vector<256x256xf32> -> vector<256x256xf32>
    %add3A_2234 = arith.constant 768 : i32
    %add3A_2235 = vector.broadcast %add3A_2234 : i32 to vector<256x256xi32>
    %add3A_2236 = arith.addi %iota3A, %add3A_2235 : vector<256x256xi32>
    %add3A_2237 = arith.constant 512 : i32
    %add3A_2238 = vector.broadcast %add3A_2237 : i32 to vector<256x256xi32>
    %add3A_2239 = arith.addi %iota3A_0, %add3A_2238 : vector<256x256xi32>
    %gt3A_2240 = arith.cmpi sgt, %add3A_2239, %add3A_2236 : vector<256x256xi32>
    %jit3A_2241 = arith.constant 0.000000e+00 : f32
    %broadcast_in_dim3A_2242 = vector.broadcast %jit3A_2241 : f32 to vector<256x256xf32>
    %select_n3A_2243 = arith.select %gt3A_2240, %get3A_2227, %broadcast_in_dim3A_2242 : vector<256x256xi1>, vector<256x256xf32>
    %lt3A_2244 = arith.cmpi slt, %add3A_2239, %add3A_2236 : vector<256x256xi32>
    %jit3A_2245 = arith.constant 0.000000e+00 : f32
    %broadcast_in_dim3A_2246 = vector.broadcast %jit3A_2245 : f32 to vector<256x256xf32>
    %select_n3A_2247 = arith.select %lt3A_2244, %transpose3A_2233, %broadcast_in_dim3A_2246 : vector<256x256xi1>, vector<256x256xf32>
    %add3A_2248 = arith.addf %select_n3A_2243, %select_n3A_2247 : vector<256x256xf32>
    %eq3A_2249 = arith.cmpi eq, %add3A_2239, %add3A_2236 : vector<256x256xi32>
    %jit3A_2250 = arith.constant 0xFF800000 : f32
    %broadcast_in_dim3A_2251 = vector.broadcast %jit3A_2250 : f32 to vector<256x256xf32>
    %select_n3A_2252 = arith.select %eq3A_2249, %broadcast_in_dim3A_2251, %add3A_2248 : vector<256x256xi1>, vector<256x256xf32>
    %swap3A_2253 = arith.constant 3 : index
    %swap3A_2254 = arith.constant 768 : index
    %swap3A_2255 = arith.constant 512 : index
    %swap3A_2256 = vector.load %arg19[%swap3A_2253, %swap3A_2254, %swap3A_2255] : memref<4x1024x1024xf32, #tpu.memory_space<vmem>>, vector<1x256x256xf32>
    %swap3A_2257 = vector.shape_cast %swap3A_2256 : vector<1x256x256xf32> to vector<256x256xf32>
    %swap3A_2258 = vector.shape_cast %select_n3A_2252 : vector<256x256xf32> to vector<1x256x256xf32>
    tpu.vector_store %arg19[%swap3A_2253, %swap3A_2254, %swap3A_2255], %swap3A_2258 {strides = array<i32>} : memref<4x1024x1024xf32, #tpu.memory_space<vmem>>, vector<1x256x256xf32>,
    %get3A_2259 = arith.constant 3 : index
    %get3A_2260 = arith.constant 768 : index
    %get3A_2261 = arith.constant 768 : index
    %get3A_2262 = vector.load %arg0[%get3A_2259, %get3A_2260, %get3A_2261] : memref<4x1024x1024xf32, #tpu.memory_space<vmem>>, vector<1x256x256xf32>
    %get3A_2263 = vector.shape_cast %get3A_2262 : vector<1x256x256xf32> to vector<256x256xf32>
    %get3A_2264 = arith.constant 3 : index
    %get3A_2265 = arith.constant 768 : index
    %get3A_2266 = arith.constant 768 : index
    %get3A_2267 = vector.load %arg0[%get3A_2264, %get3A_2265, %get3A_2266] : memref<4x1024x1024xf32, #tpu.memory_space<vmem>>, vector<1x256x256xf32>
    %get3A_2268 = vector.shape_cast %get3A_2267 : vector<1x256x256xf32> to vector<256x256xf32>
    %transpose3A_2269 = tpu.transpose %get3A_2268, [1, 0] : vector<256x256xf32> -> vector<256x256xf32>
    %add3A_2270 = arith.constant 768 : i32
    %add3A_2271 = vector.broadcast %add3A_2270 : i32 to vector<256x256xi32>
    %add3A_2272 = arith.addi %iota3A, %add3A_2271 : vector<256x256xi32>
    %add3A_2273 = arith.constant 768 : i32
    %add3A_2274 = vector.broadcast %add3A_2273 : i32 to vector<256x256xi32>
    %add3A_2275 = arith.addi %iota3A_0, %add3A_2274 : vector<256x256xi32>
    %gt3A_2276 = arith.cmpi sgt, %add3A_2275, %add3A_2272 : vector<256x256xi32>
    %jit3A_2277 = arith.constant 0.000000e+00 : f32
    %broadcast_in_dim3A_2278 = vector.broadcast %jit3A_2277 : f32 to vector<256x256xf32>
    %select_n3A_2279 = arith.select %gt3A_2276, %get3A_2263, %broadcast_in_dim3A_2278 : vector<256x256xi1>, vector<256x256xf32>
    %lt3A_2280 = arith.cmpi slt, %add3A_2275, %add3A_2272 : vector<256x256xi32>
    %jit3A_2281 = arith.constant 0.000000e+00 : f32
    %broadcast_in_dim3A_2282 = vector.broadcast %jit3A_2281 : f32 to vector<256x256xf32>
    %select_n3A_2283 = arith.select %lt3A_2280, %transpose3A_2269, %broadcast_in_dim3A_2282 : vector<256x256xi1>, vector<256x256xf32>
    %add3A_2284 = arith.addf %select_n3A_2279, %select_n3A_2283 : vector<256x256xf32>
    %eq3A_2285 = arith.cmpi eq, %add3A_2275, %add3A_2272 : vector<256x256xi32>
    %jit3A_2286 = arith.constant 0xFF800000 : f32
    %broadcast_in_dim3A_2287 = vector.broadcast %jit3A_2286 : f32 to vector<256x256xf32>
    %select_n3A_2288 = arith.select %eq3A_2285, %broadcast_in_dim3A_2287, %add3A_2284 : vector<256x256xi1>, vector<256x256xf32>
    %swap3A_2289 = arith.constant 3 : index
    %swap3A_2290 = arith.constant 768 : index
    %swap3A_2291 = arith.constant 768 : index
    %swap3A_2292 = vector.load %arg19[%swap3A_2289, %swap3A_2290, %swap3A_2291] : memref<4x1024x1024xf32, #tpu.memory_space<vmem>>, vector<1x256x256xf32>
    %swap3A_2293 = vector.shape_cast %swap3A_2292 : vector<1x256x256xf32> to vector<256x256xf32>
    %swap3A_2294 = vector.shape_cast %select_n3A_2288 : vector<256x256xf32> to vector<1x256x256xf32>
    tpu.vector_store %arg19[%swap3A_2289, %swap3A_2290, %swap3A_2291], %swap3A_2294 {strides = array<i32>} : memref<4x1024x1024xf32, #tpu.memory_space<vmem>>, vector<1x256x256xf32>,
    %get3A_2295 = arith.constant 0 : index
    %get3A_2296 = arith.constant 0 : index
    %get3A_2297 = vector.load %arg2[%get3A_2295, %get3A_2296] : memref<16x32xf32, #tpu.memory_space<vmem>>, vector<16x32xf32>
    %get3A_2298 = arith.constant 0 : index
    %get3A_2299 = arith.constant 0 : index
    %get3A_2300 = vector.load %arg3[%get3A_2298, %get3A_2299] : memref<1x32xf32, #tpu.memory_space<vmem>>, vector<1x32xf32>
    %get3A_2301 = arith.constant 0 : index
    %get3A_2302 = arith.constant 0 : index
    %get3A_2303 = vector.load %arg4[%get3A_2301, %get3A_2302] : memref<1x32xf32, #tpu.memory_space<vmem>>, vector<1x32xf32>
    %get3A_2304 = arith.constant 0 : index
    %get3A_2305 = arith.constant 0 : index
    %get3A_2306 = vector.load %arg5[%get3A_2304, %get3A_2305] : memref<1x32xf32, #tpu.memory_space<vmem>>, vector<1x32xf32>
    %get3A_2307 = arith.constant 0 : index
    %get3A_2308 = arith.constant 0 : index
    %get3A_2309 = vector.load %arg10[%get3A_2307, %get3A_2308] : memref<1x32xf32, #tpu.memory_space<vmem>>, vector<1x32xf32>
    %get3A_2310 = arith.constant 0 : index
    %get3A_2311 = arith.constant 0 : index
    %get3A_2312 = vector.load %arg11[%get3A_2310, %get3A_2311] : memref<1x32xf32, #tpu.memory_space<vmem>>, vector<1x32xf32>
    %get3A_2313 = arith.constant 0 : index
    %get3A_2314 = arith.constant 0 : index
    %get3A_2315 = vector.load %arg12[%get3A_2313, %get3A_2314] : memref<32x128xf32, #tpu.memory_space<vmem>>, vector<32x128xf32>
    %get3A_2316 = arith.constant 0 : index
    %get3A_2317 = arith.constant 0 : index
    %get3A_2318 = vector.load %arg13[%get3A_2316, %get3A_2317] : memref<1x128xf32, #tpu.memory_space<vmem>>, vector<1x128xf32>
    %get3A_2319 = arith.constant 0 : index
    %get3A_2320 = arith.constant 0 : index
    %get3A_2321 = vector.load %arg14[%get3A_2319, %get3A_2320] : memref<128x32xf32, #tpu.memory_space<vmem>>, vector<128x32xf32>
    %get3A_2322 = arith.constant 0 : index
    %get3A_2323 = arith.constant 0 : index
    %get3A_2324 = vector.load %arg15[%get3A_2322, %get3A_2323] : memref<1x32xf32, #tpu.memory_space<vmem>>, vector<1x32xf32>
    %get3A_2325 = arith.constant 0 : index
    %get3A_2326 = arith.constant 0 : index
    %get3A_2327 = vector.load %arg1[%get3A_2325, %get3A_2326] : memref<1024x16xf32, #tpu.memory_space<vmem>>, vector<1024x16xf32>
    %scan3A = arith.constant 0 : i32
    %scan3A_2328 = arith.constant 4 : i32
    %scan3A_2329 = arith.addi %scan3A, %scan3A_2328 : i32
    %scan3A_2330 = arith.constant 1 : i32
    %scan3A_2331 = scf.for %scan3A_2336 = %scan3A to %scan3A_2329 step %scan3A_2330 iter_args(%scan3A_2337 = %get3A_2327) -> (vector<1024x16xf32>)  : i32 {
      %dot_general3A = arith.constant dense<0.000000e+00> : vector<1024x32xf32>
      %dot_general3A_2338 = tpu.matmul %scan3A_2337, %get3A_2297, %dot_general3A {dimension_numbers = #tpu.dot_dimension_numbers<[1], [0], [0], [1], [0, 0, 1, 1], [], []>, transpose_lhs_hint = false} : vector<1024x16xf32>, vector<16x32xf32>, vector<1024x32xf32> -> vector<1024x32xf32>
      %add3A_2339 = vector.broadcast %get3A_2300 : vector<1x32xf32> to vector<1024x32xf32>
      %add3A_2340 = arith.addf %dot_general3A_2338, %add3A_2339 : vector<1024x32xf32>
      %reduce_sum3A = arith.constant dense<0.000000e+00> : vector<1024xf32>
      %reduce_sum3A_2341 = vector.multi_reduction <add>, %add3A_2340, %reduce_sum3A [1] : vector<1024x32xf32> to vector<1024xf32>
      %broadcast_in_dim3A_2342 = vector.shape_cast %reduce_sum3A_2341 : vector<1024xf32> to vector<1024x1xf32>
      %div3A = arith.constant 3.200000e+01 : f32
      %div3A_2343 = vector.broadcast %div3A : f32 to vector<1024x1xf32>
      %div3A_2344 = arith.divf %broadcast_in_dim3A_2342, %div3A_2343 : vector<1024x1xf32>
      %sub3A = vector.broadcast %div3A_2344 : vector<1024x1xf32> to vector<1024x32xf32>
      %sub3A_2345 = arith.subf %add3A_2340, %sub3A : vector<1024x32xf32>
      %integer_pow3A = arith.mulf %sub3A_2345, %sub3A_2345 : vector<1024x32xf32>
      %reduce_sum3A_2346 = arith.constant dense<0.000000e+00> : vector<1024xf32>
      %reduce_sum3A_2347 = vector.multi_reduction <add>, %integer_pow3A, %reduce_sum3A_2346 [1] : vector<1024x32xf32> to vector<1024xf32>
      %broadcast_in_dim3A_2348 = vector.shape_cast %reduce_sum3A_2347 : vector<1024xf32> to vector<1024x1xf32>
      %div3A_2349 = arith.constant 3.200000e+01 : f32
      %div3A_2350 = vector.broadcast %div3A_2349 : f32 to vector<1024x1xf32>
      %div3A_2351 = arith.divf %broadcast_in_dim3A_2348, %div3A_2350 : vector<1024x1xf32>
      %sub3A_2352 = vector.broadcast %div3A_2344 : vector<1024x1xf32> to vector<1024x32xf32>
      %sub3A_2353 = arith.subf %add3A_2340, %sub3A_2352 : vector<1024x32xf32>
      %add3A_2354 = arith.constant 9.99999974E-6 : f32
      %add3A_2355 = vector.broadcast %add3A_2354 : f32 to vector<1024x1xf32>
      %add3A_2356 = arith.addf %div3A_2351, %add3A_2355 : vector<1024x1xf32>
      %rsqrt3A = math.rsqrt %add3A_2356 : vector<1024x1xf32>
      %mul3A = vector.broadcast %rsqrt3A : vector<1024x1xf32> to vector<1024x32xf32>
      %mul3A_2357 = arith.mulf %sub3A_2353, %mul3A : vector<1024x32xf32>
      %mul3A_2358 = vector.broadcast %get3A_2303 : vector<1x32xf32> to vector<1024x32xf32>
      %mul3A_2359 = arith.mulf %mul3A_2357, %mul3A_2358 : vector<1024x32xf32>
      %add3A_2360 = vector.broadcast %get3A_2306 : vector<1x32xf32> to vector<1024x32xf32>
      %add3A_2361 = arith.addf %mul3A_2359, %add3A_2360 : vector<1024x32xf32>
      %broadcast_in_dim3A_2362 = arith.constant 0.000000e+00 : f32
      %broadcast_in_dim3A_2363 = vector.broadcast %broadcast_in_dim3A_2362 : f32 to vector<1024x32xf32>
      %scan3A_2364 = arith.constant 0 : i32
      %scan3A_2365 = arith.constant 4 : i32
      %scan3A_2366 = arith.addi %scan3A_2364, %scan3A_2365 : i32
      %scan3A_2367 = arith.constant 1 : i32
      %scan3A_2368 = scf.for %scan3A_2438 = %scan3A_2364 to %scan3A_2366 step %scan3A_2367 iter_args(%scan3A_2439 = %broadcast_in_dim3A_2363) -> (vector<1024x32xf32>)  : i32 {
        %get3A_2440 = arith.index_cast %scan3A_2438 : i32 to index
        %get3A_2441 = arith.constant 0 : index
        %get3A_2442 = arith.constant 0 : index
        %get3A_2443 = vector.load %arg6[%get3A_2440, %get3A_2441, %get3A_2442] : memref<4x32x8xf32, #tpu.memory_space<vmem>>, vector<1x32x8xf32>
        %get3A_2444 = vector.shape_cast %get3A_2443 : vector<1x32x8xf32> to vector<32x8xf32>
        %dot_general3A_2445 = arith.constant dense<0.000000e+00> : vector<1024x8xf32>
        %dot_general3A_2446 = tpu.matmul %add3A_2361, %get3A_2444, %dot_general3A_2445 {dimension_numbers = #tpu.dot_dimension_numbers<[1], [0], [0], [1], [0, 0, 1, 1], [], []>, transpose_lhs_hint = false} : vector<1024x32xf32>, vector<32x8xf32>, vector<1024x8xf32> -> vector<1024x8xf32>
        %get3A_2447 = arith.index_cast %scan3A_2438 : i32 to index
        %get3A_2448 = arith.constant 0 : index
        %get3A_2449 = arith.constant 0 : index
        %get3A_2450 = vector.load %arg7[%get3A_2447, %get3A_2448, %get3A_2449] : memref<4x32x8xf32, #tpu.memory_space<vmem>>, vector<1x32x8xf32>
        %get3A_2451 = vector.shape_cast %get3A_2450 : vector<1x32x8xf32> to vector<32x8xf32>
        %dot_general3A_2452 = arith.constant dense<0.000000e+00> : vector<1024x8xf32>
        %dot_general3A_2453 = tpu.matmul %add3A_2361, %get3A_2451, %dot_general3A_2452 {dimension_numbers = #tpu.dot_dimension_numbers<[1], [0], [0], [1], [0, 0, 1, 1], [], []>, transpose_lhs_hint = false} : vector<1024x32xf32>, vector<32x8xf32>, vector<1024x8xf32> -> vector<1024x8xf32>
        %get3A_2454 = arith.index_cast %scan3A_2438 : i32 to index
        %get3A_2455 = arith.constant 0 : index
        %get3A_2456 = arith.constant 0 : index
        %get3A_2457 = vector.load %arg8[%get3A_2454, %get3A_2455, %get3A_2456] : memref<4x32x8xf32, #tpu.memory_space<vmem>>, vector<1x32x8xf32>
        %get3A_2458 = vector.shape_cast %get3A_2457 : vector<1x32x8xf32> to vector<32x8xf32>
        %dot_general3A_2459 = arith.constant dense<0.000000e+00> : vector<1024x8xf32>
        %dot_general3A_2460 = tpu.matmul %add3A_2361, %get3A_2458, %dot_general3A_2459 {dimension_numbers = #tpu.dot_dimension_numbers<[1], [0], [0], [1], [0, 0, 1, 1], [], []>, transpose_lhs_hint = false} : vector<1024x32xf32>, vector<32x8xf32>, vector<1024x8xf32> -> vector<1024x8xf32>
        %dot_general3A_2461 = arith.constant dense<0.000000e+00> : vector<1024x1024xf32>
        %dot_general3A_2462 = tpu.matmul %dot_general3A_2446, %dot_general3A_2453, %dot_general3A_2461 {dimension_numbers = #tpu.dot_dimension_numbers<[1], [1], [0], [0], [0, 0, 1, 0], [], []>, transpose_lhs_hint = false} : vector<1024x8xf32>, vector<1024x8xf32>, vector<1024x1024xf32> -> vector<1024x1024xf32>
        %get3A_2463 = arith.index_cast %scan3A_2438 : i32 to index
        %get3A_2464 = arith.constant 0 : index
        %get3A_2465 = arith.constant 0 : index
        %get3A_2466 = vector.load %arg19[%get3A_2463, %get3A_2464, %get3A_2465] : memref<4x1024x1024xf32, #tpu.memory_space<vmem>>, vector<1x1024x1024xf32>
        %get3A_2467 = vector.shape_cast %get3A_2466 : vector<1x1024x1024xf32> to vector<1024x1024xf32>
        %add3A_2468 = arith.addf %dot_general3A_2462, %get3A_2467 : vector<1024x1024xf32>
        %exp3A = math.exp %add3A_2468 : vector<1024x1024xf32>
        %reduce_sum3A_2469 = arith.constant dense<0.000000e+00> : vector<1024xf32>
        %reduce_sum3A_2470 = vector.multi_reduction <add>, %exp3A, %reduce_sum3A_2469 [1] : vector<1024x1024xf32> to vector<1024xf32>
        %broadcast_in_dim3A_2471 = vector.shape_cast %reduce_sum3A_2470 : vector<1024xf32> to vector<1024x1xf32>
        %dot_general3A_2472 = arith.constant dense<0.000000e+00> : vector<1024x8xf32>
        %dot_general3A_2473 = tpu.matmul %exp3A, %dot_general3A_2460, %dot_general3A_2472 {dimension_numbers = #tpu.dot_dimension_numbers<[1], [0], [0], [1], [0, 0, 1, 1], [], []>, transpose_lhs_hint = false} : vector<1024x1024xf32>, vector<1024x8xf32>, vector<1024x8xf32> -> vector<1024x8xf32>
        %add3A_2474 = arith.constant 9.99999996E-13 : f32
        %add3A_2475 = vector.broadcast %add3A_2474 : f32 to vector<1024x1xf32>
        %add3A_2476 = arith.addf %broadcast_in_dim3A_2471, %add3A_2475 : vector<1024x1xf32>
        %div3A_2477 = vector.broadcast %add3A_2476 : vector<1024x1xf32> to vector<1024x8xf32>
        %div3A_2478 = arith.divf %dot_general3A_2473, %div3A_2477 : vector<1024x8xf32>
        %get3A_2479 = arith.index_cast %scan3A_2438 : i32 to index
        %get3A_2480 = arith.constant 0 : index
        %get3A_2481 = arith.constant 0 : index
        %get3A_2482 = vector.load %arg9[%get3A_2479, %get3A_2480, %get3A_2481] : memref<4x8x32xf32, #tpu.memory_space<vmem>>, vector<1x8x32xf32>
        %get3A_2483 = vector.shape_cast %get3A_2482 : vector<1x8x32xf32> to vector<8x32xf32>
        %dot_general3A_2484 = arith.constant dense<0.000000e+00> : vector<1024x32xf32>
        %dot_general3A_2485 = tpu.matmul %div3A_2478, %get3A_2483, %dot_general3A_2484 {dimension_numbers = #tpu.dot_dimension_numbers<[1], [0], [0], [1], [0, 0, 1, 1], [], []>, transpose_lhs_hint = false} : vector<1024x8xf32>, vector<8x32xf32>, vector<1024x32xf32> -> vector<1024x32xf32>
        %add3A_2486 = arith.addf %scan3A_2439, %dot_general3A_2485 : vector<1024x32xf32>
        scf.yield %add3A_2486 : vector<1024x32xf32>
      }
      %scan3A_2369 = arith.constant 4 : i32
      %add3A_2370 = arith.addf %add3A_2340, %scan3A_2368 : vector<1024x32xf32>
      %reduce_sum3A_2371 = arith.constant dense<0.000000e+00> : vector<1024xf32>
      %reduce_sum3A_2372 = vector.multi_reduction <add>, %add3A_2370, %reduce_sum3A_2371 [1] : vector<1024x32xf32> to vector<1024xf32>
      %broadcast_in_dim3A_2373 = vector.shape_cast %reduce_sum3A_2372 : vector<1024xf32> to vector<1024x1xf32>
      %div3A_2374 = arith.constant 3.200000e+01 : f32
      %div3A_2375 = vector.broadcast %div3A_2374 : f32 to vector<1024x1xf32>
      %div3A_2376 = arith.divf %broadcast_in_dim3A_2373, %div3A_2375 : vector<1024x1xf32>
      %sub3A_2377 = vector.broadcast %div3A_2376 : vector<1024x1xf32> to vector<1024x32xf32>
      %sub3A_2378 = arith.subf %add3A_2370, %sub3A_2377 : vector<1024x32xf32>
      %integer_pow3A_2379 = arith.mulf %sub3A_2378, %sub3A_2378 : vector<1024x32xf32>
      %reduce_sum3A_2380 = arith.constant dense<0.000000e+00> : vector<1024xf32>
      %reduce_sum3A_2381 = vector.multi_reduction <add>, %integer_pow3A_2379, %reduce_sum3A_2380 [1] : vector<1024x32xf32> to vector<1024xf32>
      %broadcast_in_dim3A_2382 = vector.shape_cast %reduce_sum3A_2381 : vector<1024xf32> to vector<1024x1xf32>
      %div3A_2383 = arith.constant 3.200000e+01 : f32
      %div3A_2384 = vector.broadcast %div3A_2383 : f32 to vector<1024x1xf32>
      %div3A_2385 = arith.divf %broadcast_in_dim3A_2382, %div3A_2384 : vector<1024x1xf32>
      %sub3A_2386 = vector.broadcast %div3A_2376 : vector<1024x1xf32> to vector<1024x32xf32>
      %sub3A_2387 = arith.subf %add3A_2370, %sub3A_2386 : vector<1024x32xf32>
      %add3A_2388 = arith.constant 9.99999974E-6 : f32
      %add3A_2389 = vector.broadcast %add3A_2388 : f32 to vector<1024x1xf32>
      %add3A_2390 = arith.addf %div3A_2385, %add3A_2389 : vector<1024x1xf32>
      %rsqrt3A_2391 = math.rsqrt %add3A_2390 : vector<1024x1xf32>
      %mul3A_2392 = vector.broadcast %rsqrt3A_2391 : vector<1024x1xf32> to vector<1024x32xf32>
      %mul3A_2393 = arith.mulf %sub3A_2387, %mul3A_2392 : vector<1024x32xf32>
      %mul3A_2394 = vector.broadcast %get3A_2309 : vector<1x32xf32> to vector<1024x32xf32>
      %mul3A_2395 = arith.mulf %mul3A_2393, %mul3A_2394 : vector<1024x32xf32>
      %add3A_2396 = vector.broadcast %get3A_2312 : vector<1x32xf32> to vector<1024x32xf32>
      %add3A_2397 = arith.addf %mul3A_2395, %add3A_2396 : vector<1024x32xf32>
      %dot_general3A_2398 = arith.constant dense<0.000000e+00> : vector<1024x128xf32>
      %dot_general3A_2399 = tpu.matmul %add3A_2397, %get3A_2315, %dot_general3A_2398 {dimension_numbers = #tpu.dot_dimension_numbers<[1], [0], [0], [1], [0, 0, 1, 1], [], []>, transpose_lhs_hint = false} : vector<1024x32xf32>, vector<32x128xf32>, vector<1024x128xf32> -> vector<1024x128xf32>
      %add3A_2400 = vector.broadcast %get3A_2318 : vector<1x128xf32> to vector<1024x128xf32>
      %add3A_2401 = arith.addf %dot_general3A_2399, %add3A_2400 : vector<1024x128xf32>
      %integer_pow3A_2402 = arith.mulf %add3A_2401, %add3A_2401 : vector<1024x128xf32>
      %integer_pow3A_2403 = arith.mulf %add3A_2401, %integer_pow3A_2402 : vector<1024x128xf32>
      %mul3A_2404 = arith.constant 4.471500e-02 : f32
      %mul3A_2405 = vector.broadcast %mul3A_2404 : f32 to vector<1024x128xf32>
      %mul3A_2406 = arith.mulf %mul3A_2405, %integer_pow3A_2403 : vector<1024x128xf32>
      %add3A_2407 = arith.addf %add3A_2401, %mul3A_2406 : vector<1024x128xf32>
      %mul3A_2408 = arith.constant 0.797884583 : f32
      %mul3A_2409 = vector.broadcast %mul3A_2408 : f32 to vector<1024x128xf32>
      %mul3A_2410 = arith.mulf %mul3A_2409, %add3A_2407 : vector<1024x128xf32>
      %tanh3A = math.tanh %mul3A_2410 : vector<1024x128xf32>
      %add3A_2411 = arith.constant 1.000000e+00 : f32
      %add3A_2412 = vector.broadcast %add3A_2411 : f32 to vector<1024x128xf32>
      %add3A_2413 = arith.addf %add3A_2412, %tanh3A : vector<1024x128xf32>
      %mul3A_2414 = arith.constant 5.000000e-01 : f32
      %mul3A_2415 = vector.broadcast %mul3A_2414 : f32 to vector<1024x128xf32>
      %mul3A_2416 = arith.mulf %mul3A_2415, %add3A_2413 : vector<1024x128xf32>
      %mul3A_2417 = arith.mulf %add3A_2401, %mul3A_2416 : vector<1024x128xf32>
      %dot_general3A_2418 = arith.constant dense<0.000000e+00> : vector<1024x32xf32>
      %dot_general3A_2419 = tpu.matmul %mul3A_2417, %get3A_2321, %dot_general3A_2418 {dimension_numbers = #tpu.dot_dimension_numbers<[1], [0], [0], [1], [0, 0, 1, 1], [], []>, transpose_lhs_hint = false} : vector<1024x128xf32>, vector<128x32xf32>, vector<1024x32xf32> -> vector<1024x32xf32>
      %add3A_2420 = vector.broadcast %get3A_2324 : vector<1x32xf32> to vector<1024x32xf32>
      %add3A_2421 = arith.addf %dot_general3A_2419, %add3A_2420 : vector<1024x32xf32>
      %add3A_2422 = arith.addf %add3A_2370, %add3A_2421 : vector<1024x32xf32>
      %get3A_2423 = arith.index_cast %scan3A_2336 : i32 to index
      %get3A_2424 = arith.constant 0 : index
      %get3A_2425 = arith.constant 0 : index
      %get3A_2426 = vector.load %arg16[%get3A_2423, %get3A_2424, %get3A_2425] : memref<4x32x16xf32, #tpu.memory_space<vmem>>, vector<1x32x16xf32>
      %get3A_2427 = vector.shape_cast %get3A_2426 : vector<1x32x16xf32> to vector<32x16xf32>
      %dot_general3A_2428 = arith.constant dense<0.000000e+00> : vector<1024x16xf32>
      %dot_general3A_2429 = tpu.matmul %add3A_2422, %get3A_2427, %dot_general3A_2428 {dimension_numbers = #tpu.dot_dimension_numbers<[1], [0], [0], [1], [0, 0, 1, 1], [], []>, transpose_lhs_hint = false} : vector<1024x32xf32>, vector<32x16xf32>, vector<1024x16xf32> -> vector<1024x16xf32>
      %add3A_2430 = arith.addf %scan3A_2337, %dot_general3A_2429 : vector<1024x16xf32>
      %get3A_2431 = arith.index_cast %scan3A_2336 : i32 to index
      %get3A_2432 = arith.constant 0 : index
      %get3A_2433 = arith.constant 0 : index
      %get3A_2434 = vector.load %arg17[%get3A_2431, %get3A_2432, %get3A_2433] : memref<4x1x16xf32, #tpu.memory_space<vmem>>, vector<1x1x16xf32>
      %get3A_2435 = vector.shape_cast %get3A_2434 : vector<1x1x16xf32> to vector<1x16xf32>
      %add3A_2436 = vector.broadcast %get3A_2435 : vector<1x16xf32> to vector<1024x16xf32>
      %add3A_2437 = arith.addf %add3A_2430, %add3A_2436 : vector<1024x16xf32>
      scf.yield %add3A_2437 : vector<1024x16xf32>
    }
    %scan3A_2332 = arith.constant 4 : i32
    %swap3A_2333 = arith.constant 0 : index
    %swap3A_2334 = arith.constant 0 : index
    %swap3A_2335 = vector.load %arg18[%swap3A_2333, %swap3A_2334] : memref<1024x16xf32, #tpu.memory_space<vmem>>, vector<1024x16xf32>
    tpu.vector_store %arg18[%swap3A_2333, %swap3A_2334], %scan3A_2331 {strides = array<i32>} : memref<1024x16xf32, #tpu.memory_space<vmem>>, vector<1024x16xf32>,
    return
  }
}

</mosaic_0001>

<sc_bundles>
// kernel: kernel.5.cloned.1.call-start
scs
__scs_entry_jumppad:
0x0: {  	(pc) =	sbr.rel $0x88, $3  }
0x1: {  	(tag) =	ssettag $0x0;
	lr =	simm.s32 $0x1  }
0x2: {  	[smem:$0x3F84] =	sst lr;
	_ =	strace $0xD0000000  }
0x3: {  	_ = 	snop  }
0x4: {  	_ = 	snop  }
0x5: {  	_ = 	snop  }
0x6: {  	_ = 	snop  }
0x7: {  	_ = 	snop  }
__scs_overlays_trampoline_lowered:
0x8: {  	[smem:$0x3F93] =	sst s0  }
0x9: {  	[smem:$0x3F94] =	sst s1  }
0xa: {  	[smem:$0x3F95] =	sst s2  }
0xb: {  	[smem:$0x3F96] =	sst s3  }
0xc: {  	[smem:$0x3F97] =	sst s4  }
0xd: {  	[smem:$0x3F98] =	sst s5  }
0xe: {  	[smem:$0x3F99] =	sst s6  }
0xf: {  	[smem:$0x3F9A] =	sst s7  }
0x10: {  	[smem:$0x3F9B] =	sst s8  }
0x11: {  	[smem:$0x3F9C] =	sst s9;
	s0 =	simm.s32 @!p0 $0x0  }
0x12: {  	s1 =	sld [smem:$0x3F82];
	s0 =	simm.s32 @p0 $0x1  }
0x13: {  	[smem:$0x3F9D] =	sst s0;
	s0 =	simm.s32 @!p1 $0x0  }
0x14: {  	s2 =	sld [smem:$0x3F81];
	s0 =	simm.s32 @p1 $0x1  }
0x15: {  	[smem:$0x3F9E] =	sst s0;
	s0 =	simm.s32 @!p2 $0x0  }
0x16: {  	s3 =	sld [smem:$0x3FDB];
	s0 =	simm.s32 @p2 $0x1  }
0x17: {  	s4 =	simm.s32 $0x1BF5;
	[smem:$0x3FA0] =	sst s0  }
0x18: {  	s0 =	sld [smem:$0x3F83];
	_ =	swait.ge [sflag:s4], $0x0  }
0x19: {  	s7 =	sld [smem:$0x3F84]  }
0x1a: {  	s8 =	sadd.s32 $0xFFFFE003, lr  }
0x1b: {  	s9 =	sadd.s32 $0xFFFFFEF7, lr;
	s5 =	simm.s32 $0xFFFFFFFF;
	p2 =	slt.u32 s8, $0xFFFFF086  }
0x1c: {  	p1 =	slt.u32 s9, $0xF7A;
	s5 =	simm.s32 @!p2 $0x0  }
0x1d: {  	s5 =	simm.s32 @p1 $0x1;
	p0 =	seq.s32 s7, s2  }
0x1e: {  	s7 =	smul.u32 @!p0 $0xF7A, s2;
	p2 =	seq.s32 @!p0 s5, $0x0  }
0x1f: {  	s9 =	smul.u32 $0xF7A, s1;
	s8 =	simm.s32 @!p0 $0x1BF5;
	p2 =	por !p2, p0  }
0x20: {  	[sflag:s8] =	ssyncset.s32 @!p0 $0xFFFFF086;
	s6 =	sadd.s32 @!p0 s3, s7;
	s7 =	simm.s32 @!p0 $0x108  }
0x21: {  	s3 =	sadd.s32 s3, s9;
	s6 =	sadd.s32 @!p0 $0x88, s6;
	s7 =	simm.s32 @p2 $0x1082  }
0x22: {  	[simem:s7], [sflag:s8] =	dma.local @!p0 [hbm:s6], $0xF7A  }
0x23: {  	s9 =	sor.u32 $0xD0000000, s2;
	s6 =	simm.s32 $0x108;
	_ =	swait.ge @!p0 [sflag:s8], $0x0  }
0x24: {  	s3 =	sadd.s32 $0x88, s3;
	s6 =	simm.s32 @!p1 $0x1082;
	[sflag:s4] =	ssyncset.s32 $0xFFFFF086  }
0x25: {  	[simem:s6], [sflag:s4] =	dma.local [hbm:s3], $0xF7A  }
0x26: {  	[smem:$0x3F84] =	sst s1;
	(tag) =	ssettag s2;
	_ =	strace s9  }
0x27: {  	s1 =	sld [smem:$0x3F94]  }
0x28: {  	s2 =	sld [smem:$0x3F95]  }
0x29: {  	s4 =	sld [smem:$0x3F97]  }
0x2a: {  	p0 =	seq.s32 s5, $0x0;
	s5 =	sld [smem:$0x3F98]  }
0x2b: {  	s6 =	sld [smem:$0x3F99]  }
0x2c: {  	s7 =	sld [smem:$0x3F9A]  }
0x2d: {  	s3 =	simm.s32 $0x108;
	s8 =	sld [smem:$0x3F9B]  }
0x2e: {  	s3 =	simm.s32 @!p0 $0x1082;
	s9 =	sld [smem:$0x3F9C]  }
0x2f: {  	lr =	sadd.s32 s0, s3;
	s0 =	sld [smem:$0x3F93]  }
0x30: {  	s3 =	sld [smem:$0x3F96]  }
0x31: {  	[smem:$0x3F9F] =	sst s10  }
0x32: {  	s10 =	sld [smem:$0x3F9D];
	_ =	sdelay $0x3  }
0x33: {  	p0 =	seq.s32 s10, $0x1;
	s10 =	sld [smem:$0x3F9F];
	_ =	sdelay $0x3  }
0x34: {  	[smem:$0x3F9F] =	sst s10  }
0x35: {  	s10 =	sld [smem:$0x3F9E];
	_ =	sdelay $0x3  }
0x36: {  	p1 =	seq.s32 s10, $0x1;
	s10 =	sld [smem:$0x3F9F];
	_ =	sdelay $0x3  }
0x37: {  	[smem:$0x3F9F] =	sst s10  }
0x38: {  	s10 =	sld [smem:$0x3FA0]  }
0x39: {  	_ = 	snop;
	(pc) =	sbr.ind lr, $3  }
0x3a: {  	_ = 	snop  }
0x3b: {  	_ = 	snop  }
0x3c: {  	p2 =	seq.s32 s10, $0x1;
	s10 =	sld [smem:$0x3F9F]  }
0x3d: {  	_ =	shalt  }
0x3e: {  	_ =	shalt  }
0x3f: {  	_ =	shalt  }
0x40: {  	_ =	shalt  }
0x41: {  	_ =	shalt  }
0x42: {  	_ =	shalt  }
0x43: {  	_ =	shalt  }
0x44: {  	_ =	shalt  }
0x45: {  	_ =	shalt  }
0x46: {  	_ =	shalt  }
0x47: {  	_ =	shalt  }
0x48: {  	_ =	shalt  }
0x49: {  	_ =	shalt  }
0x4a: {  	_ =	shalt  }
0x4b: {  	_ =	shalt  }
0x4c: {  	_ =	shalt  }
0x4d: {  	_ =	shalt  }
0x4e: {  	_ =	shalt  }
0x4f: {  	_ =	shalt  }
0x50: {  	_ =	shalt  }
0x51: {  	_ =	shalt  }
0x52: {  	_ =	shalt  }
0x53: {  	_ =	shalt  }
0x54: {  	_ =	shalt  }
0x55: {  	_ =	shalt  }
0x56: {  	_ =	shalt  }
0x57: {  	_ =	shalt  }
0x58: {  	_ =	shalt  }
0x59: {  	_ =	shalt  }
0x5a: {  	_ =	shalt  }
0x5b: {  	_ =	shalt  }
0x5c: {  	_ =	shalt  }
0x5d: {  	_ =	shalt  }
0x5e: {  	_ =	shalt  }
0x5f: {  	_ =	shalt  }
0x60: {  	_ =	shalt  }
0x61: {  	_ =	shalt  }
0x62: {  	_ =	shalt  }
0x63: {  	_ =	shalt  }
0x64: {  	_ =	shalt  }
0x65: {  	_ =	shalt  }
0x66: {  	_ =	shalt  }
0x67: {  	_ =	shalt  }
0x68: {  	_ =	shalt  }
0x69: {  	_ =	shalt  }
0x6a: {  	_ =	shalt  }
0x6b: {  	_ =	shalt  }
0x6c: {  	_ =	shalt  }
0x6d: {  	_ =	shalt  }
0x6e: {  	_ =	shalt  }
0x6f: {  	_ =	shalt  }
0x70: {  	_ =	shalt  }
0x71: {  	_ =	shalt  }
0x72: {  	_ =	shalt  }
0x73: {  	_ =	shalt  }
0x74: {  	_ =	shalt  }
0x75: {  	_ =	shalt  }
0x76: {  	_ =	shalt  }
0x77: {  	_ =	shalt  }
0x78: {  	_ =	shalt  }
0x79: {  	_ =	shalt  }
0x7a: {  	_ =	shalt  }
0x7b: {  	_ =	shalt  }
0x7c: {  	_ =	shalt  }
0x7d: {  	_ =	shalt  }
0x7e: {  	_ =	shalt  }
0x7f: {  	_ =	shalt  }
0x80: {  	_ =	shalt  }
0x81: {  	_ =	shalt  }
0x82: {  	_ =	shalt  }
0x83: {  	_ =	shalt  }
0x84: {  	_ =	shalt  }
0x85: {  	_ =	shalt  }
0x86: {  	_ =	shalt  }
0x87: {  	_ =	shalt  }
.Lfunc_end0:
.L_simem_size_0:
called_computation_lowered:
.L_overlay_start_0:
0x88: {  	s2 =	sld [smem:$0x3FD9]  }
0x89: {  	s3 =	sld [smem:$0x3FFE];
	_ =	sdelay $0x1  }
0x8a: {  	s1 =	srdreg.scid  }
0x8b: {  	s0 =	sand.u32 $0x1, s1  }
0x8c: {  	s16 =	sshll.u32 s0, $0xA;
	s2 =	sadd.s32 s3, s2  }
0x8d: {  	s2 =	sadd.s32 s2, s16  }
0x8e: {  	[smem:$0x3FAB] =	sst s2  }
0x8f: {  	_ = 	snop  }
0x90: {  	(tm) =	ssettm $0x1  }
0x91: {  	s17 =	sld [smem:$0x3FFB];
	_ =	sdelay $0x3  }
0x92: {  	_ =	strace s17  }
0x93: {  	s2 =	sld [smem:$0x3FFC];
	_ =	sdelay $0x3  }
0x94: {  	_ =	strace s2  }
0x95: {  	s2 =	sld [smem:$0x3FFD];
	_ =	sdelay $0x3  }
0x96: {  	_ =	strace s2  }
0x97: {  	_ =	strace $0x8FFFFFFF  }
0x98: {  	s18 =	sld [smem:$0x3FDB];
	_ =	sdelay $0x1  }
0x99: {  	s19 =	simm.s32 $_scs_section_size  }
0x9a: {  	s4 =	simm.s32 $_size__tile_overlayer_lowered;
	s5 =	simm.s32 $_tile_overlayer_lowered  }
0x9b: {  	s22 =	simm.s32 $0x1BFF;
	s21 =	sshll.u32 s5, $0x1;
	s2 =	sadd.s32 s19, s18  }
0x9c: {  	s6 =	simm.s32 $0x0;
	s20 =	sshll.u32 s4, $0x1;
	s4 =	sadd.s32 s21, s2  }
0x9d: {  	[timem:s6], [sflag:s22] =	dma.local [hbm:s4], s20  }
0x9e: {  	_ =	swait.ge [sflag:s22], s20  }
0x9f: {  	s3 =	ssub.s32 $0x0, s20;
	[sflag:s22] =	ssyncset.done $0x0  }
0xa0: {  	[sflag:s22] =	ssyncadd.s32 s3;
	_ =	sdelay $0x1  }
0xa1: {  	s23 =	simm.s32 $0x1B8B  }
0xa2: {  	_ =	swait.ge [sflag:s23], $0x1  }
0xa3: {  	[sflag:s23] =	ssyncset.done $0x0  }
0xa4: {  	s25 =	simm.s32 $0x1B8E;
	s24 =	sld [smem:$0x3FFE];
	[sflag:s23] =	ssyncadd.s32 $0xFFFFFFFF  }
0xa5: {  	s26 =	simm.s32 $execute0_lowered;
	[smem:$0x3FD2] =	sst s25  }
0xa6: {  	s4 =	sshll.u32 s26, $0x1;
	_ =	strace $0x80000046;
	[dreg:$0x1] =	wrdreg $0xFFFFFFFF  }
0xa7: {  	s28 =	simm.s32 $_size_execute0_lowered;
	s2 =	sadd.s32 s2, s4;
	[dreg:$0x0] =	wrdreg $0x0  }
0xa8: {  	s4 =	sshll.u32 s28, $0x1;
	[dreg:$0x2] =	wrdreg s2  }
0xa9: {  	[dreg:$0x3] =	wrdreg s4  }
0xaa: {  	[dreg:$0x4] =	wrdreg $0xC0  }
0xab: {  	_ =	task [dreg:s6], $0x5FFFF  }
0xac: {  	[dreg:$0x1] =	wrdreg $0xFFFFFFFF  }
0xad: {  	[dreg:$0x0] =	wrdreg $0x60  }
0xae: {  	[dreg:$0x2] =	wrdreg s24  }
0xaf: {  	[dreg:$0x3] =	wrdreg $0x9  }
0xb0: {  	_ =	task.clear_ibuf [dreg:s6], $0x4FFFF;
	_ =	strace $0x90000046  }
0xb1: {  	s29 =	simm.s32 $0x9;
	_ =	strace $0x80000048  }
0xb2: {  	_ =	swait.ge [sflag:s29], $0x1  }
0xb3: {  	[sflag:s29] =	ssyncadd.s32 $0xFFFFFFFF  }
0xb4: {  	_ =	strace $0x90000048  }
0xb5: {  	_ =	sfence  }
0xb6: {  	s30 =	sld [smem:$0x0];
	_ =	sdelay $0x2  }
0xb7: {  	s31 =	sshll.u32 s1, $0xD;
	s1 =	sshrl.u32 s1, $0x2  }
0xb8: {  	s3 =	sand.u32 $0x4000, s31;
	s1 =	sadd.s32 s1, s30  }
0xb9: {  	s0 =	sor.u32 s3, s0;
	s1 =	sshll.u32 s1, $0x11  }
0xba: {  	s0 =	sor.u32 s1, s0  }
0xbb: {  	s0 =	sadd.s32 $0x8F2B, s0  }
0xbc: {  	[sflag:s0] =	ssyncadd.remote.s32 $0x1  }
0xbd: {  	_ =	sfence.sel $0xFFFF  }
0xbe: {  	[dreg:$0x0] =	wrdreg $0xFFFFFFFF;
	(pc) =	sbr.abs _section_cstart, $3  }
0xbf: {  	[dreg:$0x1] =	wrdreg $0xFFFFFFFF  }
0xc0: {  	_ =	task.clear_ibuf [dreg:s6], $0x2FFFF;
	_ =	strace $0x9FFFFFFF  }
0xc1: {  	(tm) =	ssettm $0x7FFFFFFF  }
tec
execute0_lowered:
.L_overlay_start_1:
0x0: {  	(tag) =	ssettag $0x1  }
0x1: {  	s4 =	rddreg [dreg:$0x0]  }
0x2: {  	s0 =	rddreg [dreg:$0x1]  }
0x3: {  	s2 =	simm.s32 $0x0;
	s1 =	stileid.u32;
	s6 =	srdreg.scid  }
0x4: {  	s11 =	simm.s32 $0x0;
	[smem:$0x7FF] =	sst s2;
	s5 =	sshrl.u32 s1, $0x2  }
0x5: {  	s3 =	sadd.s32 $0x4000, s4;
	s6 =	sand.u32 $0x1, s6;
	s8 =	sshll.u32 s1, $0x3  }
0x6: {  	s30 =	sand.u32 $0x3, s1;
	_ =	strace $0x80000047;
	s7 =	sshll.u32 s5, $0x11  }
0x7: {  	s29 =	ssub.s32 $0x2, s6;
	s10 =	sshll.u32 s6, $0x2;
	s8 =	sand.u32 $0x18, s8  }
0x8: {  	s5 =	smul.u32 $0x88000, s5;
	s31 =	sshll.u32 s6, $0x7;
	s7 =	sadd.s32 s7, s4  }
0x9: {  	s9 =	sshrl.u32 s29, $0x1;
	s4 =	sor.u32 s10, s8;
	s8 =	sshll.u32 s30, $0x8  }
0xa: {  	s10 =	simm.s32 $0x8000;
	s9 =	ssub.s32 s29, s9;
	s6 =	sadd.s32 $0x48000, s7  }
0xb: {  	s8 =	sor.u32 s31, s8;
	s7 =	smax.u32 s9, $0x1;
	s9 =	simm.s32 $0x1  }
.LBB2_1:
0xc: {  	s12 =	smov.u32 s8;
	s13 =	simm.s32 $0x0  }
.LBB2_2:
0xd: {  	s14 =	sadd.s32 s4, s13  }
0xe: {  	s15 =	sshll.u32 s14, $0x5  }
0xf: {  	s16 =	sadd.s32 $0xFFFFFFFF, s15  }
0x10: {  	s15 =	smul.u32 s15, s16  }
0x11: {  	s30 =	smul.u32 $0x7FC0, s14  }
0x12: {  	s15 =	sshra.s32 s15, $0x1  }
0x13: {  	s17 =	sadd.s32 $0xFFFFFFFF, s12;
	s16 =	ssub.s32 s30, s15  }
0x14: {  	s17 =	smul.u32 s12, s17;
	s16 =	sadd.s32 s5, s16  }
0x15: {  	s16 =	sshrl.u32 s16, $0x3  }
0x16: {  	s18 =	simm.s32 $0x0;
	s31 =	sshrl.u32 s17, $0x1F;
	s16 =	sadd.s32 s3, s16  }
0x17: {  	[tilespmem:s18], [sflag:$0x1] =	stream.linear.gather [hbm4b:s16+s18], $0x8000, $0x38;
	[tilespmem:$0x10000] =	vst v63  }
0x18: {  	s16 =	sadd.s32 s31, s17;
	_ =	swait.ge [sflag:s9], $0x8000  }
0x19: {  	s16 =	sshra.s32 s16, $0x1;
	[sflag:s9] =	ssyncset.done $0x0  }
0x1a: {  	s17 =	ssub.s32 s15, s16;
	[sflag:s9] =	ssyncadd.s32 $0xFFFF8000  }
0x1b: {  	v0 =	vld [tilespmem:s17+$0x0];
	_ =	sdelay $0x3  }
0x1c: {  	s16 =	simm.s32 $0x8200  }
0x1d: {  	[tilespmem:s16+$0xFFFFFE00] =	vst v0  }
0x1e: {  	v0 =	vld [tilespmem:s17+$0x10];
	_ =	sdelay $0x4  }
0x1f: {  	[tilespmem:s16+$0xFFFFFE10] =	vst v0  }
0x20: {  	v0 =	vld [tilespmem:s17+$0x20];
	_ =	sdelay $0x4  }
0x21: {  	[tilespmem:s16+$0xFFFFFE20] =	vst v0  }
0x22: {  	v0 =	vld [tilespmem:s17+$0x30];
	_ =	sdelay $0x4  }
0x23: {  	[tilespmem:s16+$0xFFFFFE30] =	vst v0  }
0x24: {  	v0 =	vld [tilespmem:s17+$0x40];
	_ =	sdelay $0x4  }
0x25: {  	[tilespmem:s16+$0xFFFFFE40] =	vst v0  }
0x26: {  	v0 =	vld [tilespmem:s17+$0x50];
	_ =	sdelay $0x4  }
0x27: {  	[tilespmem:s16+$0xFFFFFE50] =	vst v0  }
0x28: {  	v0 =	vld [tilespmem:s17+$0x60];
	_ =	sdelay $0x4  }
0x29: {  	[tilespmem:s16+$0xFFFFFE60] =	vst v0  }
0x2a: {  	v0 =	vld [tilespmem:s17+$0x70];
	_ =	sdelay $0x4  }
0x2b: {  	[tilespmem:s16+$0xFFFFFE70] =	vst v0  }
0x2c: {  	v0 =	vld [tilespmem:s17+$0x80];
	_ =	sdelay $0x4  }
0x2d: {  	[tilespmem:s16+$0xFFFFFE80] =	vst v0  }
0x2e: {  	v0 =	vld [tilespmem:s17+$0x90];
	_ =	sdelay $0x4  }
0x2f: {  	[tilespmem:s16+$0xFFFFFE90] =	vst v0  }
0x30: {  	v0 =	vld [tilespmem:s17+$0xA0];
	_ =	sdelay $0x4  }
0x31: {  	[tilespmem:s16+$0xFFFFFEA0] =	vst v0  }
0x32: {  	v0 =	vld [tilespmem:s17+$0xB0];
	_ =	sdelay $0x4  }
0x33: {  	[tilespmem:s16+$0xFFFFFEB0] =	vst v0  }
0x34: {  	v0 =	vld [tilespmem:s17+$0xC0];
	_ =	sdelay $0x4  }
0x35: {  	[tilespmem:s16+$0xFFFFFEC0] =	vst v0  }
0x36: {  	v0 =	vld [tilespmem:s17+$0xD0];
	_ =	sdelay $0x4  }
0x37: {  	[tilespmem:s16+$0xFFFFFED0] =	vst v0  }
0x38: {  	v0 =	vld [tilespmem:s17+$0xE0];
	_ =	sdelay $0x4  }
0x39: {  	[tilespmem:s16+$0xFFFFFEE0] =	vst v0  }
0x3a: {  	v0 =	vld [tilespmem:s17+$0xF0];
	_ =	sdelay $0x4  }
0x3b: {  	[tilespmem:s16+$0xFFFFFEF0] =	vst v0  }
0x3c: {  	v0 =	vld [tilespmem:s17+$0x100];
	_ =	sdelay $0x4  }
0x3d: {  	[tilespmem:s16+$0xFFFFFF00] =	vst v0  }
0x3e: {  	v0 =	vld [tilespmem:s17+$0x110];
	_ =	sdelay $0x4  }
0x3f: {  	[tilespmem:s16+$0xFFFFFF10] =	vst v0  }
0x40: {  	v0 =	vld [tilespmem:s17+$0x120];
	_ =	sdelay $0x4  }
0x41: {  	[tilespmem:s16+$0xFFFFFF20] =	vst v0  }
0x42: {  	v0 =	vld [tilespmem:s17+$0x130];
	_ =	sdelay $0x4  }
0x43: {  	[tilespmem:s16+$0xFFFFFF30] =	vst v0  }
0x44: {  	v0 =	vld [tilespmem:s17+$0x140];
	_ =	sdelay $0x4  }
0x45: {  	[tilespmem:s16+$0xFFFFFF40] =	vst v0  }
0x46: {  	v0 =	vld [tilespmem:s17+$0x150];
	_ =	sdelay $0x4  }
0x47: {  	[tilespmem:s16+$0xFFFFFF50] =	vst v0  }
0x48: {  	v0 =	vld [tilespmem:s17+$0x160];
	_ =	sdelay $0x4  }
0x49: {  	[tilespmem:s16+$0xFFFFFF60] =	vst v0  }
0x4a: {  	v0 =	vld [tilespmem:s17+$0x170];
	_ =	sdelay $0x4  }
0x4b: {  	[tilespmem:s16+$0xFFFFFF70] =	vst v0  }
0x4c: {  	v0 =	vld [tilespmem:s17+$0x180];
	_ =	sdelay $0x4  }
0x4d: {  	[tilespmem:s16+$0xFFFFFF80] =	vst v0  }
0x4e: {  	v0 =	vld [tilespmem:s17+$0x190];
	_ =	sdelay $0x4  }
0x4f: {  	[tilespmem:s16+$0xFFFFFF90] =	vst v0  }
0x50: {  	v0 =	vld [tilespmem:s17+$0x1A0];
	_ =	sdelay $0x4  }
0x51: {  	[tilespmem:s16+$0xFFFFFFA0] =	vst v0  }
0x52: {  	v0 =	vld [tilespmem:s17+$0x1B0];
	_ =	sdelay $0x4  }
0x53: {  	[tilespmem:s16+$0xFFFFFFB0] =	vst v0  }
0x54: {  	v0 =	vld [tilespmem:s17+$0x1C0];
	_ =	sdelay $0x4  }
0x55: {  	[tilespmem:s16+$0xFFFFFFC0] =	vst v0  }
0x56: {  	v0 =	vld [tilespmem:s17+$0x1D0];
	_ =	sdelay $0x4  }
0x57: {  	[tilespmem:s16+$0xFFFFFFD0] =	vst v0  }
0x58: {  	v0 =	vld [tilespmem:s17+$0x1E0];
	_ =	sdelay $0x4  }
0x59: {  	[tilespmem:s16+$0xFFFFFFE0] =	vst v0  }
0x5a: {  	v0 =	vld [tilespmem:s17+$0x1F0];
	_ =	sdelay $0x4  }
0x5b: {  	[tilespmem:s16+$0xFFFFFFF0] =	vst v0  }
0x5c: {  	v0 =	vld [tilespmem:s17+$0x200];
	_ =	sdelay $0x4  }
0x5d: {  	[tilespmem:s16+$0x0] =	vst v0  }
0x5e: {  	v0 =	vld [tilespmem:s17+$0x210];
	_ =	sdelay $0x4  }
0x5f: {  	[tilespmem:s16+$0x10] =	vst v0  }
0x60: {  	v0 =	vld [tilespmem:s17+$0x220];
	_ =	sdelay $0x4  }
0x61: {  	[tilespmem:s16+$0x20] =	vst v0  }
0x62: {  	v0 =	vld [tilespmem:s17+$0x230];
	_ =	sdelay $0x4  }
0x63: {  	[tilespmem:s16+$0x30] =	vst v0  }
0x64: {  	v0 =	vld [tilespmem:s17+$0x240];
	_ =	sdelay $0x4  }
0x65: {  	[tilespmem:s16+$0x40] =	vst v0  }
0x66: {  	v0 =	vld [tilespmem:s17+$0x250];
	_ =	sdelay $0x4  }
0x67: {  	[tilespmem:s16+$0x50] =	vst v0  }
0x68: {  	v0 =	vld [tilespmem:s17+$0x260];
	_ =	sdelay $0x4  }
0x69: {  	[tilespmem:s16+$0x60] =	vst v0  }
0x6a: {  	v0 =	vld [tilespmem:s17+$0x270];
	_ =	sdelay $0x4  }
0x6b: {  	[tilespmem:s16+$0x70] =	vst v0  }
0x6c: {  	v0 =	vld [tilespmem:s17+$0x280];
	_ =	sdelay $0x4  }
0x6d: {  	[tilespmem:s16+$0x80] =	vst v0  }
0x6e: {  	v0 =	vld [tilespmem:s17+$0x290];
	_ =	sdelay $0x4  }
0x6f: {  	[tilespmem:s16+$0x90] =	vst v0  }
0x70: {  	v0 =	vld [tilespmem:s17+$0x2A0];
	_ =	sdelay $0x4  }
0x71: {  	[tilespmem:s16+$0xA0] =	vst v0  }
0x72: {  	v0 =	vld [tilespmem:s17+$0x2B0];
	_ =	sdelay $0x4  }
0x73: {  	[tilespmem:s16+$0xB0] =	vst v0  }
0x74: {  	v0 =	vld [tilespmem:s17+$0x2C0];
	_ =	sdelay $0x4  }
0x75: {  	[tilespmem:s16+$0xC0] =	vst v0  }
0x76: {  	v0 =	vld [tilespmem:s17+$0x2D0];
	_ =	sdelay $0x4  }
0x77: {  	[tilespmem:s16+$0xD0] =	vst v0  }
0x78: {  	v0 =	vld [tilespmem:s17+$0x2E0];
	_ =	sdelay $0x4  }
0x79: {  	[tilespmem:s16+$0xE0] =	vst v0  }
0x7a: {  	v0 =	vld [tilespmem:s17+$0x2F0];
	_ =	sdelay $0x4  }
0x7b: {  	[tilespmem:s16+$0xF0] =	vst v0  }
0x7c: {  	v0 =	vld [tilespmem:s17+$0x300];
	_ =	sdelay $0x4  }
0x7d: {  	[tilespmem:s16+$0x100] =	vst v0  }
0x7e: {  	v0 =	vld [tilespmem:s17+$0x310];
	_ =	sdelay $0x4  }
0x7f: {  	[tilespmem:s16+$0x110] =	vst v0  }
0x80: {  	v0 =	vld [tilespmem:s17+$0x320];
	_ =	sdelay $0x4  }
0x81: {  	[tilespmem:s16+$0x120] =	vst v0  }
0x82: {  	v0 =	vld [tilespmem:s17+$0x330];
	_ =	sdelay $0x4  }
0x83: {  	[tilespmem:s16+$0x130] =	vst v0  }
0x84: {  	v0 =	vld [tilespmem:s17+$0x340];
	_ =	sdelay $0x4  }
0x85: {  	[tilespmem:s16+$0x140] =	vst v0  }
0x86: {  	v0 =	vld [tilespmem:s17+$0x350];
	_ =	sdelay $0x4  }
0x87: {  	[tilespmem:s16+$0x150] =	vst v0  }
0x88: {  	v0 =	vld [tilespmem:s17+$0x360];
	_ =	sdelay $0x4  }
0x89: {  	[tilespmem:s16+$0x160] =	vst v0  }
0x8a: {  	v0 =	vld [tilespmem:s17+$0x370];
	_ =	sdelay $0x4  }
0x8b: {  	[tilespmem:s16+$0x170] =	vst v0  }
0x8c: {  	v0 =	vld [tilespmem:s17+$0x380];
	_ =	sdelay $0x4  }
0x8d: {  	[tilespmem:s16+$0x180] =	vst v0  }
0x8e: {  	v0 =	vld [tilespmem:s17+$0x390];
	_ =	sdelay $0x4  }
0x8f: {  	[tilespmem:s16+$0x190] =	vst v0  }
0x90: {  	v0 =	vld [tilespmem:s17+$0x3A0];
	_ =	sdelay $0x4  }
0x91: {  	[tilespmem:s16+$0x1A0] =	vst v0  }
0x92: {  	v0 =	vld [tilespmem:s17+$0x3B0];
	_ =	sdelay $0x4  }
0x93: {  	[tilespmem:s16+$0x1B0] =	vst v0  }
0x94: {  	v0 =	vld [tilespmem:s17+$0x3C0];
	_ =	sdelay $0x4  }
0x95: {  	[tilespmem:s16+$0x1C0] =	vst v0  }
0x96: {  	v0 =	vld [tilespmem:s17+$0x3D0];
	_ =	sdelay $0x4  }
0x97: {  	[tilespmem:s16+$0x1D0] =	vst v0  }
0x98: {  	v0 =	vld [tilespmem:s17+$0x3E0];
	_ =	sdelay $0x3  }
0x99: {  	s18 =	sadd.s32 $0x1, s12  }
0x9a: {  	s19 =	simm.s32 $0x7FE;
	s20 =	sadd.s32 $0xFFFFFFFF, s18;
	[tilespmem:s16+$0x1E0] =	vst v0  }
.LBB2_3:
0x9b: {  	p0 =	sne.s32 s19, $0x7BE1;
	s20 =	smul.u32 s18, s20;
	v0 =	vld [tilespmem:s17+$0x3F0];
	_ =	sdelay $0x1  }
0x9c: {  	s17 =	sshrl.u32 s20, $0x1F  }
0x9d: {  	s17 =	sadd.s32 s17, s20  }
0x9e: {  	s15 =	sadd.s32 $0x3FE, s15;
	s17 =	sshra.s32 s17, $0x1  }
0x9f: {  	s17 =	ssub.s32 s15, s17;
	[tilespmem:s16+$0x1F0] =	vst v0  }
0xa0: {  	v0 =	vld [tilespmem:s17+$0x0];
	_ =	sdelay $0x3  }
0xa1: {  	s16 =	sadd.s32 $0x400, s16  }
0xa2: {  	[tilespmem:s16+$0xFFFFFE00] =	vst v0  }
0xa3: {  	v0 =	vld [tilespmem:s17+$0x10];
	_ =	sdelay $0x4  }
0xa4: {  	[tilespmem:s16+$0xFFFFFE10] =	vst v0  }
0xa5: {  	v0 =	vld [tilespmem:s17+$0x20];
	_ =	sdelay $0x4  }
0xa6: {  	[tilespmem:s16+$0xFFFFFE20] =	vst v0  }
0xa7: {  	v0 =	vld [tilespmem:s17+$0x30];
	_ =	sdelay $0x4  }
0xa8: {  	[tilespmem:s16+$0xFFFFFE30] =	vst v0  }
0xa9: {  	v0 =	vld [tilespmem:s17+$0x40];
	_ =	sdelay $0x4  }
0xaa: {  	[tilespmem:s16+$0xFFFFFE40] =	vst v0  }
0xab: {  	v0 =	vld [tilespmem:s17+$0x50];
	_ =	sdelay $0x4  }
0xac: {  	[tilespmem:s16+$0xFFFFFE50] =	vst v0  }
0xad: {  	v0 =	vld [tilespmem:s17+$0x60];
	_ =	sdelay $0x4  }
0xae: {  	[tilespmem:s16+$0xFFFFFE60] =	vst v0  }
0xaf: {  	v0 =	vld [tilespmem:s17+$0x70];
	_ =	sdelay $0x4  }
0xb0: {  	[tilespmem:s16+$0xFFFFFE70] =	vst v0  }
0xb1: {  	v0 =	vld [tilespmem:s17+$0x80];
	_ =	sdelay $0x4  }
0xb2: {  	[tilespmem:s16+$0xFFFFFE80] =	vst v0  }
0xb3: {  	v0 =	vld [tilespmem:s17+$0x90];
	_ =	sdelay $0x4  }
0xb4: {  	[tilespmem:s16+$0xFFFFFE90] =	vst v0  }
0xb5: {  	v0 =	vld [tilespmem:s17+$0xA0];
	_ =	sdelay $0x4  }
0xb6: {  	[tilespmem:s16+$0xFFFFFEA0] =	vst v0  }
0xb7: {  	v0 =	vld [tilespmem:s17+$0xB0];
	_ =	sdelay $0x4  }
0xb8: {  	[tilespmem:s16+$0xFFFFFEB0] =	vst v0  }
0xb9: {  	v0 =	vld [tilespmem:s17+$0xC0];
	_ =	sdelay $0x4  }
0xba: {  	[tilespmem:s16+$0xFFFFFEC0] =	vst v0  }
0xbb: {  	v0 =	vld [tilespmem:s17+$0xD0];
	_ =	sdelay $0x4  }
0xbc: {  	[tilespmem:s16+$0xFFFFFED0] =	vst v0  }
0xbd: {  	v0 =	vld [tilespmem:s17+$0xE0];
	_ =	sdelay $0x4  }
0xbe: {  	[tilespmem:s16+$0xFFFFFEE0] =	vst v0  }
0xbf: {  	v0 =	vld [tilespmem:s17+$0xF0];
	_ =	sdelay $0x4  }
0xc0: {  	[tilespmem:s16+$0xFFFFFEF0] =	vst v0  }
0xc1: {  	v0 =	vld [tilespmem:s17+$0x100];
	_ =	sdelay $0x4  }
0xc2: {  	[tilespmem:s16+$0xFFFFFF00] =	vst v0  }
0xc3: {  	v0 =	vld [tilespmem:s17+$0x110];
	_ =	sdelay $0x4  }
0xc4: {  	[tilespmem:s16+$0xFFFFFF10] =	vst v0  }
0xc5: {  	v0 =	vld [tilespmem:s17+$0x120];
	_ =	sdelay $0x4  }
0xc6: {  	[tilespmem:s16+$0xFFFFFF20] =	vst v0  }
0xc7: {  	v0 =	vld [tilespmem:s17+$0x130];
	_ =	sdelay $0x4  }
0xc8: {  	[tilespmem:s16+$0xFFFFFF30] =	vst v0  }
0xc9: {  	v0 =	vld [tilespmem:s17+$0x140];
	_ =	sdelay $0x4  }
0xca: {  	[tilespmem:s16+$0xFFFFFF40] =	vst v0  }
0xcb: {  	v0 =	vld [tilespmem:s17+$0x150];
	_ =	sdelay $0x4  }
0xcc: {  	[tilespmem:s16+$0xFFFFFF50] =	vst v0  }
0xcd: {  	v0 =	vld [tilespmem:s17+$0x160];
	_ =	sdelay $0x4  }
0xce: {  	[tilespmem:s16+$0xFFFFFF60] =	vst v0  }
0xcf: {  	v0 =	vld [tilespmem:s17+$0x170];
	_ =	sdelay $0x4  }
0xd0: {  	[tilespmem:s16+$0xFFFFFF70] =	vst v0  }
0xd1: {  	v0 =	vld [tilespmem:s17+$0x180];
	_ =	sdelay $0x4  }
0xd2: {  	[tilespmem:s16+$0xFFFFFF80] =	vst v0  }
0xd3: {  	v0 =	vld [tilespmem:s17+$0x190];
	_ =	sdelay $0x4  }
0xd4: {  	[tilespmem:s16+$0xFFFFFF90] =	vst v0  }
0xd5: {  	v0 =	vld [tilespmem:s17+$0x1A0];
	_ =	sdelay $0x4  }
0xd6: {  	[tilespmem:s16+$0xFFFFFFA0] =	vst v0  }
0xd7: {  	v0 =	vld [tilespmem:s17+$0x1B0];
	_ =	sdelay $0x4  }
0xd8: {  	[tilespmem:s16+$0xFFFFFFB0] =	vst v0  }
0xd9: {  	v0 =	vld [tilespmem:s17+$0x1C0];
	_ =	sdelay $0x4  }
0xda: {  	[tilespmem:s16+$0xFFFFFFC0] =	vst v0  }
0xdb: {  	v0 =	vld [tilespmem:s17+$0x1D0];
	_ =	sdelay $0x4  }
0xdc: {  	[tilespmem:s16+$0xFFFFFFD0] =	vst v0  }
0xdd: {  	v0 =	vld [tilespmem:s17+$0x1E0];
	_ =	sdelay $0x4  }
0xde: {  	[tilespmem:s16+$0xFFFFFFE0] =	vst v0  }
0xdf: {  	v0 =	vld [tilespmem:s17+$0x1F0];
	_ =	sdelay $0x4  }
0xe0: {  	[tilespmem:s16+$0xFFFFFFF0] =	vst v0  }
0xe1: {  	v0 =	vld [tilespmem:s17+$0x200];
	_ =	sdelay $0x4  }
0xe2: {  	[tilespmem:s16+$0x0] =	vst v0  }
0xe3: {  	v0 =	vld [tilespmem:s17+$0x210];
	_ =	sdelay $0x4  }
0xe4: {  	[tilespmem:s16+$0x10] =	vst v0  }
0xe5: {  	v0 =	vld [tilespmem:s17+$0x220];
	_ =	sdelay $0x4  }
0xe6: {  	[tilespmem:s16+$0x20] =	vst v0  }
0xe7: {  	v0 =	vld [tilespmem:s17+$0x230];
	_ =	sdelay $0x4  }
0xe8: {  	[tilespmem:s16+$0x30] =	vst v0  }
0xe9: {  	v0 =	vld [tilespmem:s17+$0x240];
	_ =	sdelay $0x4  }
0xea: {  	[tilespmem:s16+$0x40] =	vst v0  }
0xeb: {  	v0 =	vld [tilespmem:s17+$0x250];
	_ =	sdelay $0x4  }
0xec: {  	[tilespmem:s16+$0x50] =	vst v0  }
0xed: {  	v0 =	vld [tilespmem:s17+$0x260];
	_ =	sdelay $0x4  }
0xee: {  	[tilespmem:s16+$0x60] =	vst v0  }
0xef: {  	v0 =	vld [tilespmem:s17+$0x270];
	_ =	sdelay $0x4  }
0xf0: {  	[tilespmem:s16+$0x70] =	vst v0  }
0xf1: {  	v0 =	vld [tilespmem:s17+$0x280];
	_ =	sdelay $0x4  }
0xf2: {  	[tilespmem:s16+$0x80] =	vst v0  }
0xf3: {  	v0 =	vld [tilespmem:s17+$0x290];
	_ =	sdelay $0x4  }
0xf4: {  	[tilespmem:s16+$0x90] =	vst v0  }
0xf5: {  	v0 =	vld [tilespmem:s17+$0x2A0];
	_ =	sdelay $0x4  }
0xf6: {  	[tilespmem:s16+$0xA0] =	vst v0  }
0xf7: {  	v0 =	vld [tilespmem:s17+$0x2B0];
	_ =	sdelay $0x4  }
0xf8: {  	[tilespmem:s16+$0xB0] =	vst v0  }
0xf9: {  	v0 =	vld [tilespmem:s17+$0x2C0];
	_ =	sdelay $0x4  }
0xfa: {  	[tilespmem:s16+$0xC0] =	vst v0  }
0xfb: {  	v0 =	vld [tilespmem:s17+$0x2D0];
	_ =	sdelay $0x4  }
0xfc: {  	[tilespmem:s16+$0xD0] =	vst v0  }
0xfd: {  	v0 =	vld [tilespmem:s17+$0x2E0];
	_ =	sdelay $0x4  }
0xfe: {  	[tilespmem:s16+$0xE0] =	vst v0  }
0xff: {  	v0 =	vld [tilespmem:s17+$0x2F0];
	_ =	sdelay $0x4  }
0x100: {  	[tilespmem:s16+$0xF0] =	vst v0  }
0x101: {  	v0 =	vld [tilespmem:s17+$0x300];
	_ =	sdelay $0x4  }
0x102: {  	[tilespmem:s16+$0x100] =	vst v0  }
0x103: {  	v0 =	vld [tilespmem:s17+$0x310];
	_ =	sdelay $0x4  }
0x104: {  	[tilespmem:s16+$0x110] =	vst v0  }
0x105: {  	v0 =	vld [tilespmem:s17+$0x320];
	_ =	sdelay $0x4  }
0x106: {  	[tilespmem:s16+$0x120] =	vst v0  }
0x107: {  	v0 =	vld [tilespmem:s17+$0x330];
	_ =	sdelay $0x4  }
0x108: {  	[tilespmem:s16+$0x130] =	vst v0  }
0x109: {  	v0 =	vld [tilespmem:s17+$0x340];
	_ =	sdelay $0x4  }
0x10a: {  	[tilespmem:s16+$0x140] =	vst v0  }
0x10b: {  	v0 =	vld [tilespmem:s17+$0x350];
	_ =	sdelay $0x4  }
0x10c: {  	[tilespmem:s16+$0x150] =	vst v0  }
0x10d: {  	v0 =	vld [tilespmem:s17+$0x360];
	_ =	sdelay $0x4  }
0x10e: {  	[tilespmem:s16+$0x160] =	vst v0  }
0x10f: {  	v0 =	vld [tilespmem:s17+$0x370];
	_ =	sdelay $0x4  }
0x110: {  	[tilespmem:s16+$0x170] =	vst v0  }
0x111: {  	v0 =	vld [tilespmem:s17+$0x380];
	_ =	sdelay $0x4  }
0x112: {  	[tilespmem:s16+$0x180] =	vst v0  }
0x113: {  	v0 =	vld [tilespmem:s17+$0x390];
	_ =	sdelay $0x4  }
0x114: {  	[tilespmem:s16+$0x190] =	vst v0  }
0x115: {  	v0 =	vld [tilespmem:s17+$0x3A0];
	_ =	sdelay $0x4  }
0x116: {  	[tilespmem:s16+$0x1A0] =	vst v0  }
0x117: {  	v0 =	vld [tilespmem:s17+$0x3B0];
	_ =	sdelay $0x4  }
0x118: {  	[tilespmem:s16+$0x1B0] =	vst v0  }
0x119: {  	v0 =	vld [tilespmem:s17+$0x3C0];
	_ =	sdelay $0x4  }
0x11a: {  	[tilespmem:s16+$0x1C0] =	vst v0  }
0x11b: {  	v0 =	vld [tilespmem:s17+$0x3D0];
	_ =	sdelay $0x4  }
0x11c: {  	[tilespmem:s16+$0x1D0] =	vst v0  }
0x11d: {  	v0 =	vld [tilespmem:s17+$0x3E0]  }
.Ltmp0:
0x11e: {  	(pc) =	sbr.rel @p0 .LBB2_3-.Ltmp0, $3  }
0x11f: {  	_ =	sdelay $0x1  }
0x120: {  	s18 =	sadd.s32 $0x1, s18  }
0x121: {  	s19 =	sadd.s32 $0x3FF, s19;
	s20 =	sadd.s32 $0xFFFFFFFF, s18;
	[tilespmem:s16+$0x1E0] =	vst v0  }
0x122: {  	s18 =	smul.u32 s18, s20;
	v0 =	vld [tilespmem:s17+$0x3F0];
	_ =	sdelay $0x1  }
0x123: {  	s30 =	sshrl.u32 s18, $0x1F  }
0x124: {  	s17 =	sadd.s32 s30, s18  }
0x125: {  	s15 =	sadd.s32 $0x3FE, s15;
	s17 =	sshra.s32 s17, $0x1  }
0x126: {  	s15 =	ssub.s32 s15, s17;
	[tilespmem:s16+$0x1F0] =	vst v0  }
0x127: {  	v0 =	vld [tilespmem:s15+$0x0];
	_ =	sdelay $0x3  }
0x128: {  	s31 =	sadd.s32 $0x400, s16  }
0x129: {  	[tilespmem:s31+$0xFFFFFE00] =	vst v0  }
0x12a: {  	v0 =	vld [tilespmem:s15+$0x10];
	_ =	sdelay $0x4  }
0x12b: {  	[tilespmem:s31+$0xFFFFFE10] =	vst v0  }
0x12c: {  	v0 =	vld [tilespmem:s15+$0x20];
	_ =	sdelay $0x4  }
0x12d: {  	[tilespmem:s31+$0xFFFFFE20] =	vst v0  }
0x12e: {  	v0 =	vld [tilespmem:s15+$0x30];
	_ =	sdelay $0x4  }
0x12f: {  	[tilespmem:s31+$0xFFFFFE30] =	vst v0  }
0x130: {  	v0 =	vld [tilespmem:s15+$0x40];
	_ =	sdelay $0x4  }
0x131: {  	[tilespmem:s31+$0xFFFFFE40] =	vst v0  }
0x132: {  	v0 =	vld [tilespmem:s15+$0x50];
	_ =	sdelay $0x4  }
0x133: {  	[tilespmem:s31+$0xFFFFFE50] =	vst v0  }
0x134: {  	v0 =	vld [tilespmem:s15+$0x60];
	_ =	sdelay $0x4  }
0x135: {  	[tilespmem:s31+$0xFFFFFE60] =	vst v0  }
0x136: {  	v0 =	vld [tilespmem:s15+$0x70];
	_ =	sdelay $0x4  }
0x137: {  	[tilespmem:s31+$0xFFFFFE70] =	vst v0  }
0x138: {  	v0 =	vld [tilespmem:s15+$0x80];
	_ =	sdelay $0x4  }
0x139: {  	[tilespmem:s31+$0xFFFFFE80] =	vst v0  }
0x13a: {  	v0 =	vld [tilespmem:s15+$0x90];
	_ =	sdelay $0x4  }
0x13b: {  	[tilespmem:s31+$0xFFFFFE90] =	vst v0  }
0x13c: {  	v0 =	vld [tilespmem:s15+$0xA0];
	_ =	sdelay $0x4  }
0x13d: {  	[tilespmem:s31+$0xFFFFFEA0] =	vst v0  }
0x13e: {  	v0 =	vld [tilespmem:s15+$0xB0];
	_ =	sdelay $0x4  }
0x13f: {  	[tilespmem:s31+$0xFFFFFEB0] =	vst v0  }
0x140: {  	v0 =	vld [tilespmem:s15+$0xC0];
	_ =	sdelay $0x4  }
0x141: {  	[tilespmem:s31+$0xFFFFFEC0] =	vst v0  }
0x142: {  	v0 =	vld [tilespmem:s15+$0xD0];
	_ =	sdelay $0x4  }
0x143: {  	[tilespmem:s31+$0xFFFFFED0] =	vst v0  }
0x144: {  	v0 =	vld [tilespmem:s15+$0xE0];
	_ =	sdelay $0x4  }
0x145: {  	[tilespmem:s31+$0xFFFFFEE0] =	vst v0  }
0x146: {  	v0 =	vld [tilespmem:s15+$0xF0];
	_ =	sdelay $0x4  }
0x147: {  	[tilespmem:s31+$0xFFFFFEF0] =	vst v0  }
0x148: {  	v0 =	vld [tilespmem:s15+$0x100];
	_ =	sdelay $0x4  }
0x149: {  	[tilespmem:s31+$0xFFFFFF00] =	vst v0  }
0x14a: {  	v0 =	vld [tilespmem:s15+$0x110];
	_ =	sdelay $0x4  }
0x14b: {  	[tilespmem:s31+$0xFFFFFF10] =	vst v0  }
0x14c: {  	v0 =	vld [tilespmem:s15+$0x120];
	_ =	sdelay $0x4  }
0x14d: {  	[tilespmem:s31+$0xFFFFFF20] =	vst v0  }
0x14e: {  	v0 =	vld [tilespmem:s15+$0x130];
	_ =	sdelay $0x4  }
0x14f: {  	[tilespmem:s31+$0xFFFFFF30] =	vst v0  }
0x150: {  	v0 =	vld [tilespmem:s15+$0x140];
	_ =	sdelay $0x4  }
0x151: {  	[tilespmem:s31+$0xFFFFFF40] =	vst v0  }
0x152: {  	v0 =	vld [tilespmem:s15+$0x150];
	_ =	sdelay $0x4  }
0x153: {  	[tilespmem:s31+$0xFFFFFF50] =	vst v0  }
0x154: {  	v0 =	vld [tilespmem:s15+$0x160];
	_ =	sdelay $0x4  }
0x155: {  	[tilespmem:s31+$0xFFFFFF60] =	vst v0  }
0x156: {  	v0 =	vld [tilespmem:s15+$0x170];
	_ =	sdelay $0x4  }
0x157: {  	[tilespmem:s31+$0xFFFFFF70] =	vst v0  }
0x158: {  	v0 =	vld [tilespmem:s15+$0x180];
	_ =	sdelay $0x4  }
0x159: {  	[tilespmem:s31+$0xFFFFFF80] =	vst v0  }
0x15a: {  	v0 =	vld [tilespmem:s15+$0x190];
	_ =	sdelay $0x4  }
0x15b: {  	[tilespmem:s31+$0xFFFFFF90] =	vst v0  }
0x15c: {  	v0 =	vld [tilespmem:s15+$0x1A0];
	_ =	sdelay $0x4  }
0x15d: {  	[tilespmem:s31+$0xFFFFFFA0] =	vst v0  }
0x15e: {  	v0 =	vld [tilespmem:s15+$0x1B0];
	_ =	sdelay $0x4  }
0x15f: {  	[tilespmem:s31+$0xFFFFFFB0] =	vst v0  }
0x160: {  	v0 =	vld [tilespmem:s15+$0x1C0];
	_ =	sdelay $0x4  }
0x161: {  	[tilespmem:s31+$0xFFFFFFC0] =	vst v0  }
0x162: {  	v0 =	vld [tilespmem:s15+$0x1D0];
	_ =	sdelay $0x4  }
0x163: {  	[tilespmem:s31+$0xFFFFFFD0] =	vst v0  }
0x164: {  	v0 =	vld [tilespmem:s15+$0x1E0];
	_ =	sdelay $0x4  }
0x165: {  	[tilespmem:s31+$0xFFFFFFE0] =	vst v0  }
0x166: {  	v0 =	vld [tilespmem:s15+$0x1F0];
	_ =	sdelay $0x4  }
0x167: {  	[tilespmem:s31+$0xFFFFFFF0] =	vst v0  }
0x168: {  	v0 =	vld [tilespmem:s15+$0x200];
	_ =	sdelay $0x4  }
0x169: {  	[tilespmem:s31+$0x0] =	vst v0  }
0x16a: {  	v0 =	vld [tilespmem:s15+$0x210];
	_ =	sdelay $0x4  }
0x16b: {  	[tilespmem:s31+$0x10] =	vst v0  }
0x16c: {  	v0 =	vld [tilespmem:s15+$0x220];
	_ =	sdelay $0x4  }
0x16d: {  	[tilespmem:s31+$0x20] =	vst v0  }
0x16e: {  	v0 =	vld [tilespmem:s15+$0x230];
	_ =	sdelay $0x4  }
0x16f: {  	[tilespmem:s31+$0x30] =	vst v0  }
0x170: {  	v0 =	vld [tilespmem:s15+$0x240];
	_ =	sdelay $0x4  }
0x171: {  	[tilespmem:s31+$0x40] =	vst v0  }
0x172: {  	v0 =	vld [tilespmem:s15+$0x250];
	_ =	sdelay $0x4  }
0x173: {  	[tilespmem:s31+$0x50] =	vst v0  }
0x174: {  	v0 =	vld [tilespmem:s15+$0x260];
	_ =	sdelay $0x4  }
0x175: {  	[tilespmem:s31+$0x60] =	vst v0  }
0x176: {  	v0 =	vld [tilespmem:s15+$0x270];
	_ =	sdelay $0x4  }
0x177: {  	[tilespmem:s31+$0x70] =	vst v0  }
0x178: {  	v0 =	vld [tilespmem:s15+$0x280];
	_ =	sdelay $0x4  }
0x179: {  	[tilespmem:s31+$0x80] =	vst v0  }
0x17a: {  	v0 =	vld [tilespmem:s15+$0x290];
	_ =	sdelay $0x4  }
0x17b: {  	[tilespmem:s31+$0x90] =	vst v0  }
0x17c: {  	v0 =	vld [tilespmem:s15+$0x2A0];
	_ =	sdelay $0x4  }
0x17d: {  	[tilespmem:s31+$0xA0] =	vst v0  }
0x17e: {  	v0 =	vld [tilespmem:s15+$0x2B0];
	_ =	sdelay $0x4  }
0x17f: {  	[tilespmem:s31+$0xB0] =	vst v0  }
0x180: {  	v0 =	vld [tilespmem:s15+$0x2C0];
	_ =	sdelay $0x4  }
0x181: {  	[tilespmem:s31+$0xC0] =	vst v0  }
0x182: {  	v0 =	vld [tilespmem:s15+$0x2D0];
	_ =	sdelay $0x4  }
0x183: {  	[tilespmem:s31+$0xD0] =	vst v0  }
0x184: {  	v0 =	vld [tilespmem:s15+$0x2E0];
	_ =	sdelay $0x4  }
0x185: {  	[tilespmem:s31+$0xE0] =	vst v0  }
0x186: {  	v0 =	vld [tilespmem:s15+$0x2F0];
	_ =	sdelay $0x4  }
0x187: {  	[tilespmem:s31+$0xF0] =	vst v0  }
0x188: {  	v0 =	vld [tilespmem:s15+$0x300];
	_ =	sdelay $0x4  }
0x189: {  	[tilespmem:s31+$0x100] =	vst v0  }
0x18a: {  	v0 =	vld [tilespmem:s15+$0x310];
	_ =	sdelay $0x4  }
0x18b: {  	[tilespmem:s31+$0x110] =	vst v0  }
0x18c: {  	v0 =	vld [tilespmem:s15+$0x320];
	_ =	sdelay $0x4  }
0x18d: {  	[tilespmem:s31+$0x120] =	vst v0  }
0x18e: {  	v0 =	vld [tilespmem:s15+$0x330];
	_ =	sdelay $0x4  }
0x18f: {  	[tilespmem:s31+$0x130] =	vst v0  }
0x190: {  	v0 =	vld [tilespmem:s15+$0x340];
	_ =	sdelay $0x4  }
0x191: {  	[tilespmem:s31+$0x140] =	vst v0  }
0x192: {  	v0 =	vld [tilespmem:s15+$0x350];
	_ =	sdelay $0x4  }
0x193: {  	[tilespmem:s31+$0x150] =	vst v0  }
0x194: {  	v0 =	vld [tilespmem:s15+$0x360];
	_ =	sdelay $0x4  }
0x195: {  	[tilespmem:s31+$0x160] =	vst v0  }
0x196: {  	v0 =	vld [tilespmem:s15+$0x370];
	_ =	sdelay $0x4  }
0x197: {  	[tilespmem:s31+$0x170] =	vst v0  }
0x198: {  	v0 =	vld [tilespmem:s15+$0x380];
	_ =	sdelay $0x4  }
0x199: {  	[tilespmem:s31+$0x180] =	vst v0  }
0x19a: {  	v0 =	vld [tilespmem:s15+$0x390];
	_ =	sdelay $0x4  }
0x19b: {  	[tilespmem:s31+$0x190] =	vst v0  }
0x19c: {  	v0 =	vld [tilespmem:s15+$0x3A0];
	_ =	sdelay $0x4  }
0x19d: {  	[tilespmem:s31+$0x1A0] =	vst v0  }
0x19e: {  	v0 =	vld [tilespmem:s15+$0x3B0];
	_ =	sdelay $0x4  }
0x19f: {  	[tilespmem:s31+$0x1B0] =	vst v0  }
0x1a0: {  	v0 =	vld [tilespmem:s15+$0x3C0];
	_ =	sdelay $0x4  }
0x1a1: {  	[tilespmem:s31+$0x1C0] =	vst v0  }
0x1a2: {  	v0 =	vld [tilespmem:s15+$0x3D0];
	_ =	sdelay $0x4  }
0x1a3: {  	[tilespmem:s31+$0x1D0] =	vst v0  }
0x1a4: {  	v0 =	vld [tilespmem:s15+$0x3E0];
	_ =	sdelay $0x4  }
0x1a5: {  	[tilespmem:s31+$0x1E0] =	vst v0  }
0x1a6: {  	v0 =	vld [tilespmem:s15+$0x3F0];
	_ =	sdelay $0x2  }
0x1a7: {  	s13 =	sadd.s32 $0x1, s13  }
0x1a8: {  	s14 =	sshll.u32 s14, $0xC;
	p0 =	sne.s32 s13, $0x4  }
.Ltmp1:
0x1a9: {  	s14 =	sadd.s32 s14, s6;
	[tilespmem:s31+$0x1F0] =	vst v0;
	(pc) =	sbr.rel @p0 .LBB2_2-.Ltmp1, $4  }
0x1aa: {  	[hbm4b:s14+s2] =	stream.linear.scatter [tilespmem:s10], [sflag:$0x1], $0x8000, $0x38;
	[tilespmem:$0x10000] =	vst v63  }
0x1ab: {  	_ =	swait.ge [sflag:s9], $0x8000  }
0x1ac: {  	[sflag:s9] =	ssyncset.done $0x0  }
0x1ad: {  	s12 =	sadd.s32 $0x20, s12;
	[sflag:s9] =	ssyncadd.s32 $0xFFFF8000  }
0x1ae: {  	s11 =	sadd.s32 $0x1, s11  }
0x1af: {  	p0 =	sne.s32 s11, s7  }
.Ltmp2:
0x1b0: {  	_ = 	snop;
	(pc) =	sbr.rel @p0 .LBB2_1-.Ltmp2, $1  }
0x1b1: {  	_ =	sdelay $0x3  }
0x1b2: {  	_ =	sfence.sel $0x180000  }
0x1b3: {  	[bflag:$0x0] =	sbarrier.arrive $0xFFFF  }
0x1b4: {  	p0 =	sne.s32 s1, $0x0;
	_ =	strace $0x90000047  }
0x1b5: {  	s0 =	sadd.s32 @!p0 $0x100000, s0;
	[bflag:$0x2] =	sbarrier.arrive $0xFFFF  }
0x1b6: {  	[sflag:s0] =	ssyncadd.tile.s32 @!p0 $0x1;
	_ =	shalt  }
.Lfunc_end2:
_tile_overlayer_lowered:
.L_overlay_start_2:
0x1b7: {  	(tag) =	ssettag $0x2  }
0x1b8: {  	s0 =	rddreg [dreg:$0x0];
	s2 =	stileid.u32  }
0x1b9: {  	s1 =	rddreg [dreg:$0x1];
	p0 =	sne.s32 s2, $0x0  }
0x1ba: {  	s3 =	rddreg [dreg:$0x2];
	[bflag:$0x3] =	sbarrier.arrive $0xFFFF;
	s2 =	simm.s32 @!p0 $0x1C01  }
0x1bb: {  	[timem:s3], [sflag:s2] =	dma.local @!p0 [hbm:s0], s1  }
0x1bc: {  	s0 =	simm.s32 @!p0 $0x1  }
0x1bd: {  	_ =	swait.ge @!p0 [sflag:s0], s1  }
0x1be: {  	s1 =	ssub.s32 @!p0 $0x0, s1;
	[sflag:s0] =	ssyncset.done @!p0 $0x0  }
0x1bf: {  	[sflag:s0] =	ssyncadd.s32 @!p0 s1  }
0x1c0: {  	[bflag:$0x3] =	sbarrier.arrive $0xFFFF  }
0x1c1: {  	_ =	shalt  }

</sc_bundles>
